<compile_context>
chip_gen: v7x
topology: tpu7x:2x2x1
jax: 0.10.2.dev20260603
libtpu: 0.0.44.dev20260713+nightly
codegen_flags: <defaults>
</compile_context>

<pallas_src>
import jax
import jax.numpy as jnp
from jax import lax
from jax.experimental import pallas as pl
from jax.experimental.pallas import tpu as pltpu
from jax.experimental.pallas import tpu_sc as plsc

_BATCH = 16384
_DIM = 32
_NC = 2
_NS = 16
_NW = _NC * _NS
_BPW = _BATCH // _NW
_G = 8
_NGRP = _BPW // _G

_mesh = plsc.VectorSubcoreMesh(core_axis_name="c", subcore_axis_name="s")


def _bpr_body(user_id, pos_id, neg_id, ut, it,
              pos_hbm, neg_hbm,
              u_idx, p_idx, n_idx,
              ubuf, pbuf, nbuf,
              pos_v, neg_v, sem):
    wid = lax.axis_index("s") * _NC + lax.axis_index("c")
    base = wid * _BPW

    pltpu.sync_copy(user_id.at[pl.ds(base, _BPW)], u_idx)
    pltpu.sync_copy(pos_id.at[pl.ds(base, _BPW)], p_idx)
    pltpu.sync_copy(neg_id.at[pl.ds(base, _BPW)], n_idx)
    lane = lax.iota(jnp.int32, 16)

    def body(g, carry):
        gbase = pl.multiple_of(g * 16, 16)
        iv_u = u_idx[pl.ds(gbase, 16)]
        iv_p = p_idx[pl.ds(gbase, 16)]
        iv_n = n_idx[pl.ds(gbase, 16)]
        lid_u = iv_u & 127
        lid_p = iv_p & 127
        lid_n = iv_n & 127
        halves = []
        for h in range(2):
            copies = []
            for tab, buf, iv in ((ut, ubuf, iv_u), (it, pbuf, iv_p),
                                 (it, nbuf, iv_n)):
                for j in range(_G):
                    idv = iv[h * _G + j]
                    blk = pl.multiple_of(idv & -128, 128)
                    copies.append(
                        pltpu.async_copy(tab.at[:, pl.ds(blk, 128)],
                                         buf.at[j], sem))
            for cp in copies:
                cp.wait()
            jvec = jnp.clip(lane - h * _G, 0, _G - 1)
            accp = jnp.zeros((16,), jnp.float32)
            accn = jnp.zeros((16,), jnp.float32)
            for d in range(_DIM):
                dcol = jnp.full((16,), d, jnp.int32)
                du = plsc.load_gather(ubuf, [jvec, dcol, lid_u])
                dp = plsc.load_gather(pbuf, [jvec, dcol, lid_p])
                dn = plsc.load_gather(nbuf, [jvec, dcol, lid_n])
                accp = accp + du * dp
                accn = accn + du * dn
            halves.append((accp, accn))
        lo = lane < _G
        pos_v[pl.ds(gbase, 16)] = jnp.where(lo, halves[0][0], halves[1][0])
        neg_v[pl.ds(gbase, 16)] = jnp.where(lo, halves[0][1], halves[1][1])
        return carry

    lax.fori_loop(0, _BPW // 16, body, 0)

    pltpu.sync_copy(pos_v, pos_hbm.at[pl.ds(base, _BPW)])
    pltpu.sync_copy(neg_v, neg_hbm.at[pl.ds(base, _BPW)])


_bpr_sc = pl.kernel(
    _bpr_body,
    out_type=(
        jax.ShapeDtypeStruct((_BATCH,), jnp.float32),
        jax.ShapeDtypeStruct((_BATCH,), jnp.float32),
    ),
    mesh=_mesh,
    compiler_params=pltpu.CompilerParams(needs_layout_passes=False),
    scratch_types=[
        pltpu.VMEM((_BPW,), jnp.int32),
        pltpu.VMEM((_BPW,), jnp.int32),
        pltpu.VMEM((_BPW,), jnp.int32),
        pltpu.VMEM((_G, _DIM, 128), jnp.float32),
        pltpu.VMEM((_G, _DIM, 128), jnp.float32),
        pltpu.VMEM((_G, _DIM, 128), jnp.float32),
        pltpu.VMEM((_BPW,), jnp.float32),
        pltpu.VMEM((_BPW,), jnp.float32),
        pltpu.SemaphoreType.DMA,
    ],
)


def kernel(user_id, pos_id, neg_id, user_table, item_table):
    return _bpr_sc(user_id, pos_id, neg_id, user_table.T, item_table.T)

# --- scband reference (transcript-rebuilt; emitter-appended) ---
"""Pipeline reference for scband-bpr-37546604102409 (READ-ONLY COPY).

The authoritative reference and input builder live on the scoring server;
editing this copy changes nothing except your own understanding.
"""

import jax, jax.numpy as jnp
import numpy as np

USER_NUM = 1000000
ITEM_NUM = 1000000
EMBED_DIM = 32
BATCH = 16384

def setup_inputs(seed: int = 0) -> dict:
    key = jax.random.key(seed)
    k1, k2, k3, k4, k5 = jax.random.split(key, 5)
    user_id = jax.random.randint(k1, (BATCH,), 0, USER_NUM, dtype=jnp.int64 if jax.config.jax_enable_x64 else jnp.int32).astype(jnp.int32)
    pos_id = jax.random.randint(k2, (BATCH,), 0, ITEM_NUM).astype(jnp.int32)
    neg_id = jax.random.randint(k3, (BATCH,), 0, ITEM_NUM).astype(jnp.int32)
    user_table = jax.random.normal(k4, (USER_NUM, EMBED_DIM), dtype=jnp.float32) * 0.01
    item_table = jax.random.normal(k5, (ITEM_NUM, EMBED_DIM), dtype=jnp.float32) * 0.01
    return {"user_id": user_id, "pos_id": pos_id, "neg_id": neg_id, "user_table": user_table, "item_table": item_table}

def reference(user_id, pos_id, neg_id, user_table, item_table):
    user_vec = jnp.take(user_table, user_id, axis=0)
    pos_vec = jnp.take(item_table, pos_id, axis=0)
    neg_vec = jnp.take(item_table, neg_id, axis=0)
    pos_score = jnp.sum(user_vec * pos_vec, axis=-1)
    neg_score = jnp.sum(user_vec * neg_vec, axis=-1)
    return (pos_score, neg_score)

if __name__ == "__main__":
    import jax
    _d = setup_inputs()
    print(jax.jit(kernel)(*tuple(_d.values())))

</pallas_src>

<mosaic_0001>
#map = affine_map<(d0, d1) -> (0)>
#map1 = affine_map<(d0, d1) -> (0, 0)>
module attributes {stable_mosaic.version = 14 : i64} {
  func.func @_bpr_body(%arg0: i32, %arg1: i32, %arg2: memref<16384xi32, #tpu.memory_space<hbm>>, %arg3: memref<16384xi32, #tpu.memory_space<hbm>>, %arg4: memref<16384xi32, #tpu.memory_space<hbm>>, %arg5: memref<32x1000000xf32, #tpu.memory_space<hbm>>, %arg6: memref<32x1000000xf32, #tpu.memory_space<hbm>>, %arg7: memref<16384xf32, #tpu.memory_space<hbm>>, %arg8: memref<16384xf32, #tpu.memory_space<hbm>>, %arg9: memref<512xi32, #tpu.memory_space<vmem>>, %arg10: memref<512xi32, #tpu.memory_space<vmem>>, %arg11: memref<512xi32, #tpu.memory_space<vmem>>, %arg12: memref<8x32x128xf32, #tpu.memory_space<vmem>>, %arg13: memref<8x32x128xf32, #tpu.memory_space<vmem>>, %arg14: memref<8x32x128xf32, #tpu.memory_space<vmem>>, %arg15: memref<512xf32, #tpu.memory_space<vmem>>, %arg16: memref<512xf32, #tpu.memory_space<vmem>>, %arg17: memref<!tpu.dma_semaphore, #tpu.memory_space<semaphore_mem>>) attributes {dimension_semantics = [#tpu.dimension_semantics<core_parallel>, #tpu.dimension_semantics<subcore_parallel>], iteration_bounds = array<i64: 2, 16>, scalar_prefetch = 0 : i64, scratch_operands = 9 : i64, tpu.core_type = #tpu.core_type<sc_vector_subcore>, window_params = [{transform_indices = #map}, {transform_indices = #map}, {transform_indices = #map}, {transform_indices = #map1}, {transform_indices = #map1}, {transform_indices = #map}, {transform_indices = #map}]} {
    %mul3A = arith.constant 2 : i32
    %mul3A_0 = arith.muli %arg1, %mul3A : i32
    %add3A = arith.addi %mul3A_0, %arg0 : i32
    %mul3A_1 = arith.constant 512 : i32
    %mul3A_2 = arith.muli %add3A, %mul3A_1 : i32
    "tpu.region"() ({
      %run_scoped3A = tpu.sem_alloc : memref<!tpu.dma_semaphore, #tpu.memory_space<semaphore_mem>>
      %dma_start3A = tpu.memref_slice %arg2[%mul3A_2] : memref<16384xi32, #tpu.memory_space<hbm>> -> memref<512xi32, #tpu.memory_space<hbm>>
      %dma_start3A_8 = tpu.memref_slice %arg2[%mul3A_2] : memref<16384xi32, #tpu.memory_space<hbm>> -> memref<512xi32, #tpu.memory_space<hbm>>
      tpu.enqueue_dma source(%dma_start3A_8 : memref<512xi32, #tpu.memory_space<hbm>>) target(%arg9 : memref<512xi32, #tpu.memory_space<vmem>>) target_semaphore(%run_scoped3A : memref<!tpu.dma_semaphore, #tpu.memory_space<semaphore_mem>>)
      %dma_wait3A = tpu.memref_slice %arg2[%mul3A_2] : memref<16384xi32, #tpu.memory_space<hbm>> -> memref<512xi32, #tpu.memory_space<hbm>>
      %dma_wait3A_9 = tpu.memref_slice %arg2[%mul3A_2] : memref<16384xi32, #tpu.memory_space<hbm>> -> memref<512xi32, #tpu.memory_space<hbm>>
      tpu.wait_dma2 semaphore(%run_scoped3A : memref<!tpu.dma_semaphore, #tpu.memory_space<semaphore_mem>>) src(%dma_wait3A_9 : memref<512xi32, #tpu.memory_space<hbm>>) dst(%arg9 : memref<512xi32, #tpu.memory_space<vmem>>)
      tpu.yield
    }) : () -> ()
    "tpu.region"() ({
      %run_scoped3A = tpu.sem_alloc : memref<!tpu.dma_semaphore, #tpu.memory_space<semaphore_mem>>
      %dma_start3A = tpu.memref_slice %arg3[%mul3A_2] : memref<16384xi32, #tpu.memory_space<hbm>> -> memref<512xi32, #tpu.memory_space<hbm>>
      %dma_start3A_8 = tpu.memref_slice %arg3[%mul3A_2] : memref<16384xi32, #tpu.memory_space<hbm>> -> memref<512xi32, #tpu.memory_space<hbm>>
      tpu.enqueue_dma source(%dma_start3A_8 : memref<512xi32, #tpu.memory_space<hbm>>) target(%arg10 : memref<512xi32, #tpu.memory_space<vmem>>) target_semaphore(%run_scoped3A : memref<!tpu.dma_semaphore, #tpu.memory_space<semaphore_mem>>)
      %dma_wait3A = tpu.memref_slice %arg3[%mul3A_2] : memref<16384xi32, #tpu.memory_space<hbm>> -> memref<512xi32, #tpu.memory_space<hbm>>
      %dma_wait3A_9 = tpu.memref_slice %arg3[%mul3A_2] : memref<16384xi32, #tpu.memory_space<hbm>> -> memref<512xi32, #tpu.memory_space<hbm>>
      tpu.wait_dma2 semaphore(%run_scoped3A : memref<!tpu.dma_semaphore, #tpu.memory_space<semaphore_mem>>) src(%dma_wait3A_9 : memref<512xi32, #tpu.memory_space<hbm>>) dst(%arg10 : memref<512xi32, #tpu.memory_space<vmem>>)
      tpu.yield
    }) : () -> ()
    "tpu.region"() ({
      %run_scoped3A = tpu.sem_alloc : memref<!tpu.dma_semaphore, #tpu.memory_space<semaphore_mem>>
      %dma_start3A = tpu.memref_slice %arg4[%mul3A_2] : memref<16384xi32, #tpu.memory_space<hbm>> -> memref<512xi32, #tpu.memory_space<hbm>>
      %dma_start3A_8 = tpu.memref_slice %arg4[%mul3A_2] : memref<16384xi32, #tpu.memory_space<hbm>> -> memref<512xi32, #tpu.memory_space<hbm>>
      tpu.enqueue_dma source(%dma_start3A_8 : memref<512xi32, #tpu.memory_space<hbm>>) target(%arg11 : memref<512xi32, #tpu.memory_space<vmem>>) target_semaphore(%run_scoped3A : memref<!tpu.dma_semaphore, #tpu.memory_space<semaphore_mem>>)
      %dma_wait3A = tpu.memref_slice %arg4[%mul3A_2] : memref<16384xi32, #tpu.memory_space<hbm>> -> memref<512xi32, #tpu.memory_space<hbm>>
      %dma_wait3A_9 = tpu.memref_slice %arg4[%mul3A_2] : memref<16384xi32, #tpu.memory_space<hbm>> -> memref<512xi32, #tpu.memory_space<hbm>>
      tpu.wait_dma2 semaphore(%run_scoped3A : memref<!tpu.dma_semaphore, #tpu.memory_space<semaphore_mem>>) src(%dma_wait3A_9 : memref<512xi32, #tpu.memory_space<hbm>>) dst(%arg11 : memref<512xi32, #tpu.memory_space<vmem>>)
      tpu.yield
    }) : () -> ()
    %iota3A = tpu.iota {dimensions = array<i32: 0>} : vector<16xi32>
    %scan3A = arith.constant 0 : i32
    %scan3A_3 = arith.constant 0 : i32
    %scan3A_4 = arith.constant 32 : i32
    %scan3A_5 = arith.addi %scan3A_3, %scan3A_4 : i32
    %scan3A_6 = arith.constant 1 : i32
    scf.for %scan3A_8 = %scan3A_3 to %scan3A_5 step %scan3A_6  : i32 {
      %mul3A_9 = arith.constant 16 : i32
      %mul3A_10 = arith.muli %scan3A_8, %mul3A_9 : i32
      %multiple_of3A = tpu.assume_multiple %mul3A_10, 16 : i32
      %get3A = arith.index_cast %multiple_of3A : i32 to index
      %get3A_11 = tpu.vector_load %arg9[%get3A] {strides = array<i32>} : memref<512xi32, #tpu.memory_space<vmem>>, vector<16xi32>,
      %get3A_12 = arith.index_cast %multiple_of3A : i32 to index
      %get3A_13 = tpu.vector_load %arg10[%get3A_12] {strides = array<i32>} : memref<512xi32, #tpu.memory_space<vmem>>, vector<16xi32>,
      %get3A_14 = arith.index_cast %multiple_of3A : i32 to index
      %get3A_15 = tpu.vector_load %arg11[%get3A_14] {strides = array<i32>} : memref<512xi32, #tpu.memory_space<vmem>>, vector<16xi32>,
      %and3A = arith.constant 127 : i32
      %and3A_16 = vector.broadcast %and3A : i32 to vector<16xi32>
      %and3A_17 = arith.andi %get3A_11, %and3A_16 : vector<16xi32>
      %and3A_18 = arith.constant 127 : i32
      %and3A_19 = vector.broadcast %and3A_18 : i32 to vector<16xi32>
      %and3A_20 = arith.andi %get3A_13, %and3A_19 : vector<16xi32>
      %and3A_21 = arith.constant 127 : i32
      %and3A_22 = vector.broadcast %and3A_21 : i32 to vector<16xi32>
      %and3A_23 = arith.andi %get3A_15, %and3A_22 : vector<16xi32>
      %slice3A = vector.extract_strided_slice %get3A_11 {offsets = [0], sizes = [1], strides = [1]} : vector<16xi32> to vector<1xi32>
      %squeeze3A = vector.extract %slice3A[0] : i32 from vector<1xi32>
      %and3A_24 = arith.constant -128 : i32
      %and3A_25 = arith.andi %squeeze3A, %and3A_24 : i32
      %multiple_of3A_26 = tpu.assume_multiple %and3A_25, 128 : i32
      %dma_start3A = arith.constant 0 : i32
      %dma_start3A_27 = arith.constant 0 : i32
      %dma_start3A_28 = arith.constant 0 : i32
      %dma_start3A_29 = tpu.memref_slice %arg12[%dma_start3A, %dma_start3A_27, %dma_start3A_28] : memref<8x32x128xf32, #tpu.memory_space<vmem>> -> memref<1x32x128xf32, #tpu.memory_space<vmem>>
      %dma_start3A_30 = tpu.memref_squeeze %dma_start3A_29 : memref<1x32x128xf32, #tpu.memory_space<vmem>> -> memref<32x128xf32, #tpu.memory_space<vmem>>
      %dma_start3A_31 = arith.constant 0 : i32
      %dma_start3A_32 = tpu.memref_slice %arg5[%dma_start3A_31, %multiple_of3A_26] : memref<32x1000000xf32, #tpu.memory_space<hbm>> -> memref<32x128xf32, #tpu.memory_space<hbm>>
      %dma_start3A_33 = arith.constant 0 : i32
      %dma_start3A_34 = arith.constant 0 : i32
      %dma_start3A_35 = tpu.memref_slice %arg12[%dma_start3A, %dma_start3A_33, %dma_start3A_34] : memref<8x32x128xf32, #tpu.memory_space<vmem>> -> memref<1x32x128xf32, #tpu.memory_space<vmem>>
      %dma_start3A_36 = tpu.memref_squeeze %dma_start3A_35 : memref<1x32x128xf32, #tpu.memory_space<vmem>> -> memref<32x128xf32, #tpu.memory_space<vmem>>
      %dma_start3A_37 = arith.constant 0 : i32
      %dma_start3A_38 = tpu.memref_slice %arg5[%dma_start3A_37, %multiple_of3A_26] : memref<32x1000000xf32, #tpu.memory_space<hbm>> -> memref<32x128xf32, #tpu.memory_space<hbm>>
      tpu.enqueue_dma source(%dma_start3A_38 : memref<32x128xf32, #tpu.memory_space<hbm>>) target(%dma_start3A_36 : memref<32x128xf32, #tpu.memory_space<vmem>>) target_semaphore(%arg17 : memref<!tpu.dma_semaphore, #tpu.memory_space<semaphore_mem>>)
      %slice3A_39 = vector.extract_strided_slice %get3A_11 {offsets = [1], sizes = [1], strides = [1]} : vector<16xi32> to vector<1xi32>
      %squeeze3A_40 = vector.extract %slice3A_39[0] : i32 from vector<1xi32>
      %and3A_41 = arith.constant -128 : i32
      %and3A_42 = arith.andi %squeeze3A_40, %and3A_41 : i32
      %multiple_of3A_43 = tpu.assume_multiple %and3A_42, 128 : i32
      %dma_start3A_44 = arith.constant 1 : i32
      %dma_start3A_45 = arith.constant 0 : i32
      %dma_start3A_46 = arith.constant 0 : i32
      %dma_start3A_47 = tpu.memref_slice %arg12[%dma_start3A_44, %dma_start3A_45, %dma_start3A_46] : memref<8x32x128xf32, #tpu.memory_space<vmem>> -> memref<1x32x128xf32, #tpu.memory_space<vmem>>
      %dma_start3A_48 = tpu.memref_squeeze %dma_start3A_47 : memref<1x32x128xf32, #tpu.memory_space<vmem>> -> memref<32x128xf32, #tpu.memory_space<vmem>>
      %dma_start3A_49 = arith.constant 0 : i32
      %dma_start3A_50 = tpu.memref_slice %arg5[%dma_start3A_49, %multiple_of3A_43] : memref<32x1000000xf32, #tpu.memory_space<hbm>> -> memref<32x128xf32, #tpu.memory_space<hbm>>
      %dma_start3A_51 = arith.constant 0 : i32
      %dma_start3A_52 = arith.constant 0 : i32
      %dma_start3A_53 = tpu.memref_slice %arg12[%dma_start3A_44, %dma_start3A_51, %dma_start3A_52] : memref<8x32x128xf32, #tpu.memory_space<vmem>> -> memref<1x32x128xf32, #tpu.memory_space<vmem>>
      %dma_start3A_54 = tpu.memref_squeeze %dma_start3A_53 : memref<1x32x128xf32, #tpu.memory_space<vmem>> -> memref<32x128xf32, #tpu.memory_space<vmem>>
      %dma_start3A_55 = arith.constant 0 : i32
      %dma_start3A_56 = tpu.memref_slice %arg5[%dma_start3A_55, %multiple_of3A_43] : memref<32x1000000xf32, #tpu.memory_space<hbm>> -> memref<32x128xf32, #tpu.memory_space<hbm>>
      tpu.enqueue_dma source(%dma_start3A_56 : memref<32x128xf32, #tpu.memory_space<hbm>>) target(%dma_start3A_54 : memref<32x128xf32, #tpu.memory_space<vmem>>) target_semaphore(%arg17 : memref<!tpu.dma_semaphore, #tpu.memory_space<semaphore_mem>>)
      %slice3A_57 = vector.extract_strided_slice %get3A_11 {offsets = [2], sizes = [1], strides = [1]} : vector<16xi32> to vector<1xi32>
      %squeeze3A_58 = vector.extract %slice3A_57[0] : i32 from vector<1xi32>
      %and3A_59 = arith.constant -128 : i32
      %and3A_60 = arith.andi %squeeze3A_58, %and3A_59 : i32
      %multiple_of3A_61 = tpu.assume_multiple %and3A_60, 128 : i32
      %dma_start3A_62 = arith.constant 2 : i32
      %dma_start3A_63 = arith.constant 0 : i32
      %dma_start3A_64 = arith.constant 0 : i32
      %dma_start3A_65 = tpu.memref_slice %arg12[%dma_start3A_62, %dma_start3A_63, %dma_start3A_64] : memref<8x32x128xf32, #tpu.memory_space<vmem>> -> memref<1x32x128xf32, #tpu.memory_space<vmem>>
      %dma_start3A_66 = tpu.memref_squeeze %dma_start3A_65 : memref<1x32x128xf32, #tpu.memory_space<vmem>> -> memref<32x128xf32, #tpu.memory_space<vmem>>
      %dma_start3A_67 = arith.constant 0 : i32
      %dma_start3A_68 = tpu.memref_slice %arg5[%dma_start3A_67, %multiple_of3A_61] : memref<32x1000000xf32, #tpu.memory_space<hbm>> -> memref<32x128xf32, #tpu.memory_space<hbm>>
      %dma_start3A_69 = arith.constant 0 : i32
      %dma_start3A_70 = arith.constant 0 : i32
      %dma_start3A_71 = tpu.memref_slice %arg12[%dma_start3A_62, %dma_start3A_69, %dma_start3A_70] : memref<8x32x128xf32, #tpu.memory_space<vmem>> -> memref<1x32x128xf32, #tpu.memory_space<vmem>>
      %dma_start3A_72 = tpu.memref_squeeze %dma_start3A_71 : memref<1x32x128xf32, #tpu.memory_space<vmem>> -> memref<32x128xf32, #tpu.memory_space<vmem>>
      %dma_start3A_73 = arith.constant 0 : i32
      %dma_start3A_74 = tpu.memref_slice %arg5[%dma_start3A_73, %multiple_of3A_61] : memref<32x1000000xf32, #tpu.memory_space<hbm>> -> memref<32x128xf32, #tpu.memory_space<hbm>>
      tpu.enqueue_dma source(%dma_start3A_74 : memref<32x128xf32, #tpu.memory_space<hbm>>) target(%dma_start3A_72 : memref<32x128xf32, #tpu.memory_space<vmem>>) target_semaphore(%arg17 : memref<!tpu.dma_semaphore, #tpu.memory_space<semaphore_mem>>)
      %slice3A_75 = vector.extract_strided_slice %get3A_11 {offsets = [3], sizes = [1], strides = [1]} : vector<16xi32> to vector<1xi32>
      %squeeze3A_76 = vector.extract %slice3A_75[0] : i32 from vector<1xi32>
      %and3A_77 = arith.constant -128 : i32
      %and3A_78 = arith.andi %squeeze3A_76, %and3A_77 : i32
      %multiple_of3A_79 = tpu.assume_multiple %and3A_78, 128 : i32
      %dma_start3A_80 = arith.constant 3 : i32
      %dma_start3A_81 = arith.constant 0 : i32
      %dma_start3A_82 = arith.constant 0 : i32
      %dma_start3A_83 = tpu.memref_slice %arg12[%dma_start3A_80, %dma_start3A_81, %dma_start3A_82] : memref<8x32x128xf32, #tpu.memory_space<vmem>> -> memref<1x32x128xf32, #tpu.memory_space<vmem>>
      %dma_start3A_84 = tpu.memref_squeeze %dma_start3A_83 : memref<1x32x128xf32, #tpu.memory_space<vmem>> -> memref<32x128xf32, #tpu.memory_space<vmem>>
      %dma_start3A_85 = arith.constant 0 : i32
      %dma_start3A_86 = tpu.memref_slice %arg5[%dma_start3A_85, %multiple_of3A_79] : memref<32x1000000xf32, #tpu.memory_space<hbm>> -> memref<32x128xf32, #tpu.memory_space<hbm>>
      %dma_start3A_87 = arith.constant 0 : i32
      %dma_start3A_88 = arith.constant 0 : i32
      %dma_start3A_89 = tpu.memref_slice %arg12[%dma_start3A_80, %dma_start3A_87, %dma_start3A_88] : memref<8x32x128xf32, #tpu.memory_space<vmem>> -> memref<1x32x128xf32, #tpu.memory_space<vmem>>
      %dma_start3A_90 = tpu.memref_squeeze %dma_start3A_89 : memref<1x32x128xf32, #tpu.memory_space<vmem>> -> memref<32x128xf32, #tpu.memory_space<vmem>>
      %dma_start3A_91 = arith.constant 0 : i32
      %dma_start3A_92 = tpu.memref_slice %arg5[%dma_start3A_91, %multiple_of3A_79] : memref<32x1000000xf32, #tpu.memory_space<hbm>> -> memref<32x128xf32, #tpu.memory_space<hbm>>
      tpu.enqueue_dma source(%dma_start3A_92 : memref<32x128xf32, #tpu.memory_space<hbm>>) target(%dma_start3A_90 : memref<32x128xf32, #tpu.memory_space<vmem>>) target_semaphore(%arg17 : memref<!tpu.dma_semaphore, #tpu.memory_space<semaphore_mem>>)
      %slice3A_93 = vector.extract_strided_slice %get3A_11 {offsets = [4], sizes = [1], strides = [1]} : vector<16xi32> to vector<1xi32>
      %squeeze3A_94 = vector.extract %slice3A_93[0] : i32 from vector<1xi32>
      %and3A_95 = arith.constant -128 : i32
      %and3A_96 = arith.andi %squeeze3A_94, %and3A_95 : i32
      %multiple_of3A_97 = tpu.assume_multiple %and3A_96, 128 : i32
      %dma_start3A_98 = arith.constant 4 : i32
      %dma_start3A_99 = arith.constant 0 : i32
      %dma_start3A_100 = arith.constant 0 : i32
      %dma_start3A_101 = tpu.memref_slice %arg12[%dma_start3A_98, %dma_start3A_99, %dma_start3A_100] : memref<8x32x128xf32, #tpu.memory_space<vmem>> -> memref<1x32x128xf32, #tpu.memory_space<vmem>>
      %dma_start3A_102 = tpu.memref_squeeze %dma_start3A_101 : memref<1x32x128xf32, #tpu.memory_space<vmem>> -> memref<32x128xf32, #tpu.memory_space<vmem>>
      %dma_start3A_103 = arith.constant 0 : i32
      %dma_start3A_104 = tpu.memref_slice %arg5[%dma_start3A_103, %multiple_of3A_97] : memref<32x1000000xf32, #tpu.memory_space<hbm>> -> memref<32x128xf32, #tpu.memory_space<hbm>>
      %dma_start3A_105 = arith.constant 0 : i32
      %dma_start3A_106 = arith.constant 0 : i32
      %dma_start3A_107 = tpu.memref_slice %arg12[%dma_start3A_98, %dma_start3A_105, %dma_start3A_106] : memref<8x32x128xf32, #tpu.memory_space<vmem>> -> memref<1x32x128xf32, #tpu.memory_space<vmem>>
      %dma_start3A_108 = tpu.memref_squeeze %dma_start3A_107 : memref<1x32x128xf32, #tpu.memory_space<vmem>> -> memref<32x128xf32, #tpu.memory_space<vmem>>
      %dma_start3A_109 = arith.constant 0 : i32
      %dma_start3A_110 = tpu.memref_slice %arg5[%dma_start3A_109, %multiple_of3A_97] : memref<32x1000000xf32, #tpu.memory_space<hbm>> -> memref<32x128xf32, #tpu.memory_space<hbm>>
      tpu.enqueue_dma source(%dma_start3A_110 : memref<32x128xf32, #tpu.memory_space<hbm>>) target(%dma_start3A_108 : memref<32x128xf32, #tpu.memory_space<vmem>>) target_semaphore(%arg17 : memref<!tpu.dma_semaphore, #tpu.memory_space<semaphore_mem>>)
      %slice3A_111 = vector.extract_strided_slice %get3A_11 {offsets = [5], sizes = [1], strides = [1]} : vector<16xi32> to vector<1xi32>
      %squeeze3A_112 = vector.extract %slice3A_111[0] : i32 from vector<1xi32>
      %and3A_113 = arith.constant -128 : i32
      %and3A_114 = arith.andi %squeeze3A_112, %and3A_113 : i32
      %multiple_of3A_115 = tpu.assume_multiple %and3A_114, 128 : i32
      %dma_start3A_116 = arith.constant 5 : i32
      %dma_start3A_117 = arith.constant 0 : i32
      %dma_start3A_118 = arith.constant 0 : i32
      %dma_start3A_119 = tpu.memref_slice %arg12[%dma_start3A_116, %dma_start3A_117, %dma_start3A_118] : memref<8x32x128xf32, #tpu.memory_space<vmem>> -> memref<1x32x128xf32, #tpu.memory_space<vmem>>
      %dma_start3A_120 = tpu.memref_squeeze %dma_start3A_119 : memref<1x32x128xf32, #tpu.memory_space<vmem>> -> memref<32x128xf32, #tpu.memory_space<vmem>>
      %dma_start3A_121 = arith.constant 0 : i32
      %dma_start3A_122 = tpu.memref_slice %arg5[%dma_start3A_121, %multiple_of3A_115] : memref<32x1000000xf32, #tpu.memory_space<hbm>> -> memref<32x128xf32, #tpu.memory_space<hbm>>
      %dma_start3A_123 = arith.constant 0 : i32
      %dma_start3A_124 = arith.constant 0 : i32
      %dma_start3A_125 = tpu.memref_slice %arg12[%dma_start3A_116, %dma_start3A_123, %dma_start3A_124] : memref<8x32x128xf32, #tpu.memory_space<vmem>> -> memref<1x32x128xf32, #tpu.memory_space<vmem>>
      %dma_start3A_126 = tpu.memref_squeeze %dma_start3A_125 : memref<1x32x128xf32, #tpu.memory_space<vmem>> -> memref<32x128xf32, #tpu.memory_space<vmem>>
      %dma_start3A_127 = arith.constant 0 : i32
      %dma_start3A_128 = tpu.memref_slice %arg5[%dma_start3A_127, %multiple_of3A_115] : memref<32x1000000xf32, #tpu.memory_space<hbm>> -> memref<32x128xf32, #tpu.memory_space<hbm>>
      tpu.enqueue_dma source(%dma_start3A_128 : memref<32x128xf32, #tpu.memory_space<hbm>>) target(%dma_start3A_126 : memref<32x128xf32, #tpu.memory_space<vmem>>) target_semaphore(%arg17 : memref<!tpu.dma_semaphore, #tpu.memory_space<semaphore_mem>>)
      %slice3A_129 = vector.extract_strided_slice %get3A_11 {offsets = [6], sizes = [1], strides = [1]} : vector<16xi32> to vector<1xi32>
      %squeeze3A_130 = vector.extract %slice3A_129[0] : i32 from vector<1xi32>
      %and3A_131 = arith.constant -128 : i32
      %and3A_132 = arith.andi %squeeze3A_130, %and3A_131 : i32
      %multiple_of3A_133 = tpu.assume_multiple %and3A_132, 128 : i32
      %dma_start3A_134 = arith.constant 6 : i32
      %dma_start3A_135 = arith.constant 0 : i32
      %dma_start3A_136 = arith.constant 0 : i32
      %dma_start3A_137 = tpu.memref_slice %arg12[%dma_start3A_134, %dma_start3A_135, %dma_start3A_136] : memref<8x32x128xf32, #tpu.memory_space<vmem>> -> memref<1x32x128xf32, #tpu.memory_space<vmem>>
      %dma_start3A_138 = tpu.memref_squeeze %dma_start3A_137 : memref<1x32x128xf32, #tpu.memory_space<vmem>> -> memref<32x128xf32, #tpu.memory_space<vmem>>
      %dma_start3A_139 = arith.constant 0 : i32
      %dma_start3A_140 = tpu.memref_slice %arg5[%dma_start3A_139, %multiple_of3A_133] : memref<32x1000000xf32, #tpu.memory_space<hbm>> -> memref<32x128xf32, #tpu.memory_space<hbm>>
      %dma_start3A_141 = arith.constant 0 : i32
      %dma_start3A_142 = arith.constant 0 : i32
      %dma_start3A_143 = tpu.memref_slice %arg12[%dma_start3A_134, %dma_start3A_141, %dma_start3A_142] : memref<8x32x128xf32, #tpu.memory_space<vmem>> -> memref<1x32x128xf32, #tpu.memory_space<vmem>>
      %dma_start3A_144 = tpu.memref_squeeze %dma_start3A_143 : memref<1x32x128xf32, #tpu.memory_space<vmem>> -> memref<32x128xf32, #tpu.memory_space<vmem>>
      %dma_start3A_145 = arith.constant 0 : i32
      %dma_start3A_146 = tpu.memref_slice %arg5[%dma_start3A_145, %multiple_of3A_133] : memref<32x1000000xf32, #tpu.memory_space<hbm>> -> memref<32x128xf32, #tpu.memory_space<hbm>>
      tpu.enqueue_dma source(%dma_start3A_146 : memref<32x128xf32, #tpu.memory_space<hbm>>) target(%dma_start3A_144 : memref<32x128xf32, #tpu.memory_space<vmem>>) target_semaphore(%arg17 : memref<!tpu.dma_semaphore, #tpu.memory_space<semaphore_mem>>)
      %slice3A_147 = vector.extract_strided_slice %get3A_11 {offsets = [7], sizes = [1], strides = [1]} : vector<16xi32> to vector<1xi32>
      %squeeze3A_148 = vector.extract %slice3A_147[0] : i32 from vector<1xi32>
      %and3A_149 = arith.constant -128 : i32
      %and3A_150 = arith.andi %squeeze3A_148, %and3A_149 : i32
      %multiple_of3A_151 = tpu.assume_multiple %and3A_150, 128 : i32
      %dma_start3A_152 = arith.constant 7 : i32
      %dma_start3A_153 = arith.constant 0 : i32
      %dma_start3A_154 = arith.constant 0 : i32
      %dma_start3A_155 = tpu.memref_slice %arg12[%dma_start3A_152, %dma_start3A_153, %dma_start3A_154] : memref<8x32x128xf32, #tpu.memory_space<vmem>> -> memref<1x32x128xf32, #tpu.memory_space<vmem>>
      %dma_start3A_156 = tpu.memref_squeeze %dma_start3A_155 : memref<1x32x128xf32, #tpu.memory_space<vmem>> -> memref<32x128xf32, #tpu.memory_space<vmem>>
      %dma_start3A_157 = arith.constant 0 : i32
      %dma_start3A_158 = tpu.memref_slice %arg5[%dma_start3A_157, %multiple_of3A_151] : memref<32x1000000xf32, #tpu.memory_space<hbm>> -> memref<32x128xf32, #tpu.memory_space<hbm>>
      %dma_start3A_159 = arith.constant 0 : i32
      %dma_start3A_160 = arith.constant 0 : i32
      %dma_start3A_161 = tpu.memref_slice %arg12[%dma_start3A_152, %dma_start3A_159, %dma_start3A_160] : memref<8x32x128xf32, #tpu.memory_space<vmem>> -> memref<1x32x128xf32, #tpu.memory_space<vmem>>
      %dma_start3A_162 = tpu.memref_squeeze %dma_start3A_161 : memref<1x32x128xf32, #tpu.memory_space<vmem>> -> memref<32x128xf32, #tpu.memory_space<vmem>>
      %dma_start3A_163 = arith.constant 0 : i32
      %dma_start3A_164 = tpu.memref_slice %arg5[%dma_start3A_163, %multiple_of3A_151] : memref<32x1000000xf32, #tpu.memory_space<hbm>> -> memref<32x128xf32, #tpu.memory_space<hbm>>
      tpu.enqueue_dma source(%dma_start3A_164 : memref<32x128xf32, #tpu.memory_space<hbm>>) target(%dma_start3A_162 : memref<32x128xf32, #tpu.memory_space<vmem>>) target_semaphore(%arg17 : memref<!tpu.dma_semaphore, #tpu.memory_space<semaphore_mem>>)
      %slice3A_165 = vector.extract_strided_slice %get3A_13 {offsets = [0], sizes = [1], strides = [1]} : vector<16xi32> to vector<1xi32>
      %squeeze3A_166 = vector.extract %slice3A_165[0] : i32 from vector<1xi32>
      %and3A_167 = arith.constant -128 : i32
      %and3A_168 = arith.andi %squeeze3A_166, %and3A_167 : i32
      %multiple_of3A_169 = tpu.assume_multiple %and3A_168, 128 : i32
      %dma_start3A_170 = arith.constant 0 : i32
      %dma_start3A_171 = arith.constant 0 : i32
      %dma_start3A_172 = arith.constant 0 : i32
      %dma_start3A_173 = tpu.memref_slice %arg13[%dma_start3A_170, %dma_start3A_171, %dma_start3A_172] : memref<8x32x128xf32, #tpu.memory_space<vmem>> -> memref<1x32x128xf32, #tpu.memory_space<vmem>>
      %dma_start3A_174 = tpu.memref_squeeze %dma_start3A_173 : memref<1x32x128xf32, #tpu.memory_space<vmem>> -> memref<32x128xf32, #tpu.memory_space<vmem>>
      %dma_start3A_175 = arith.constant 0 : i32
      %dma_start3A_176 = tpu.memref_slice %arg6[%dma_start3A_175, %multiple_of3A_169] : memref<32x1000000xf32, #tpu.memory_space<hbm>> -> memref<32x128xf32, #tpu.memory_space<hbm>>
      %dma_start3A_177 = arith.constant 0 : i32
      %dma_start3A_178 = arith.constant 0 : i32
      %dma_start3A_179 = tpu.memref_slice %arg13[%dma_start3A_170, %dma_start3A_177, %dma_start3A_178] : memref<8x32x128xf32, #tpu.memory_space<vmem>> -> memref<1x32x128xf32, #tpu.memory_space<vmem>>
      %dma_start3A_180 = tpu.memref_squeeze %dma_start3A_179 : memref<1x32x128xf32, #tpu.memory_space<vmem>> -> memref<32x128xf32, #tpu.memory_space<vmem>>
      %dma_start3A_181 = arith.constant 0 : i32
      %dma_start3A_182 = tpu.memref_slice %arg6[%dma_start3A_181, %multiple_of3A_169] : memref<32x1000000xf32, #tpu.memory_space<hbm>> -> memref<32x128xf32, #tpu.memory_space<hbm>>
      tpu.enqueue_dma source(%dma_start3A_182 : memref<32x128xf32, #tpu.memory_space<hbm>>) target(%dma_start3A_180 : memref<32x128xf32, #tpu.memory_space<vmem>>) target_semaphore(%arg17 : memref<!tpu.dma_semaphore, #tpu.memory_space<semaphore_mem>>)
      %slice3A_183 = vector.extract_strided_slice %get3A_13 {offsets = [1], sizes = [1], strides = [1]} : vector<16xi32> to vector<1xi32>
      %squeeze3A_184 = vector.extract %slice3A_183[0] : i32 from vector<1xi32>
      %and3A_185 = arith.constant -128 : i32
      %and3A_186 = arith.andi %squeeze3A_184, %and3A_185 : i32
      %multiple_of3A_187 = tpu.assume_multiple %and3A_186, 128 : i32
      %dma_start3A_188 = arith.constant 1 : i32
      %dma_start3A_189 = arith.constant 0 : i32
      %dma_start3A_190 = arith.constant 0 : i32
      %dma_start3A_191 = tpu.memref_slice %arg13[%dma_start3A_188, %dma_start3A_189, %dma_start3A_190] : memref<8x32x128xf32, #tpu.memory_space<vmem>> -> memref<1x32x128xf32, #tpu.memory_space<vmem>>
      %dma_start3A_192 = tpu.memref_squeeze %dma_start3A_191 : memref<1x32x128xf32, #tpu.memory_space<vmem>> -> memref<32x128xf32, #tpu.memory_space<vmem>>
      %dma_start3A_193 = arith.constant 0 : i32
      %dma_start3A_194 = tpu.memref_slice %arg6[%dma_start3A_193, %multiple_of3A_187] : memref<32x1000000xf32, #tpu.memory_space<hbm>> -> memref<32x128xf32, #tpu.memory_space<hbm>>
      %dma_start3A_195 = arith.constant 0 : i32
      %dma_start3A_196 = arith.constant 0 : i32
      %dma_start3A_197 = tpu.memref_slice %arg13[%dma_start3A_188, %dma_start3A_195, %dma_start3A_196] : memref<8x32x128xf32, #tpu.memory_space<vmem>> -> memref<1x32x128xf32, #tpu.memory_space<vmem>>
      %dma_start3A_198 = tpu.memref_squeeze %dma_start3A_197 : memref<1x32x128xf32, #tpu.memory_space<vmem>> -> memref<32x128xf32, #tpu.memory_space<vmem>>
      %dma_start3A_199 = arith.constant 0 : i32
      %dma_start3A_200 = tpu.memref_slice %arg6[%dma_start3A_199, %multiple_of3A_187] : memref<32x1000000xf32, #tpu.memory_space<hbm>> -> memref<32x128xf32, #tpu.memory_space<hbm>>
      tpu.enqueue_dma source(%dma_start3A_200 : memref<32x128xf32, #tpu.memory_space<hbm>>) target(%dma_start3A_198 : memref<32x128xf32, #tpu.memory_space<vmem>>) target_semaphore(%arg17 : memref<!tpu.dma_semaphore, #tpu.memory_space<semaphore_mem>>)
      %slice3A_201 = vector.extract_strided_slice %get3A_13 {offsets = [2], sizes = [1], strides = [1]} : vector<16xi32> to vector<1xi32>
      %squeeze3A_202 = vector.extract %slice3A_201[0] : i32 from vector<1xi32>
      %and3A_203 = arith.constant -128 : i32
      %and3A_204 = arith.andi %squeeze3A_202, %and3A_203 : i32
      %multiple_of3A_205 = tpu.assume_multiple %and3A_204, 128 : i32
      %dma_start3A_206 = arith.constant 2 : i32
      %dma_start3A_207 = arith.constant 0 : i32
      %dma_start3A_208 = arith.constant 0 : i32
      %dma_start3A_209 = tpu.memref_slice %arg13[%dma_start3A_206, %dma_start3A_207, %dma_start3A_208] : memref<8x32x128xf32, #tpu.memory_space<vmem>> -> memref<1x32x128xf32, #tpu.memory_space<vmem>>
      %dma_start3A_210 = tpu.memref_squeeze %dma_start3A_209 : memref<1x32x128xf32, #tpu.memory_space<vmem>> -> memref<32x128xf32, #tpu.memory_space<vmem>>
      %dma_start3A_211 = arith.constant 0 : i32
      %dma_start3A_212 = tpu.memref_slice %arg6[%dma_start3A_211, %multiple_of3A_205] : memref<32x1000000xf32, #tpu.memory_space<hbm>> -> memref<32x128xf32, #tpu.memory_space<hbm>>
      %dma_start3A_213 = arith.constant 0 : i32
      %dma_start3A_214 = arith.constant 0 : i32
      %dma_start3A_215 = tpu.memref_slice %arg13[%dma_start3A_206, %dma_start3A_213, %dma_start3A_214] : memref<8x32x128xf32, #tpu.memory_space<vmem>> -> memref<1x32x128xf32, #tpu.memory_space<vmem>>
      %dma_start3A_216 = tpu.memref_squeeze %dma_start3A_215 : memref<1x32x128xf32, #tpu.memory_space<vmem>> -> memref<32x128xf32, #tpu.memory_space<vmem>>
      %dma_start3A_217 = arith.constant 0 : i32
      %dma_start3A_218 = tpu.memref_slice %arg6[%dma_start3A_217, %multiple_of3A_205] : memref<32x1000000xf32, #tpu.memory_space<hbm>> -> memref<32x128xf32, #tpu.memory_space<hbm>>
      tpu.enqueue_dma source(%dma_start3A_218 : memref<32x128xf32, #tpu.memory_space<hbm>>) target(%dma_start3A_216 : memref<32x128xf32, #tpu.memory_space<vmem>>) target_semaphore(%arg17 : memref<!tpu.dma_semaphore, #tpu.memory_space<semaphore_mem>>)
      %slice3A_219 = vector.extract_strided_slice %get3A_13 {offsets = [3], sizes = [1], strides = [1]} : vector<16xi32> to vector<1xi32>
      %squeeze3A_220 = vector.extract %slice3A_219[0] : i32 from vector<1xi32>
      %and3A_221 = arith.constant -128 : i32
      %and3A_222 = arith.andi %squeeze3A_220, %and3A_221 : i32
      %multiple_of3A_223 = tpu.assume_multiple %and3A_222, 128 : i32
      %dma_start3A_224 = arith.constant 3 : i32
      %dma_start3A_225 = arith.constant 0 : i32
      %dma_start3A_226 = arith.constant 0 : i32
      %dma_start3A_227 = tpu.memref_slice %arg13[%dma_start3A_224, %dma_start3A_225, %dma_start3A_226] : memref<8x32x128xf32, #tpu.memory_space<vmem>> -> memref<1x32x128xf32, #tpu.memory_space<vmem>>
      %dma_start3A_228 = tpu.memref_squeeze %dma_start3A_227 : memref<1x32x128xf32, #tpu.memory_space<vmem>> -> memref<32x128xf32, #tpu.memory_space<vmem>>
      %dma_start3A_229 = arith.constant 0 : i32
      %dma_start3A_230 = tpu.memref_slice %arg6[%dma_start3A_229, %multiple_of3A_223] : memref<32x1000000xf32, #tpu.memory_space<hbm>> -> memref<32x128xf32, #tpu.memory_space<hbm>>
      %dma_start3A_231 = arith.constant 0 : i32
      %dma_start3A_232 = arith.constant 0 : i32
      %dma_start3A_233 = tpu.memref_slice %arg13[%dma_start3A_224, %dma_start3A_231, %dma_start3A_232] : memref<8x32x128xf32, #tpu.memory_space<vmem>> -> memref<1x32x128xf32, #tpu.memory_space<vmem>>
      %dma_start3A_234 = tpu.memref_squeeze %dma_start3A_233 : memref<1x32x128xf32, #tpu.memory_space<vmem>> -> memref<32x128xf32, #tpu.memory_space<vmem>>
      %dma_start3A_235 = arith.constant 0 : i32
      %dma_start3A_236 = tpu.memref_slice %arg6[%dma_start3A_235, %multiple_of3A_223] : memref<32x1000000xf32, #tpu.memory_space<hbm>> -> memref<32x128xf32, #tpu.memory_space<hbm>>
      tpu.enqueue_dma source(%dma_start3A_236 : memref<32x128xf32, #tpu.memory_space<hbm>>) target(%dma_start3A_234 : memref<32x128xf32, #tpu.memory_space<vmem>>) target_semaphore(%arg17 : memref<!tpu.dma_semaphore, #tpu.memory_space<semaphore_mem>>)
      %slice3A_237 = vector.extract_strided_slice %get3A_13 {offsets = [4], sizes = [1], strides = [1]} : vector<16xi32> to vector<1xi32>
      %squeeze3A_238 = vector.extract %slice3A_237[0] : i32 from vector<1xi32>
      %and3A_239 = arith.constant -128 : i32
      %and3A_240 = arith.andi %squeeze3A_238, %and3A_239 : i32
      %multiple_of3A_241 = tpu.assume_multiple %and3A_240, 128 : i32
      %dma_start3A_242 = arith.constant 4 : i32
      %dma_start3A_243 = arith.constant 0 : i32
      %dma_start3A_244 = arith.constant 0 : i32
      %dma_start3A_245 = tpu.memref_slice %arg13[%dma_start3A_242, %dma_start3A_243, %dma_start3A_244] : memref<8x32x128xf32, #tpu.memory_space<vmem>> -> memref<1x32x128xf32, #tpu.memory_space<vmem>>
      %dma_start3A_246 = tpu.memref_squeeze %dma_start3A_245 : memref<1x32x128xf32, #tpu.memory_space<vmem>> -> memref<32x128xf32, #tpu.memory_space<vmem>>
      %dma_start3A_247 = arith.constant 0 : i32
      %dma_start3A_248 = tpu.memref_slice %arg6[%dma_start3A_247, %multiple_of3A_241] : memref<32x1000000xf32, #tpu.memory_space<hbm>> -> memref<32x128xf32, #tpu.memory_space<hbm>>
      %dma_start3A_249 = arith.constant 0 : i32
      %dma_start3A_250 = arith.constant 0 : i32
      %dma_start3A_251 = tpu.memref_slice %arg13[%dma_start3A_242, %dma_start3A_249, %dma_start3A_250] : memref<8x32x128xf32, #tpu.memory_space<vmem>> -> memref<1x32x128xf32, #tpu.memory_space<vmem>>
      %dma_start3A_252 = tpu.memref_squeeze %dma_start3A_251 : memref<1x32x128xf32, #tpu.memory_space<vmem>> -> memref<32x128xf32, #tpu.memory_space<vmem>>
      %dma_start3A_253 = arith.constant 0 : i32
      %dma_start3A_254 = tpu.memref_slice %arg6[%dma_start3A_253, %multiple_of3A_241] : memref<32x1000000xf32, #tpu.memory_space<hbm>> -> memref<32x128xf32, #tpu.memory_space<hbm>>
      tpu.enqueue_dma source(%dma_start3A_254 : memref<32x128xf32, #tpu.memory_space<hbm>>) target(%dma_start3A_252 : memref<32x128xf32, #tpu.memory_space<vmem>>) target_semaphore(%arg17 : memref<!tpu.dma_semaphore, #tpu.memory_space<semaphore_mem>>)
      %slice3A_255 = vector.extract_strided_slice %get3A_13 {offsets = [5], sizes = [1], strides = [1]} : vector<16xi32> to vector<1xi32>
      %squeeze3A_256 = vector.extract %slice3A_255[0] : i32 from vector<1xi32>
      %and3A_257 = arith.constant -128 : i32
      %and3A_258 = arith.andi %squeeze3A_256, %and3A_257 : i32
      %multiple_of3A_259 = tpu.assume_multiple %and3A_258, 128 : i32
      %dma_start3A_260 = arith.constant 5 : i32
      %dma_start3A_261 = arith.constant 0 : i32
      %dma_start3A_262 = arith.constant 0 : i32
      %dma_start3A_263 = tpu.memref_slice %arg13[%dma_start3A_260, %dma_start3A_261, %dma_start3A_262] : memref<8x32x128xf32, #tpu.memory_space<vmem>> -> memref<1x32x128xf32, #tpu.memory_space<vmem>>
      %dma_start3A_264 = tpu.memref_squeeze %dma_start3A_263 : memref<1x32x128xf32, #tpu.memory_space<vmem>> -> memref<32x128xf32, #tpu.memory_space<vmem>>
      %dma_start3A_265 = arith.constant 0 : i32
      %dma_start3A_266 = tpu.memref_slice %arg6[%dma_start3A_265, %multiple_of3A_259] : memref<32x1000000xf32, #tpu.memory_space<hbm>> -> memref<32x128xf32, #tpu.memory_space<hbm>>
      %dma_start3A_267 = arith.constant 0 : i32
      %dma_start3A_268 = arith.constant 0 : i32
      %dma_start3A_269 = tpu.memref_slice %arg13[%dma_start3A_260, %dma_start3A_267, %dma_start3A_268] : memref<8x32x128xf32, #tpu.memory_space<vmem>> -> memref<1x32x128xf32, #tpu.memory_space<vmem>>
      %dma_start3A_270 = tpu.memref_squeeze %dma_start3A_269 : memref<1x32x128xf32, #tpu.memory_space<vmem>> -> memref<32x128xf32, #tpu.memory_space<vmem>>
      %dma_start3A_271 = arith.constant 0 : i32
      %dma_start3A_272 = tpu.memref_slice %arg6[%dma_start3A_271, %multiple_of3A_259] : memref<32x1000000xf32, #tpu.memory_space<hbm>> -> memref<32x128xf32, #tpu.memory_space<hbm>>
      tpu.enqueue_dma source(%dma_start3A_272 : memref<32x128xf32, #tpu.memory_space<hbm>>) target(%dma_start3A_270 : memref<32x128xf32, #tpu.memory_space<vmem>>) target_semaphore(%arg17 : memref<!tpu.dma_semaphore, #tpu.memory_space<semaphore_mem>>)
      %slice3A_273 = vector.extract_strided_slice %get3A_13 {offsets = [6], sizes = [1], strides = [1]} : vector<16xi32> to vector<1xi32>
      %squeeze3A_274 = vector.extract %slice3A_273[0] : i32 from vector<1xi32>
      %and3A_275 = arith.constant -128 : i32
      %and3A_276 = arith.andi %squeeze3A_274, %and3A_275 : i32
      %multiple_of3A_277 = tpu.assume_multiple %and3A_276, 128 : i32
      %dma_start3A_278 = arith.constant 6 : i32
      %dma_start3A_279 = arith.constant 0 : i32
      %dma_start3A_280 = arith.constant 0 : i32
      %dma_start3A_281 = tpu.memref_slice %arg13[%dma_start3A_278, %dma_start3A_279, %dma_start3A_280] : memref<8x32x128xf32, #tpu.memory_space<vmem>> -> memref<1x32x128xf32, #tpu.memory_space<vmem>>
      %dma_start3A_282 = tpu.memref_squeeze %dma_start3A_281 : memref<1x32x128xf32, #tpu.memory_space<vmem>> -> memref<32x128xf32, #tpu.memory_space<vmem>>
      %dma_start3A_283 = arith.constant 0 : i32
      %dma_start3A_284 = tpu.memref_slice %arg6[%dma_start3A_283, %multiple_of3A_277] : memref<32x1000000xf32, #tpu.memory_space<hbm>> -> memref<32x128xf32, #tpu.memory_space<hbm>>
      %dma_start3A_285 = arith.constant 0 : i32
      %dma_start3A_286 = arith.constant 0 : i32
      %dma_start3A_287 = tpu.memref_slice %arg13[%dma_start3A_278, %dma_start3A_285, %dma_start3A_286] : memref<8x32x128xf32, #tpu.memory_space<vmem>> -> memref<1x32x128xf32, #tpu.memory_space<vmem>>
      %dma_start3A_288 = tpu.memref_squeeze %dma_start3A_287 : memref<1x32x128xf32, #tpu.memory_space<vmem>> -> memref<32x128xf32, #tpu.memory_space<vmem>>
      %dma_start3A_289 = arith.constant 0 : i32
      %dma_start3A_290 = tpu.memref_slice %arg6[%dma_start3A_289, %multiple_of3A_277] : memref<32x1000000xf32, #tpu.memory_space<hbm>> -> memref<32x128xf32, #tpu.memory_space<hbm>>
      tpu.enqueue_dma source(%dma_start3A_290 : memref<32x128xf32, #tpu.memory_space<hbm>>) target(%dma_start3A_288 : memref<32x128xf32, #tpu.memory_space<vmem>>) target_semaphore(%arg17 : memref<!tpu.dma_semaphore, #tpu.memory_space<semaphore_mem>>)
      %slice3A_291 = vector.extract_strided_slice %get3A_13 {offsets = [7], sizes = [1], strides = [1]} : vector<16xi32> to vector<1xi32>
      %squeeze3A_292 = vector.extract %slice3A_291[0] : i32 from vector<1xi32>
      %and3A_293 = arith.constant -128 : i32
      %and3A_294 = arith.andi %squeeze3A_292, %and3A_293 : i32
      %multiple_of3A_295 = tpu.assume_multiple %and3A_294, 128 : i32
      %dma_start3A_296 = arith.constant 7 : i32
      %dma_start3A_297 = arith.constant 0 : i32
      %dma_start3A_298 = arith.constant 0 : i32
      %dma_start3A_299 = tpu.memref_slice %arg13[%dma_start3A_296, %dma_start3A_297, %dma_start3A_298] : memref<8x32x128xf32, #tpu.memory_space<vmem>> -> memref<1x32x128xf32, #tpu.memory_space<vmem>>
      %dma_start3A_300 = tpu.memref_squeeze %dma_start3A_299 : memref<1x32x128xf32, #tpu.memory_space<vmem>> -> memref<32x128xf32, #tpu.memory_space<vmem>>
      %dma_start3A_301 = arith.constant 0 : i32
      %dma_start3A_302 = tpu.memref_slice %arg6[%dma_start3A_301, %multiple_of3A_295] : memref<32x1000000xf32, #tpu.memory_space<hbm>> -> memref<32x128xf32, #tpu.memory_space<hbm>>
      %dma_start3A_303 = arith.constant 0 : i32
      %dma_start3A_304 = arith.constant 0 : i32
      %dma_start3A_305 = tpu.memref_slice %arg13[%dma_start3A_296, %dma_start3A_303, %dma_start3A_304] : memref<8x32x128xf32, #tpu.memory_space<vmem>> -> memref<1x32x128xf32, #tpu.memory_space<vmem>>
      %dma_start3A_306 = tpu.memref_squeeze %dma_start3A_305 : memref<1x32x128xf32, #tpu.memory_space<vmem>> -> memref<32x128xf32, #tpu.memory_space<vmem>>
      %dma_start3A_307 = arith.constant 0 : i32
      %dma_start3A_308 = tpu.memref_slice %arg6[%dma_start3A_307, %multiple_of3A_295] : memref<32x1000000xf32, #tpu.memory_space<hbm>> -> memref<32x128xf32, #tpu.memory_space<hbm>>
      tpu.enqueue_dma source(%dma_start3A_308 : memref<32x128xf32, #tpu.memory_space<hbm>>) target(%dma_start3A_306 : memref<32x128xf32, #tpu.memory_space<vmem>>) target_semaphore(%arg17 : memref<!tpu.dma_semaphore, #tpu.memory_space<semaphore_mem>>)
      %slice3A_309 = vector.extract_strided_slice %get3A_15 {offsets = [0], sizes = [1], strides = [1]} : vector<16xi32> to vector<1xi32>
      %squeeze3A_310 = vector.extract %slice3A_309[0] : i32 from vector<1xi32>
      %and3A_311 = arith.constant -128 : i32
      %and3A_312 = arith.andi %squeeze3A_310, %and3A_311 : i32
      %multiple_of3A_313 = tpu.assume_multiple %and3A_312, 128 : i32
      %dma_start3A_314 = arith.constant 0 : i32
      %dma_start3A_315 = arith.constant 0 : i32
      %dma_start3A_316 = arith.constant 0 : i32
      %dma_start3A_317 = tpu.memref_slice %arg14[%dma_start3A_314, %dma_start3A_315, %dma_start3A_316] : memref<8x32x128xf32, #tpu.memory_space<vmem>> -> memref<1x32x128xf32, #tpu.memory_space<vmem>>
      %dma_start3A_318 = tpu.memref_squeeze %dma_start3A_317 : memref<1x32x128xf32, #tpu.memory_space<vmem>> -> memref<32x128xf32, #tpu.memory_space<vmem>>
      %dma_start3A_319 = arith.constant 0 : i32
      %dma_start3A_320 = tpu.memref_slice %arg6[%dma_start3A_319, %multiple_of3A_313] : memref<32x1000000xf32, #tpu.memory_space<hbm>> -> memref<32x128xf32, #tpu.memory_space<hbm>>
      %dma_start3A_321 = arith.constant 0 : i32
      %dma_start3A_322 = arith.constant 0 : i32
      %dma_start3A_323 = tpu.memref_slice %arg14[%dma_start3A_314, %dma_start3A_321, %dma_start3A_322] : memref<8x32x128xf32, #tpu.memory_space<vmem>> -> memref<1x32x128xf32, #tpu.memory_space<vmem>>
      %dma_start3A_324 = tpu.memref_squeeze %dma_start3A_323 : memref<1x32x128xf32, #tpu.memory_space<vmem>> -> memref<32x128xf32, #tpu.memory_space<vmem>>
      %dma_start3A_325 = arith.constant 0 : i32
      %dma_start3A_326 = tpu.memref_slice %arg6[%dma_start3A_325, %multiple_of3A_313] : memref<32x1000000xf32, #tpu.memory_space<hbm>> -> memref<32x128xf32, #tpu.memory_space<hbm>>
      tpu.enqueue_dma source(%dma_start3A_326 : memref<32x128xf32, #tpu.memory_space<hbm>>) target(%dma_start3A_324 : memref<32x128xf32, #tpu.memory_space<vmem>>) target_semaphore(%arg17 : memref<!tpu.dma_semaphore, #tpu.memory_space<semaphore_mem>>)
      %slice3A_327 = vector.extract_strided_slice %get3A_15 {offsets = [1], sizes = [1], strides = [1]} : vector<16xi32> to vector<1xi32>
      %squeeze3A_328 = vector.extract %slice3A_327[0] : i32 from vector<1xi32>
      %and3A_329 = arith.constant -128 : i32
      %and3A_330 = arith.andi %squeeze3A_328, %and3A_329 : i32
      %multiple_of3A_331 = tpu.assume_multiple %and3A_330, 128 : i32
      %dma_start3A_332 = arith.constant 1 : i32
      %dma_start3A_333 = arith.constant 0 : i32
      %dma_start3A_334 = arith.constant 0 : i32
      %dma_start3A_335 = tpu.memref_slice %arg14[%dma_start3A_332, %dma_start3A_333, %dma_start3A_334] : memref<8x32x128xf32, #tpu.memory_space<vmem>> -> memref<1x32x128xf32, #tpu.memory_space<vmem>>
      %dma_start3A_336 = tpu.memref_squeeze %dma_start3A_335 : memref<1x32x128xf32, #tpu.memory_space<vmem>> -> memref<32x128xf32, #tpu.memory_space<vmem>>
      %dma_start3A_337 = arith.constant 0 : i32
      %dma_start3A_338 = tpu.memref_slice %arg6[%dma_start3A_337, %multiple_of3A_331] : memref<32x1000000xf32, #tpu.memory_space<hbm>> -> memref<32x128xf32, #tpu.memory_space<hbm>>
      %dma_start3A_339 = arith.constant 0 : i32
      %dma_start3A_340 = arith.constant 0 : i32
      %dma_start3A_341 = tpu.memref_slice %arg14[%dma_start3A_332, %dma_start3A_339, %dma_start3A_340] : memref<8x32x128xf32, #tpu.memory_space<vmem>> -> memref<1x32x128xf32, #tpu.memory_space<vmem>>
      %dma_start3A_342 = tpu.memref_squeeze %dma_start3A_341 : memref<1x32x128xf32, #tpu.memory_space<vmem>> -> memref<32x128xf32, #tpu.memory_space<vmem>>
      %dma_start3A_343 = arith.constant 0 : i32
      %dma_start3A_344 = tpu.memref_slice %arg6[%dma_start3A_343, %multiple_of3A_331] : memref<32x1000000xf32, #tpu.memory_space<hbm>> -> memref<32x128xf32, #tpu.memory_space<hbm>>
      tpu.enqueue_dma source(%dma_start3A_344 : memref<32x128xf32, #tpu.memory_space<hbm>>) target(%dma_start3A_342 : memref<32x128xf32, #tpu.memory_space<vmem>>) target_semaphore(%arg17 : memref<!tpu.dma_semaphore, #tpu.memory_space<semaphore_mem>>)
      %slice3A_345 = vector.extract_strided_slice %get3A_15 {offsets = [2], sizes = [1], strides = [1]} : vector<16xi32> to vector<1xi32>
      %squeeze3A_346 = vector.extract %slice3A_345[0] : i32 from vector<1xi32>
      %and3A_347 = arith.constant -128 : i32
      %and3A_348 = arith.andi %squeeze3A_346, %and3A_347 : i32
      %multiple_of3A_349 = tpu.assume_multiple %and3A_348, 128 : i32
      %dma_start3A_350 = arith.constant 2 : i32
      %dma_start3A_351 = arith.constant 0 : i32
      %dma_start3A_352 = arith.constant 0 : i32
      %dma_start3A_353 = tpu.memref_slice %arg14[%dma_start3A_350, %dma_start3A_351, %dma_start3A_352] : memref<8x32x128xf32, #tpu.memory_space<vmem>> -> memref<1x32x128xf32, #tpu.memory_space<vmem>>
      %dma_start3A_354 = tpu.memref_squeeze %dma_start3A_353 : memref<1x32x128xf32, #tpu.memory_space<vmem>> -> memref<32x128xf32, #tpu.memory_space<vmem>>
      %dma_start3A_355 = arith.constant 0 : i32
      %dma_start3A_356 = tpu.memref_slice %arg6[%dma_start3A_355, %multiple_of3A_349] : memref<32x1000000xf32, #tpu.memory_space<hbm>> -> memref<32x128xf32, #tpu.memory_space<hbm>>
      %dma_start3A_357 = arith.constant 0 : i32
      %dma_start3A_358 = arith.constant 0 : i32
      %dma_start3A_359 = tpu.memref_slice %arg14[%dma_start3A_350, %dma_start3A_357, %dma_start3A_358] : memref<8x32x128xf32, #tpu.memory_space<vmem>> -> memref<1x32x128xf32, #tpu.memory_space<vmem>>
      %dma_start3A_360 = tpu.memref_squeeze %dma_start3A_359 : memref<1x32x128xf32, #tpu.memory_space<vmem>> -> memref<32x128xf32, #tpu.memory_space<vmem>>
      %dma_start3A_361 = arith.constant 0 : i32
      %dma_start3A_362 = tpu.memref_slice %arg6[%dma_start3A_361, %multiple_of3A_349] : memref<32x1000000xf32, #tpu.memory_space<hbm>> -> memref<32x128xf32, #tpu.memory_space<hbm>>
      tpu.enqueue_dma source(%dma_start3A_362 : memref<32x128xf32, #tpu.memory_space<hbm>>) target(%dma_start3A_360 : memref<32x128xf32, #tpu.memory_space<vmem>>) target_semaphore(%arg17 : memref<!tpu.dma_semaphore, #tpu.memory_space<semaphore_mem>>)
      %slice3A_363 = vector.extract_strided_slice %get3A_15 {offsets = [3], sizes = [1], strides = [1]} : vector<16xi32> to vector<1xi32>
      %squeeze3A_364 = vector.extract %slice3A_363[0] : i32 from vector<1xi32>
      %and3A_365 = arith.constant -128 : i32
      %and3A_366 = arith.andi %squeeze3A_364, %and3A_365 : i32
      %multiple_of3A_367 = tpu.assume_multiple %and3A_366, 128 : i32
      %dma_start3A_368 = arith.constant 3 : i32
      %dma_start3A_369 = arith.constant 0 : i32
      %dma_start3A_370 = arith.constant 0 : i32
      %dma_start3A_371 = tpu.memref_slice %arg14[%dma_start3A_368, %dma_start3A_369, %dma_start3A_370] : memref<8x32x128xf32, #tpu.memory_space<vmem>> -> memref<1x32x128xf32, #tpu.memory_space<vmem>>
      %dma_start3A_372 = tpu.memref_squeeze %dma_start3A_371 : memref<1x32x128xf32, #tpu.memory_space<vmem>> -> memref<32x128xf32, #tpu.memory_space<vmem>>
      %dma_start3A_373 = arith.constant 0 : i32
      %dma_start3A_374 = tpu.memref_slice %arg6[%dma_start3A_373, %multiple_of3A_367] : memref<32x1000000xf32, #tpu.memory_space<hbm>> -> memref<32x128xf32, #tpu.memory_space<hbm>>
      %dma_start3A_375 = arith.constant 0 : i32
      %dma_start3A_376 = arith.constant 0 : i32
      %dma_start3A_377 = tpu.memref_slice %arg14[%dma_start3A_368, %dma_start3A_375, %dma_start3A_376] : memref<8x32x128xf32, #tpu.memory_space<vmem>> -> memref<1x32x128xf32, #tpu.memory_space<vmem>>
      %dma_start3A_378 = tpu.memref_squeeze %dma_start3A_377 : memref<1x32x128xf32, #tpu.memory_space<vmem>> -> memref<32x128xf32, #tpu.memory_space<vmem>>
      %dma_start3A_379 = arith.constant 0 : i32
      %dma_start3A_380 = tpu.memref_slice %arg6[%dma_start3A_379, %multiple_of3A_367] : memref<32x1000000xf32, #tpu.memory_space<hbm>> -> memref<32x128xf32, #tpu.memory_space<hbm>>
      tpu.enqueue_dma source(%dma_start3A_380 : memref<32x128xf32, #tpu.memory_space<hbm>>) target(%dma_start3A_378 : memref<32x128xf32, #tpu.memory_space<vmem>>) target_semaphore(%arg17 : memref<!tpu.dma_semaphore, #tpu.memory_space<semaphore_mem>>)
      %slice3A_381 = vector.extract_strided_slice %get3A_15 {offsets = [4], sizes = [1], strides = [1]} : vector<16xi32> to vector<1xi32>
      %squeeze3A_382 = vector.extract %slice3A_381[0] : i32 from vector<1xi32>
      %and3A_383 = arith.constant -128 : i32
      %and3A_384 = arith.andi %squeeze3A_382, %and3A_383 : i32
      %multiple_of3A_385 = tpu.assume_multiple %and3A_384, 128 : i32
      %dma_start3A_386 = arith.constant 4 : i32
      %dma_start3A_387 = arith.constant 0 : i32
      %dma_start3A_388 = arith.constant 0 : i32
      %dma_start3A_389 = tpu.memref_slice %arg14[%dma_start3A_386, %dma_start3A_387, %dma_start3A_388] : memref<8x32x128xf32, #tpu.memory_space<vmem>> -> memref<1x32x128xf32, #tpu.memory_space<vmem>>
      %dma_start3A_390 = tpu.memref_squeeze %dma_start3A_389 : memref<1x32x128xf32, #tpu.memory_space<vmem>> -> memref<32x128xf32, #tpu.memory_space<vmem>>
      %dma_start3A_391 = arith.constant 0 : i32
      %dma_start3A_392 = tpu.memref_slice %arg6[%dma_start3A_391, %multiple_of3A_385] : memref<32x1000000xf32, #tpu.memory_space<hbm>> -> memref<32x128xf32, #tpu.memory_space<hbm>>
      %dma_start3A_393 = arith.constant 0 : i32
      %dma_start3A_394 = arith.constant 0 : i32
      %dma_start3A_395 = tpu.memref_slice %arg14[%dma_start3A_386, %dma_start3A_393, %dma_start3A_394] : memref<8x32x128xf32, #tpu.memory_space<vmem>> -> memref<1x32x128xf32, #tpu.memory_space<vmem>>
      %dma_start3A_396 = tpu.memref_squeeze %dma_start3A_395 : memref<1x32x128xf32, #tpu.memory_space<vmem>> -> memref<32x128xf32, #tpu.memory_space<vmem>>
      %dma_start3A_397 = arith.constant 0 : i32
      %dma_start3A_398 = tpu.memref_slice %arg6[%dma_start3A_397, %multiple_of3A_385] : memref<32x1000000xf32, #tpu.memory_space<hbm>> -> memref<32x128xf32, #tpu.memory_space<hbm>>
      tpu.enqueue_dma source(%dma_start3A_398 : memref<32x128xf32, #tpu.memory_space<hbm>>) target(%dma_start3A_396 : memref<32x128xf32, #tpu.memory_space<vmem>>) target_semaphore(%arg17 : memref<!tpu.dma_semaphore, #tpu.memory_space<semaphore_mem>>)
      %slice3A_399 = vector.extract_strided_slice %get3A_15 {offsets = [5], sizes = [1], strides = [1]} : vector<16xi32> to vector<1xi32>
      %squeeze3A_400 = vector.extract %slice3A_399[0] : i32 from vector<1xi32>
      %and3A_401 = arith.constant -128 : i32
      %and3A_402 = arith.andi %squeeze3A_400, %and3A_401 : i32
      %multiple_of3A_403 = tpu.assume_multiple %and3A_402, 128 : i32
      %dma_start3A_404 = arith.constant 5 : i32
      %dma_start3A_405 = arith.constant 0 : i32
      %dma_start3A_406 = arith.constant 0 : i32
      %dma_start3A_407 = tpu.memref_slice %arg14[%dma_start3A_404, %dma_start3A_405, %dma_start3A_406] : memref<8x32x128xf32, #tpu.memory_space<vmem>> -> memref<1x32x128xf32, #tpu.memory_space<vmem>>
      %dma_start3A_408 = tpu.memref_squeeze %dma_start3A_407 : memref<1x32x128xf32, #tpu.memory_space<vmem>> -> memref<32x128xf32, #tpu.memory_space<vmem>>
      %dma_start3A_409 = arith.constant 0 : i32
      %dma_start3A_410 = tpu.memref_slice %arg6[%dma_start3A_409, %multiple_of3A_403] : memref<32x1000000xf32, #tpu.memory_space<hbm>> -> memref<32x128xf32, #tpu.memory_space<hbm>>
      %dma_start3A_411 = arith.constant 0 : i32
      %dma_start3A_412 = arith.constant 0 : i32
      %dma_start3A_413 = tpu.memref_slice %arg14[%dma_start3A_404, %dma_start3A_411, %dma_start3A_412] : memref<8x32x128xf32, #tpu.memory_space<vmem>> -> memref<1x32x128xf32, #tpu.memory_space<vmem>>
      %dma_start3A_414 = tpu.memref_squeeze %dma_start3A_413 : memref<1x32x128xf32, #tpu.memory_space<vmem>> -> memref<32x128xf32, #tpu.memory_space<vmem>>
      %dma_start3A_415 = arith.constant 0 : i32
      %dma_start3A_416 = tpu.memref_slice %arg6[%dma_start3A_415, %multiple_of3A_403] : memref<32x1000000xf32, #tpu.memory_space<hbm>> -> memref<32x128xf32, #tpu.memory_space<hbm>>
      tpu.enqueue_dma source(%dma_start3A_416 : memref<32x128xf32, #tpu.memory_space<hbm>>) target(%dma_start3A_414 : memref<32x128xf32, #tpu.memory_space<vmem>>) target_semaphore(%arg17 : memref<!tpu.dma_semaphore, #tpu.memory_space<semaphore_mem>>)
      %slice3A_417 = vector.extract_strided_slice %get3A_15 {offsets = [6], sizes = [1], strides = [1]} : vector<16xi32> to vector<1xi32>
      %squeeze3A_418 = vector.extract %slice3A_417[0] : i32 from vector<1xi32>
      %and3A_419 = arith.constant -128 : i32
      %and3A_420 = arith.andi %squeeze3A_418, %and3A_419 : i32
      %multiple_of3A_421 = tpu.assume_multiple %and3A_420, 128 : i32
      %dma_start3A_422 = arith.constant 6 : i32
      %dma_start3A_423 = arith.constant 0 : i32
      %dma_start3A_424 = arith.constant 0 : i32
      %dma_start3A_425 = tpu.memref_slice %arg14[%dma_start3A_422, %dma_start3A_423, %dma_start3A_424] : memref<8x32x128xf32, #tpu.memory_space<vmem>> -> memref<1x32x128xf32, #tpu.memory_space<vmem>>
      %dma_start3A_426 = tpu.memref_squeeze %dma_start3A_425 : memref<1x32x128xf32, #tpu.memory_space<vmem>> -> memref<32x128xf32, #tpu.memory_space<vmem>>
      %dma_start3A_427 = arith.constant 0 : i32
      %dma_start3A_428 = tpu.memref_slice %arg6[%dma_start3A_427, %multiple_of3A_421] : memref<32x1000000xf32, #tpu.memory_space<hbm>> -> memref<32x128xf32, #tpu.memory_space<hbm>>
      %dma_start3A_429 = arith.constant 0 : i32
      %dma_start3A_430 = arith.constant 0 : i32
      %dma_start3A_431 = tpu.memref_slice %arg14[%dma_start3A_422, %dma_start3A_429, %dma_start3A_430] : memref<8x32x128xf32, #tpu.memory_space<vmem>> -> memref<1x32x128xf32, #tpu.memory_space<vmem>>
      %dma_start3A_432 = tpu.memref_squeeze %dma_start3A_431 : memref<1x32x128xf32, #tpu.memory_space<vmem>> -> memref<32x128xf32, #tpu.memory_space<vmem>>
      %dma_start3A_433 = arith.constant 0 : i32
      %dma_start3A_434 = tpu.memref_slice %arg6[%dma_start3A_433, %multiple_of3A_421] : memref<32x1000000xf32, #tpu.memory_space<hbm>> -> memref<32x128xf32, #tpu.memory_space<hbm>>
      tpu.enqueue_dma source(%dma_start3A_434 : memref<32x128xf32, #tpu.memory_space<hbm>>) target(%dma_start3A_432 : memref<32x128xf32, #tpu.memory_space<vmem>>) target_semaphore(%arg17 : memref<!tpu.dma_semaphore, #tpu.memory_space<semaphore_mem>>)
      %slice3A_435 = vector.extract_strided_slice %get3A_15 {offsets = [7], sizes = [1], strides = [1]} : vector<16xi32> to vector<1xi32>
      %squeeze3A_436 = vector.extract %slice3A_435[0] : i32 from vector<1xi32>
      %and3A_437 = arith.constant -128 : i32
      %and3A_438 = arith.andi %squeeze3A_436, %and3A_437 : i32
      %multiple_of3A_439 = tpu.assume_multiple %and3A_438, 128 : i32
      %dma_start3A_440 = arith.constant 7 : i32
      %dma_start3A_441 = arith.constant 0 : i32
      %dma_start3A_442 = arith.constant 0 : i32
      %dma_start3A_443 = tpu.memref_slice %arg14[%dma_start3A_440, %dma_start3A_441, %dma_start3A_442] : memref<8x32x128xf32, #tpu.memory_space<vmem>> -> memref<1x32x128xf32, #tpu.memory_space<vmem>>
      %dma_start3A_444 = tpu.memref_squeeze %dma_start3A_443 : memref<1x32x128xf32, #tpu.memory_space<vmem>> -> memref<32x128xf32, #tpu.memory_space<vmem>>
      %dma_start3A_445 = arith.constant 0 : i32
      %dma_start3A_446 = tpu.memref_slice %arg6[%dma_start3A_445, %multiple_of3A_439] : memref<32x1000000xf32, #tpu.memory_space<hbm>> -> memref<32x128xf32, #tpu.memory_space<hbm>>
      %dma_start3A_447 = arith.constant 0 : i32
      %dma_start3A_448 = arith.constant 0 : i32
      %dma_start3A_449 = tpu.memref_slice %arg14[%dma_start3A_440, %dma_start3A_447, %dma_start3A_448] : memref<8x32x128xf32, #tpu.memory_space<vmem>> -> memref<1x32x128xf32, #tpu.memory_space<vmem>>
      %dma_start3A_450 = tpu.memref_squeeze %dma_start3A_449 : memref<1x32x128xf32, #tpu.memory_space<vmem>> -> memref<32x128xf32, #tpu.memory_space<vmem>>
      %dma_start3A_451 = arith.constant 0 : i32
      %dma_start3A_452 = tpu.memref_slice %arg6[%dma_start3A_451, %multiple_of3A_439] : memref<32x1000000xf32, #tpu.memory_space<hbm>> -> memref<32x128xf32, #tpu.memory_space<hbm>>
      tpu.enqueue_dma source(%dma_start3A_452 : memref<32x128xf32, #tpu.memory_space<hbm>>) target(%dma_start3A_450 : memref<32x128xf32, #tpu.memory_space<vmem>>) target_semaphore(%arg17 : memref<!tpu.dma_semaphore, #tpu.memory_space<semaphore_mem>>)
      %dma_wait3A = arith.constant 0 : i32
      %dma_wait3A_453 = arith.constant 0 : i32
      %dma_wait3A_454 = arith.constant 0 : i32
      %dma_wait3A_455 = tpu.memref_slice %arg12[%dma_wait3A, %dma_wait3A_453, %dma_wait3A_454] : memref<8x32x128xf32, #tpu.memory_space<vmem>> -> memref<1x32x128xf32, #tpu.memory_space<vmem>>
      %dma_wait3A_456 = tpu.memref_squeeze %dma_wait3A_455 : memref<1x32x128xf32, #tpu.memory_space<vmem>> -> memref<32x128xf32, #tpu.memory_space<vmem>>
      %dma_wait3A_457 = arith.constant 0 : i32
      %dma_wait3A_458 = tpu.memref_slice %arg5[%dma_wait3A_457, %multiple_of3A_26] : memref<32x1000000xf32, #tpu.memory_space<hbm>> -> memref<32x128xf32, #tpu.memory_space<hbm>>
      %dma_wait3A_459 = arith.constant 0 : i32
      %dma_wait3A_460 = arith.constant 0 : i32
      %dma_wait3A_461 = tpu.memref_slice %arg12[%dma_wait3A, %dma_wait3A_459, %dma_wait3A_460] : memref<8x32x128xf32, #tpu.memory_space<vmem>> -> memref<1x32x128xf32, #tpu.memory_space<vmem>>
      %dma_wait3A_462 = tpu.memref_squeeze %dma_wait3A_461 : memref<1x32x128xf32, #tpu.memory_space<vmem>> -> memref<32x128xf32, #tpu.memory_space<vmem>>
      %dma_wait3A_463 = arith.constant 0 : i32
      %dma_wait3A_464 = tpu.memref_slice %arg5[%dma_wait3A_463, %multiple_of3A_26] : memref<32x1000000xf32, #tpu.memory_space<hbm>> -> memref<32x128xf32, #tpu.memory_space<hbm>>
      tpu.wait_dma2 semaphore(%arg17 : memref<!tpu.dma_semaphore, #tpu.memory_space<semaphore_mem>>) src(%dma_wait3A_464 : memref<32x128xf32, #tpu.memory_space<hbm>>) dst(%dma_wait3A_462 : memref<32x128xf32, #tpu.memory_space<vmem>>)
      %dma_wait3A_465 = arith.constant 1 : i32
      %dma_wait3A_466 = arith.constant 0 : i32
      %dma_wait3A_467 = arith.constant 0 : i32
      %dma_wait3A_468 = tpu.memref_slice %arg12[%dma_wait3A_465, %dma_wait3A_466, %dma_wait3A_467] : memref<8x32x128xf32, #tpu.memory_space<vmem>> -> memref<1x32x128xf32, #tpu.memory_space<vmem>>
      %dma_wait3A_469 = tpu.memref_squeeze %dma_wait3A_468 : memref<1x32x128xf32, #tpu.memory_space<vmem>> -> memref<32x128xf32, #tpu.memory_space<vmem>>
      %dma_wait3A_470 = arith.constant 0 : i32
      %dma_wait3A_471 = tpu.memref_slice %arg5[%dma_wait3A_470, %multiple_of3A_43] : memref<32x1000000xf32, #tpu.memory_space<hbm>> -> memref<32x128xf32, #tpu.memory_space<hbm>>
      %dma_wait3A_472 = arith.constant 0 : i32
      %dma_wait3A_473 = arith.constant 0 : i32
      %dma_wait3A_474 = tpu.memref_slice %arg12[%dma_wait3A_465, %dma_wait3A_472, %dma_wait3A_473] : memref<8x32x128xf32, #tpu.memory_space<vmem>> -> memref<1x32x128xf32, #tpu.memory_space<vmem>>
      %dma_wait3A_475 = tpu.memref_squeeze %dma_wait3A_474 : memref<1x32x128xf32, #tpu.memory_space<vmem>> -> memref<32x128xf32, #tpu.memory_space<vmem>>
      %dma_wait3A_476 = arith.constant 0 : i32
      %dma_wait3A_477 = tpu.memref_slice %arg5[%dma_wait3A_476, %multiple_of3A_43] : memref<32x1000000xf32, #tpu.memory_space<hbm>> -> memref<32x128xf32, #tpu.memory_space<hbm>>
      tpu.wait_dma2 semaphore(%arg17 : memref<!tpu.dma_semaphore, #tpu.memory_space<semaphore_mem>>) src(%dma_wait3A_477 : memref<32x128xf32, #tpu.memory_space<hbm>>) dst(%dma_wait3A_475 : memref<32x128xf32, #tpu.memory_space<vmem>>)
      %dma_wait3A_478 = arith.constant 2 : i32
      %dma_wait3A_479 = arith.constant 0 : i32
      %dma_wait3A_480 = arith.constant 0 : i32
      %dma_wait3A_481 = tpu.memref_slice %arg12[%dma_wait3A_478, %dma_wait3A_479, %dma_wait3A_480] : memref<8x32x128xf32, #tpu.memory_space<vmem>> -> memref<1x32x128xf32, #tpu.memory_space<vmem>>
      %dma_wait3A_482 = tpu.memref_squeeze %dma_wait3A_481 : memref<1x32x128xf32, #tpu.memory_space<vmem>> -> memref<32x128xf32, #tpu.memory_space<vmem>>
      %dma_wait3A_483 = arith.constant 0 : i32
      %dma_wait3A_484 = tpu.memref_slice %arg5[%dma_wait3A_483, %multiple_of3A_61] : memref<32x1000000xf32, #tpu.memory_space<hbm>> -> memref<32x128xf32, #tpu.memory_space<hbm>>
      %dma_wait3A_485 = arith.constant 0 : i32
      %dma_wait3A_486 = arith.constant 0 : i32
      %dma_wait3A_487 = tpu.memref_slice %arg12[%dma_wait3A_478, %dma_wait3A_485, %dma_wait3A_486] : memref<8x32x128xf32, #tpu.memory_space<vmem>> -> memref<1x32x128xf32, #tpu.memory_space<vmem>>
      %dma_wait3A_488 = tpu.memref_squeeze %dma_wait3A_487 : memref<1x32x128xf32, #tpu.memory_space<vmem>> -> memref<32x128xf32, #tpu.memory_space<vmem>>
      %dma_wait3A_489 = arith.constant 0 : i32
      %dma_wait3A_490 = tpu.memref_slice %arg5[%dma_wait3A_489, %multiple_of3A_61] : memref<32x1000000xf32, #tpu.memory_space<hbm>> -> memref<32x128xf32, #tpu.memory_space<hbm>>
      tpu.wait_dma2 semaphore(%arg17 : memref<!tpu.dma_semaphore, #tpu.memory_space<semaphore_mem>>) src(%dma_wait3A_490 : memref<32x128xf32, #tpu.memory_space<hbm>>) dst(%dma_wait3A_488 : memref<32x128xf32, #tpu.memory_space<vmem>>)
      %dma_wait3A_491 = arith.constant 3 : i32
      %dma_wait3A_492 = arith.constant 0 : i32
      %dma_wait3A_493 = arith.constant 0 : i32
      %dma_wait3A_494 = tpu.memref_slice %arg12[%dma_wait3A_491, %dma_wait3A_492, %dma_wait3A_493] : memref<8x32x128xf32, #tpu.memory_space<vmem>> -> memref<1x32x128xf32, #tpu.memory_space<vmem>>
      %dma_wait3A_495 = tpu.memref_squeeze %dma_wait3A_494 : memref<1x32x128xf32, #tpu.memory_space<vmem>> -> memref<32x128xf32, #tpu.memory_space<vmem>>
      %dma_wait3A_496 = arith.constant 0 : i32
      %dma_wait3A_497 = tpu.memref_slice %arg5[%dma_wait3A_496, %multiple_of3A_79] : memref<32x1000000xf32, #tpu.memory_space<hbm>> -> memref<32x128xf32, #tpu.memory_space<hbm>>
      %dma_wait3A_498 = arith.constant 0 : i32
      %dma_wait3A_499 = arith.constant 0 : i32
      %dma_wait3A_500 = tpu.memref_slice %arg12[%dma_wait3A_491, %dma_wait3A_498, %dma_wait3A_499] : memref<8x32x128xf32, #tpu.memory_space<vmem>> -> memref<1x32x128xf32, #tpu.memory_space<vmem>>
      %dma_wait3A_501 = tpu.memref_squeeze %dma_wait3A_500 : memref<1x32x128xf32, #tpu.memory_space<vmem>> -> memref<32x128xf32, #tpu.memory_space<vmem>>
      %dma_wait3A_502 = arith.constant 0 : i32
      %dma_wait3A_503 = tpu.memref_slice %arg5[%dma_wait3A_502, %multiple_of3A_79] : memref<32x1000000xf32, #tpu.memory_space<hbm>> -> memref<32x128xf32, #tpu.memory_space<hbm>>
      tpu.wait_dma2 semaphore(%arg17 : memref<!tpu.dma_semaphore, #tpu.memory_space<semaphore_mem>>) src(%dma_wait3A_503 : memref<32x128xf32, #tpu.memory_space<hbm>>) dst(%dma_wait3A_501 : memref<32x128xf32, #tpu.memory_space<vmem>>)
      %dma_wait3A_504 = arith.constant 4 : i32
      %dma_wait3A_505 = arith.constant 0 : i32
      %dma_wait3A_506 = arith.constant 0 : i32
      %dma_wait3A_507 = tpu.memref_slice %arg12[%dma_wait3A_504, %dma_wait3A_505, %dma_wait3A_506] : memref<8x32x128xf32, #tpu.memory_space<vmem>> -> memref<1x32x128xf32, #tpu.memory_space<vmem>>
      %dma_wait3A_508 = tpu.memref_squeeze %dma_wait3A_507 : memref<1x32x128xf32, #tpu.memory_space<vmem>> -> memref<32x128xf32, #tpu.memory_space<vmem>>
      %dma_wait3A_509 = arith.constant 0 : i32
      %dma_wait3A_510 = tpu.memref_slice %arg5[%dma_wait3A_509, %multiple_of3A_97] : memref<32x1000000xf32, #tpu.memory_space<hbm>> -> memref<32x128xf32, #tpu.memory_space<hbm>>
      %dma_wait3A_511 = arith.constant 0 : i32
      %dma_wait3A_512 = arith.constant 0 : i32
      %dma_wait3A_513 = tpu.memref_slice %arg12[%dma_wait3A_504, %dma_wait3A_511, %dma_wait3A_512] : memref<8x32x128xf32, #tpu.memory_space<vmem>> -> memref<1x32x128xf32, #tpu.memory_space<vmem>>
      %dma_wait3A_514 = tpu.memref_squeeze %dma_wait3A_513 : memref<1x32x128xf32, #tpu.memory_space<vmem>> -> memref<32x128xf32, #tpu.memory_space<vmem>>
      %dma_wait3A_515 = arith.constant 0 : i32
      %dma_wait3A_516 = tpu.memref_slice %arg5[%dma_wait3A_515, %multiple_of3A_97] : memref<32x1000000xf32, #tpu.memory_space<hbm>> -> memref<32x128xf32, #tpu.memory_space<hbm>>
      tpu.wait_dma2 semaphore(%arg17 : memref<!tpu.dma_semaphore, #tpu.memory_space<semaphore_mem>>) src(%dma_wait3A_516 : memref<32x128xf32, #tpu.memory_space<hbm>>) dst(%dma_wait3A_514 : memref<32x128xf32, #tpu.memory_space<vmem>>)
      %dma_wait3A_517 = arith.constant 5 : i32
      %dma_wait3A_518 = arith.constant 0 : i32
      %dma_wait3A_519 = arith.constant 0 : i32
      %dma_wait3A_520 = tpu.memref_slice %arg12[%dma_wait3A_517, %dma_wait3A_518, %dma_wait3A_519] : memref<8x32x128xf32, #tpu.memory_space<vmem>> -> memref<1x32x128xf32, #tpu.memory_space<vmem>>
      %dma_wait3A_521 = tpu.memref_squeeze %dma_wait3A_520 : memref<1x32x128xf32, #tpu.memory_space<vmem>> -> memref<32x128xf32, #tpu.memory_space<vmem>>
      %dma_wait3A_522 = arith.constant 0 : i32
      %dma_wait3A_523 = tpu.memref_slice %arg5[%dma_wait3A_522, %multiple_of3A_115] : memref<32x1000000xf32, #tpu.memory_space<hbm>> -> memref<32x128xf32, #tpu.memory_space<hbm>>
      %dma_wait3A_524 = arith.constant 0 : i32
      %dma_wait3A_525 = arith.constant 0 : i32
      %dma_wait3A_526 = tpu.memref_slice %arg12[%dma_wait3A_517, %dma_wait3A_524, %dma_wait3A_525] : memref<8x32x128xf32, #tpu.memory_space<vmem>> -> memref<1x32x128xf32, #tpu.memory_space<vmem>>
      %dma_wait3A_527 = tpu.memref_squeeze %dma_wait3A_526 : memref<1x32x128xf32, #tpu.memory_space<vmem>> -> memref<32x128xf32, #tpu.memory_space<vmem>>
      %dma_wait3A_528 = arith.constant 0 : i32
      %dma_wait3A_529 = tpu.memref_slice %arg5[%dma_wait3A_528, %multiple_of3A_115] : memref<32x1000000xf32, #tpu.memory_space<hbm>> -> memref<32x128xf32, #tpu.memory_space<hbm>>
      tpu.wait_dma2 semaphore(%arg17 : memref<!tpu.dma_semaphore, #tpu.memory_space<semaphore_mem>>) src(%dma_wait3A_529 : memref<32x128xf32, #tpu.memory_space<hbm>>) dst(%dma_wait3A_527 : memref<32x128xf32, #tpu.memory_space<vmem>>)
      %dma_wait3A_530 = arith.constant 6 : i32
      %dma_wait3A_531 = arith.constant 0 : i32
      %dma_wait3A_532 = arith.constant 0 : i32
      %dma_wait3A_533 = tpu.memref_slice %arg12[%dma_wait3A_530, %dma_wait3A_531, %dma_wait3A_532] : memref<8x32x128xf32, #tpu.memory_space<vmem>> -> memref<1x32x128xf32, #tpu.memory_space<vmem>>
      %dma_wait3A_534 = tpu.memref_squeeze %dma_wait3A_533 : memref<1x32x128xf32, #tpu.memory_space<vmem>> -> memref<32x128xf32, #tpu.memory_space<vmem>>
      %dma_wait3A_535 = arith.constant 0 : i32
      %dma_wait3A_536 = tpu.memref_slice %arg5[%dma_wait3A_535, %multiple_of3A_133] : memref<32x1000000xf32, #tpu.memory_space<hbm>> -> memref<32x128xf32, #tpu.memory_space<hbm>>
      %dma_wait3A_537 = arith.constant 0 : i32
      %dma_wait3A_538 = arith.constant 0 : i32
      %dma_wait3A_539 = tpu.memref_slice %arg12[%dma_wait3A_530, %dma_wait3A_537, %dma_wait3A_538] : memref<8x32x128xf32, #tpu.memory_space<vmem>> -> memref<1x32x128xf32, #tpu.memory_space<vmem>>
      %dma_wait3A_540 = tpu.memref_squeeze %dma_wait3A_539 : memref<1x32x128xf32, #tpu.memory_space<vmem>> -> memref<32x128xf32, #tpu.memory_space<vmem>>
      %dma_wait3A_541 = arith.constant 0 : i32
      %dma_wait3A_542 = tpu.memref_slice %arg5[%dma_wait3A_541, %multiple_of3A_133] : memref<32x1000000xf32, #tpu.memory_space<hbm>> -> memref<32x128xf32, #tpu.memory_space<hbm>>
      tpu.wait_dma2 semaphore(%arg17 : memref<!tpu.dma_semaphore, #tpu.memory_space<semaphore_mem>>) src(%dma_wait3A_542 : memref<32x128xf32, #tpu.memory_space<hbm>>) dst(%dma_wait3A_540 : memref<32x128xf32, #tpu.memory_space<vmem>>)
      %dma_wait3A_543 = arith.constant 7 : i32
      %dma_wait3A_544 = arith.constant 0 : i32
      %dma_wait3A_545 = arith.constant 0 : i32
      %dma_wait3A_546 = tpu.memref_slice %arg12[%dma_wait3A_543, %dma_wait3A_544, %dma_wait3A_545] : memref<8x32x128xf32, #tpu.memory_space<vmem>> -> memref<1x32x128xf32, #tpu.memory_space<vmem>>
      %dma_wait3A_547 = tpu.memref_squeeze %dma_wait3A_546 : memref<1x32x128xf32, #tpu.memory_space<vmem>> -> memref<32x128xf32, #tpu.memory_space<vmem>>
      %dma_wait3A_548 = arith.constant 0 : i32
      %dma_wait3A_549 = tpu.memref_slice %arg5[%dma_wait3A_548, %multiple_of3A_151] : memref<32x1000000xf32, #tpu.memory_space<hbm>> -> memref<32x128xf32, #tpu.memory_space<hbm>>
      %dma_wait3A_550 = arith.constant 0 : i32
      %dma_wait3A_551 = arith.constant 0 : i32
      %dma_wait3A_552 = tpu.memref_slice %arg12[%dma_wait3A_543, %dma_wait3A_550, %dma_wait3A_551] : memref<8x32x128xf32, #tpu.memory_space<vmem>> -> memref<1x32x128xf32, #tpu.memory_space<vmem>>
      %dma_wait3A_553 = tpu.memref_squeeze %dma_wait3A_552 : memref<1x32x128xf32, #tpu.memory_space<vmem>> -> memref<32x128xf32, #tpu.memory_space<vmem>>
      %dma_wait3A_554 = arith.constant 0 : i32
      %dma_wait3A_555 = tpu.memref_slice %arg5[%dma_wait3A_554, %multiple_of3A_151] : memref<32x1000000xf32, #tpu.memory_space<hbm>> -> memref<32x128xf32, #tpu.memory_space<hbm>>
      tpu.wait_dma2 semaphore(%arg17 : memref<!tpu.dma_semaphore, #tpu.memory_space<semaphore_mem>>) src(%dma_wait3A_555 : memref<32x128xf32, #tpu.memory_space<hbm>>) dst(%dma_wait3A_553 : memref<32x128xf32, #tpu.memory_space<vmem>>)
      %dma_wait3A_556 = arith.constant 0 : i32
      %dma_wait3A_557 = arith.constant 0 : i32
      %dma_wait3A_558 = arith.constant 0 : i32
      %dma_wait3A_559 = tpu.memref_slice %arg13[%dma_wait3A_556, %dma_wait3A_557, %dma_wait3A_558] : memref<8x32x128xf32, #tpu.memory_space<vmem>> -> memref<1x32x128xf32, #tpu.memory_space<vmem>>
      %dma_wait3A_560 = tpu.memref_squeeze %dma_wait3A_559 : memref<1x32x128xf32, #tpu.memory_space<vmem>> -> memref<32x128xf32, #tpu.memory_space<vmem>>
      %dma_wait3A_561 = arith.constant 0 : i32
      %dma_wait3A_562 = tpu.memref_slice %arg6[%dma_wait3A_561, %multiple_of3A_169] : memref<32x1000000xf32, #tpu.memory_space<hbm>> -> memref<32x128xf32, #tpu.memory_space<hbm>>
      %dma_wait3A_563 = arith.constant 0 : i32
      %dma_wait3A_564 = arith.constant 0 : i32
      %dma_wait3A_565 = tpu.memref_slice %arg13[%dma_wait3A_556, %dma_wait3A_563, %dma_wait3A_564] : memref<8x32x128xf32, #tpu.memory_space<vmem>> -> memref<1x32x128xf32, #tpu.memory_space<vmem>>
      %dma_wait3A_566 = tpu.memref_squeeze %dma_wait3A_565 : memref<1x32x128xf32, #tpu.memory_space<vmem>> -> memref<32x128xf32, #tpu.memory_space<vmem>>
      %dma_wait3A_567 = arith.constant 0 : i32
      %dma_wait3A_568 = tpu.memref_slice %arg6[%dma_wait3A_567, %multiple_of3A_169] : memref<32x1000000xf32, #tpu.memory_space<hbm>> -> memref<32x128xf32, #tpu.memory_space<hbm>>
      tpu.wait_dma2 semaphore(%arg17 : memref<!tpu.dma_semaphore, #tpu.memory_space<semaphore_mem>>) src(%dma_wait3A_568 : memref<32x128xf32, #tpu.memory_space<hbm>>) dst(%dma_wait3A_566 : memref<32x128xf32, #tpu.memory_space<vmem>>)
      %dma_wait3A_569 = arith.constant 1 : i32
      %dma_wait3A_570 = arith.constant 0 : i32
      %dma_wait3A_571 = arith.constant 0 : i32
      %dma_wait3A_572 = tpu.memref_slice %arg13[%dma_wait3A_569, %dma_wait3A_570, %dma_wait3A_571] : memref<8x32x128xf32, #tpu.memory_space<vmem>> -> memref<1x32x128xf32, #tpu.memory_space<vmem>>
      %dma_wait3A_573 = tpu.memref_squeeze %dma_wait3A_572 : memref<1x32x128xf32, #tpu.memory_space<vmem>> -> memref<32x128xf32, #tpu.memory_space<vmem>>
      %dma_wait3A_574 = arith.constant 0 : i32
      %dma_wait3A_575 = tpu.memref_slice %arg6[%dma_wait3A_574, %multiple_of3A_187] : memref<32x1000000xf32, #tpu.memory_space<hbm>> -> memref<32x128xf32, #tpu.memory_space<hbm>>
      %dma_wait3A_576 = arith.constant 0 : i32
      %dma_wait3A_577 = arith.constant 0 : i32
      %dma_wait3A_578 = tpu.memref_slice %arg13[%dma_wait3A_569, %dma_wait3A_576, %dma_wait3A_577] : memref<8x32x128xf32, #tpu.memory_space<vmem>> -> memref<1x32x128xf32, #tpu.memory_space<vmem>>
      %dma_wait3A_579 = tpu.memref_squeeze %dma_wait3A_578 : memref<1x32x128xf32, #tpu.memory_space<vmem>> -> memref<32x128xf32, #tpu.memory_space<vmem>>
      %dma_wait3A_580 = arith.constant 0 : i32
      %dma_wait3A_581 = tpu.memref_slice %arg6[%dma_wait3A_580, %multiple_of3A_187] : memref<32x1000000xf32, #tpu.memory_space<hbm>> -> memref<32x128xf32, #tpu.memory_space<hbm>>
      tpu.wait_dma2 semaphore(%arg17 : memref<!tpu.dma_semaphore, #tpu.memory_space<semaphore_mem>>) src(%dma_wait3A_581 : memref<32x128xf32, #tpu.memory_space<hbm>>) dst(%dma_wait3A_579 : memref<32x128xf32, #tpu.memory_space<vmem>>)
      %dma_wait3A_582 = arith.constant 2 : i32
      %dma_wait3A_583 = arith.constant 0 : i32
      %dma_wait3A_584 = arith.constant 0 : i32
      %dma_wait3A_585 = tpu.memref_slice %arg13[%dma_wait3A_582, %dma_wait3A_583, %dma_wait3A_584] : memref<8x32x128xf32, #tpu.memory_space<vmem>> -> memref<1x32x128xf32, #tpu.memory_space<vmem>>
      %dma_wait3A_586 = tpu.memref_squeeze %dma_wait3A_585 : memref<1x32x128xf32, #tpu.memory_space<vmem>> -> memref<32x128xf32, #tpu.memory_space<vmem>>
      %dma_wait3A_587 = arith.constant 0 : i32
      %dma_wait3A_588 = tpu.memref_slice %arg6[%dma_wait3A_587, %multiple_of3A_205] : memref<32x1000000xf32, #tpu.memory_space<hbm>> -> memref<32x128xf32, #tpu.memory_space<hbm>>
      %dma_wait3A_589 = arith.constant 0 : i32
      %dma_wait3A_590 = arith.constant 0 : i32
      %dma_wait3A_591 = tpu.memref_slice %arg13[%dma_wait3A_582, %dma_wait3A_589, %dma_wait3A_590] : memref<8x32x128xf32, #tpu.memory_space<vmem>> -> memref<1x32x128xf32, #tpu.memory_space<vmem>>
      %dma_wait3A_592 = tpu.memref_squeeze %dma_wait3A_591 : memref<1x32x128xf32, #tpu.memory_space<vmem>> -> memref<32x128xf32, #tpu.memory_space<vmem>>
      %dma_wait3A_593 = arith.constant 0 : i32
      %dma_wait3A_594 = tpu.memref_slice %arg6[%dma_wait3A_593, %multiple_of3A_205] : memref<32x1000000xf32, #tpu.memory_space<hbm>> -> memref<32x128xf32, #tpu.memory_space<hbm>>
      tpu.wait_dma2 semaphore(%arg17 : memref<!tpu.dma_semaphore, #tpu.memory_space<semaphore_mem>>) src(%dma_wait3A_594 : memref<32x128xf32, #tpu.memory_space<hbm>>) dst(%dma_wait3A_592 : memref<32x128xf32, #tpu.memory_space<vmem>>)
      %dma_wait3A_595 = arith.constant 3 : i32
      %dma_wait3A_596 = arith.constant 0 : i32
      %dma_wait3A_597 = arith.constant 0 : i32
      %dma_wait3A_598 = tpu.memref_slice %arg13[%dma_wait3A_595, %dma_wait3A_596, %dma_wait3A_597] : memref<8x32x128xf32, #tpu.memory_space<vmem>> -> memref<1x32x128xf32, #tpu.memory_space<vmem>>
      %dma_wait3A_599 = tpu.memref_squeeze %dma_wait3A_598 : memref<1x32x128xf32, #tpu.memory_space<vmem>> -> memref<32x128xf32, #tpu.memory_space<vmem>>
      %dma_wait3A_600 = arith.constant 0 : i32
      %dma_wait3A_601 = tpu.memref_slice %arg6[%dma_wait3A_600, %multiple_of3A_223] : memref<32x1000000xf32, #tpu.memory_space<hbm>> -> memref<32x128xf32, #tpu.memory_space<hbm>>
      %dma_wait3A_602 = arith.constant 0 : i32
      %dma_wait3A_603 = arith.constant 0 : i32
      %dma_wait3A_604 = tpu.memref_slice %arg13[%dma_wait3A_595, %dma_wait3A_602, %dma_wait3A_603] : memref<8x32x128xf32, #tpu.memory_space<vmem>> -> memref<1x32x128xf32, #tpu.memory_space<vmem>>
      %dma_wait3A_605 = tpu.memref_squeeze %dma_wait3A_604 : memref<1x32x128xf32, #tpu.memory_space<vmem>> -> memref<32x128xf32, #tpu.memory_space<vmem>>
      %dma_wait3A_606 = arith.constant 0 : i32
      %dma_wait3A_607 = tpu.memref_slice %arg6[%dma_wait3A_606, %multiple_of3A_223] : memref<32x1000000xf32, #tpu.memory_space<hbm>> -> memref<32x128xf32, #tpu.memory_space<hbm>>
      tpu.wait_dma2 semaphore(%arg17 : memref<!tpu.dma_semaphore, #tpu.memory_space<semaphore_mem>>) src(%dma_wait3A_607 : memref<32x128xf32, #tpu.memory_space<hbm>>) dst(%dma_wait3A_605 : memref<32x128xf32, #tpu.memory_space<vmem>>)
      %dma_wait3A_608 = arith.constant 4 : i32
      %dma_wait3A_609 = arith.constant 0 : i32
      %dma_wait3A_610 = arith.constant 0 : i32
      %dma_wait3A_611 = tpu.memref_slice %arg13[%dma_wait3A_608, %dma_wait3A_609, %dma_wait3A_610] : memref<8x32x128xf32, #tpu.memory_space<vmem>> -> memref<1x32x128xf32, #tpu.memory_space<vmem>>
      %dma_wait3A_612 = tpu.memref_squeeze %dma_wait3A_611 : memref<1x32x128xf32, #tpu.memory_space<vmem>> -> memref<32x128xf32, #tpu.memory_space<vmem>>
      %dma_wait3A_613 = arith.constant 0 : i32
      %dma_wait3A_614 = tpu.memref_slice %arg6[%dma_wait3A_613, %multiple_of3A_241] : memref<32x1000000xf32, #tpu.memory_space<hbm>> -> memref<32x128xf32, #tpu.memory_space<hbm>>
      %dma_wait3A_615 = arith.constant 0 : i32
      %dma_wait3A_616 = arith.constant 0 : i32
      %dma_wait3A_617 = tpu.memref_slice %arg13[%dma_wait3A_608, %dma_wait3A_615, %dma_wait3A_616] : memref<8x32x128xf32, #tpu.memory_space<vmem>> -> memref<1x32x128xf32, #tpu.memory_space<vmem>>
      %dma_wait3A_618 = tpu.memref_squeeze %dma_wait3A_617 : memref<1x32x128xf32, #tpu.memory_space<vmem>> -> memref<32x128xf32, #tpu.memory_space<vmem>>
      %dma_wait3A_619 = arith.constant 0 : i32
      %dma_wait3A_620 = tpu.memref_slice %arg6[%dma_wait3A_619, %multiple_of3A_241] : memref<32x1000000xf32, #tpu.memory_space<hbm>> -> memref<32x128xf32, #tpu.memory_space<hbm>>
      tpu.wait_dma2 semaphore(%arg17 : memref<!tpu.dma_semaphore, #tpu.memory_space<semaphore_mem>>) src(%dma_wait3A_620 : memref<32x128xf32, #tpu.memory_space<hbm>>) dst(%dma_wait3A_618 : memref<32x128xf32, #tpu.memory_space<vmem>>)
      %dma_wait3A_621 = arith.constant 5 : i32
      %dma_wait3A_622 = arith.constant 0 : i32
      %dma_wait3A_623 = arith.constant 0 : i32
      %dma_wait3A_624 = tpu.memref_slice %arg13[%dma_wait3A_621, %dma_wait3A_622, %dma_wait3A_623] : memref<8x32x128xf32, #tpu.memory_space<vmem>> -> memref<1x32x128xf32, #tpu.memory_space<vmem>>
      %dma_wait3A_625 = tpu.memref_squeeze %dma_wait3A_624 : memref<1x32x128xf32, #tpu.memory_space<vmem>> -> memref<32x128xf32, #tpu.memory_space<vmem>>
      %dma_wait3A_626 = arith.constant 0 : i32
      %dma_wait3A_627 = tpu.memref_slice %arg6[%dma_wait3A_626, %multiple_of3A_259] : memref<32x1000000xf32, #tpu.memory_space<hbm>> -> memref<32x128xf32, #tpu.memory_space<hbm>>
      %dma_wait3A_628 = arith.constant 0 : i32
      %dma_wait3A_629 = arith.constant 0 : i32
      %dma_wait3A_630 = tpu.memref_slice %arg13[%dma_wait3A_621, %dma_wait3A_628, %dma_wait3A_629] : memref<8x32x128xf32, #tpu.memory_space<vmem>> -> memref<1x32x128xf32, #tpu.memory_space<vmem>>
      %dma_wait3A_631 = tpu.memref_squeeze %dma_wait3A_630 : memref<1x32x128xf32, #tpu.memory_space<vmem>> -> memref<32x128xf32, #tpu.memory_space<vmem>>
      %dma_wait3A_632 = arith.constant 0 : i32
      %dma_wait3A_633 = tpu.memref_slice %arg6[%dma_wait3A_632, %multiple_of3A_259] : memref<32x1000000xf32, #tpu.memory_space<hbm>> -> memref<32x128xf32, #tpu.memory_space<hbm>>
      tpu.wait_dma2 semaphore(%arg17 : memref<!tpu.dma_semaphore, #tpu.memory_space<semaphore_mem>>) src(%dma_wait3A_633 : memref<32x128xf32, #tpu.memory_space<hbm>>) dst(%dma_wait3A_631 : memref<32x128xf32, #tpu.memory_space<vmem>>)
      %dma_wait3A_634 = arith.constant 6 : i32
      %dma_wait3A_635 = arith.constant 0 : i32
      %dma_wait3A_636 = arith.constant 0 : i32
      %dma_wait3A_637 = tpu.memref_slice %arg13[%dma_wait3A_634, %dma_wait3A_635, %dma_wait3A_636] : memref<8x32x128xf32, #tpu.memory_space<vmem>> -> memref<1x32x128xf32, #tpu.memory_space<vmem>>
      %dma_wait3A_638 = tpu.memref_squeeze %dma_wait3A_637 : memref<1x32x128xf32, #tpu.memory_space<vmem>> -> memref<32x128xf32, #tpu.memory_space<vmem>>
      %dma_wait3A_639 = arith.constant 0 : i32
      %dma_wait3A_640 = tpu.memref_slice %arg6[%dma_wait3A_639, %multiple_of3A_277] : memref<32x1000000xf32, #tpu.memory_space<hbm>> -> memref<32x128xf32, #tpu.memory_space<hbm>>
      %dma_wait3A_641 = arith.constant 0 : i32
      %dma_wait3A_642 = arith.constant 0 : i32
      %dma_wait3A_643 = tpu.memref_slice %arg13[%dma_wait3A_634, %dma_wait3A_641, %dma_wait3A_642] : memref<8x32x128xf32, #tpu.memory_space<vmem>> -> memref<1x32x128xf32, #tpu.memory_space<vmem>>
      %dma_wait3A_644 = tpu.memref_squeeze %dma_wait3A_643 : memref<1x32x128xf32, #tpu.memory_space<vmem>> -> memref<32x128xf32, #tpu.memory_space<vmem>>
      %dma_wait3A_645 = arith.constant 0 : i32
      %dma_wait3A_646 = tpu.memref_slice %arg6[%dma_wait3A_645, %multiple_of3A_277] : memref<32x1000000xf32, #tpu.memory_space<hbm>> -> memref<32x128xf32, #tpu.memory_space<hbm>>
      tpu.wait_dma2 semaphore(%arg17 : memref<!tpu.dma_semaphore, #tpu.memory_space<semaphore_mem>>) src(%dma_wait3A_646 : memref<32x128xf32, #tpu.memory_space<hbm>>) dst(%dma_wait3A_644 : memref<32x128xf32, #tpu.memory_space<vmem>>)
      %dma_wait3A_647 = arith.constant 7 : i32
      %dma_wait3A_648 = arith.constant 0 : i32
      %dma_wait3A_649 = arith.constant 0 : i32
      %dma_wait3A_650 = tpu.memref_slice %arg13[%dma_wait3A_647, %dma_wait3A_648, %dma_wait3A_649] : memref<8x32x128xf32, #tpu.memory_space<vmem>> -> memref<1x32x128xf32, #tpu.memory_space<vmem>>
      %dma_wait3A_651 = tpu.memref_squeeze %dma_wait3A_650 : memref<1x32x128xf32, #tpu.memory_space<vmem>> -> memref<32x128xf32, #tpu.memory_space<vmem>>
      %dma_wait3A_652 = arith.constant 0 : i32
      %dma_wait3A_653 = tpu.memref_slice %arg6[%dma_wait3A_652, %multiple_of3A_295] : memref<32x1000000xf32, #tpu.memory_space<hbm>> -> memref<32x128xf32, #tpu.memory_space<hbm>>
      %dma_wait3A_654 = arith.constant 0 : i32
      %dma_wait3A_655 = arith.constant 0 : i32
      %dma_wait3A_656 = tpu.memref_slice %arg13[%dma_wait3A_647, %dma_wait3A_654, %dma_wait3A_655] : memref<8x32x128xf32, #tpu.memory_space<vmem>> -> memref<1x32x128xf32, #tpu.memory_space<vmem>>
      %dma_wait3A_657 = tpu.memref_squeeze %dma_wait3A_656 : memref<1x32x128xf32, #tpu.memory_space<vmem>> -> memref<32x128xf32, #tpu.memory_space<vmem>>
      %dma_wait3A_658 = arith.constant 0 : i32
      %dma_wait3A_659 = tpu.memref_slice %arg6[%dma_wait3A_658, %multiple_of3A_295] : memref<32x1000000xf32, #tpu.memory_space<hbm>> -> memref<32x128xf32, #tpu.memory_space<hbm>>
      tpu.wait_dma2 semaphore(%arg17 : memref<!tpu.dma_semaphore, #tpu.memory_space<semaphore_mem>>) src(%dma_wait3A_659 : memref<32x128xf32, #tpu.memory_space<hbm>>) dst(%dma_wait3A_657 : memref<32x128xf32, #tpu.memory_space<vmem>>)
      %dma_wait3A_660 = arith.constant 0 : i32
      %dma_wait3A_661 = arith.constant 0 : i32
      %dma_wait3A_662 = arith.constant 0 : i32
      %dma_wait3A_663 = tpu.memref_slice %arg14[%dma_wait3A_660, %dma_wait3A_661, %dma_wait3A_662] : memref<8x32x128xf32, #tpu.memory_space<vmem>> -> memref<1x32x128xf32, #tpu.memory_space<vmem>>
      %dma_wait3A_664 = tpu.memref_squeeze %dma_wait3A_663 : memref<1x32x128xf32, #tpu.memory_space<vmem>> -> memref<32x128xf32, #tpu.memory_space<vmem>>
      %dma_wait3A_665 = arith.constant 0 : i32
      %dma_wait3A_666 = tpu.memref_slice %arg6[%dma_wait3A_665, %multiple_of3A_313] : memref<32x1000000xf32, #tpu.memory_space<hbm>> -> memref<32x128xf32, #tpu.memory_space<hbm>>
      %dma_wait3A_667 = arith.constant 0 : i32
      %dma_wait3A_668 = arith.constant 0 : i32
      %dma_wait3A_669 = tpu.memref_slice %arg14[%dma_wait3A_660, %dma_wait3A_667, %dma_wait3A_668] : memref<8x32x128xf32, #tpu.memory_space<vmem>> -> memref<1x32x128xf32, #tpu.memory_space<vmem>>
      %dma_wait3A_670 = tpu.memref_squeeze %dma_wait3A_669 : memref<1x32x128xf32, #tpu.memory_space<vmem>> -> memref<32x128xf32, #tpu.memory_space<vmem>>
      %dma_wait3A_671 = arith.constant 0 : i32
      %dma_wait3A_672 = tpu.memref_slice %arg6[%dma_wait3A_671, %multiple_of3A_313] : memref<32x1000000xf32, #tpu.memory_space<hbm>> -> memref<32x128xf32, #tpu.memory_space<hbm>>
      tpu.wait_dma2 semaphore(%arg17 : memref<!tpu.dma_semaphore, #tpu.memory_space<semaphore_mem>>) src(%dma_wait3A_672 : memref<32x128xf32, #tpu.memory_space<hbm>>) dst(%dma_wait3A_670 : memref<32x128xf32, #tpu.memory_space<vmem>>)
      %dma_wait3A_673 = arith.constant 1 : i32
      %dma_wait3A_674 = arith.constant 0 : i32
      %dma_wait3A_675 = arith.constant 0 : i32
      %dma_wait3A_676 = tpu.memref_slice %arg14[%dma_wait3A_673, %dma_wait3A_674, %dma_wait3A_675] : memref<8x32x128xf32, #tpu.memory_space<vmem>> -> memref<1x32x128xf32, #tpu.memory_space<vmem>>
      %dma_wait3A_677 = tpu.memref_squeeze %dma_wait3A_676 : memref<1x32x128xf32, #tpu.memory_space<vmem>> -> memref<32x128xf32, #tpu.memory_space<vmem>>
      %dma_wait3A_678 = arith.constant 0 : i32
      %dma_wait3A_679 = tpu.memref_slice %arg6[%dma_wait3A_678, %multiple_of3A_331] : memref<32x1000000xf32, #tpu.memory_space<hbm>> -> memref<32x128xf32, #tpu.memory_space<hbm>>
      %dma_wait3A_680 = arith.constant 0 : i32
      %dma_wait3A_681 = arith.constant 0 : i32
      %dma_wait3A_682 = tpu.memref_slice %arg14[%dma_wait3A_673, %dma_wait3A_680, %dma_wait3A_681] : memref<8x32x128xf32, #tpu.memory_space<vmem>> -> memref<1x32x128xf32, #tpu.memory_space<vmem>>
      %dma_wait3A_683 = tpu.memref_squeeze %dma_wait3A_682 : memref<1x32x128xf32, #tpu.memory_space<vmem>> -> memref<32x128xf32, #tpu.memory_space<vmem>>
      %dma_wait3A_684 = arith.constant 0 : i32
      %dma_wait3A_685 = tpu.memref_slice %arg6[%dma_wait3A_684, %multiple_of3A_331] : memref<32x1000000xf32, #tpu.memory_space<hbm>> -> memref<32x128xf32, #tpu.memory_space<hbm>>
      tpu.wait_dma2 semaphore(%arg17 : memref<!tpu.dma_semaphore, #tpu.memory_space<semaphore_mem>>) src(%dma_wait3A_685 : memref<32x128xf32, #tpu.memory_space<hbm>>) dst(%dma_wait3A_683 : memref<32x128xf32, #tpu.memory_space<vmem>>)
      %dma_wait3A_686 = arith.constant 2 : i32
      %dma_wait3A_687 = arith.constant 0 : i32
      %dma_wait3A_688 = arith.constant 0 : i32
      %dma_wait3A_689 = tpu.memref_slice %arg14[%dma_wait3A_686, %dma_wait3A_687, %dma_wait3A_688] : memref<8x32x128xf32, #tpu.memory_space<vmem>> -> memref<1x32x128xf32, #tpu.memory_space<vmem>>
      %dma_wait3A_690 = tpu.memref_squeeze %dma_wait3A_689 : memref<1x32x128xf32, #tpu.memory_space<vmem>> -> memref<32x128xf32, #tpu.memory_space<vmem>>
      %dma_wait3A_691 = arith.constant 0 : i32
      %dma_wait3A_692 = tpu.memref_slice %arg6[%dma_wait3A_691, %multiple_of3A_349] : memref<32x1000000xf32, #tpu.memory_space<hbm>> -> memref<32x128xf32, #tpu.memory_space<hbm>>
      %dma_wait3A_693 = arith.constant 0 : i32
      %dma_wait3A_694 = arith.constant 0 : i32
      %dma_wait3A_695 = tpu.memref_slice %arg14[%dma_wait3A_686, %dma_wait3A_693, %dma_wait3A_694] : memref<8x32x128xf32, #tpu.memory_space<vmem>> -> memref<1x32x128xf32, #tpu.memory_space<vmem>>
      %dma_wait3A_696 = tpu.memref_squeeze %dma_wait3A_695 : memref<1x32x128xf32, #tpu.memory_space<vmem>> -> memref<32x128xf32, #tpu.memory_space<vmem>>
      %dma_wait3A_697 = arith.constant 0 : i32
      %dma_wait3A_698 = tpu.memref_slice %arg6[%dma_wait3A_697, %multiple_of3A_349] : memref<32x1000000xf32, #tpu.memory_space<hbm>> -> memref<32x128xf32, #tpu.memory_space<hbm>>
      tpu.wait_dma2 semaphore(%arg17 : memref<!tpu.dma_semaphore, #tpu.memory_space<semaphore_mem>>) src(%dma_wait3A_698 : memref<32x128xf32, #tpu.memory_space<hbm>>) dst(%dma_wait3A_696 : memref<32x128xf32, #tpu.memory_space<vmem>>)
      %dma_wait3A_699 = arith.constant 3 : i32
      %dma_wait3A_700 = arith.constant 0 : i32
      %dma_wait3A_701 = arith.constant 0 : i32
      %dma_wait3A_702 = tpu.memref_slice %arg14[%dma_wait3A_699, %dma_wait3A_700, %dma_wait3A_701] : memref<8x32x128xf32, #tpu.memory_space<vmem>> -> memref<1x32x128xf32, #tpu.memory_space<vmem>>
      %dma_wait3A_703 = tpu.memref_squeeze %dma_wait3A_702 : memref<1x32x128xf32, #tpu.memory_space<vmem>> -> memref<32x128xf32, #tpu.memory_space<vmem>>
      %dma_wait3A_704 = arith.constant 0 : i32
      %dma_wait3A_705 = tpu.memref_slice %arg6[%dma_wait3A_704, %multiple_of3A_367] : memref<32x1000000xf32, #tpu.memory_space<hbm>> -> memref<32x128xf32, #tpu.memory_space<hbm>>
      %dma_wait3A_706 = arith.constant 0 : i32
      %dma_wait3A_707 = arith.constant 0 : i32
      %dma_wait3A_708 = tpu.memref_slice %arg14[%dma_wait3A_699, %dma_wait3A_706, %dma_wait3A_707] : memref<8x32x128xf32, #tpu.memory_space<vmem>> -> memref<1x32x128xf32, #tpu.memory_space<vmem>>
      %dma_wait3A_709 = tpu.memref_squeeze %dma_wait3A_708 : memref<1x32x128xf32, #tpu.memory_space<vmem>> -> memref<32x128xf32, #tpu.memory_space<vmem>>
      %dma_wait3A_710 = arith.constant 0 : i32
      %dma_wait3A_711 = tpu.memref_slice %arg6[%dma_wait3A_710, %multiple_of3A_367] : memref<32x1000000xf32, #tpu.memory_space<hbm>> -> memref<32x128xf32, #tpu.memory_space<hbm>>
      tpu.wait_dma2 semaphore(%arg17 : memref<!tpu.dma_semaphore, #tpu.memory_space<semaphore_mem>>) src(%dma_wait3A_711 : memref<32x128xf32, #tpu.memory_space<hbm>>) dst(%dma_wait3A_709 : memref<32x128xf32, #tpu.memory_space<vmem>>)
      %dma_wait3A_712 = arith.constant 4 : i32
      %dma_wait3A_713 = arith.constant 0 : i32
      %dma_wait3A_714 = arith.constant 0 : i32
      %dma_wait3A_715 = tpu.memref_slice %arg14[%dma_wait3A_712, %dma_wait3A_713, %dma_wait3A_714] : memref<8x32x128xf32, #tpu.memory_space<vmem>> -> memref<1x32x128xf32, #tpu.memory_space<vmem>>
      %dma_wait3A_716 = tpu.memref_squeeze %dma_wait3A_715 : memref<1x32x128xf32, #tpu.memory_space<vmem>> -> memref<32x128xf32, #tpu.memory_space<vmem>>
      %dma_wait3A_717 = arith.constant 0 : i32
      %dma_wait3A_718 = tpu.memref_slice %arg6[%dma_wait3A_717, %multiple_of3A_385] : memref<32x1000000xf32, #tpu.memory_space<hbm>> -> memref<32x128xf32, #tpu.memory_space<hbm>>
      %dma_wait3A_719 = arith.constant 0 : i32
      %dma_wait3A_720 = arith.constant 0 : i32
      %dma_wait3A_721 = tpu.memref_slice %arg14[%dma_wait3A_712, %dma_wait3A_719, %dma_wait3A_720] : memref<8x32x128xf32, #tpu.memory_space<vmem>> -> memref<1x32x128xf32, #tpu.memory_space<vmem>>
      %dma_wait3A_722 = tpu.memref_squeeze %dma_wait3A_721 : memref<1x32x128xf32, #tpu.memory_space<vmem>> -> memref<32x128xf32, #tpu.memory_space<vmem>>
      %dma_wait3A_723 = arith.constant 0 : i32
      %dma_wait3A_724 = tpu.memref_slice %arg6[%dma_wait3A_723, %multiple_of3A_385] : memref<32x1000000xf32, #tpu.memory_space<hbm>> -> memref<32x128xf32, #tpu.memory_space<hbm>>
      tpu.wait_dma2 semaphore(%arg17 : memref<!tpu.dma_semaphore, #tpu.memory_space<semaphore_mem>>) src(%dma_wait3A_724 : memref<32x128xf32, #tpu.memory_space<hbm>>) dst(%dma_wait3A_722 : memref<32x128xf32, #tpu.memory_space<vmem>>)
      %dma_wait3A_725 = arith.constant 5 : i32
      %dma_wait3A_726 = arith.constant 0 : i32
      %dma_wait3A_727 = arith.constant 0 : i32
      %dma_wait3A_728 = tpu.memref_slice %arg14[%dma_wait3A_725, %dma_wait3A_726, %dma_wait3A_727] : memref<8x32x128xf32, #tpu.memory_space<vmem>> -> memref<1x32x128xf32, #tpu.memory_space<vmem>>
      %dma_wait3A_729 = tpu.memref_squeeze %dma_wait3A_728 : memref<1x32x128xf32, #tpu.memory_space<vmem>> -> memref<32x128xf32, #tpu.memory_space<vmem>>
      %dma_wait3A_730 = arith.constant 0 : i32
      %dma_wait3A_731 = tpu.memref_slice %arg6[%dma_wait3A_730, %multiple_of3A_403] : memref<32x1000000xf32, #tpu.memory_space<hbm>> -> memref<32x128xf32, #tpu.memory_space<hbm>>
      %dma_wait3A_732 = arith.constant 0 : i32
      %dma_wait3A_733 = arith.constant 0 : i32
      %dma_wait3A_734 = tpu.memref_slice %arg14[%dma_wait3A_725, %dma_wait3A_732, %dma_wait3A_733] : memref<8x32x128xf32, #tpu.memory_space<vmem>> -> memref<1x32x128xf32, #tpu.memory_space<vmem>>
      %dma_wait3A_735 = tpu.memref_squeeze %dma_wait3A_734 : memref<1x32x128xf32, #tpu.memory_space<vmem>> -> memref<32x128xf32, #tpu.memory_space<vmem>>
      %dma_wait3A_736 = arith.constant 0 : i32
      %dma_wait3A_737 = tpu.memref_slice %arg6[%dma_wait3A_736, %multiple_of3A_403] : memref<32x1000000xf32, #tpu.memory_space<hbm>> -> memref<32x128xf32, #tpu.memory_space<hbm>>
      tpu.wait_dma2 semaphore(%arg17 : memref<!tpu.dma_semaphore, #tpu.memory_space<semaphore_mem>>) src(%dma_wait3A_737 : memref<32x128xf32, #tpu.memory_space<hbm>>) dst(%dma_wait3A_735 : memref<32x128xf32, #tpu.memory_space<vmem>>)
      %dma_wait3A_738 = arith.constant 6 : i32
      %dma_wait3A_739 = arith.constant 0 : i32
      %dma_wait3A_740 = arith.constant 0 : i32
      %dma_wait3A_741 = tpu.memref_slice %arg14[%dma_wait3A_738, %dma_wait3A_739, %dma_wait3A_740] : memref<8x32x128xf32, #tpu.memory_space<vmem>> -> memref<1x32x128xf32, #tpu.memory_space<vmem>>
      %dma_wait3A_742 = tpu.memref_squeeze %dma_wait3A_741 : memref<1x32x128xf32, #tpu.memory_space<vmem>> -> memref<32x128xf32, #tpu.memory_space<vmem>>
      %dma_wait3A_743 = arith.constant 0 : i32
      %dma_wait3A_744 = tpu.memref_slice %arg6[%dma_wait3A_743, %multiple_of3A_421] : memref<32x1000000xf32, #tpu.memory_space<hbm>> -> memref<32x128xf32, #tpu.memory_space<hbm>>
      %dma_wait3A_745 = arith.constant 0 : i32
      %dma_wait3A_746 = arith.constant 0 : i32
      %dma_wait3A_747 = tpu.memref_slice %arg14[%dma_wait3A_738, %dma_wait3A_745, %dma_wait3A_746] : memref<8x32x128xf32, #tpu.memory_space<vmem>> -> memref<1x32x128xf32, #tpu.memory_space<vmem>>
      %dma_wait3A_748 = tpu.memref_squeeze %dma_wait3A_747 : memref<1x32x128xf32, #tpu.memory_space<vmem>> -> memref<32x128xf32, #tpu.memory_space<vmem>>
      %dma_wait3A_749 = arith.constant 0 : i32
      %dma_wait3A_750 = tpu.memref_slice %arg6[%dma_wait3A_749, %multiple_of3A_421] : memref<32x1000000xf32, #tpu.memory_space<hbm>> -> memref<32x128xf32, #tpu.memory_space<hbm>>
      tpu.wait_dma2 semaphore(%arg17 : memref<!tpu.dma_semaphore, #tpu.memory_space<semaphore_mem>>) src(%dma_wait3A_750 : memref<32x128xf32, #tpu.memory_space<hbm>>) dst(%dma_wait3A_748 : memref<32x128xf32, #tpu.memory_space<vmem>>)
      %dma_wait3A_751 = arith.constant 7 : i32
      %dma_wait3A_752 = arith.constant 0 : i32
      %dma_wait3A_753 = arith.constant 0 : i32
      %dma_wait3A_754 = tpu.memref_slice %arg14[%dma_wait3A_751, %dma_wait3A_752, %dma_wait3A_753] : memref<8x32x128xf32, #tpu.memory_space<vmem>> -> memref<1x32x128xf32, #tpu.memory_space<vmem>>
      %dma_wait3A_755 = tpu.memref_squeeze %dma_wait3A_754 : memref<1x32x128xf32, #tpu.memory_space<vmem>> -> memref<32x128xf32, #tpu.memory_space<vmem>>
      %dma_wait3A_756 = arith.constant 0 : i32
      %dma_wait3A_757 = tpu.memref_slice %arg6[%dma_wait3A_756, %multiple_of3A_439] : memref<32x1000000xf32, #tpu.memory_space<hbm>> -> memref<32x128xf32, #tpu.memory_space<hbm>>
      %dma_wait3A_758 = arith.constant 0 : i32
      %dma_wait3A_759 = arith.constant 0 : i32
      %dma_wait3A_760 = tpu.memref_slice %arg14[%dma_wait3A_751, %dma_wait3A_758, %dma_wait3A_759] : memref<8x32x128xf32, #tpu.memory_space<vmem>> -> memref<1x32x128xf32, #tpu.memory_space<vmem>>
      %dma_wait3A_761 = tpu.memref_squeeze %dma_wait3A_760 : memref<1x32x128xf32, #tpu.memory_space<vmem>> -> memref<32x128xf32, #tpu.memory_space<vmem>>
      %dma_wait3A_762 = arith.constant 0 : i32
      %dma_wait3A_763 = tpu.memref_slice %arg6[%dma_wait3A_762, %multiple_of3A_439] : memref<32x1000000xf32, #tpu.memory_space<hbm>> -> memref<32x128xf32, #tpu.memory_space<hbm>>
      tpu.wait_dma2 semaphore(%arg17 : memref<!tpu.dma_semaphore, #tpu.memory_space<semaphore_mem>>) src(%dma_wait3A_763 : memref<32x128xf32, #tpu.memory_space<hbm>>) dst(%dma_wait3A_761 : memref<32x128xf32, #tpu.memory_space<vmem>>)
      %sub3A = arith.constant 0 : i32
      %sub3A_764 = vector.broadcast %sub3A : i32 to vector<16xi32>
      %sub3A_765 = arith.subi %iota3A, %sub3A_764 : vector<16xi32>
      %jit3A = arith.constant 0 : i32
      %jit3A_766 = arith.constant 7 : i32
      %max3A = vector.broadcast %jit3A : i32 to vector<16xi32>
      %max3A_767 = arith.maxsi %max3A, %sub3A_765 : vector<16xi32>
      %min3A = vector.broadcast %jit3A_766 : i32 to vector<16xi32>
      %min3A_768 = arith.minsi %min3A, %max3A_767 : vector<16xi32>
      %broadcast_in_dim3A = arith.constant 0.000000e+00 : f32
      %broadcast_in_dim3A_769 = vector.broadcast %broadcast_in_dim3A : f32 to vector<16xf32>
      %broadcast_in_dim3A_770 = arith.constant 0.000000e+00 : f32
      %broadcast_in_dim3A_771 = vector.broadcast %broadcast_in_dim3A_770 : f32 to vector<16xf32>
      %broadcast_in_dim3A_772 = arith.constant 0 : i32
      %broadcast_in_dim3A_773 = vector.broadcast %broadcast_in_dim3A_772 : i32 to vector<16xi32>
      %gather3A = tpu.vector_load_idx %arg12[%min3A_768, %broadcast_in_dim3A_773, %and3A_17] : memref<8x32x128xf32, #tpu.memory_space<vmem>>[vector<16xi32>, vector<16xi32>, vector<16xi32>], vector<16xf32>,
      %gather3A_774 = tpu.vector_load_idx %arg13[%min3A_768, %broadcast_in_dim3A_773, %and3A_20] : memref<8x32x128xf32, #tpu.memory_space<vmem>>[vector<16xi32>, vector<16xi32>, vector<16xi32>], vector<16xf32>,
      %gather3A_775 = tpu.vector_load_idx %arg14[%min3A_768, %broadcast_in_dim3A_773, %and3A_23] : memref<8x32x128xf32, #tpu.memory_space<vmem>>[vector<16xi32>, vector<16xi32>, vector<16xi32>], vector<16xf32>,
      %mul3A_776 = arith.mulf %gather3A, %gather3A_774 : vector<16xf32>
      %add3A_777 = arith.addf %broadcast_in_dim3A_769, %mul3A_776 : vector<16xf32>
      %mul3A_778 = arith.mulf %gather3A, %gather3A_775 : vector<16xf32>
      %add3A_779 = arith.addf %broadcast_in_dim3A_771, %mul3A_778 : vector<16xf32>
      %broadcast_in_dim3A_780 = arith.constant 1 : i32
      %broadcast_in_dim3A_781 = vector.broadcast %broadcast_in_dim3A_780 : i32 to vector<16xi32>
      %gather3A_782 = tpu.vector_load_idx %arg12[%min3A_768, %broadcast_in_dim3A_781, %and3A_17] : memref<8x32x128xf32, #tpu.memory_space<vmem>>[vector<16xi32>, vector<16xi32>, vector<16xi32>], vector<16xf32>,
      %gather3A_783 = tpu.vector_load_idx %arg13[%min3A_768, %broadcast_in_dim3A_781, %and3A_20] : memref<8x32x128xf32, #tpu.memory_space<vmem>>[vector<16xi32>, vector<16xi32>, vector<16xi32>], vector<16xf32>,
      %gather3A_784 = tpu.vector_load_idx %arg14[%min3A_768, %broadcast_in_dim3A_781, %and3A_23] : memref<8x32x128xf32, #tpu.memory_space<vmem>>[vector<16xi32>, vector<16xi32>, vector<16xi32>], vector<16xf32>,
      %mul3A_785 = arith.mulf %gather3A_782, %gather3A_783 : vector<16xf32>
      %add3A_786 = arith.addf %add3A_777, %mul3A_785 : vector<16xf32>
      %mul3A_787 = arith.mulf %gather3A_782, %gather3A_784 : vector<16xf32>
      %add3A_788 = arith.addf %add3A_779, %mul3A_787 : vector<16xf32>
      %broadcast_in_dim3A_789 = arith.constant 2 : i32
      %broadcast_in_dim3A_790 = vector.broadcast %broadcast_in_dim3A_789 : i32 to vector<16xi32>
      %gather3A_791 = tpu.vector_load_idx %arg12[%min3A_768, %broadcast_in_dim3A_790, %and3A_17] : memref<8x32x128xf32, #tpu.memory_space<vmem>>[vector<16xi32>, vector<16xi32>, vector<16xi32>], vector<16xf32>,
      %gather3A_792 = tpu.vector_load_idx %arg13[%min3A_768, %broadcast_in_dim3A_790, %and3A_20] : memref<8x32x128xf32, #tpu.memory_space<vmem>>[vector<16xi32>, vector<16xi32>, vector<16xi32>], vector<16xf32>,
      %gather3A_793 = tpu.vector_load_idx %arg14[%min3A_768, %broadcast_in_dim3A_790, %and3A_23] : memref<8x32x128xf32, #tpu.memory_space<vmem>>[vector<16xi32>, vector<16xi32>, vector<16xi32>], vector<16xf32>,
      %mul3A_794 = arith.mulf %gather3A_791, %gather3A_792 : vector<16xf32>
      %add3A_795 = arith.addf %add3A_786, %mul3A_794 : vector<16xf32>
      %mul3A_796 = arith.mulf %gather3A_791, %gather3A_793 : vector<16xf32>
      %add3A_797 = arith.addf %add3A_788, %mul3A_796 : vector<16xf32>
      %broadcast_in_dim3A_798 = arith.constant 3 : i32
      %broadcast_in_dim3A_799 = vector.broadcast %broadcast_in_dim3A_798 : i32 to vector<16xi32>
      %gather3A_800 = tpu.vector_load_idx %arg12[%min3A_768, %broadcast_in_dim3A_799, %and3A_17] : memref<8x32x128xf32, #tpu.memory_space<vmem>>[vector<16xi32>, vector<16xi32>, vector<16xi32>], vector<16xf32>,
      %gather3A_801 = tpu.vector_load_idx %arg13[%min3A_768, %broadcast_in_dim3A_799, %and3A_20] : memref<8x32x128xf32, #tpu.memory_space<vmem>>[vector<16xi32>, vector<16xi32>, vector<16xi32>], vector<16xf32>,
      %gather3A_802 = tpu.vector_load_idx %arg14[%min3A_768, %broadcast_in_dim3A_799, %and3A_23] : memref<8x32x128xf32, #tpu.memory_space<vmem>>[vector<16xi32>, vector<16xi32>, vector<16xi32>], vector<16xf32>,
      %mul3A_803 = arith.mulf %gather3A_800, %gather3A_801 : vector<16xf32>
      %add3A_804 = arith.addf %add3A_795, %mul3A_803 : vector<16xf32>
      %mul3A_805 = arith.mulf %gather3A_800, %gather3A_802 : vector<16xf32>
      %add3A_806 = arith.addf %add3A_797, %mul3A_805 : vector<16xf32>
      %broadcast_in_dim3A_807 = arith.constant 4 : i32
      %broadcast_in_dim3A_808 = vector.broadcast %broadcast_in_dim3A_807 : i32 to vector<16xi32>
      %gather3A_809 = tpu.vector_load_idx %arg12[%min3A_768, %broadcast_in_dim3A_808, %and3A_17] : memref<8x32x128xf32, #tpu.memory_space<vmem>>[vector<16xi32>, vector<16xi32>, vector<16xi32>], vector<16xf32>,
      %gather3A_810 = tpu.vector_load_idx %arg13[%min3A_768, %broadcast_in_dim3A_808, %and3A_20] : memref<8x32x128xf32, #tpu.memory_space<vmem>>[vector<16xi32>, vector<16xi32>, vector<16xi32>], vector<16xf32>,
      %gather3A_811 = tpu.vector_load_idx %arg14[%min3A_768, %broadcast_in_dim3A_808, %and3A_23] : memref<8x32x128xf32, #tpu.memory_space<vmem>>[vector<16xi32>, vector<16xi32>, vector<16xi32>], vector<16xf32>,
      %mul3A_812 = arith.mulf %gather3A_809, %gather3A_810 : vector<16xf32>
      %add3A_813 = arith.addf %add3A_804, %mul3A_812 : vector<16xf32>
      %mul3A_814 = arith.mulf %gather3A_809, %gather3A_811 : vector<16xf32>
      %add3A_815 = arith.addf %add3A_806, %mul3A_814 : vector<16xf32>
      %broadcast_in_dim3A_816 = arith.constant 5 : i32
      %broadcast_in_dim3A_817 = vector.broadcast %broadcast_in_dim3A_816 : i32 to vector<16xi32>
      %gather3A_818 = tpu.vector_load_idx %arg12[%min3A_768, %broadcast_in_dim3A_817, %and3A_17] : memref<8x32x128xf32, #tpu.memory_space<vmem>>[vector<16xi32>, vector<16xi32>, vector<16xi32>], vector<16xf32>,
      %gather3A_819 = tpu.vector_load_idx %arg13[%min3A_768, %broadcast_in_dim3A_817, %and3A_20] : memref<8x32x128xf32, #tpu.memory_space<vmem>>[vector<16xi32>, vector<16xi32>, vector<16xi32>], vector<16xf32>,
      %gather3A_820 = tpu.vector_load_idx %arg14[%min3A_768, %broadcast_in_dim3A_817, %and3A_23] : memref<8x32x128xf32, #tpu.memory_space<vmem>>[vector<16xi32>, vector<16xi32>, vector<16xi32>], vector<16xf32>,
      %mul3A_821 = arith.mulf %gather3A_818, %gather3A_819 : vector<16xf32>
      %add3A_822 = arith.addf %add3A_813, %mul3A_821 : vector<16xf32>
      %mul3A_823 = arith.mulf %gather3A_818, %gather3A_820 : vector<16xf32>
      %add3A_824 = arith.addf %add3A_815, %mul3A_823 : vector<16xf32>
      %broadcast_in_dim3A_825 = arith.constant 6 : i32
      %broadcast_in_dim3A_826 = vector.broadcast %broadcast_in_dim3A_825 : i32 to vector<16xi32>
      %gather3A_827 = tpu.vector_load_idx %arg12[%min3A_768, %broadcast_in_dim3A_826, %and3A_17] : memref<8x32x128xf32, #tpu.memory_space<vmem>>[vector<16xi32>, vector<16xi32>, vector<16xi32>], vector<16xf32>,
      %gather3A_828 = tpu.vector_load_idx %arg13[%min3A_768, %broadcast_in_dim3A_826, %and3A_20] : memref<8x32x128xf32, #tpu.memory_space<vmem>>[vector<16xi32>, vector<16xi32>, vector<16xi32>], vector<16xf32>,
      %gather3A_829 = tpu.vector_load_idx %arg14[%min3A_768, %broadcast_in_dim3A_826, %and3A_23] : memref<8x32x128xf32, #tpu.memory_space<vmem>>[vector<16xi32>, vector<16xi32>, vector<16xi32>], vector<16xf32>,
      %mul3A_830 = arith.mulf %gather3A_827, %gather3A_828 : vector<16xf32>
      %add3A_831 = arith.addf %add3A_822, %mul3A_830 : vector<16xf32>
      %mul3A_832 = arith.mulf %gather3A_827, %gather3A_829 : vector<16xf32>
      %add3A_833 = arith.addf %add3A_824, %mul3A_832 : vector<16xf32>
      %broadcast_in_dim3A_834 = arith.constant 7 : i32
      %broadcast_in_dim3A_835 = vector.broadcast %broadcast_in_dim3A_834 : i32 to vector<16xi32>
      %gather3A_836 = tpu.vector_load_idx %arg12[%min3A_768, %broadcast_in_dim3A_835, %and3A_17] : memref<8x32x128xf32, #tpu.memory_space<vmem>>[vector<16xi32>, vector<16xi32>, vector<16xi32>], vector<16xf32>,
      %gather3A_837 = tpu.vector_load_idx %arg13[%min3A_768, %broadcast_in_dim3A_835, %and3A_20] : memref<8x32x128xf32, #tpu.memory_space<vmem>>[vector<16xi32>, vector<16xi32>, vector<16xi32>], vector<16xf32>,
      %gather3A_838 = tpu.vector_load_idx %arg14[%min3A_768, %broadcast_in_dim3A_835, %and3A_23] : memref<8x32x128xf32, #tpu.memory_space<vmem>>[vector<16xi32>, vector<16xi32>, vector<16xi32>], vector<16xf32>,
      %mul3A_839 = arith.mulf %gather3A_836, %gather3A_837 : vector<16xf32>
      %add3A_840 = arith.addf %add3A_831, %mul3A_839 : vector<16xf32>
      %mul3A_841 = arith.mulf %gather3A_836, %gather3A_838 : vector<16xf32>
      %add3A_842 = arith.addf %add3A_833, %mul3A_841 : vector<16xf32>
      %broadcast_in_dim3A_843 = arith.constant 8 : i32
      %broadcast_in_dim3A_844 = vector.broadcast %broadcast_in_dim3A_843 : i32 to vector<16xi32>
      %gather3A_845 = tpu.vector_load_idx %arg12[%min3A_768, %broadcast_in_dim3A_844, %and3A_17] : memref<8x32x128xf32, #tpu.memory_space<vmem>>[vector<16xi32>, vector<16xi32>, vector<16xi32>], vector<16xf32>,
      %gather3A_846 = tpu.vector_load_idx %arg13[%min3A_768, %broadcast_in_dim3A_844, %and3A_20] : memref<8x32x128xf32, #tpu.memory_space<vmem>>[vector<16xi32>, vector<16xi32>, vector<16xi32>], vector<16xf32>,
      %gather3A_847 = tpu.vector_load_idx %arg14[%min3A_768, %broadcast_in_dim3A_844, %and3A_23] : memref<8x32x128xf32, #tpu.memory_space<vmem>>[vector<16xi32>, vector<16xi32>, vector<16xi32>], vector<16xf32>,
      %mul3A_848 = arith.mulf %gather3A_845, %gather3A_846 : vector<16xf32>
      %add3A_849 = arith.addf %add3A_840, %mul3A_848 : vector<16xf32>
      %mul3A_850 = arith.mulf %gather3A_845, %gather3A_847 : vector<16xf32>
      %add3A_851 = arith.addf %add3A_842, %mul3A_850 : vector<16xf32>
      %broadcast_in_dim3A_852 = arith.constant 9 : i32
      %broadcast_in_dim3A_853 = vector.broadcast %broadcast_in_dim3A_852 : i32 to vector<16xi32>
      %gather3A_854 = tpu.vector_load_idx %arg12[%min3A_768, %broadcast_in_dim3A_853, %and3A_17] : memref<8x32x128xf32, #tpu.memory_space<vmem>>[vector<16xi32>, vector<16xi32>, vector<16xi32>], vector<16xf32>,
      %gather3A_855 = tpu.vector_load_idx %arg13[%min3A_768, %broadcast_in_dim3A_853, %and3A_20] : memref<8x32x128xf32, #tpu.memory_space<vmem>>[vector<16xi32>, vector<16xi32>, vector<16xi32>], vector<16xf32>,
      %gather3A_856 = tpu.vector_load_idx %arg14[%min3A_768, %broadcast_in_dim3A_853, %and3A_23] : memref<8x32x128xf32, #tpu.memory_space<vmem>>[vector<16xi32>, vector<16xi32>, vector<16xi32>], vector<16xf32>,
      %mul3A_857 = arith.mulf %gather3A_854, %gather3A_855 : vector<16xf32>
      %add3A_858 = arith.addf %add3A_849, %mul3A_857 : vector<16xf32>
      %mul3A_859 = arith.mulf %gather3A_854, %gather3A_856 : vector<16xf32>
      %add3A_860 = arith.addf %add3A_851, %mul3A_859 : vector<16xf32>
      %broadcast_in_dim3A_861 = arith.constant 10 : i32
      %broadcast_in_dim3A_862 = vector.broadcast %broadcast_in_dim3A_861 : i32 to vector<16xi32>
      %gather3A_863 = tpu.vector_load_idx %arg12[%min3A_768, %broadcast_in_dim3A_862, %and3A_17] : memref<8x32x128xf32, #tpu.memory_space<vmem>>[vector<16xi32>, vector<16xi32>, vector<16xi32>], vector<16xf32>,
      %gather3A_864 = tpu.vector_load_idx %arg13[%min3A_768, %broadcast_in_dim3A_862, %and3A_20] : memref<8x32x128xf32, #tpu.memory_space<vmem>>[vector<16xi32>, vector<16xi32>, vector<16xi32>], vector<16xf32>,
      %gather3A_865 = tpu.vector_load_idx %arg14[%min3A_768, %broadcast_in_dim3A_862, %and3A_23] : memref<8x32x128xf32, #tpu.memory_space<vmem>>[vector<16xi32>, vector<16xi32>, vector<16xi32>], vector<16xf32>,
      %mul3A_866 = arith.mulf %gather3A_863, %gather3A_864 : vector<16xf32>
      %add3A_867 = arith.addf %add3A_858, %mul3A_866 : vector<16xf32>
      %mul3A_868 = arith.mulf %gather3A_863, %gather3A_865 : vector<16xf32>
      %add3A_869 = arith.addf %add3A_860, %mul3A_868 : vector<16xf32>
      %broadcast_in_dim3A_870 = arith.constant 11 : i32
      %broadcast_in_dim3A_871 = vector.broadcast %broadcast_in_dim3A_870 : i32 to vector<16xi32>
      %gather3A_872 = tpu.vector_load_idx %arg12[%min3A_768, %broadcast_in_dim3A_871, %and3A_17] : memref<8x32x128xf32, #tpu.memory_space<vmem>>[vector<16xi32>, vector<16xi32>, vector<16xi32>], vector<16xf32>,
      %gather3A_873 = tpu.vector_load_idx %arg13[%min3A_768, %broadcast_in_dim3A_871, %and3A_20] : memref<8x32x128xf32, #tpu.memory_space<vmem>>[vector<16xi32>, vector<16xi32>, vector<16xi32>], vector<16xf32>,
      %gather3A_874 = tpu.vector_load_idx %arg14[%min3A_768, %broadcast_in_dim3A_871, %and3A_23] : memref<8x32x128xf32, #tpu.memory_space<vmem>>[vector<16xi32>, vector<16xi32>, vector<16xi32>], vector<16xf32>,
      %mul3A_875 = arith.mulf %gather3A_872, %gather3A_873 : vector<16xf32>
      %add3A_876 = arith.addf %add3A_867, %mul3A_875 : vector<16xf32>
      %mul3A_877 = arith.mulf %gather3A_872, %gather3A_874 : vector<16xf32>
      %add3A_878 = arith.addf %add3A_869, %mul3A_877 : vector<16xf32>
      %broadcast_in_dim3A_879 = arith.constant 12 : i32
      %broadcast_in_dim3A_880 = vector.broadcast %broadcast_in_dim3A_879 : i32 to vector<16xi32>
      %gather3A_881 = tpu.vector_load_idx %arg12[%min3A_768, %broadcast_in_dim3A_880, %and3A_17] : memref<8x32x128xf32, #tpu.memory_space<vmem>>[vector<16xi32>, vector<16xi32>, vector<16xi32>], vector<16xf32>,
      %gather3A_882 = tpu.vector_load_idx %arg13[%min3A_768, %broadcast_in_dim3A_880, %and3A_20] : memref<8x32x128xf32, #tpu.memory_space<vmem>>[vector<16xi32>, vector<16xi32>, vector<16xi32>], vector<16xf32>,
      %gather3A_883 = tpu.vector_load_idx %arg14[%min3A_768, %broadcast_in_dim3A_880, %and3A_23] : memref<8x32x128xf32, #tpu.memory_space<vmem>>[vector<16xi32>, vector<16xi32>, vector<16xi32>], vector<16xf32>,
      %mul3A_884 = arith.mulf %gather3A_881, %gather3A_882 : vector<16xf32>
      %add3A_885 = arith.addf %add3A_876, %mul3A_884 : vector<16xf32>
      %mul3A_886 = arith.mulf %gather3A_881, %gather3A_883 : vector<16xf32>
      %add3A_887 = arith.addf %add3A_878, %mul3A_886 : vector<16xf32>
      %broadcast_in_dim3A_888 = arith.constant 13 : i32
      %broadcast_in_dim3A_889 = vector.broadcast %broadcast_in_dim3A_888 : i32 to vector<16xi32>
      %gather3A_890 = tpu.vector_load_idx %arg12[%min3A_768, %broadcast_in_dim3A_889, %and3A_17] : memref<8x32x128xf32, #tpu.memory_space<vmem>>[vector<16xi32>, vector<16xi32>, vector<16xi32>], vector<16xf32>,
      %gather3A_891 = tpu.vector_load_idx %arg13[%min3A_768, %broadcast_in_dim3A_889, %and3A_20] : memref<8x32x128xf32, #tpu.memory_space<vmem>>[vector<16xi32>, vector<16xi32>, vector<16xi32>], vector<16xf32>,
      %gather3A_892 = tpu.vector_load_idx %arg14[%min3A_768, %broadcast_in_dim3A_889, %and3A_23] : memref<8x32x128xf32, #tpu.memory_space<vmem>>[vector<16xi32>, vector<16xi32>, vector<16xi32>], vector<16xf32>,
      %mul3A_893 = arith.mulf %gather3A_890, %gather3A_891 : vector<16xf32>
      %add3A_894 = arith.addf %add3A_885, %mul3A_893 : vector<16xf32>
      %mul3A_895 = arith.mulf %gather3A_890, %gather3A_892 : vector<16xf32>
      %add3A_896 = arith.addf %add3A_887, %mul3A_895 : vector<16xf32>
      %broadcast_in_dim3A_897 = arith.constant 14 : i32
      %broadcast_in_dim3A_898 = vector.broadcast %broadcast_in_dim3A_897 : i32 to vector<16xi32>
      %gather3A_899 = tpu.vector_load_idx %arg12[%min3A_768, %broadcast_in_dim3A_898, %and3A_17] : memref<8x32x128xf32, #tpu.memory_space<vmem>>[vector<16xi32>, vector<16xi32>, vector<16xi32>], vector<16xf32>,
      %gather3A_900 = tpu.vector_load_idx %arg13[%min3A_768, %broadcast_in_dim3A_898, %and3A_20] : memref<8x32x128xf32, #tpu.memory_space<vmem>>[vector<16xi32>, vector<16xi32>, vector<16xi32>], vector<16xf32>,
      %gather3A_901 = tpu.vector_load_idx %arg14[%min3A_768, %broadcast_in_dim3A_898, %and3A_23] : memref<8x32x128xf32, #tpu.memory_space<vmem>>[vector<16xi32>, vector<16xi32>, vector<16xi32>], vector<16xf32>,
      %mul3A_902 = arith.mulf %gather3A_899, %gather3A_900 : vector<16xf32>
      %add3A_903 = arith.addf %add3A_894, %mul3A_902 : vector<16xf32>
      %mul3A_904 = arith.mulf %gather3A_899, %gather3A_901 : vector<16xf32>
      %add3A_905 = arith.addf %add3A_896, %mul3A_904 : vector<16xf32>
      %broadcast_in_dim3A_906 = arith.constant 15 : i32
      %broadcast_in_dim3A_907 = vector.broadcast %broadcast_in_dim3A_906 : i32 to vector<16xi32>
      %gather3A_908 = tpu.vector_load_idx %arg12[%min3A_768, %broadcast_in_dim3A_907, %and3A_17] : memref<8x32x128xf32, #tpu.memory_space<vmem>>[vector<16xi32>, vector<16xi32>, vector<16xi32>], vector<16xf32>,
      %gather3A_909 = tpu.vector_load_idx %arg13[%min3A_768, %broadcast_in_dim3A_907, %and3A_20] : memref<8x32x128xf32, #tpu.memory_space<vmem>>[vector<16xi32>, vector<16xi32>, vector<16xi32>], vector<16xf32>,
      %gather3A_910 = tpu.vector_load_idx %arg14[%min3A_768, %broadcast_in_dim3A_907, %and3A_23] : memref<8x32x128xf32, #tpu.memory_space<vmem>>[vector<16xi32>, vector<16xi32>, vector<16xi32>], vector<16xf32>,
      %mul3A_911 = arith.mulf %gather3A_908, %gather3A_909 : vector<16xf32>
      %add3A_912 = arith.addf %add3A_903, %mul3A_911 : vector<16xf32>
      %mul3A_913 = arith.mulf %gather3A_908, %gather3A_910 : vector<16xf32>
      %add3A_914 = arith.addf %add3A_905, %mul3A_913 : vector<16xf32>
      %broadcast_in_dim3A_915 = arith.constant 16 : i32
      %broadcast_in_dim3A_916 = vector.broadcast %broadcast_in_dim3A_915 : i32 to vector<16xi32>
      %gather3A_917 = tpu.vector_load_idx %arg12[%min3A_768, %broadcast_in_dim3A_916, %and3A_17] : memref<8x32x128xf32, #tpu.memory_space<vmem>>[vector<16xi32>, vector<16xi32>, vector<16xi32>], vector<16xf32>,
      %gather3A_918 = tpu.vector_load_idx %arg13[%min3A_768, %broadcast_in_dim3A_916, %and3A_20] : memref<8x32x128xf32, #tpu.memory_space<vmem>>[vector<16xi32>, vector<16xi32>, vector<16xi32>], vector<16xf32>,
      %gather3A_919 = tpu.vector_load_idx %arg14[%min3A_768, %broadcast_in_dim3A_916, %and3A_23] : memref<8x32x128xf32, #tpu.memory_space<vmem>>[vector<16xi32>, vector<16xi32>, vector<16xi32>], vector<16xf32>,
      %mul3A_920 = arith.mulf %gather3A_917, %gather3A_918 : vector<16xf32>
      %add3A_921 = arith.addf %add3A_912, %mul3A_920 : vector<16xf32>
      %mul3A_922 = arith.mulf %gather3A_917, %gather3A_919 : vector<16xf32>
      %add3A_923 = arith.addf %add3A_914, %mul3A_922 : vector<16xf32>
      %broadcast_in_dim3A_924 = arith.constant 17 : i32
      %broadcast_in_dim3A_925 = vector.broadcast %broadcast_in_dim3A_924 : i32 to vector<16xi32>
      %gather3A_926 = tpu.vector_load_idx %arg12[%min3A_768, %broadcast_in_dim3A_925, %and3A_17] : memref<8x32x128xf32, #tpu.memory_space<vmem>>[vector<16xi32>, vector<16xi32>, vector<16xi32>], vector<16xf32>,
      %gather3A_927 = tpu.vector_load_idx %arg13[%min3A_768, %broadcast_in_dim3A_925, %and3A_20] : memref<8x32x128xf32, #tpu.memory_space<vmem>>[vector<16xi32>, vector<16xi32>, vector<16xi32>], vector<16xf32>,
      %gather3A_928 = tpu.vector_load_idx %arg14[%min3A_768, %broadcast_in_dim3A_925, %and3A_23] : memref<8x32x128xf32, #tpu.memory_space<vmem>>[vector<16xi32>, vector<16xi32>, vector<16xi32>], vector<16xf32>,
      %mul3A_929 = arith.mulf %gather3A_926, %gather3A_927 : vector<16xf32>
      %add3A_930 = arith.addf %add3A_921, %mul3A_929 : vector<16xf32>
      %mul3A_931 = arith.mulf %gather3A_926, %gather3A_928 : vector<16xf32>
      %add3A_932 = arith.addf %add3A_923, %mul3A_931 : vector<16xf32>
      %broadcast_in_dim3A_933 = arith.constant 18 : i32
      %broadcast_in_dim3A_934 = vector.broadcast %broadcast_in_dim3A_933 : i32 to vector<16xi32>
      %gather3A_935 = tpu.vector_load_idx %arg12[%min3A_768, %broadcast_in_dim3A_934, %and3A_17] : memref<8x32x128xf32, #tpu.memory_space<vmem>>[vector<16xi32>, vector<16xi32>, vector<16xi32>], vector<16xf32>,
      %gather3A_936 = tpu.vector_load_idx %arg13[%min3A_768, %broadcast_in_dim3A_934, %and3A_20] : memref<8x32x128xf32, #tpu.memory_space<vmem>>[vector<16xi32>, vector<16xi32>, vector<16xi32>], vector<16xf32>,
      %gather3A_937 = tpu.vector_load_idx %arg14[%min3A_768, %broadcast_in_dim3A_934, %and3A_23] : memref<8x32x128xf32, #tpu.memory_space<vmem>>[vector<16xi32>, vector<16xi32>, vector<16xi32>], vector<16xf32>,
      %mul3A_938 = arith.mulf %gather3A_935, %gather3A_936 : vector<16xf32>
      %add3A_939 = arith.addf %add3A_930, %mul3A_938 : vector<16xf32>
      %mul3A_940 = arith.mulf %gather3A_935, %gather3A_937 : vector<16xf32>
      %add3A_941 = arith.addf %add3A_932, %mul3A_940 : vector<16xf32>
      %broadcast_in_dim3A_942 = arith.constant 19 : i32
      %broadcast_in_dim3A_943 = vector.broadcast %broadcast_in_dim3A_942 : i32 to vector<16xi32>
      %gather3A_944 = tpu.vector_load_idx %arg12[%min3A_768, %broadcast_in_dim3A_943, %and3A_17] : memref<8x32x128xf32, #tpu.memory_space<vmem>>[vector<16xi32>, vector<16xi32>, vector<16xi32>], vector<16xf32>,
      %gather3A_945 = tpu.vector_load_idx %arg13[%min3A_768, %broadcast_in_dim3A_943, %and3A_20] : memref<8x32x128xf32, #tpu.memory_space<vmem>>[vector<16xi32>, vector<16xi32>, vector<16xi32>], vector<16xf32>,
      %gather3A_946 = tpu.vector_load_idx %arg14[%min3A_768, %broadcast_in_dim3A_943, %and3A_23] : memref<8x32x128xf32, #tpu.memory_space<vmem>>[vector<16xi32>, vector<16xi32>, vector<16xi32>], vector<16xf32>,
      %mul3A_947 = arith.mulf %gather3A_944, %gather3A_945 : vector<16xf32>
      %add3A_948 = arith.addf %add3A_939, %mul3A_947 : vector<16xf32>
      %mul3A_949 = arith.mulf %gather3A_944, %gather3A_946 : vector<16xf32>
      %add3A_950 = arith.addf %add3A_941, %mul3A_949 : vector<16xf32>
      %broadcast_in_dim3A_951 = arith.constant 20 : i32
      %broadcast_in_dim3A_952 = vector.broadcast %broadcast_in_dim3A_951 : i32 to vector<16xi32>
      %gather3A_953 = tpu.vector_load_idx %arg12[%min3A_768, %broadcast_in_dim3A_952, %and3A_17] : memref<8x32x128xf32, #tpu.memory_space<vmem>>[vector<16xi32>, vector<16xi32>, vector<16xi32>], vector<16xf32>,
      %gather3A_954 = tpu.vector_load_idx %arg13[%min3A_768, %broadcast_in_dim3A_952, %and3A_20] : memref<8x32x128xf32, #tpu.memory_space<vmem>>[vector<16xi32>, vector<16xi32>, vector<16xi32>], vector<16xf32>,
      %gather3A_955 = tpu.vector_load_idx %arg14[%min3A_768, %broadcast_in_dim3A_952, %and3A_23] : memref<8x32x128xf32, #tpu.memory_space<vmem>>[vector<16xi32>, vector<16xi32>, vector<16xi32>], vector<16xf32>,
      %mul3A_956 = arith.mulf %gather3A_953, %gather3A_954 : vector<16xf32>
      %add3A_957 = arith.addf %add3A_948, %mul3A_956 : vector<16xf32>
      %mul3A_958 = arith.mulf %gather3A_953, %gather3A_955 : vector<16xf32>
      %add3A_959 = arith.addf %add3A_950, %mul3A_958 : vector<16xf32>
      %broadcast_in_dim3A_960 = arith.constant 21 : i32
      %broadcast_in_dim3A_961 = vector.broadcast %broadcast_in_dim3A_960 : i32 to vector<16xi32>
      %gather3A_962 = tpu.vector_load_idx %arg12[%min3A_768, %broadcast_in_dim3A_961, %and3A_17] : memref<8x32x128xf32, #tpu.memory_space<vmem>>[vector<16xi32>, vector<16xi32>, vector<16xi32>], vector<16xf32>,
      %gather3A_963 = tpu.vector_load_idx %arg13[%min3A_768, %broadcast_in_dim3A_961, %and3A_20] : memref<8x32x128xf32, #tpu.memory_space<vmem>>[vector<16xi32>, vector<16xi32>, vector<16xi32>], vector<16xf32>,
      %gather3A_964 = tpu.vector_load_idx %arg14[%min3A_768, %broadcast_in_dim3A_961, %and3A_23] : memref<8x32x128xf32, #tpu.memory_space<vmem>>[vector<16xi32>, vector<16xi32>, vector<16xi32>], vector<16xf32>,
      %mul3A_965 = arith.mulf %gather3A_962, %gather3A_963 : vector<16xf32>
      %add3A_966 = arith.addf %add3A_957, %mul3A_965 : vector<16xf32>
      %mul3A_967 = arith.mulf %gather3A_962, %gather3A_964 : vector<16xf32>
      %add3A_968 = arith.addf %add3A_959, %mul3A_967 : vector<16xf32>
      %broadcast_in_dim3A_969 = arith.constant 22 : i32
      %broadcast_in_dim3A_970 = vector.broadcast %broadcast_in_dim3A_969 : i32 to vector<16xi32>
      %gather3A_971 = tpu.vector_load_idx %arg12[%min3A_768, %broadcast_in_dim3A_970, %and3A_17] : memref<8x32x128xf32, #tpu.memory_space<vmem>>[vector<16xi32>, vector<16xi32>, vector<16xi32>], vector<16xf32>,
      %gather3A_972 = tpu.vector_load_idx %arg13[%min3A_768, %broadcast_in_dim3A_970, %and3A_20] : memref<8x32x128xf32, #tpu.memory_space<vmem>>[vector<16xi32>, vector<16xi32>, vector<16xi32>], vector<16xf32>,
      %gather3A_973 = tpu.vector_load_idx %arg14[%min3A_768, %broadcast_in_dim3A_970, %and3A_23] : memref<8x32x128xf32, #tpu.memory_space<vmem>>[vector<16xi32>, vector<16xi32>, vector<16xi32>], vector<16xf32>,
      %mul3A_974 = arith.mulf %gather3A_971, %gather3A_972 : vector<16xf32>
      %add3A_975 = arith.addf %add3A_966, %mul3A_974 : vector<16xf32>
      %mul3A_976 = arith.mulf %gather3A_971, %gather3A_973 : vector<16xf32>
      %add3A_977 = arith.addf %add3A_968, %mul3A_976 : vector<16xf32>
      %broadcast_in_dim3A_978 = arith.constant 23 : i32
      %broadcast_in_dim3A_979 = vector.broadcast %broadcast_in_dim3A_978 : i32 to vector<16xi32>
      %gather3A_980 = tpu.vector_load_idx %arg12[%min3A_768, %broadcast_in_dim3A_979, %and3A_17] : memref<8x32x128xf32, #tpu.memory_space<vmem>>[vector<16xi32>, vector<16xi32>, vector<16xi32>], vector<16xf32>,
      %gather3A_981 = tpu.vector_load_idx %arg13[%min3A_768, %broadcast_in_dim3A_979, %and3A_20] : memref<8x32x128xf32, #tpu.memory_space<vmem>>[vector<16xi32>, vector<16xi32>, vector<16xi32>], vector<16xf32>,
      %gather3A_982 = tpu.vector_load_idx %arg14[%min3A_768, %broadcast_in_dim3A_979, %and3A_23] : memref<8x32x128xf32, #tpu.memory_space<vmem>>[vector<16xi32>, vector<16xi32>, vector<16xi32>], vector<16xf32>,
      %mul3A_983 = arith.mulf %gather3A_980, %gather3A_981 : vector<16xf32>
      %add3A_984 = arith.addf %add3A_975, %mul3A_983 : vector<16xf32>
      %mul3A_985 = arith.mulf %gather3A_980, %gather3A_982 : vector<16xf32>
      %add3A_986 = arith.addf %add3A_977, %mul3A_985 : vector<16xf32>
      %broadcast_in_dim3A_987 = arith.constant 24 : i32
      %broadcast_in_dim3A_988 = vector.broadcast %broadcast_in_dim3A_987 : i32 to vector<16xi32>
      %gather3A_989 = tpu.vector_load_idx %arg12[%min3A_768, %broadcast_in_dim3A_988, %and3A_17] : memref<8x32x128xf32, #tpu.memory_space<vmem>>[vector<16xi32>, vector<16xi32>, vector<16xi32>], vector<16xf32>,
      %gather3A_990 = tpu.vector_load_idx %arg13[%min3A_768, %broadcast_in_dim3A_988, %and3A_20] : memref<8x32x128xf32, #tpu.memory_space<vmem>>[vector<16xi32>, vector<16xi32>, vector<16xi32>], vector<16xf32>,
      %gather3A_991 = tpu.vector_load_idx %arg14[%min3A_768, %broadcast_in_dim3A_988, %and3A_23] : memref<8x32x128xf32, #tpu.memory_space<vmem>>[vector<16xi32>, vector<16xi32>, vector<16xi32>], vector<16xf32>,
      %mul3A_992 = arith.mulf %gather3A_989, %gather3A_990 : vector<16xf32>
      %add3A_993 = arith.addf %add3A_984, %mul3A_992 : vector<16xf32>
      %mul3A_994 = arith.mulf %gather3A_989, %gather3A_991 : vector<16xf32>
      %add3A_995 = arith.addf %add3A_986, %mul3A_994 : vector<16xf32>
      %broadcast_in_dim3A_996 = arith.constant 25 : i32
      %broadcast_in_dim3A_997 = vector.broadcast %broadcast_in_dim3A_996 : i32 to vector<16xi32>
      %gather3A_998 = tpu.vector_load_idx %arg12[%min3A_768, %broadcast_in_dim3A_997, %and3A_17] : memref<8x32x128xf32, #tpu.memory_space<vmem>>[vector<16xi32>, vector<16xi32>, vector<16xi32>], vector<16xf32>,
      %gather3A_999 = tpu.vector_load_idx %arg13[%min3A_768, %broadcast_in_dim3A_997, %and3A_20] : memref<8x32x128xf32, #tpu.memory_space<vmem>>[vector<16xi32>, vector<16xi32>, vector<16xi32>], vector<16xf32>,
      %gather3A_1000 = tpu.vector_load_idx %arg14[%min3A_768, %broadcast_in_dim3A_997, %and3A_23] : memref<8x32x128xf32, #tpu.memory_space<vmem>>[vector<16xi32>, vector<16xi32>, vector<16xi32>], vector<16xf32>,
      %mul3A_1001 = arith.mulf %gather3A_998, %gather3A_999 : vector<16xf32>
      %add3A_1002 = arith.addf %add3A_993, %mul3A_1001 : vector<16xf32>
      %mul3A_1003 = arith.mulf %gather3A_998, %gather3A_1000 : vector<16xf32>
      %add3A_1004 = arith.addf %add3A_995, %mul3A_1003 : vector<16xf32>
      %broadcast_in_dim3A_1005 = arith.constant 26 : i32
      %broadcast_in_dim3A_1006 = vector.broadcast %broadcast_in_dim3A_1005 : i32 to vector<16xi32>
      %gather3A_1007 = tpu.vector_load_idx %arg12[%min3A_768, %broadcast_in_dim3A_1006, %and3A_17] : memref<8x32x128xf32, #tpu.memory_space<vmem>>[vector<16xi32>, vector<16xi32>, vector<16xi32>], vector<16xf32>,
      %gather3A_1008 = tpu.vector_load_idx %arg13[%min3A_768, %broadcast_in_dim3A_1006, %and3A_20] : memref<8x32x128xf32, #tpu.memory_space<vmem>>[vector<16xi32>, vector<16xi32>, vector<16xi32>], vector<16xf32>,
      %gather3A_1009 = tpu.vector_load_idx %arg14[%min3A_768, %broadcast_in_dim3A_1006, %and3A_23] : memref<8x32x128xf32, #tpu.memory_space<vmem>>[vector<16xi32>, vector<16xi32>, vector<16xi32>], vector<16xf32>,
      %mul3A_1010 = arith.mulf %gather3A_1007, %gather3A_1008 : vector<16xf32>
      %add3A_1011 = arith.addf %add3A_1002, %mul3A_1010 : vector<16xf32>
      %mul3A_1012 = arith.mulf %gather3A_1007, %gather3A_1009 : vector<16xf32>
      %add3A_1013 = arith.addf %add3A_1004, %mul3A_1012 : vector<16xf32>
      %broadcast_in_dim3A_1014 = arith.constant 27 : i32
      %broadcast_in_dim3A_1015 = vector.broadcast %broadcast_in_dim3A_1014 : i32 to vector<16xi32>
      %gather3A_1016 = tpu.vector_load_idx %arg12[%min3A_768, %broadcast_in_dim3A_1015, %and3A_17] : memref<8x32x128xf32, #tpu.memory_space<vmem>>[vector<16xi32>, vector<16xi32>, vector<16xi32>], vector<16xf32>,
      %gather3A_1017 = tpu.vector_load_idx %arg13[%min3A_768, %broadcast_in_dim3A_1015, %and3A_20] : memref<8x32x128xf32, #tpu.memory_space<vmem>>[vector<16xi32>, vector<16xi32>, vector<16xi32>], vector<16xf32>,
      %gather3A_1018 = tpu.vector_load_idx %arg14[%min3A_768, %broadcast_in_dim3A_1015, %and3A_23] : memref<8x32x128xf32, #tpu.memory_space<vmem>>[vector<16xi32>, vector<16xi32>, vector<16xi32>], vector<16xf32>,
      %mul3A_1019 = arith.mulf %gather3A_1016, %gather3A_1017 : vector<16xf32>
      %add3A_1020 = arith.addf %add3A_1011, %mul3A_1019 : vector<16xf32>
      %mul3A_1021 = arith.mulf %gather3A_1016, %gather3A_1018 : vector<16xf32>
      %add3A_1022 = arith.addf %add3A_1013, %mul3A_1021 : vector<16xf32>
      %broadcast_in_dim3A_1023 = arith.constant 28 : i32
      %broadcast_in_dim3A_1024 = vector.broadcast %broadcast_in_dim3A_1023 : i32 to vector<16xi32>
      %gather3A_1025 = tpu.vector_load_idx %arg12[%min3A_768, %broadcast_in_dim3A_1024, %and3A_17] : memref<8x32x128xf32, #tpu.memory_space<vmem>>[vector<16xi32>, vector<16xi32>, vector<16xi32>], vector<16xf32>,
      %gather3A_1026 = tpu.vector_load_idx %arg13[%min3A_768, %broadcast_in_dim3A_1024, %and3A_20] : memref<8x32x128xf32, #tpu.memory_space<vmem>>[vector<16xi32>, vector<16xi32>, vector<16xi32>], vector<16xf32>,
      %gather3A_1027 = tpu.vector_load_idx %arg14[%min3A_768, %broadcast_in_dim3A_1024, %and3A_23] : memref<8x32x128xf32, #tpu.memory_space<vmem>>[vector<16xi32>, vector<16xi32>, vector<16xi32>], vector<16xf32>,
      %mul3A_1028 = arith.mulf %gather3A_1025, %gather3A_1026 : vector<16xf32>
      %add3A_1029 = arith.addf %add3A_1020, %mul3A_1028 : vector<16xf32>
      %mul3A_1030 = arith.mulf %gather3A_1025, %gather3A_1027 : vector<16xf32>
      %add3A_1031 = arith.addf %add3A_1022, %mul3A_1030 : vector<16xf32>
      %broadcast_in_dim3A_1032 = arith.constant 29 : i32
      %broadcast_in_dim3A_1033 = vector.broadcast %broadcast_in_dim3A_1032 : i32 to vector<16xi32>
      %gather3A_1034 = tpu.vector_load_idx %arg12[%min3A_768, %broadcast_in_dim3A_1033, %and3A_17] : memref<8x32x128xf32, #tpu.memory_space<vmem>>[vector<16xi32>, vector<16xi32>, vector<16xi32>], vector<16xf32>,
      %gather3A_1035 = tpu.vector_load_idx %arg13[%min3A_768, %broadcast_in_dim3A_1033, %and3A_20] : memref<8x32x128xf32, #tpu.memory_space<vmem>>[vector<16xi32>, vector<16xi32>, vector<16xi32>], vector<16xf32>,
      %gather3A_1036 = tpu.vector_load_idx %arg14[%min3A_768, %broadcast_in_dim3A_1033, %and3A_23] : memref<8x32x128xf32, #tpu.memory_space<vmem>>[vector<16xi32>, vector<16xi32>, vector<16xi32>], vector<16xf32>,
      %mul3A_1037 = arith.mulf %gather3A_1034, %gather3A_1035 : vector<16xf32>
      %add3A_1038 = arith.addf %add3A_1029, %mul3A_1037 : vector<16xf32>
      %mul3A_1039 = arith.mulf %gather3A_1034, %gather3A_1036 : vector<16xf32>
      %add3A_1040 = arith.addf %add3A_1031, %mul3A_1039 : vector<16xf32>
      %broadcast_in_dim3A_1041 = arith.constant 30 : i32
      %broadcast_in_dim3A_1042 = vector.broadcast %broadcast_in_dim3A_1041 : i32 to vector<16xi32>
      %gather3A_1043 = tpu.vector_load_idx %arg12[%min3A_768, %broadcast_in_dim3A_1042, %and3A_17] : memref<8x32x128xf32, #tpu.memory_space<vmem>>[vector<16xi32>, vector<16xi32>, vector<16xi32>], vector<16xf32>,
      %gather3A_1044 = tpu.vector_load_idx %arg13[%min3A_768, %broadcast_in_dim3A_1042, %and3A_20] : memref<8x32x128xf32, #tpu.memory_space<vmem>>[vector<16xi32>, vector<16xi32>, vector<16xi32>], vector<16xf32>,
      %gather3A_1045 = tpu.vector_load_idx %arg14[%min3A_768, %broadcast_in_dim3A_1042, %and3A_23] : memref<8x32x128xf32, #tpu.memory_space<vmem>>[vector<16xi32>, vector<16xi32>, vector<16xi32>], vector<16xf32>,
      %mul3A_1046 = arith.mulf %gather3A_1043, %gather3A_1044 : vector<16xf32>
      %add3A_1047 = arith.addf %add3A_1038, %mul3A_1046 : vector<16xf32>
      %mul3A_1048 = arith.mulf %gather3A_1043, %gather3A_1045 : vector<16xf32>
      %add3A_1049 = arith.addf %add3A_1040, %mul3A_1048 : vector<16xf32>
      %broadcast_in_dim3A_1050 = arith.constant 31 : i32
      %broadcast_in_dim3A_1051 = vector.broadcast %broadcast_in_dim3A_1050 : i32 to vector<16xi32>
      %gather3A_1052 = tpu.vector_load_idx %arg12[%min3A_768, %broadcast_in_dim3A_1051, %and3A_17] : memref<8x32x128xf32, #tpu.memory_space<vmem>>[vector<16xi32>, vector<16xi32>, vector<16xi32>], vector<16xf32>,
      %gather3A_1053 = tpu.vector_load_idx %arg13[%min3A_768, %broadcast_in_dim3A_1051, %and3A_20] : memref<8x32x128xf32, #tpu.memory_space<vmem>>[vector<16xi32>, vector<16xi32>, vector<16xi32>], vector<16xf32>,
      %gather3A_1054 = tpu.vector_load_idx %arg14[%min3A_768, %broadcast_in_dim3A_1051, %and3A_23] : memref<8x32x128xf32, #tpu.memory_space<vmem>>[vector<16xi32>, vector<16xi32>, vector<16xi32>], vector<16xf32>,
      %mul3A_1055 = arith.mulf %gather3A_1052, %gather3A_1053 : vector<16xf32>
      %add3A_1056 = arith.addf %add3A_1047, %mul3A_1055 : vector<16xf32>
      %mul3A_1057 = arith.mulf %gather3A_1052, %gather3A_1054 : vector<16xf32>
      %add3A_1058 = arith.addf %add3A_1049, %mul3A_1057 : vector<16xf32>
      %slice3A_1059 = vector.extract_strided_slice %get3A_11 {offsets = [8], sizes = [1], strides = [1]} : vector<16xi32> to vector<1xi32>
      %squeeze3A_1060 = vector.extract %slice3A_1059[0] : i32 from vector<1xi32>
      %and3A_1061 = arith.constant -128 : i32
      %and3A_1062 = arith.andi %squeeze3A_1060, %and3A_1061 : i32
      %multiple_of3A_1063 = tpu.assume_multiple %and3A_1062, 128 : i32
      %dma_start3A_1064 = arith.constant 0 : i32
      %dma_start3A_1065 = arith.constant 0 : i32
      %dma_start3A_1066 = arith.constant 0 : i32
      %dma_start3A_1067 = tpu.memref_slice %arg12[%dma_start3A_1064, %dma_start3A_1065, %dma_start3A_1066] : memref<8x32x128xf32, #tpu.memory_space<vmem>> -> memref<1x32x128xf32, #tpu.memory_space<vmem>>
      %dma_start3A_1068 = tpu.memref_squeeze %dma_start3A_1067 : memref<1x32x128xf32, #tpu.memory_space<vmem>> -> memref<32x128xf32, #tpu.memory_space<vmem>>
      %dma_start3A_1069 = arith.constant 0 : i32
      %dma_start3A_1070 = tpu.memref_slice %arg5[%dma_start3A_1069, %multiple_of3A_1063] : memref<32x1000000xf32, #tpu.memory_space<hbm>> -> memref<32x128xf32, #tpu.memory_space<hbm>>
      %dma_start3A_1071 = arith.constant 0 : i32
      %dma_start3A_1072 = arith.constant 0 : i32
      %dma_start3A_1073 = tpu.memref_slice %arg12[%dma_start3A_1064, %dma_start3A_1071, %dma_start3A_1072] : memref<8x32x128xf32, #tpu.memory_space<vmem>> -> memref<1x32x128xf32, #tpu.memory_space<vmem>>
      %dma_start3A_1074 = tpu.memref_squeeze %dma_start3A_1073 : memref<1x32x128xf32, #tpu.memory_space<vmem>> -> memref<32x128xf32, #tpu.memory_space<vmem>>
      %dma_start3A_1075 = arith.constant 0 : i32
      %dma_start3A_1076 = tpu.memref_slice %arg5[%dma_start3A_1075, %multiple_of3A_1063] : memref<32x1000000xf32, #tpu.memory_space<hbm>> -> memref<32x128xf32, #tpu.memory_space<hbm>>
      tpu.enqueue_dma source(%dma_start3A_1076 : memref<32x128xf32, #tpu.memory_space<hbm>>) target(%dma_start3A_1074 : memref<32x128xf32, #tpu.memory_space<vmem>>) target_semaphore(%arg17 : memref<!tpu.dma_semaphore, #tpu.memory_space<semaphore_mem>>)
      %slice3A_1077 = vector.extract_strided_slice %get3A_11 {offsets = [9], sizes = [1], strides = [1]} : vector<16xi32> to vector<1xi32>
      %squeeze3A_1078 = vector.extract %slice3A_1077[0] : i32 from vector<1xi32>
      %and3A_1079 = arith.constant -128 : i32
      %and3A_1080 = arith.andi %squeeze3A_1078, %and3A_1079 : i32
      %multiple_of3A_1081 = tpu.assume_multiple %and3A_1080, 128 : i32
      %dma_start3A_1082 = arith.constant 1 : i32
      %dma_start3A_1083 = arith.constant 0 : i32
      %dma_start3A_1084 = arith.constant 0 : i32
      %dma_start3A_1085 = tpu.memref_slice %arg12[%dma_start3A_1082, %dma_start3A_1083, %dma_start3A_1084] : memref<8x32x128xf32, #tpu.memory_space<vmem>> -> memref<1x32x128xf32, #tpu.memory_space<vmem>>
      %dma_start3A_1086 = tpu.memref_squeeze %dma_start3A_1085 : memref<1x32x128xf32, #tpu.memory_space<vmem>> -> memref<32x128xf32, #tpu.memory_space<vmem>>
      %dma_start3A_1087 = arith.constant 0 : i32
      %dma_start3A_1088 = tpu.memref_slice %arg5[%dma_start3A_1087, %multiple_of3A_1081] : memref<32x1000000xf32, #tpu.memory_space<hbm>> -> memref<32x128xf32, #tpu.memory_space<hbm>>
      %dma_start3A_1089 = arith.constant 0 : i32
      %dma_start3A_1090 = arith.constant 0 : i32
      %dma_start3A_1091 = tpu.memref_slice %arg12[%dma_start3A_1082, %dma_start3A_1089, %dma_start3A_1090] : memref<8x32x128xf32, #tpu.memory_space<vmem>> -> memref<1x32x128xf32, #tpu.memory_space<vmem>>
      %dma_start3A_1092 = tpu.memref_squeeze %dma_start3A_1091 : memref<1x32x128xf32, #tpu.memory_space<vmem>> -> memref<32x128xf32, #tpu.memory_space<vmem>>
      %dma_start3A_1093 = arith.constant 0 : i32
      %dma_start3A_1094 = tpu.memref_slice %arg5[%dma_start3A_1093, %multiple_of3A_1081] : memref<32x1000000xf32, #tpu.memory_space<hbm>> -> memref<32x128xf32, #tpu.memory_space<hbm>>
      tpu.enqueue_dma source(%dma_start3A_1094 : memref<32x128xf32, #tpu.memory_space<hbm>>) target(%dma_start3A_1092 : memref<32x128xf32, #tpu.memory_space<vmem>>) target_semaphore(%arg17 : memref<!tpu.dma_semaphore, #tpu.memory_space<semaphore_mem>>)
      %slice3A_1095 = vector.extract_strided_slice %get3A_11 {offsets = [10], sizes = [1], strides = [1]} : vector<16xi32> to vector<1xi32>
      %squeeze3A_1096 = vector.extract %slice3A_1095[0] : i32 from vector<1xi32>
      %and3A_1097 = arith.constant -128 : i32
      %and3A_1098 = arith.andi %squeeze3A_1096, %and3A_1097 : i32
      %multiple_of3A_1099 = tpu.assume_multiple %and3A_1098, 128 : i32
      %dma_start3A_1100 = arith.constant 2 : i32
      %dma_start3A_1101 = arith.constant 0 : i32
      %dma_start3A_1102 = arith.constant 0 : i32
      %dma_start3A_1103 = tpu.memref_slice %arg12[%dma_start3A_1100, %dma_start3A_1101, %dma_start3A_1102] : memref<8x32x128xf32, #tpu.memory_space<vmem>> -> memref<1x32x128xf32, #tpu.memory_space<vmem>>
      %dma_start3A_1104 = tpu.memref_squeeze %dma_start3A_1103 : memref<1x32x128xf32, #tpu.memory_space<vmem>> -> memref<32x128xf32, #tpu.memory_space<vmem>>
      %dma_start3A_1105 = arith.constant 0 : i32
      %dma_start3A_1106 = tpu.memref_slice %arg5[%dma_start3A_1105, %multiple_of3A_1099] : memref<32x1000000xf32, #tpu.memory_space<hbm>> -> memref<32x128xf32, #tpu.memory_space<hbm>>
      %dma_start3A_1107 = arith.constant 0 : i32
      %dma_start3A_1108 = arith.constant 0 : i32
      %dma_start3A_1109 = tpu.memref_slice %arg12[%dma_start3A_1100, %dma_start3A_1107, %dma_start3A_1108] : memref<8x32x128xf32, #tpu.memory_space<vmem>> -> memref<1x32x128xf32, #tpu.memory_space<vmem>>
      %dma_start3A_1110 = tpu.memref_squeeze %dma_start3A_1109 : memref<1x32x128xf32, #tpu.memory_space<vmem>> -> memref<32x128xf32, #tpu.memory_space<vmem>>
      %dma_start3A_1111 = arith.constant 0 : i32
      %dma_start3A_1112 = tpu.memref_slice %arg5[%dma_start3A_1111, %multiple_of3A_1099] : memref<32x1000000xf32, #tpu.memory_space<hbm>> -> memref<32x128xf32, #tpu.memory_space<hbm>>
      tpu.enqueue_dma source(%dma_start3A_1112 : memref<32x128xf32, #tpu.memory_space<hbm>>) target(%dma_start3A_1110 : memref<32x128xf32, #tpu.memory_space<vmem>>) target_semaphore(%arg17 : memref<!tpu.dma_semaphore, #tpu.memory_space<semaphore_mem>>)
      %slice3A_1113 = vector.extract_strided_slice %get3A_11 {offsets = [11], sizes = [1], strides = [1]} : vector<16xi32> to vector<1xi32>
      %squeeze3A_1114 = vector.extract %slice3A_1113[0] : i32 from vector<1xi32>
      %and3A_1115 = arith.constant -128 : i32
      %and3A_1116 = arith.andi %squeeze3A_1114, %and3A_1115 : i32
      %multiple_of3A_1117 = tpu.assume_multiple %and3A_1116, 128 : i32
      %dma_start3A_1118 = arith.constant 3 : i32
      %dma_start3A_1119 = arith.constant 0 : i32
      %dma_start3A_1120 = arith.constant 0 : i32
      %dma_start3A_1121 = tpu.memref_slice %arg12[%dma_start3A_1118, %dma_start3A_1119, %dma_start3A_1120] : memref<8x32x128xf32, #tpu.memory_space<vmem>> -> memref<1x32x128xf32, #tpu.memory_space<vmem>>
      %dma_start3A_1122 = tpu.memref_squeeze %dma_start3A_1121 : memref<1x32x128xf32, #tpu.memory_space<vmem>> -> memref<32x128xf32, #tpu.memory_space<vmem>>
      %dma_start3A_1123 = arith.constant 0 : i32
      %dma_start3A_1124 = tpu.memref_slice %arg5[%dma_start3A_1123, %multiple_of3A_1117] : memref<32x1000000xf32, #tpu.memory_space<hbm>> -> memref<32x128xf32, #tpu.memory_space<hbm>>
      %dma_start3A_1125 = arith.constant 0 : i32
      %dma_start3A_1126 = arith.constant 0 : i32
      %dma_start3A_1127 = tpu.memref_slice %arg12[%dma_start3A_1118, %dma_start3A_1125, %dma_start3A_1126] : memref<8x32x128xf32, #tpu.memory_space<vmem>> -> memref<1x32x128xf32, #tpu.memory_space<vmem>>
      %dma_start3A_1128 = tpu.memref_squeeze %dma_start3A_1127 : memref<1x32x128xf32, #tpu.memory_space<vmem>> -> memref<32x128xf32, #tpu.memory_space<vmem>>
      %dma_start3A_1129 = arith.constant 0 : i32
      %dma_start3A_1130 = tpu.memref_slice %arg5[%dma_start3A_1129, %multiple_of3A_1117] : memref<32x1000000xf32, #tpu.memory_space<hbm>> -> memref<32x128xf32, #tpu.memory_space<hbm>>
      tpu.enqueue_dma source(%dma_start3A_1130 : memref<32x128xf32, #tpu.memory_space<hbm>>) target(%dma_start3A_1128 : memref<32x128xf32, #tpu.memory_space<vmem>>) target_semaphore(%arg17 : memref<!tpu.dma_semaphore, #tpu.memory_space<semaphore_mem>>)
      %slice3A_1131 = vector.extract_strided_slice %get3A_11 {offsets = [12], sizes = [1], strides = [1]} : vector<16xi32> to vector<1xi32>
      %squeeze3A_1132 = vector.extract %slice3A_1131[0] : i32 from vector<1xi32>
      %and3A_1133 = arith.constant -128 : i32
      %and3A_1134 = arith.andi %squeeze3A_1132, %and3A_1133 : i32
      %multiple_of3A_1135 = tpu.assume_multiple %and3A_1134, 128 : i32
      %dma_start3A_1136 = arith.constant 4 : i32
      %dma_start3A_1137 = arith.constant 0 : i32
      %dma_start3A_1138 = arith.constant 0 : i32
      %dma_start3A_1139 = tpu.memref_slice %arg12[%dma_start3A_1136, %dma_start3A_1137, %dma_start3A_1138] : memref<8x32x128xf32, #tpu.memory_space<vmem>> -> memref<1x32x128xf32, #tpu.memory_space<vmem>>
      %dma_start3A_1140 = tpu.memref_squeeze %dma_start3A_1139 : memref<1x32x128xf32, #tpu.memory_space<vmem>> -> memref<32x128xf32, #tpu.memory_space<vmem>>
      %dma_start3A_1141 = arith.constant 0 : i32
      %dma_start3A_1142 = tpu.memref_slice %arg5[%dma_start3A_1141, %multiple_of3A_1135] : memref<32x1000000xf32, #tpu.memory_space<hbm>> -> memref<32x128xf32, #tpu.memory_space<hbm>>
      %dma_start3A_1143 = arith.constant 0 : i32
      %dma_start3A_1144 = arith.constant 0 : i32
      %dma_start3A_1145 = tpu.memref_slice %arg12[%dma_start3A_1136, %dma_start3A_1143, %dma_start3A_1144] : memref<8x32x128xf32, #tpu.memory_space<vmem>> -> memref<1x32x128xf32, #tpu.memory_space<vmem>>
      %dma_start3A_1146 = tpu.memref_squeeze %dma_start3A_1145 : memref<1x32x128xf32, #tpu.memory_space<vmem>> -> memref<32x128xf32, #tpu.memory_space<vmem>>
      %dma_start3A_1147 = arith.constant 0 : i32
      %dma_start3A_1148 = tpu.memref_slice %arg5[%dma_start3A_1147, %multiple_of3A_1135] : memref<32x1000000xf32, #tpu.memory_space<hbm>> -> memref<32x128xf32, #tpu.memory_space<hbm>>
      tpu.enqueue_dma source(%dma_start3A_1148 : memref<32x128xf32, #tpu.memory_space<hbm>>) target(%dma_start3A_1146 : memref<32x128xf32, #tpu.memory_space<vmem>>) target_semaphore(%arg17 : memref<!tpu.dma_semaphore, #tpu.memory_space<semaphore_mem>>)
      %slice3A_1149 = vector.extract_strided_slice %get3A_11 {offsets = [13], sizes = [1], strides = [1]} : vector<16xi32> to vector<1xi32>
      %squeeze3A_1150 = vector.extract %slice3A_1149[0] : i32 from vector<1xi32>
      %and3A_1151 = arith.constant -128 : i32
      %and3A_1152 = arith.andi %squeeze3A_1150, %and3A_1151 : i32
      %multiple_of3A_1153 = tpu.assume_multiple %and3A_1152, 128 : i32
      %dma_start3A_1154 = arith.constant 5 : i32
      %dma_start3A_1155 = arith.constant 0 : i32
      %dma_start3A_1156 = arith.constant 0 : i32
      %dma_start3A_1157 = tpu.memref_slice %arg12[%dma_start3A_1154, %dma_start3A_1155, %dma_start3A_1156] : memref<8x32x128xf32, #tpu.memory_space<vmem>> -> memref<1x32x128xf32, #tpu.memory_space<vmem>>
      %dma_start3A_1158 = tpu.memref_squeeze %dma_start3A_1157 : memref<1x32x128xf32, #tpu.memory_space<vmem>> -> memref<32x128xf32, #tpu.memory_space<vmem>>
      %dma_start3A_1159 = arith.constant 0 : i32
      %dma_start3A_1160 = tpu.memref_slice %arg5[%dma_start3A_1159, %multiple_of3A_1153] : memref<32x1000000xf32, #tpu.memory_space<hbm>> -> memref<32x128xf32, #tpu.memory_space<hbm>>
      %dma_start3A_1161 = arith.constant 0 : i32
      %dma_start3A_1162 = arith.constant 0 : i32
      %dma_start3A_1163 = tpu.memref_slice %arg12[%dma_start3A_1154, %dma_start3A_1161, %dma_start3A_1162] : memref<8x32x128xf32, #tpu.memory_space<vmem>> -> memref<1x32x128xf32, #tpu.memory_space<vmem>>
      %dma_start3A_1164 = tpu.memref_squeeze %dma_start3A_1163 : memref<1x32x128xf32, #tpu.memory_space<vmem>> -> memref<32x128xf32, #tpu.memory_space<vmem>>
      %dma_start3A_1165 = arith.constant 0 : i32
      %dma_start3A_1166 = tpu.memref_slice %arg5[%dma_start3A_1165, %multiple_of3A_1153] : memref<32x1000000xf32, #tpu.memory_space<hbm>> -> memref<32x128xf32, #tpu.memory_space<hbm>>
      tpu.enqueue_dma source(%dma_start3A_1166 : memref<32x128xf32, #tpu.memory_space<hbm>>) target(%dma_start3A_1164 : memref<32x128xf32, #tpu.memory_space<vmem>>) target_semaphore(%arg17 : memref<!tpu.dma_semaphore, #tpu.memory_space<semaphore_mem>>)
      %slice3A_1167 = vector.extract_strided_slice %get3A_11 {offsets = [14], sizes = [1], strides = [1]} : vector<16xi32> to vector<1xi32>
      %squeeze3A_1168 = vector.extract %slice3A_1167[0] : i32 from vector<1xi32>
      %and3A_1169 = arith.constant -128 : i32
      %and3A_1170 = arith.andi %squeeze3A_1168, %and3A_1169 : i32
      %multiple_of3A_1171 = tpu.assume_multiple %and3A_1170, 128 : i32
      %dma_start3A_1172 = arith.constant 6 : i32
      %dma_start3A_1173 = arith.constant 0 : i32
      %dma_start3A_1174 = arith.constant 0 : i32
      %dma_start3A_1175 = tpu.memref_slice %arg12[%dma_start3A_1172, %dma_start3A_1173, %dma_start3A_1174] : memref<8x32x128xf32, #tpu.memory_space<vmem>> -> memref<1x32x128xf32, #tpu.memory_space<vmem>>
      %dma_start3A_1176 = tpu.memref_squeeze %dma_start3A_1175 : memref<1x32x128xf32, #tpu.memory_space<vmem>> -> memref<32x128xf32, #tpu.memory_space<vmem>>
      %dma_start3A_1177 = arith.constant 0 : i32
      %dma_start3A_1178 = tpu.memref_slice %arg5[%dma_start3A_1177, %multiple_of3A_1171] : memref<32x1000000xf32, #tpu.memory_space<hbm>> -> memref<32x128xf32, #tpu.memory_space<hbm>>
      %dma_start3A_1179 = arith.constant 0 : i32
      %dma_start3A_1180 = arith.constant 0 : i32
      %dma_start3A_1181 = tpu.memref_slice %arg12[%dma_start3A_1172, %dma_start3A_1179, %dma_start3A_1180] : memref<8x32x128xf32, #tpu.memory_space<vmem>> -> memref<1x32x128xf32, #tpu.memory_space<vmem>>
      %dma_start3A_1182 = tpu.memref_squeeze %dma_start3A_1181 : memref<1x32x128xf32, #tpu.memory_space<vmem>> -> memref<32x128xf32, #tpu.memory_space<vmem>>
      %dma_start3A_1183 = arith.constant 0 : i32
      %dma_start3A_1184 = tpu.memref_slice %arg5[%dma_start3A_1183, %multiple_of3A_1171] : memref<32x1000000xf32, #tpu.memory_space<hbm>> -> memref<32x128xf32, #tpu.memory_space<hbm>>
      tpu.enqueue_dma source(%dma_start3A_1184 : memref<32x128xf32, #tpu.memory_space<hbm>>) target(%dma_start3A_1182 : memref<32x128xf32, #tpu.memory_space<vmem>>) target_semaphore(%arg17 : memref<!tpu.dma_semaphore, #tpu.memory_space<semaphore_mem>>)
      %slice3A_1185 = vector.extract_strided_slice %get3A_11 {offsets = [15], sizes = [1], strides = [1]} : vector<16xi32> to vector<1xi32>
      %squeeze3A_1186 = vector.extract %slice3A_1185[0] : i32 from vector<1xi32>
      %and3A_1187 = arith.constant -128 : i32
      %and3A_1188 = arith.andi %squeeze3A_1186, %and3A_1187 : i32
      %multiple_of3A_1189 = tpu.assume_multiple %and3A_1188, 128 : i32
      %dma_start3A_1190 = arith.constant 7 : i32
      %dma_start3A_1191 = arith.constant 0 : i32
      %dma_start3A_1192 = arith.constant 0 : i32
      %dma_start3A_1193 = tpu.memref_slice %arg12[%dma_start3A_1190, %dma_start3A_1191, %dma_start3A_1192] : memref<8x32x128xf32, #tpu.memory_space<vmem>> -> memref<1x32x128xf32, #tpu.memory_space<vmem>>
      %dma_start3A_1194 = tpu.memref_squeeze %dma_start3A_1193 : memref<1x32x128xf32, #tpu.memory_space<vmem>> -> memref<32x128xf32, #tpu.memory_space<vmem>>
      %dma_start3A_1195 = arith.constant 0 : i32
      %dma_start3A_1196 = tpu.memref_slice %arg5[%dma_start3A_1195, %multiple_of3A_1189] : memref<32x1000000xf32, #tpu.memory_space<hbm>> -> memref<32x128xf32, #tpu.memory_space<hbm>>
      %dma_start3A_1197 = arith.constant 0 : i32
      %dma_start3A_1198 = arith.constant 0 : i32
      %dma_start3A_1199 = tpu.memref_slice %arg12[%dma_start3A_1190, %dma_start3A_1197, %dma_start3A_1198] : memref<8x32x128xf32, #tpu.memory_space<vmem>> -> memref<1x32x128xf32, #tpu.memory_space<vmem>>
      %dma_start3A_1200 = tpu.memref_squeeze %dma_start3A_1199 : memref<1x32x128xf32, #tpu.memory_space<vmem>> -> memref<32x128xf32, #tpu.memory_space<vmem>>
      %dma_start3A_1201 = arith.constant 0 : i32
      %dma_start3A_1202 = tpu.memref_slice %arg5[%dma_start3A_1201, %multiple_of3A_1189] : memref<32x1000000xf32, #tpu.memory_space<hbm>> -> memref<32x128xf32, #tpu.memory_space<hbm>>
      tpu.enqueue_dma source(%dma_start3A_1202 : memref<32x128xf32, #tpu.memory_space<hbm>>) target(%dma_start3A_1200 : memref<32x128xf32, #tpu.memory_space<vmem>>) target_semaphore(%arg17 : memref<!tpu.dma_semaphore, #tpu.memory_space<semaphore_mem>>)
      %slice3A_1203 = vector.extract_strided_slice %get3A_13 {offsets = [8], sizes = [1], strides = [1]} : vector<16xi32> to vector<1xi32>
      %squeeze3A_1204 = vector.extract %slice3A_1203[0] : i32 from vector<1xi32>
      %and3A_1205 = arith.constant -128 : i32
      %and3A_1206 = arith.andi %squeeze3A_1204, %and3A_1205 : i32
      %multiple_of3A_1207 = tpu.assume_multiple %and3A_1206, 128 : i32
      %dma_start3A_1208 = arith.constant 0 : i32
      %dma_start3A_1209 = arith.constant 0 : i32
      %dma_start3A_1210 = arith.constant 0 : i32
      %dma_start3A_1211 = tpu.memref_slice %arg13[%dma_start3A_1208, %dma_start3A_1209, %dma_start3A_1210] : memref<8x32x128xf32, #tpu.memory_space<vmem>> -> memref<1x32x128xf32, #tpu.memory_space<vmem>>
      %dma_start3A_1212 = tpu.memref_squeeze %dma_start3A_1211 : memref<1x32x128xf32, #tpu.memory_space<vmem>> -> memref<32x128xf32, #tpu.memory_space<vmem>>
      %dma_start3A_1213 = arith.constant 0 : i32
      %dma_start3A_1214 = tpu.memref_slice %arg6[%dma_start3A_1213, %multiple_of3A_1207] : memref<32x1000000xf32, #tpu.memory_space<hbm>> -> memref<32x128xf32, #tpu.memory_space<hbm>>
      %dma_start3A_1215 = arith.constant 0 : i32
      %dma_start3A_1216 = arith.constant 0 : i32
      %dma_start3A_1217 = tpu.memref_slice %arg13[%dma_start3A_1208, %dma_start3A_1215, %dma_start3A_1216] : memref<8x32x128xf32, #tpu.memory_space<vmem>> -> memref<1x32x128xf32, #tpu.memory_space<vmem>>
      %dma_start3A_1218 = tpu.memref_squeeze %dma_start3A_1217 : memref<1x32x128xf32, #tpu.memory_space<vmem>> -> memref<32x128xf32, #tpu.memory_space<vmem>>
      %dma_start3A_1219 = arith.constant 0 : i32
      %dma_start3A_1220 = tpu.memref_slice %arg6[%dma_start3A_1219, %multiple_of3A_1207] : memref<32x1000000xf32, #tpu.memory_space<hbm>> -> memref<32x128xf32, #tpu.memory_space<hbm>>
      tpu.enqueue_dma source(%dma_start3A_1220 : memref<32x128xf32, #tpu.memory_space<hbm>>) target(%dma_start3A_1218 : memref<32x128xf32, #tpu.memory_space<vmem>>) target_semaphore(%arg17 : memref<!tpu.dma_semaphore, #tpu.memory_space<semaphore_mem>>)
      %slice3A_1221 = vector.extract_strided_slice %get3A_13 {offsets = [9], sizes = [1], strides = [1]} : vector<16xi32> to vector<1xi32>
      %squeeze3A_1222 = vector.extract %slice3A_1221[0] : i32 from vector<1xi32>
      %and3A_1223 = arith.constant -128 : i32
      %and3A_1224 = arith.andi %squeeze3A_1222, %and3A_1223 : i32
      %multiple_of3A_1225 = tpu.assume_multiple %and3A_1224, 128 : i32
      %dma_start3A_1226 = arith.constant 1 : i32
      %dma_start3A_1227 = arith.constant 0 : i32
      %dma_start3A_1228 = arith.constant 0 : i32
      %dma_start3A_1229 = tpu.memref_slice %arg13[%dma_start3A_1226, %dma_start3A_1227, %dma_start3A_1228] : memref<8x32x128xf32, #tpu.memory_space<vmem>> -> memref<1x32x128xf32, #tpu.memory_space<vmem>>
      %dma_start3A_1230 = tpu.memref_squeeze %dma_start3A_1229 : memref<1x32x128xf32, #tpu.memory_space<vmem>> -> memref<32x128xf32, #tpu.memory_space<vmem>>
      %dma_start3A_1231 = arith.constant 0 : i32
      %dma_start3A_1232 = tpu.memref_slice %arg6[%dma_start3A_1231, %multiple_of3A_1225] : memref<32x1000000xf32, #tpu.memory_space<hbm>> -> memref<32x128xf32, #tpu.memory_space<hbm>>
      %dma_start3A_1233 = arith.constant 0 : i32
      %dma_start3A_1234 = arith.constant 0 : i32
      %dma_start3A_1235 = tpu.memref_slice %arg13[%dma_start3A_1226, %dma_start3A_1233, %dma_start3A_1234] : memref<8x32x128xf32, #tpu.memory_space<vmem>> -> memref<1x32x128xf32, #tpu.memory_space<vmem>>
      %dma_start3A_1236 = tpu.memref_squeeze %dma_start3A_1235 : memref<1x32x128xf32, #tpu.memory_space<vmem>> -> memref<32x128xf32, #tpu.memory_space<vmem>>
      %dma_start3A_1237 = arith.constant 0 : i32
      %dma_start3A_1238 = tpu.memref_slice %arg6[%dma_start3A_1237, %multiple_of3A_1225] : memref<32x1000000xf32, #tpu.memory_space<hbm>> -> memref<32x128xf32, #tpu.memory_space<hbm>>
      tpu.enqueue_dma source(%dma_start3A_1238 : memref<32x128xf32, #tpu.memory_space<hbm>>) target(%dma_start3A_1236 : memref<32x128xf32, #tpu.memory_space<vmem>>) target_semaphore(%arg17 : memref<!tpu.dma_semaphore, #tpu.memory_space<semaphore_mem>>)
      %slice3A_1239 = vector.extract_strided_slice %get3A_13 {offsets = [10], sizes = [1], strides = [1]} : vector<16xi32> to vector<1xi32>
      %squeeze3A_1240 = vector.extract %slice3A_1239[0] : i32 from vector<1xi32>
      %and3A_1241 = arith.constant -128 : i32
      %and3A_1242 = arith.andi %squeeze3A_1240, %and3A_1241 : i32
      %multiple_of3A_1243 = tpu.assume_multiple %and3A_1242, 128 : i32
      %dma_start3A_1244 = arith.constant 2 : i32
      %dma_start3A_1245 = arith.constant 0 : i32
      %dma_start3A_1246 = arith.constant 0 : i32
      %dma_start3A_1247 = tpu.memref_slice %arg13[%dma_start3A_1244, %dma_start3A_1245, %dma_start3A_1246] : memref<8x32x128xf32, #tpu.memory_space<vmem>> -> memref<1x32x128xf32, #tpu.memory_space<vmem>>
      %dma_start3A_1248 = tpu.memref_squeeze %dma_start3A_1247 : memref<1x32x128xf32, #tpu.memory_space<vmem>> -> memref<32x128xf32, #tpu.memory_space<vmem>>
      %dma_start3A_1249 = arith.constant 0 : i32
      %dma_start3A_1250 = tpu.memref_slice %arg6[%dma_start3A_1249, %multiple_of3A_1243] : memref<32x1000000xf32, #tpu.memory_space<hbm>> -> memref<32x128xf32, #tpu.memory_space<hbm>>
      %dma_start3A_1251 = arith.constant 0 : i32
      %dma_start3A_1252 = arith.constant 0 : i32
      %dma_start3A_1253 = tpu.memref_slice %arg13[%dma_start3A_1244, %dma_start3A_1251, %dma_start3A_1252] : memref<8x32x128xf32, #tpu.memory_space<vmem>> -> memref<1x32x128xf32, #tpu.memory_space<vmem>>
      %dma_start3A_1254 = tpu.memref_squeeze %dma_start3A_1253 : memref<1x32x128xf32, #tpu.memory_space<vmem>> -> memref<32x128xf32, #tpu.memory_space<vmem>>
      %dma_start3A_1255 = arith.constant 0 : i32
      %dma_start3A_1256 = tpu.memref_slice %arg6[%dma_start3A_1255, %multiple_of3A_1243] : memref<32x1000000xf32, #tpu.memory_space<hbm>> -> memref<32x128xf32, #tpu.memory_space<hbm>>
      tpu.enqueue_dma source(%dma_start3A_1256 : memref<32x128xf32, #tpu.memory_space<hbm>>) target(%dma_start3A_1254 : memref<32x128xf32, #tpu.memory_space<vmem>>) target_semaphore(%arg17 : memref<!tpu.dma_semaphore, #tpu.memory_space<semaphore_mem>>)
      %slice3A_1257 = vector.extract_strided_slice %get3A_13 {offsets = [11], sizes = [1], strides = [1]} : vector<16xi32> to vector<1xi32>
      %squeeze3A_1258 = vector.extract %slice3A_1257[0] : i32 from vector<1xi32>
      %and3A_1259 = arith.constant -128 : i32
      %and3A_1260 = arith.andi %squeeze3A_1258, %and3A_1259 : i32
      %multiple_of3A_1261 = tpu.assume_multiple %and3A_1260, 128 : i32
      %dma_start3A_1262 = arith.constant 3 : i32
      %dma_start3A_1263 = arith.constant 0 : i32
      %dma_start3A_1264 = arith.constant 0 : i32
      %dma_start3A_1265 = tpu.memref_slice %arg13[%dma_start3A_1262, %dma_start3A_1263, %dma_start3A_1264] : memref<8x32x128xf32, #tpu.memory_space<vmem>> -> memref<1x32x128xf32, #tpu.memory_space<vmem>>
      %dma_start3A_1266 = tpu.memref_squeeze %dma_start3A_1265 : memref<1x32x128xf32, #tpu.memory_space<vmem>> -> memref<32x128xf32, #tpu.memory_space<vmem>>
      %dma_start3A_1267 = arith.constant 0 : i32
      %dma_start3A_1268 = tpu.memref_slice %arg6[%dma_start3A_1267, %multiple_of3A_1261] : memref<32x1000000xf32, #tpu.memory_space<hbm>> -> memref<32x128xf32, #tpu.memory_space<hbm>>
      %dma_start3A_1269 = arith.constant 0 : i32
      %dma_start3A_1270 = arith.constant 0 : i32
      %dma_start3A_1271 = tpu.memref_slice %arg13[%dma_start3A_1262, %dma_start3A_1269, %dma_start3A_1270] : memref<8x32x128xf32, #tpu.memory_space<vmem>> -> memref<1x32x128xf32, #tpu.memory_space<vmem>>
      %dma_start3A_1272 = tpu.memref_squeeze %dma_start3A_1271 : memref<1x32x128xf32, #tpu.memory_space<vmem>> -> memref<32x128xf32, #tpu.memory_space<vmem>>
      %dma_start3A_1273 = arith.constant 0 : i32
      %dma_start3A_1274 = tpu.memref_slice %arg6[%dma_start3A_1273, %multiple_of3A_1261] : memref<32x1000000xf32, #tpu.memory_space<hbm>> -> memref<32x128xf32, #tpu.memory_space<hbm>>
      tpu.enqueue_dma source(%dma_start3A_1274 : memref<32x128xf32, #tpu.memory_space<hbm>>) target(%dma_start3A_1272 : memref<32x128xf32, #tpu.memory_space<vmem>>) target_semaphore(%arg17 : memref<!tpu.dma_semaphore, #tpu.memory_space<semaphore_mem>>)
      %slice3A_1275 = vector.extract_strided_slice %get3A_13 {offsets = [12], sizes = [1], strides = [1]} : vector<16xi32> to vector<1xi32>
      %squeeze3A_1276 = vector.extract %slice3A_1275[0] : i32 from vector<1xi32>
      %and3A_1277 = arith.constant -128 : i32
      %and3A_1278 = arith.andi %squeeze3A_1276, %and3A_1277 : i32
      %multiple_of3A_1279 = tpu.assume_multiple %and3A_1278, 128 : i32
      %dma_start3A_1280 = arith.constant 4 : i32
      %dma_start3A_1281 = arith.constant 0 : i32
      %dma_start3A_1282 = arith.constant 0 : i32
      %dma_start3A_1283 = tpu.memref_slice %arg13[%dma_start3A_1280, %dma_start3A_1281, %dma_start3A_1282] : memref<8x32x128xf32, #tpu.memory_space<vmem>> -> memref<1x32x128xf32, #tpu.memory_space<vmem>>
      %dma_start3A_1284 = tpu.memref_squeeze %dma_start3A_1283 : memref<1x32x128xf32, #tpu.memory_space<vmem>> -> memref<32x128xf32, #tpu.memory_space<vmem>>
      %dma_start3A_1285 = arith.constant 0 : i32
      %dma_start3A_1286 = tpu.memref_slice %arg6[%dma_start3A_1285, %multiple_of3A_1279] : memref<32x1000000xf32, #tpu.memory_space<hbm>> -> memref<32x128xf32, #tpu.memory_space<hbm>>
      %dma_start3A_1287 = arith.constant 0 : i32
      %dma_start3A_1288 = arith.constant 0 : i32
      %dma_start3A_1289 = tpu.memref_slice %arg13[%dma_start3A_1280, %dma_start3A_1287, %dma_start3A_1288] : memref<8x32x128xf32, #tpu.memory_space<vmem>> -> memref<1x32x128xf32, #tpu.memory_space<vmem>>
      %dma_start3A_1290 = tpu.memref_squeeze %dma_start3A_1289 : memref<1x32x128xf32, #tpu.memory_space<vmem>> -> memref<32x128xf32, #tpu.memory_space<vmem>>
      %dma_start3A_1291 = arith.constant 0 : i32
      %dma_start3A_1292 = tpu.memref_slice %arg6[%dma_start3A_1291, %multiple_of3A_1279] : memref<32x1000000xf32, #tpu.memory_space<hbm>> -> memref<32x128xf32, #tpu.memory_space<hbm>>
      tpu.enqueue_dma source(%dma_start3A_1292 : memref<32x128xf32, #tpu.memory_space<hbm>>) target(%dma_start3A_1290 : memref<32x128xf32, #tpu.memory_space<vmem>>) target_semaphore(%arg17 : memref<!tpu.dma_semaphore, #tpu.memory_space<semaphore_mem>>)
      %slice3A_1293 = vector.extract_strided_slice %get3A_13 {offsets = [13], sizes = [1], strides = [1]} : vector<16xi32> to vector<1xi32>
      %squeeze3A_1294 = vector.extract %slice3A_1293[0] : i32 from vector<1xi32>
      %and3A_1295 = arith.constant -128 : i32
      %and3A_1296 = arith.andi %squeeze3A_1294, %and3A_1295 : i32
      %multiple_of3A_1297 = tpu.assume_multiple %and3A_1296, 128 : i32
      %dma_start3A_1298 = arith.constant 5 : i32
      %dma_start3A_1299 = arith.constant 0 : i32
      %dma_start3A_1300 = arith.constant 0 : i32
      %dma_start3A_1301 = tpu.memref_slice %arg13[%dma_start3A_1298, %dma_start3A_1299, %dma_start3A_1300] : memref<8x32x128xf32, #tpu.memory_space<vmem>> -> memref<1x32x128xf32, #tpu.memory_space<vmem>>
      %dma_start3A_1302 = tpu.memref_squeeze %dma_start3A_1301 : memref<1x32x128xf32, #tpu.memory_space<vmem>> -> memref<32x128xf32, #tpu.memory_space<vmem>>
      %dma_start3A_1303 = arith.constant 0 : i32
      %dma_start3A_1304 = tpu.memref_slice %arg6[%dma_start3A_1303, %multiple_of3A_1297] : memref<32x1000000xf32, #tpu.memory_space<hbm>> -> memref<32x128xf32, #tpu.memory_space<hbm>>
      %dma_start3A_1305 = arith.constant 0 : i32
      %dma_start3A_1306 = arith.constant 0 : i32
      %dma_start3A_1307 = tpu.memref_slice %arg13[%dma_start3A_1298, %dma_start3A_1305, %dma_start3A_1306] : memref<8x32x128xf32, #tpu.memory_space<vmem>> -> memref<1x32x128xf32, #tpu.memory_space<vmem>>
      %dma_start3A_1308 = tpu.memref_squeeze %dma_start3A_1307 : memref<1x32x128xf32, #tpu.memory_space<vmem>> -> memref<32x128xf32, #tpu.memory_space<vmem>>
      %dma_start3A_1309 = arith.constant 0 : i32
      %dma_start3A_1310 = tpu.memref_slice %arg6[%dma_start3A_1309, %multiple_of3A_1297] : memref<32x1000000xf32, #tpu.memory_space<hbm>> -> memref<32x128xf32, #tpu.memory_space<hbm>>
      tpu.enqueue_dma source(%dma_start3A_1310 : memref<32x128xf32, #tpu.memory_space<hbm>>) target(%dma_start3A_1308 : memref<32x128xf32, #tpu.memory_space<vmem>>) target_semaphore(%arg17 : memref<!tpu.dma_semaphore, #tpu.memory_space<semaphore_mem>>)
      %slice3A_1311 = vector.extract_strided_slice %get3A_13 {offsets = [14], sizes = [1], strides = [1]} : vector<16xi32> to vector<1xi32>
      %squeeze3A_1312 = vector.extract %slice3A_1311[0] : i32 from vector<1xi32>
      %and3A_1313 = arith.constant -128 : i32
      %and3A_1314 = arith.andi %squeeze3A_1312, %and3A_1313 : i32
      %multiple_of3A_1315 = tpu.assume_multiple %and3A_1314, 128 : i32
      %dma_start3A_1316 = arith.constant 6 : i32
      %dma_start3A_1317 = arith.constant 0 : i32
      %dma_start3A_1318 = arith.constant 0 : i32
      %dma_start3A_1319 = tpu.memref_slice %arg13[%dma_start3A_1316, %dma_start3A_1317, %dma_start3A_1318] : memref<8x32x128xf32, #tpu.memory_space<vmem>> -> memref<1x32x128xf32, #tpu.memory_space<vmem>>
      %dma_start3A_1320 = tpu.memref_squeeze %dma_start3A_1319 : memref<1x32x128xf32, #tpu.memory_space<vmem>> -> memref<32x128xf32, #tpu.memory_space<vmem>>
      %dma_start3A_1321 = arith.constant 0 : i32
      %dma_start3A_1322 = tpu.memref_slice %arg6[%dma_start3A_1321, %multiple_of3A_1315] : memref<32x1000000xf32, #tpu.memory_space<hbm>> -> memref<32x128xf32, #tpu.memory_space<hbm>>
      %dma_start3A_1323 = arith.constant 0 : i32
      %dma_start3A_1324 = arith.constant 0 : i32
      %dma_start3A_1325 = tpu.memref_slice %arg13[%dma_start3A_1316, %dma_start3A_1323, %dma_start3A_1324] : memref<8x32x128xf32, #tpu.memory_space<vmem>> -> memref<1x32x128xf32, #tpu.memory_space<vmem>>
      %dma_start3A_1326 = tpu.memref_squeeze %dma_start3A_1325 : memref<1x32x128xf32, #tpu.memory_space<vmem>> -> memref<32x128xf32, #tpu.memory_space<vmem>>
      %dma_start3A_1327 = arith.constant 0 : i32
      %dma_start3A_1328 = tpu.memref_slice %arg6[%dma_start3A_1327, %multiple_of3A_1315] : memref<32x1000000xf32, #tpu.memory_space<hbm>> -> memref<32x128xf32, #tpu.memory_space<hbm>>
      tpu.enqueue_dma source(%dma_start3A_1328 : memref<32x128xf32, #tpu.memory_space<hbm>>) target(%dma_start3A_1326 : memref<32x128xf32, #tpu.memory_space<vmem>>) target_semaphore(%arg17 : memref<!tpu.dma_semaphore, #tpu.memory_space<semaphore_mem>>)
      %slice3A_1329 = vector.extract_strided_slice %get3A_13 {offsets = [15], sizes = [1], strides = [1]} : vector<16xi32> to vector<1xi32>
      %squeeze3A_1330 = vector.extract %slice3A_1329[0] : i32 from vector<1xi32>
      %and3A_1331 = arith.constant -128 : i32
      %and3A_1332 = arith.andi %squeeze3A_1330, %and3A_1331 : i32
      %multiple_of3A_1333 = tpu.assume_multiple %and3A_1332, 128 : i32
      %dma_start3A_1334 = arith.constant 7 : i32
      %dma_start3A_1335 = arith.constant 0 : i32
      %dma_start3A_1336 = arith.constant 0 : i32
      %dma_start3A_1337 = tpu.memref_slice %arg13[%dma_start3A_1334, %dma_start3A_1335, %dma_start3A_1336] : memref<8x32x128xf32, #tpu.memory_space<vmem>> -> memref<1x32x128xf32, #tpu.memory_space<vmem>>
      %dma_start3A_1338 = tpu.memref_squeeze %dma_start3A_1337 : memref<1x32x128xf32, #tpu.memory_space<vmem>> -> memref<32x128xf32, #tpu.memory_space<vmem>>
      %dma_start3A_1339 = arith.constant 0 : i32
      %dma_start3A_1340 = tpu.memref_slice %arg6[%dma_start3A_1339, %multiple_of3A_1333] : memref<32x1000000xf32, #tpu.memory_space<hbm>> -> memref<32x128xf32, #tpu.memory_space<hbm>>
      %dma_start3A_1341 = arith.constant 0 : i32
      %dma_start3A_1342 = arith.constant 0 : i32
      %dma_start3A_1343 = tpu.memref_slice %arg13[%dma_start3A_1334, %dma_start3A_1341, %dma_start3A_1342] : memref<8x32x128xf32, #tpu.memory_space<vmem>> -> memref<1x32x128xf32, #tpu.memory_space<vmem>>
      %dma_start3A_1344 = tpu.memref_squeeze %dma_start3A_1343 : memref<1x32x128xf32, #tpu.memory_space<vmem>> -> memref<32x128xf32, #tpu.memory_space<vmem>>
      %dma_start3A_1345 = arith.constant 0 : i32
      %dma_start3A_1346 = tpu.memref_slice %arg6[%dma_start3A_1345, %multiple_of3A_1333] : memref<32x1000000xf32, #tpu.memory_space<hbm>> -> memref<32x128xf32, #tpu.memory_space<hbm>>
      tpu.enqueue_dma source(%dma_start3A_1346 : memref<32x128xf32, #tpu.memory_space<hbm>>) target(%dma_start3A_1344 : memref<32x128xf32, #tpu.memory_space<vmem>>) target_semaphore(%arg17 : memref<!tpu.dma_semaphore, #tpu.memory_space<semaphore_mem>>)
      %slice3A_1347 = vector.extract_strided_slice %get3A_15 {offsets = [8], sizes = [1], strides = [1]} : vector<16xi32> to vector<1xi32>
      %squeeze3A_1348 = vector.extract %slice3A_1347[0] : i32 from vector<1xi32>
      %and3A_1349 = arith.constant -128 : i32
      %and3A_1350 = arith.andi %squeeze3A_1348, %and3A_1349 : i32
      %multiple_of3A_1351 = tpu.assume_multiple %and3A_1350, 128 : i32
      %dma_start3A_1352 = arith.constant 0 : i32
      %dma_start3A_1353 = arith.constant 0 : i32
      %dma_start3A_1354 = arith.constant 0 : i32
      %dma_start3A_1355 = tpu.memref_slice %arg14[%dma_start3A_1352, %dma_start3A_1353, %dma_start3A_1354] : memref<8x32x128xf32, #tpu.memory_space<vmem>> -> memref<1x32x128xf32, #tpu.memory_space<vmem>>
      %dma_start3A_1356 = tpu.memref_squeeze %dma_start3A_1355 : memref<1x32x128xf32, #tpu.memory_space<vmem>> -> memref<32x128xf32, #tpu.memory_space<vmem>>
      %dma_start3A_1357 = arith.constant 0 : i32
      %dma_start3A_1358 = tpu.memref_slice %arg6[%dma_start3A_1357, %multiple_of3A_1351] : memref<32x1000000xf32, #tpu.memory_space<hbm>> -> memref<32x128xf32, #tpu.memory_space<hbm>>
      %dma_start3A_1359 = arith.constant 0 : i32
      %dma_start3A_1360 = arith.constant 0 : i32
      %dma_start3A_1361 = tpu.memref_slice %arg14[%dma_start3A_1352, %dma_start3A_1359, %dma_start3A_1360] : memref<8x32x128xf32, #tpu.memory_space<vmem>> -> memref<1x32x128xf32, #tpu.memory_space<vmem>>
      %dma_start3A_1362 = tpu.memref_squeeze %dma_start3A_1361 : memref<1x32x128xf32, #tpu.memory_space<vmem>> -> memref<32x128xf32, #tpu.memory_space<vmem>>
      %dma_start3A_1363 = arith.constant 0 : i32
      %dma_start3A_1364 = tpu.memref_slice %arg6[%dma_start3A_1363, %multiple_of3A_1351] : memref<32x1000000xf32, #tpu.memory_space<hbm>> -> memref<32x128xf32, #tpu.memory_space<hbm>>
      tpu.enqueue_dma source(%dma_start3A_1364 : memref<32x128xf32, #tpu.memory_space<hbm>>) target(%dma_start3A_1362 : memref<32x128xf32, #tpu.memory_space<vmem>>) target_semaphore(%arg17 : memref<!tpu.dma_semaphore, #tpu.memory_space<semaphore_mem>>)
      %slice3A_1365 = vector.extract_strided_slice %get3A_15 {offsets = [9], sizes = [1], strides = [1]} : vector<16xi32> to vector<1xi32>
      %squeeze3A_1366 = vector.extract %slice3A_1365[0] : i32 from vector<1xi32>
      %and3A_1367 = arith.constant -128 : i32
      %and3A_1368 = arith.andi %squeeze3A_1366, %and3A_1367 : i32
      %multiple_of3A_1369 = tpu.assume_multiple %and3A_1368, 128 : i32
      %dma_start3A_1370 = arith.constant 1 : i32
      %dma_start3A_1371 = arith.constant 0 : i32
      %dma_start3A_1372 = arith.constant 0 : i32
      %dma_start3A_1373 = tpu.memref_slice %arg14[%dma_start3A_1370, %dma_start3A_1371, %dma_start3A_1372] : memref<8x32x128xf32, #tpu.memory_space<vmem>> -> memref<1x32x128xf32, #tpu.memory_space<vmem>>
      %dma_start3A_1374 = tpu.memref_squeeze %dma_start3A_1373 : memref<1x32x128xf32, #tpu.memory_space<vmem>> -> memref<32x128xf32, #tpu.memory_space<vmem>>
      %dma_start3A_1375 = arith.constant 0 : i32
      %dma_start3A_1376 = tpu.memref_slice %arg6[%dma_start3A_1375, %multiple_of3A_1369] : memref<32x1000000xf32, #tpu.memory_space<hbm>> -> memref<32x128xf32, #tpu.memory_space<hbm>>
      %dma_start3A_1377 = arith.constant 0 : i32
      %dma_start3A_1378 = arith.constant 0 : i32
      %dma_start3A_1379 = tpu.memref_slice %arg14[%dma_start3A_1370, %dma_start3A_1377, %dma_start3A_1378] : memref<8x32x128xf32, #tpu.memory_space<vmem>> -> memref<1x32x128xf32, #tpu.memory_space<vmem>>
      %dma_start3A_1380 = tpu.memref_squeeze %dma_start3A_1379 : memref<1x32x128xf32, #tpu.memory_space<vmem>> -> memref<32x128xf32, #tpu.memory_space<vmem>>
      %dma_start3A_1381 = arith.constant 0 : i32
      %dma_start3A_1382 = tpu.memref_slice %arg6[%dma_start3A_1381, %multiple_of3A_1369] : memref<32x1000000xf32, #tpu.memory_space<hbm>> -> memref<32x128xf32, #tpu.memory_space<hbm>>
      tpu.enqueue_dma source(%dma_start3A_1382 : memref<32x128xf32, #tpu.memory_space<hbm>>) target(%dma_start3A_1380 : memref<32x128xf32, #tpu.memory_space<vmem>>) target_semaphore(%arg17 : memref<!tpu.dma_semaphore, #tpu.memory_space<semaphore_mem>>)
      %slice3A_1383 = vector.extract_strided_slice %get3A_15 {offsets = [10], sizes = [1], strides = [1]} : vector<16xi32> to vector<1xi32>
      %squeeze3A_1384 = vector.extract %slice3A_1383[0] : i32 from vector<1xi32>
      %and3A_1385 = arith.constant -128 : i32
      %and3A_1386 = arith.andi %squeeze3A_1384, %and3A_1385 : i32
      %multiple_of3A_1387 = tpu.assume_multiple %and3A_1386, 128 : i32
      %dma_start3A_1388 = arith.constant 2 : i32
      %dma_start3A_1389 = arith.constant 0 : i32
      %dma_start3A_1390 = arith.constant 0 : i32
      %dma_start3A_1391 = tpu.memref_slice %arg14[%dma_start3A_1388, %dma_start3A_1389, %dma_start3A_1390] : memref<8x32x128xf32, #tpu.memory_space<vmem>> -> memref<1x32x128xf32, #tpu.memory_space<vmem>>
      %dma_start3A_1392 = tpu.memref_squeeze %dma_start3A_1391 : memref<1x32x128xf32, #tpu.memory_space<vmem>> -> memref<32x128xf32, #tpu.memory_space<vmem>>
      %dma_start3A_1393 = arith.constant 0 : i32
      %dma_start3A_1394 = tpu.memref_slice %arg6[%dma_start3A_1393, %multiple_of3A_1387] : memref<32x1000000xf32, #tpu.memory_space<hbm>> -> memref<32x128xf32, #tpu.memory_space<hbm>>
      %dma_start3A_1395 = arith.constant 0 : i32
      %dma_start3A_1396 = arith.constant 0 : i32
      %dma_start3A_1397 = tpu.memref_slice %arg14[%dma_start3A_1388, %dma_start3A_1395, %dma_start3A_1396] : memref<8x32x128xf32, #tpu.memory_space<vmem>> -> memref<1x32x128xf32, #tpu.memory_space<vmem>>
      %dma_start3A_1398 = tpu.memref_squeeze %dma_start3A_1397 : memref<1x32x128xf32, #tpu.memory_space<vmem>> -> memref<32x128xf32, #tpu.memory_space<vmem>>
      %dma_start3A_1399 = arith.constant 0 : i32
      %dma_start3A_1400 = tpu.memref_slice %arg6[%dma_start3A_1399, %multiple_of3A_1387] : memref<32x1000000xf32, #tpu.memory_space<hbm>> -> memref<32x128xf32, #tpu.memory_space<hbm>>
      tpu.enqueue_dma source(%dma_start3A_1400 : memref<32x128xf32, #tpu.memory_space<hbm>>) target(%dma_start3A_1398 : memref<32x128xf32, #tpu.memory_space<vmem>>) target_semaphore(%arg17 : memref<!tpu.dma_semaphore, #tpu.memory_space<semaphore_mem>>)
      %slice3A_1401 = vector.extract_strided_slice %get3A_15 {offsets = [11], sizes = [1], strides = [1]} : vector<16xi32> to vector<1xi32>
      %squeeze3A_1402 = vector.extract %slice3A_1401[0] : i32 from vector<1xi32>
      %and3A_1403 = arith.constant -128 : i32
      %and3A_1404 = arith.andi %squeeze3A_1402, %and3A_1403 : i32
      %multiple_of3A_1405 = tpu.assume_multiple %and3A_1404, 128 : i32
      %dma_start3A_1406 = arith.constant 3 : i32
      %dma_start3A_1407 = arith.constant 0 : i32
      %dma_start3A_1408 = arith.constant 0 : i32
      %dma_start3A_1409 = tpu.memref_slice %arg14[%dma_start3A_1406, %dma_start3A_1407, %dma_start3A_1408] : memref<8x32x128xf32, #tpu.memory_space<vmem>> -> memref<1x32x128xf32, #tpu.memory_space<vmem>>
      %dma_start3A_1410 = tpu.memref_squeeze %dma_start3A_1409 : memref<1x32x128xf32, #tpu.memory_space<vmem>> -> memref<32x128xf32, #tpu.memory_space<vmem>>
      %dma_start3A_1411 = arith.constant 0 : i32
      %dma_start3A_1412 = tpu.memref_slice %arg6[%dma_start3A_1411, %multiple_of3A_1405] : memref<32x1000000xf32, #tpu.memory_space<hbm>> -> memref<32x128xf32, #tpu.memory_space<hbm>>
      %dma_start3A_1413 = arith.constant 0 : i32
      %dma_start3A_1414 = arith.constant 0 : i32
      %dma_start3A_1415 = tpu.memref_slice %arg14[%dma_start3A_1406, %dma_start3A_1413, %dma_start3A_1414] : memref<8x32x128xf32, #tpu.memory_space<vmem>> -> memref<1x32x128xf32, #tpu.memory_space<vmem>>
      %dma_start3A_1416 = tpu.memref_squeeze %dma_start3A_1415 : memref<1x32x128xf32, #tpu.memory_space<vmem>> -> memref<32x128xf32, #tpu.memory_space<vmem>>
      %dma_start3A_1417 = arith.constant 0 : i32
      %dma_start3A_1418 = tpu.memref_slice %arg6[%dma_start3A_1417, %multiple_of3A_1405] : memref<32x1000000xf32, #tpu.memory_space<hbm>> -> memref<32x128xf32, #tpu.memory_space<hbm>>
      tpu.enqueue_dma source(%dma_start3A_1418 : memref<32x128xf32, #tpu.memory_space<hbm>>) target(%dma_start3A_1416 : memref<32x128xf32, #tpu.memory_space<vmem>>) target_semaphore(%arg17 : memref<!tpu.dma_semaphore, #tpu.memory_space<semaphore_mem>>)
      %slice3A_1419 = vector.extract_strided_slice %get3A_15 {offsets = [12], sizes = [1], strides = [1]} : vector<16xi32> to vector<1xi32>
      %squeeze3A_1420 = vector.extract %slice3A_1419[0] : i32 from vector<1xi32>
      %and3A_1421 = arith.constant -128 : i32
      %and3A_1422 = arith.andi %squeeze3A_1420, %and3A_1421 : i32
      %multiple_of3A_1423 = tpu.assume_multiple %and3A_1422, 128 : i32
      %dma_start3A_1424 = arith.constant 4 : i32
      %dma_start3A_1425 = arith.constant 0 : i32
      %dma_start3A_1426 = arith.constant 0 : i32
      %dma_start3A_1427 = tpu.memref_slice %arg14[%dma_start3A_1424, %dma_start3A_1425, %dma_start3A_1426] : memref<8x32x128xf32, #tpu.memory_space<vmem>> -> memref<1x32x128xf32, #tpu.memory_space<vmem>>
      %dma_start3A_1428 = tpu.memref_squeeze %dma_start3A_1427 : memref<1x32x128xf32, #tpu.memory_space<vmem>> -> memref<32x128xf32, #tpu.memory_space<vmem>>
      %dma_start3A_1429 = arith.constant 0 : i32
      %dma_start3A_1430 = tpu.memref_slice %arg6[%dma_start3A_1429, %multiple_of3A_1423] : memref<32x1000000xf32, #tpu.memory_space<hbm>> -> memref<32x128xf32, #tpu.memory_space<hbm>>
      %dma_start3A_1431 = arith.constant 0 : i32
      %dma_start3A_1432 = arith.constant 0 : i32
      %dma_start3A_1433 = tpu.memref_slice %arg14[%dma_start3A_1424, %dma_start3A_1431, %dma_start3A_1432] : memref<8x32x128xf32, #tpu.memory_space<vmem>> -> memref<1x32x128xf32, #tpu.memory_space<vmem>>
      %dma_start3A_1434 = tpu.memref_squeeze %dma_start3A_1433 : memref<1x32x128xf32, #tpu.memory_space<vmem>> -> memref<32x128xf32, #tpu.memory_space<vmem>>
      %dma_start3A_1435 = arith.constant 0 : i32
      %dma_start3A_1436 = tpu.memref_slice %arg6[%dma_start3A_1435, %multiple_of3A_1423] : memref<32x1000000xf32, #tpu.memory_space<hbm>> -> memref<32x128xf32, #tpu.memory_space<hbm>>
      tpu.enqueue_dma source(%dma_start3A_1436 : memref<32x128xf32, #tpu.memory_space<hbm>>) target(%dma_start3A_1434 : memref<32x128xf32, #tpu.memory_space<vmem>>) target_semaphore(%arg17 : memref<!tpu.dma_semaphore, #tpu.memory_space<semaphore_mem>>)
      %slice3A_1437 = vector.extract_strided_slice %get3A_15 {offsets = [13], sizes = [1], strides = [1]} : vector<16xi32> to vector<1xi32>
      %squeeze3A_1438 = vector.extract %slice3A_1437[0] : i32 from vector<1xi32>
      %and3A_1439 = arith.constant -128 : i32
      %and3A_1440 = arith.andi %squeeze3A_1438, %and3A_1439 : i32
      %multiple_of3A_1441 = tpu.assume_multiple %and3A_1440, 128 : i32
      %dma_start3A_1442 = arith.constant 5 : i32
      %dma_start3A_1443 = arith.constant 0 : i32
      %dma_start3A_1444 = arith.constant 0 : i32
      %dma_start3A_1445 = tpu.memref_slice %arg14[%dma_start3A_1442, %dma_start3A_1443, %dma_start3A_1444] : memref<8x32x128xf32, #tpu.memory_space<vmem>> -> memref<1x32x128xf32, #tpu.memory_space<vmem>>
      %dma_start3A_1446 = tpu.memref_squeeze %dma_start3A_1445 : memref<1x32x128xf32, #tpu.memory_space<vmem>> -> memref<32x128xf32, #tpu.memory_space<vmem>>
      %dma_start3A_1447 = arith.constant 0 : i32
      %dma_start3A_1448 = tpu.memref_slice %arg6[%dma_start3A_1447, %multiple_of3A_1441] : memref<32x1000000xf32, #tpu.memory_space<hbm>> -> memref<32x128xf32, #tpu.memory_space<hbm>>
      %dma_start3A_1449 = arith.constant 0 : i32
      %dma_start3A_1450 = arith.constant 0 : i32
      %dma_start3A_1451 = tpu.memref_slice %arg14[%dma_start3A_1442, %dma_start3A_1449, %dma_start3A_1450] : memref<8x32x128xf32, #tpu.memory_space<vmem>> -> memref<1x32x128xf32, #tpu.memory_space<vmem>>
      %dma_start3A_1452 = tpu.memref_squeeze %dma_start3A_1451 : memref<1x32x128xf32, #tpu.memory_space<vmem>> -> memref<32x128xf32, #tpu.memory_space<vmem>>
      %dma_start3A_1453 = arith.constant 0 : i32
      %dma_start3A_1454 = tpu.memref_slice %arg6[%dma_start3A_1453, %multiple_of3A_1441] : memref<32x1000000xf32, #tpu.memory_space<hbm>> -> memref<32x128xf32, #tpu.memory_space<hbm>>
      tpu.enqueue_dma source(%dma_start3A_1454 : memref<32x128xf32, #tpu.memory_space<hbm>>) target(%dma_start3A_1452 : memref<32x128xf32, #tpu.memory_space<vmem>>) target_semaphore(%arg17 : memref<!tpu.dma_semaphore, #tpu.memory_space<semaphore_mem>>)
      %slice3A_1455 = vector.extract_strided_slice %get3A_15 {offsets = [14], sizes = [1], strides = [1]} : vector<16xi32> to vector<1xi32>
      %squeeze3A_1456 = vector.extract %slice3A_1455[0] : i32 from vector<1xi32>
      %and3A_1457 = arith.constant -128 : i32
      %and3A_1458 = arith.andi %squeeze3A_1456, %and3A_1457 : i32
      %multiple_of3A_1459 = tpu.assume_multiple %and3A_1458, 128 : i32
      %dma_start3A_1460 = arith.constant 6 : i32
      %dma_start3A_1461 = arith.constant 0 : i32
      %dma_start3A_1462 = arith.constant 0 : i32
      %dma_start3A_1463 = tpu.memref_slice %arg14[%dma_start3A_1460, %dma_start3A_1461, %dma_start3A_1462] : memref<8x32x128xf32, #tpu.memory_space<vmem>> -> memref<1x32x128xf32, #tpu.memory_space<vmem>>
      %dma_start3A_1464 = tpu.memref_squeeze %dma_start3A_1463 : memref<1x32x128xf32, #tpu.memory_space<vmem>> -> memref<32x128xf32, #tpu.memory_space<vmem>>
      %dma_start3A_1465 = arith.constant 0 : i32
      %dma_start3A_1466 = tpu.memref_slice %arg6[%dma_start3A_1465, %multiple_of3A_1459] : memref<32x1000000xf32, #tpu.memory_space<hbm>> -> memref<32x128xf32, #tpu.memory_space<hbm>>
      %dma_start3A_1467 = arith.constant 0 : i32
      %dma_start3A_1468 = arith.constant 0 : i32
      %dma_start3A_1469 = tpu.memref_slice %arg14[%dma_start3A_1460, %dma_start3A_1467, %dma_start3A_1468] : memref<8x32x128xf32, #tpu.memory_space<vmem>> -> memref<1x32x128xf32, #tpu.memory_space<vmem>>
      %dma_start3A_1470 = tpu.memref_squeeze %dma_start3A_1469 : memref<1x32x128xf32, #tpu.memory_space<vmem>> -> memref<32x128xf32, #tpu.memory_space<vmem>>
      %dma_start3A_1471 = arith.constant 0 : i32
      %dma_start3A_1472 = tpu.memref_slice %arg6[%dma_start3A_1471, %multiple_of3A_1459] : memref<32x1000000xf32, #tpu.memory_space<hbm>> -> memref<32x128xf32, #tpu.memory_space<hbm>>
      tpu.enqueue_dma source(%dma_start3A_1472 : memref<32x128xf32, #tpu.memory_space<hbm>>) target(%dma_start3A_1470 : memref<32x128xf32, #tpu.memory_space<vmem>>) target_semaphore(%arg17 : memref<!tpu.dma_semaphore, #tpu.memory_space<semaphore_mem>>)
      %slice3A_1473 = vector.extract_strided_slice %get3A_15 {offsets = [15], sizes = [1], strides = [1]} : vector<16xi32> to vector<1xi32>
      %squeeze3A_1474 = vector.extract %slice3A_1473[0] : i32 from vector<1xi32>
      %and3A_1475 = arith.constant -128 : i32
      %and3A_1476 = arith.andi %squeeze3A_1474, %and3A_1475 : i32
      %multiple_of3A_1477 = tpu.assume_multiple %and3A_1476, 128 : i32
      %dma_start3A_1478 = arith.constant 7 : i32
      %dma_start3A_1479 = arith.constant 0 : i32
      %dma_start3A_1480 = arith.constant 0 : i32
      %dma_start3A_1481 = tpu.memref_slice %arg14[%dma_start3A_1478, %dma_start3A_1479, %dma_start3A_1480] : memref<8x32x128xf32, #tpu.memory_space<vmem>> -> memref<1x32x128xf32, #tpu.memory_space<vmem>>
      %dma_start3A_1482 = tpu.memref_squeeze %dma_start3A_1481 : memref<1x32x128xf32, #tpu.memory_space<vmem>> -> memref<32x128xf32, #tpu.memory_space<vmem>>
      %dma_start3A_1483 = arith.constant 0 : i32
      %dma_start3A_1484 = tpu.memref_slice %arg6[%dma_start3A_1483, %multiple_of3A_1477] : memref<32x1000000xf32, #tpu.memory_space<hbm>> -> memref<32x128xf32, #tpu.memory_space<hbm>>
      %dma_start3A_1485 = arith.constant 0 : i32
      %dma_start3A_1486 = arith.constant 0 : i32
      %dma_start3A_1487 = tpu.memref_slice %arg14[%dma_start3A_1478, %dma_start3A_1485, %dma_start3A_1486] : memref<8x32x128xf32, #tpu.memory_space<vmem>> -> memref<1x32x128xf32, #tpu.memory_space<vmem>>
      %dma_start3A_1488 = tpu.memref_squeeze %dma_start3A_1487 : memref<1x32x128xf32, #tpu.memory_space<vmem>> -> memref<32x128xf32, #tpu.memory_space<vmem>>
      %dma_start3A_1489 = arith.constant 0 : i32
      %dma_start3A_1490 = tpu.memref_slice %arg6[%dma_start3A_1489, %multiple_of3A_1477] : memref<32x1000000xf32, #tpu.memory_space<hbm>> -> memref<32x128xf32, #tpu.memory_space<hbm>>
      tpu.enqueue_dma source(%dma_start3A_1490 : memref<32x128xf32, #tpu.memory_space<hbm>>) target(%dma_start3A_1488 : memref<32x128xf32, #tpu.memory_space<vmem>>) target_semaphore(%arg17 : memref<!tpu.dma_semaphore, #tpu.memory_space<semaphore_mem>>)
      %dma_wait3A_1491 = arith.constant 0 : i32
      %dma_wait3A_1492 = arith.constant 0 : i32
      %dma_wait3A_1493 = arith.constant 0 : i32
      %dma_wait3A_1494 = tpu.memref_slice %arg12[%dma_wait3A_1491, %dma_wait3A_1492, %dma_wait3A_1493] : memref<8x32x128xf32, #tpu.memory_space<vmem>> -> memref<1x32x128xf32, #tpu.memory_space<vmem>>
      %dma_wait3A_1495 = tpu.memref_squeeze %dma_wait3A_1494 : memref<1x32x128xf32, #tpu.memory_space<vmem>> -> memref<32x128xf32, #tpu.memory_space<vmem>>
      %dma_wait3A_1496 = arith.constant 0 : i32
      %dma_wait3A_1497 = tpu.memref_slice %arg5[%dma_wait3A_1496, %multiple_of3A_1063] : memref<32x1000000xf32, #tpu.memory_space<hbm>> -> memref<32x128xf32, #tpu.memory_space<hbm>>
      %dma_wait3A_1498 = arith.constant 0 : i32
      %dma_wait3A_1499 = arith.constant 0 : i32
      %dma_wait3A_1500 = tpu.memref_slice %arg12[%dma_wait3A_1491, %dma_wait3A_1498, %dma_wait3A_1499] : memref<8x32x128xf32, #tpu.memory_space<vmem>> -> memref<1x32x128xf32, #tpu.memory_space<vmem>>
      %dma_wait3A_1501 = tpu.memref_squeeze %dma_wait3A_1500 : memref<1x32x128xf32, #tpu.memory_space<vmem>> -> memref<32x128xf32, #tpu.memory_space<vmem>>
      %dma_wait3A_1502 = arith.constant 0 : i32
      %dma_wait3A_1503 = tpu.memref_slice %arg5[%dma_wait3A_1502, %multiple_of3A_1063] : memref<32x1000000xf32, #tpu.memory_space<hbm>> -> memref<32x128xf32, #tpu.memory_space<hbm>>
      tpu.wait_dma2 semaphore(%arg17 : memref<!tpu.dma_semaphore, #tpu.memory_space<semaphore_mem>>) src(%dma_wait3A_1503 : memref<32x128xf32, #tpu.memory_space<hbm>>) dst(%dma_wait3A_1501 : memref<32x128xf32, #tpu.memory_space<vmem>>)
      %dma_wait3A_1504 = arith.constant 1 : i32
      %dma_wait3A_1505 = arith.constant 0 : i32
      %dma_wait3A_1506 = arith.constant 0 : i32
      %dma_wait3A_1507 = tpu.memref_slice %arg12[%dma_wait3A_1504, %dma_wait3A_1505, %dma_wait3A_1506] : memref<8x32x128xf32, #tpu.memory_space<vmem>> -> memref<1x32x128xf32, #tpu.memory_space<vmem>>
      %dma_wait3A_1508 = tpu.memref_squeeze %dma_wait3A_1507 : memref<1x32x128xf32, #tpu.memory_space<vmem>> -> memref<32x128xf32, #tpu.memory_space<vmem>>
      %dma_wait3A_1509 = arith.constant 0 : i32
      %dma_wait3A_1510 = tpu.memref_slice %arg5[%dma_wait3A_1509, %multiple_of3A_1081] : memref<32x1000000xf32, #tpu.memory_space<hbm>> -> memref<32x128xf32, #tpu.memory_space<hbm>>
      %dma_wait3A_1511 = arith.constant 0 : i32
      %dma_wait3A_1512 = arith.constant 0 : i32
      %dma_wait3A_1513 = tpu.memref_slice %arg12[%dma_wait3A_1504, %dma_wait3A_1511, %dma_wait3A_1512] : memref<8x32x128xf32, #tpu.memory_space<vmem>> -> memref<1x32x128xf32, #tpu.memory_space<vmem>>
      %dma_wait3A_1514 = tpu.memref_squeeze %dma_wait3A_1513 : memref<1x32x128xf32, #tpu.memory_space<vmem>> -> memref<32x128xf32, #tpu.memory_space<vmem>>
      %dma_wait3A_1515 = arith.constant 0 : i32
      %dma_wait3A_1516 = tpu.memref_slice %arg5[%dma_wait3A_1515, %multiple_of3A_1081] : memref<32x1000000xf32, #tpu.memory_space<hbm>> -> memref<32x128xf32, #tpu.memory_space<hbm>>
      tpu.wait_dma2 semaphore(%arg17 : memref<!tpu.dma_semaphore, #tpu.memory_space<semaphore_mem>>) src(%dma_wait3A_1516 : memref<32x128xf32, #tpu.memory_space<hbm>>) dst(%dma_wait3A_1514 : memref<32x128xf32, #tpu.memory_space<vmem>>)
      %dma_wait3A_1517 = arith.constant 2 : i32
      %dma_wait3A_1518 = arith.constant 0 : i32
      %dma_wait3A_1519 = arith.constant 0 : i32
      %dma_wait3A_1520 = tpu.memref_slice %arg12[%dma_wait3A_1517, %dma_wait3A_1518, %dma_wait3A_1519] : memref<8x32x128xf32, #tpu.memory_space<vmem>> -> memref<1x32x128xf32, #tpu.memory_space<vmem>>
      %dma_wait3A_1521 = tpu.memref_squeeze %dma_wait3A_1520 : memref<1x32x128xf32, #tpu.memory_space<vmem>> -> memref<32x128xf32, #tpu.memory_space<vmem>>
      %dma_wait3A_1522 = arith.constant 0 : i32
      %dma_wait3A_1523 = tpu.memref_slice %arg5[%dma_wait3A_1522, %multiple_of3A_1099] : memref<32x1000000xf32, #tpu.memory_space<hbm>> -> memref<32x128xf32, #tpu.memory_space<hbm>>
      %dma_wait3A_1524 = arith.constant 0 : i32
      %dma_wait3A_1525 = arith.constant 0 : i32
      %dma_wait3A_1526 = tpu.memref_slice %arg12[%dma_wait3A_1517, %dma_wait3A_1524, %dma_wait3A_1525] : memref<8x32x128xf32, #tpu.memory_space<vmem>> -> memref<1x32x128xf32, #tpu.memory_space<vmem>>
      %dma_wait3A_1527 = tpu.memref_squeeze %dma_wait3A_1526 : memref<1x32x128xf32, #tpu.memory_space<vmem>> -> memref<32x128xf32, #tpu.memory_space<vmem>>
      %dma_wait3A_1528 = arith.constant 0 : i32
      %dma_wait3A_1529 = tpu.memref_slice %arg5[%dma_wait3A_1528, %multiple_of3A_1099] : memref<32x1000000xf32, #tpu.memory_space<hbm>> -> memref<32x128xf32, #tpu.memory_space<hbm>>
      tpu.wait_dma2 semaphore(%arg17 : memref<!tpu.dma_semaphore, #tpu.memory_space<semaphore_mem>>) src(%dma_wait3A_1529 : memref<32x128xf32, #tpu.memory_space<hbm>>) dst(%dma_wait3A_1527 : memref<32x128xf32, #tpu.memory_space<vmem>>)
      %dma_wait3A_1530 = arith.constant 3 : i32
      %dma_wait3A_1531 = arith.constant 0 : i32
      %dma_wait3A_1532 = arith.constant 0 : i32
      %dma_wait3A_1533 = tpu.memref_slice %arg12[%dma_wait3A_1530, %dma_wait3A_1531, %dma_wait3A_1532] : memref<8x32x128xf32, #tpu.memory_space<vmem>> -> memref<1x32x128xf32, #tpu.memory_space<vmem>>
      %dma_wait3A_1534 = tpu.memref_squeeze %dma_wait3A_1533 : memref<1x32x128xf32, #tpu.memory_space<vmem>> -> memref<32x128xf32, #tpu.memory_space<vmem>>
      %dma_wait3A_1535 = arith.constant 0 : i32
      %dma_wait3A_1536 = tpu.memref_slice %arg5[%dma_wait3A_1535, %multiple_of3A_1117] : memref<32x1000000xf32, #tpu.memory_space<hbm>> -> memref<32x128xf32, #tpu.memory_space<hbm>>
      %dma_wait3A_1537 = arith.constant 0 : i32
      %dma_wait3A_1538 = arith.constant 0 : i32
      %dma_wait3A_1539 = tpu.memref_slice %arg12[%dma_wait3A_1530, %dma_wait3A_1537, %dma_wait3A_1538] : memref<8x32x128xf32, #tpu.memory_space<vmem>> -> memref<1x32x128xf32, #tpu.memory_space<vmem>>
      %dma_wait3A_1540 = tpu.memref_squeeze %dma_wait3A_1539 : memref<1x32x128xf32, #tpu.memory_space<vmem>> -> memref<32x128xf32, #tpu.memory_space<vmem>>
      %dma_wait3A_1541 = arith.constant 0 : i32
      %dma_wait3A_1542 = tpu.memref_slice %arg5[%dma_wait3A_1541, %multiple_of3A_1117] : memref<32x1000000xf32, #tpu.memory_space<hbm>> -> memref<32x128xf32, #tpu.memory_space<hbm>>
      tpu.wait_dma2 semaphore(%arg17 : memref<!tpu.dma_semaphore, #tpu.memory_space<semaphore_mem>>) src(%dma_wait3A_1542 : memref<32x128xf32, #tpu.memory_space<hbm>>) dst(%dma_wait3A_1540 : memref<32x128xf32, #tpu.memory_space<vmem>>)
      %dma_wait3A_1543 = arith.constant 4 : i32
      %dma_wait3A_1544 = arith.constant 0 : i32
      %dma_wait3A_1545 = arith.constant 0 : i32
      %dma_wait3A_1546 = tpu.memref_slice %arg12[%dma_wait3A_1543, %dma_wait3A_1544, %dma_wait3A_1545] : memref<8x32x128xf32, #tpu.memory_space<vmem>> -> memref<1x32x128xf32, #tpu.memory_space<vmem>>
      %dma_wait3A_1547 = tpu.memref_squeeze %dma_wait3A_1546 : memref<1x32x128xf32, #tpu.memory_space<vmem>> -> memref<32x128xf32, #tpu.memory_space<vmem>>
      %dma_wait3A_1548 = arith.constant 0 : i32
      %dma_wait3A_1549 = tpu.memref_slice %arg5[%dma_wait3A_1548, %multiple_of3A_1135] : memref<32x1000000xf32, #tpu.memory_space<hbm>> -> memref<32x128xf32, #tpu.memory_space<hbm>>
      %dma_wait3A_1550 = arith.constant 0 : i32
      %dma_wait3A_1551 = arith.constant 0 : i32
      %dma_wait3A_1552 = tpu.memref_slice %arg12[%dma_wait3A_1543, %dma_wait3A_1550, %dma_wait3A_1551] : memref<8x32x128xf32, #tpu.memory_space<vmem>> -> memref<1x32x128xf32, #tpu.memory_space<vmem>>
      %dma_wait3A_1553 = tpu.memref_squeeze %dma_wait3A_1552 : memref<1x32x128xf32, #tpu.memory_space<vmem>> -> memref<32x128xf32, #tpu.memory_space<vmem>>
      %dma_wait3A_1554 = arith.constant 0 : i32
      %dma_wait3A_1555 = tpu.memref_slice %arg5[%dma_wait3A_1554, %multiple_of3A_1135] : memref<32x1000000xf32, #tpu.memory_space<hbm>> -> memref<32x128xf32, #tpu.memory_space<hbm>>
      tpu.wait_dma2 semaphore(%arg17 : memref<!tpu.dma_semaphore, #tpu.memory_space<semaphore_mem>>) src(%dma_wait3A_1555 : memref<32x128xf32, #tpu.memory_space<hbm>>) dst(%dma_wait3A_1553 : memref<32x128xf32, #tpu.memory_space<vmem>>)
      %dma_wait3A_1556 = arith.constant 5 : i32
      %dma_wait3A_1557 = arith.constant 0 : i32
      %dma_wait3A_1558 = arith.constant 0 : i32
      %dma_wait3A_1559 = tpu.memref_slice %arg12[%dma_wait3A_1556, %dma_wait3A_1557, %dma_wait3A_1558] : memref<8x32x128xf32, #tpu.memory_space<vmem>> -> memref<1x32x128xf32, #tpu.memory_space<vmem>>
      %dma_wait3A_1560 = tpu.memref_squeeze %dma_wait3A_1559 : memref<1x32x128xf32, #tpu.memory_space<vmem>> -> memref<32x128xf32, #tpu.memory_space<vmem>>
      %dma_wait3A_1561 = arith.constant 0 : i32
      %dma_wait3A_1562 = tpu.memref_slice %arg5[%dma_wait3A_1561, %multiple_of3A_1153] : memref<32x1000000xf32, #tpu.memory_space<hbm>> -> memref<32x128xf32, #tpu.memory_space<hbm>>
      %dma_wait3A_1563 = arith.constant 0 : i32
      %dma_wait3A_1564 = arith.constant 0 : i32
      %dma_wait3A_1565 = tpu.memref_slice %arg12[%dma_wait3A_1556, %dma_wait3A_1563, %dma_wait3A_1564] : memref<8x32x128xf32, #tpu.memory_space<vmem>> -> memref<1x32x128xf32, #tpu.memory_space<vmem>>
      %dma_wait3A_1566 = tpu.memref_squeeze %dma_wait3A_1565 : memref<1x32x128xf32, #tpu.memory_space<vmem>> -> memref<32x128xf32, #tpu.memory_space<vmem>>
      %dma_wait3A_1567 = arith.constant 0 : i32
      %dma_wait3A_1568 = tpu.memref_slice %arg5[%dma_wait3A_1567, %multiple_of3A_1153] : memref<32x1000000xf32, #tpu.memory_space<hbm>> -> memref<32x128xf32, #tpu.memory_space<hbm>>
      tpu.wait_dma2 semaphore(%arg17 : memref<!tpu.dma_semaphore, #tpu.memory_space<semaphore_mem>>) src(%dma_wait3A_1568 : memref<32x128xf32, #tpu.memory_space<hbm>>) dst(%dma_wait3A_1566 : memref<32x128xf32, #tpu.memory_space<vmem>>)
      %dma_wait3A_1569 = arith.constant 6 : i32
      %dma_wait3A_1570 = arith.constant 0 : i32
      %dma_wait3A_1571 = arith.constant 0 : i32
      %dma_wait3A_1572 = tpu.memref_slice %arg12[%dma_wait3A_1569, %dma_wait3A_1570, %dma_wait3A_1571] : memref<8x32x128xf32, #tpu.memory_space<vmem>> -> memref<1x32x128xf32, #tpu.memory_space<vmem>>
      %dma_wait3A_1573 = tpu.memref_squeeze %dma_wait3A_1572 : memref<1x32x128xf32, #tpu.memory_space<vmem>> -> memref<32x128xf32, #tpu.memory_space<vmem>>
      %dma_wait3A_1574 = arith.constant 0 : i32
      %dma_wait3A_1575 = tpu.memref_slice %arg5[%dma_wait3A_1574, %multiple_of3A_1171] : memref<32x1000000xf32, #tpu.memory_space<hbm>> -> memref<32x128xf32, #tpu.memory_space<hbm>>
      %dma_wait3A_1576 = arith.constant 0 : i32
      %dma_wait3A_1577 = arith.constant 0 : i32
      %dma_wait3A_1578 = tpu.memref_slice %arg12[%dma_wait3A_1569, %dma_wait3A_1576, %dma_wait3A_1577] : memref<8x32x128xf32, #tpu.memory_space<vmem>> -> memref<1x32x128xf32, #tpu.memory_space<vmem>>
      %dma_wait3A_1579 = tpu.memref_squeeze %dma_wait3A_1578 : memref<1x32x128xf32, #tpu.memory_space<vmem>> -> memref<32x128xf32, #tpu.memory_space<vmem>>
      %dma_wait3A_1580 = arith.constant 0 : i32
      %dma_wait3A_1581 = tpu.memref_slice %arg5[%dma_wait3A_1580, %multiple_of3A_1171] : memref<32x1000000xf32, #tpu.memory_space<hbm>> -> memref<32x128xf32, #tpu.memory_space<hbm>>
      tpu.wait_dma2 semaphore(%arg17 : memref<!tpu.dma_semaphore, #tpu.memory_space<semaphore_mem>>) src(%dma_wait3A_1581 : memref<32x128xf32, #tpu.memory_space<hbm>>) dst(%dma_wait3A_1579 : memref<32x128xf32, #tpu.memory_space<vmem>>)
      %dma_wait3A_1582 = arith.constant 7 : i32
      %dma_wait3A_1583 = arith.constant 0 : i32
      %dma_wait3A_1584 = arith.constant 0 : i32
      %dma_wait3A_1585 = tpu.memref_slice %arg12[%dma_wait3A_1582, %dma_wait3A_1583, %dma_wait3A_1584] : memref<8x32x128xf32, #tpu.memory_space<vmem>> -> memref<1x32x128xf32, #tpu.memory_space<vmem>>
      %dma_wait3A_1586 = tpu.memref_squeeze %dma_wait3A_1585 : memref<1x32x128xf32, #tpu.memory_space<vmem>> -> memref<32x128xf32, #tpu.memory_space<vmem>>
      %dma_wait3A_1587 = arith.constant 0 : i32
      %dma_wait3A_1588 = tpu.memref_slice %arg5[%dma_wait3A_1587, %multiple_of3A_1189] : memref<32x1000000xf32, #tpu.memory_space<hbm>> -> memref<32x128xf32, #tpu.memory_space<hbm>>
      %dma_wait3A_1589 = arith.constant 0 : i32
      %dma_wait3A_1590 = arith.constant 0 : i32
      %dma_wait3A_1591 = tpu.memref_slice %arg12[%dma_wait3A_1582, %dma_wait3A_1589, %dma_wait3A_1590] : memref<8x32x128xf32, #tpu.memory_space<vmem>> -> memref<1x32x128xf32, #tpu.memory_space<vmem>>
      %dma_wait3A_1592 = tpu.memref_squeeze %dma_wait3A_1591 : memref<1x32x128xf32, #tpu.memory_space<vmem>> -> memref<32x128xf32, #tpu.memory_space<vmem>>
      %dma_wait3A_1593 = arith.constant 0 : i32
      %dma_wait3A_1594 = tpu.memref_slice %arg5[%dma_wait3A_1593, %multiple_of3A_1189] : memref<32x1000000xf32, #tpu.memory_space<hbm>> -> memref<32x128xf32, #tpu.memory_space<hbm>>
      tpu.wait_dma2 semaphore(%arg17 : memref<!tpu.dma_semaphore, #tpu.memory_space<semaphore_mem>>) src(%dma_wait3A_1594 : memref<32x128xf32, #tpu.memory_space<hbm>>) dst(%dma_wait3A_1592 : memref<32x128xf32, #tpu.memory_space<vmem>>)
      %dma_wait3A_1595 = arith.constant 0 : i32
      %dma_wait3A_1596 = arith.constant 0 : i32
      %dma_wait3A_1597 = arith.constant 0 : i32
      %dma_wait3A_1598 = tpu.memref_slice %arg13[%dma_wait3A_1595, %dma_wait3A_1596, %dma_wait3A_1597] : memref<8x32x128xf32, #tpu.memory_space<vmem>> -> memref<1x32x128xf32, #tpu.memory_space<vmem>>
      %dma_wait3A_1599 = tpu.memref_squeeze %dma_wait3A_1598 : memref<1x32x128xf32, #tpu.memory_space<vmem>> -> memref<32x128xf32, #tpu.memory_space<vmem>>
      %dma_wait3A_1600 = arith.constant 0 : i32
      %dma_wait3A_1601 = tpu.memref_slice %arg6[%dma_wait3A_1600, %multiple_of3A_1207] : memref<32x1000000xf32, #tpu.memory_space<hbm>> -> memref<32x128xf32, #tpu.memory_space<hbm>>
      %dma_wait3A_1602 = arith.constant 0 : i32
      %dma_wait3A_1603 = arith.constant 0 : i32
      %dma_wait3A_1604 = tpu.memref_slice %arg13[%dma_wait3A_1595, %dma_wait3A_1602, %dma_wait3A_1603] : memref<8x32x128xf32, #tpu.memory_space<vmem>> -> memref<1x32x128xf32, #tpu.memory_space<vmem>>
      %dma_wait3A_1605 = tpu.memref_squeeze %dma_wait3A_1604 : memref<1x32x128xf32, #tpu.memory_space<vmem>> -> memref<32x128xf32, #tpu.memory_space<vmem>>
      %dma_wait3A_1606 = arith.constant 0 : i32
      %dma_wait3A_1607 = tpu.memref_slice %arg6[%dma_wait3A_1606, %multiple_of3A_1207] : memref<32x1000000xf32, #tpu.memory_space<hbm>> -> memref<32x128xf32, #tpu.memory_space<hbm>>
      tpu.wait_dma2 semaphore(%arg17 : memref<!tpu.dma_semaphore, #tpu.memory_space<semaphore_mem>>) src(%dma_wait3A_1607 : memref<32x128xf32, #tpu.memory_space<hbm>>) dst(%dma_wait3A_1605 : memref<32x128xf32, #tpu.memory_space<vmem>>)
      %dma_wait3A_1608 = arith.constant 1 : i32
      %dma_wait3A_1609 = arith.constant 0 : i32
      %dma_wait3A_1610 = arith.constant 0 : i32
      %dma_wait3A_1611 = tpu.memref_slice %arg13[%dma_wait3A_1608, %dma_wait3A_1609, %dma_wait3A_1610] : memref<8x32x128xf32, #tpu.memory_space<vmem>> -> memref<1x32x128xf32, #tpu.memory_space<vmem>>
      %dma_wait3A_1612 = tpu.memref_squeeze %dma_wait3A_1611 : memref<1x32x128xf32, #tpu.memory_space<vmem>> -> memref<32x128xf32, #tpu.memory_space<vmem>>
      %dma_wait3A_1613 = arith.constant 0 : i32
      %dma_wait3A_1614 = tpu.memref_slice %arg6[%dma_wait3A_1613, %multiple_of3A_1225] : memref<32x1000000xf32, #tpu.memory_space<hbm>> -> memref<32x128xf32, #tpu.memory_space<hbm>>
      %dma_wait3A_1615 = arith.constant 0 : i32
      %dma_wait3A_1616 = arith.constant 0 : i32
      %dma_wait3A_1617 = tpu.memref_slice %arg13[%dma_wait3A_1608, %dma_wait3A_1615, %dma_wait3A_1616] : memref<8x32x128xf32, #tpu.memory_space<vmem>> -> memref<1x32x128xf32, #tpu.memory_space<vmem>>
      %dma_wait3A_1618 = tpu.memref_squeeze %dma_wait3A_1617 : memref<1x32x128xf32, #tpu.memory_space<vmem>> -> memref<32x128xf32, #tpu.memory_space<vmem>>
      %dma_wait3A_1619 = arith.constant 0 : i32
      %dma_wait3A_1620 = tpu.memref_slice %arg6[%dma_wait3A_1619, %multiple_of3A_1225] : memref<32x1000000xf32, #tpu.memory_space<hbm>> -> memref<32x128xf32, #tpu.memory_space<hbm>>
      tpu.wait_dma2 semaphore(%arg17 : memref<!tpu.dma_semaphore, #tpu.memory_space<semaphore_mem>>) src(%dma_wait3A_1620 : memref<32x128xf32, #tpu.memory_space<hbm>>) dst(%dma_wait3A_1618 : memref<32x128xf32, #tpu.memory_space<vmem>>)
      %dma_wait3A_1621 = arith.constant 2 : i32
      %dma_wait3A_1622 = arith.constant 0 : i32
      %dma_wait3A_1623 = arith.constant 0 : i32
      %dma_wait3A_1624 = tpu.memref_slice %arg13[%dma_wait3A_1621, %dma_wait3A_1622, %dma_wait3A_1623] : memref<8x32x128xf32, #tpu.memory_space<vmem>> -> memref<1x32x128xf32, #tpu.memory_space<vmem>>
      %dma_wait3A_1625 = tpu.memref_squeeze %dma_wait3A_1624 : memref<1x32x128xf32, #tpu.memory_space<vmem>> -> memref<32x128xf32, #tpu.memory_space<vmem>>
      %dma_wait3A_1626 = arith.constant 0 : i32
      %dma_wait3A_1627 = tpu.memref_slice %arg6[%dma_wait3A_1626, %multiple_of3A_1243] : memref<32x1000000xf32, #tpu.memory_space<hbm>> -> memref<32x128xf32, #tpu.memory_space<hbm>>
      %dma_wait3A_1628 = arith.constant 0 : i32
      %dma_wait3A_1629 = arith.constant 0 : i32
      %dma_wait3A_1630 = tpu.memref_slice %arg13[%dma_wait3A_1621, %dma_wait3A_1628, %dma_wait3A_1629] : memref<8x32x128xf32, #tpu.memory_space<vmem>> -> memref<1x32x128xf32, #tpu.memory_space<vmem>>
      %dma_wait3A_1631 = tpu.memref_squeeze %dma_wait3A_1630 : memref<1x32x128xf32, #tpu.memory_space<vmem>> -> memref<32x128xf32, #tpu.memory_space<vmem>>
      %dma_wait3A_1632 = arith.constant 0 : i32
      %dma_wait3A_1633 = tpu.memref_slice %arg6[%dma_wait3A_1632, %multiple_of3A_1243] : memref<32x1000000xf32, #tpu.memory_space<hbm>> -> memref<32x128xf32, #tpu.memory_space<hbm>>
      tpu.wait_dma2 semaphore(%arg17 : memref<!tpu.dma_semaphore, #tpu.memory_space<semaphore_mem>>) src(%dma_wait3A_1633 : memref<32x128xf32, #tpu.memory_space<hbm>>) dst(%dma_wait3A_1631 : memref<32x128xf32, #tpu.memory_space<vmem>>)
      %dma_wait3A_1634 = arith.constant 3 : i32
      %dma_wait3A_1635 = arith.constant 0 : i32
      %dma_wait3A_1636 = arith.constant 0 : i32
      %dma_wait3A_1637 = tpu.memref_slice %arg13[%dma_wait3A_1634, %dma_wait3A_1635, %dma_wait3A_1636] : memref<8x32x128xf32, #tpu.memory_space<vmem>> -> memref<1x32x128xf32, #tpu.memory_space<vmem>>
      %dma_wait3A_1638 = tpu.memref_squeeze %dma_wait3A_1637 : memref<1x32x128xf32, #tpu.memory_space<vmem>> -> memref<32x128xf32, #tpu.memory_space<vmem>>
      %dma_wait3A_1639 = arith.constant 0 : i32
      %dma_wait3A_1640 = tpu.memref_slice %arg6[%dma_wait3A_1639, %multiple_of3A_1261] : memref<32x1000000xf32, #tpu.memory_space<hbm>> -> memref<32x128xf32, #tpu.memory_space<hbm>>
      %dma_wait3A_1641 = arith.constant 0 : i32
      %dma_wait3A_1642 = arith.constant 0 : i32
      %dma_wait3A_1643 = tpu.memref_slice %arg13[%dma_wait3A_1634, %dma_wait3A_1641, %dma_wait3A_1642] : memref<8x32x128xf32, #tpu.memory_space<vmem>> -> memref<1x32x128xf32, #tpu.memory_space<vmem>>
      %dma_wait3A_1644 = tpu.memref_squeeze %dma_wait3A_1643 : memref<1x32x128xf32, #tpu.memory_space<vmem>> -> memref<32x128xf32, #tpu.memory_space<vmem>>
      %dma_wait3A_1645 = arith.constant 0 : i32
      %dma_wait3A_1646 = tpu.memref_slice %arg6[%dma_wait3A_1645, %multiple_of3A_1261] : memref<32x1000000xf32, #tpu.memory_space<hbm>> -> memref<32x128xf32, #tpu.memory_space<hbm>>
      tpu.wait_dma2 semaphore(%arg17 : memref<!tpu.dma_semaphore, #tpu.memory_space<semaphore_mem>>) src(%dma_wait3A_1646 : memref<32x128xf32, #tpu.memory_space<hbm>>) dst(%dma_wait3A_1644 : memref<32x128xf32, #tpu.memory_space<vmem>>)
      %dma_wait3A_1647 = arith.constant 4 : i32
      %dma_wait3A_1648 = arith.constant 0 : i32
      %dma_wait3A_1649 = arith.constant 0 : i32
      %dma_wait3A_1650 = tpu.memref_slice %arg13[%dma_wait3A_1647, %dma_wait3A_1648, %dma_wait3A_1649] : memref<8x32x128xf32, #tpu.memory_space<vmem>> -> memref<1x32x128xf32, #tpu.memory_space<vmem>>
      %dma_wait3A_1651 = tpu.memref_squeeze %dma_wait3A_1650 : memref<1x32x128xf32, #tpu.memory_space<vmem>> -> memref<32x128xf32, #tpu.memory_space<vmem>>
      %dma_wait3A_1652 = arith.constant 0 : i32
      %dma_wait3A_1653 = tpu.memref_slice %arg6[%dma_wait3A_1652, %multiple_of3A_1279] : memref<32x1000000xf32, #tpu.memory_space<hbm>> -> memref<32x128xf32, #tpu.memory_space<hbm>>
      %dma_wait3A_1654 = arith.constant 0 : i32
      %dma_wait3A_1655 = arith.constant 0 : i32
      %dma_wait3A_1656 = tpu.memref_slice %arg13[%dma_wait3A_1647, %dma_wait3A_1654, %dma_wait3A_1655] : memref<8x32x128xf32, #tpu.memory_space<vmem>> -> memref<1x32x128xf32, #tpu.memory_space<vmem>>
      %dma_wait3A_1657 = tpu.memref_squeeze %dma_wait3A_1656 : memref<1x32x128xf32, #tpu.memory_space<vmem>> -> memref<32x128xf32, #tpu.memory_space<vmem>>
      %dma_wait3A_1658 = arith.constant 0 : i32
      %dma_wait3A_1659 = tpu.memref_slice %arg6[%dma_wait3A_1658, %multiple_of3A_1279] : memref<32x1000000xf32, #tpu.memory_space<hbm>> -> memref<32x128xf32, #tpu.memory_space<hbm>>
      tpu.wait_dma2 semaphore(%arg17 : memref<!tpu.dma_semaphore, #tpu.memory_space<semaphore_mem>>) src(%dma_wait3A_1659 : memref<32x128xf32, #tpu.memory_space<hbm>>) dst(%dma_wait3A_1657 : memref<32x128xf32, #tpu.memory_space<vmem>>)
      %dma_wait3A_1660 = arith.constant 5 : i32
      %dma_wait3A_1661 = arith.constant 0 : i32
      %dma_wait3A_1662 = arith.constant 0 : i32
      %dma_wait3A_1663 = tpu.memref_slice %arg13[%dma_wait3A_1660, %dma_wait3A_1661, %dma_wait3A_1662] : memref<8x32x128xf32, #tpu.memory_space<vmem>> -> memref<1x32x128xf32, #tpu.memory_space<vmem>>
      %dma_wait3A_1664 = tpu.memref_squeeze %dma_wait3A_1663 : memref<1x32x128xf32, #tpu.memory_space<vmem>> -> memref<32x128xf32, #tpu.memory_space<vmem>>
      %dma_wait3A_1665 = arith.constant 0 : i32
      %dma_wait3A_1666 = tpu.memref_slice %arg6[%dma_wait3A_1665, %multiple_of3A_1297] : memref<32x1000000xf32, #tpu.memory_space<hbm>> -> memref<32x128xf32, #tpu.memory_space<hbm>>
      %dma_wait3A_1667 = arith.constant 0 : i32
      %dma_wait3A_1668 = arith.constant 0 : i32
      %dma_wait3A_1669 = tpu.memref_slice %arg13[%dma_wait3A_1660, %dma_wait3A_1667, %dma_wait3A_1668] : memref<8x32x128xf32, #tpu.memory_space<vmem>> -> memref<1x32x128xf32, #tpu.memory_space<vmem>>
      %dma_wait3A_1670 = tpu.memref_squeeze %dma_wait3A_1669 : memref<1x32x128xf32, #tpu.memory_space<vmem>> -> memref<32x128xf32, #tpu.memory_space<vmem>>
      %dma_wait3A_1671 = arith.constant 0 : i32
      %dma_wait3A_1672 = tpu.memref_slice %arg6[%dma_wait3A_1671, %multiple_of3A_1297] : memref<32x1000000xf32, #tpu.memory_space<hbm>> -> memref<32x128xf32, #tpu.memory_space<hbm>>
      tpu.wait_dma2 semaphore(%arg17 : memref<!tpu.dma_semaphore, #tpu.memory_space<semaphore_mem>>) src(%dma_wait3A_1672 : memref<32x128xf32, #tpu.memory_space<hbm>>) dst(%dma_wait3A_1670 : memref<32x128xf32, #tpu.memory_space<vmem>>)
      %dma_wait3A_1673 = arith.constant 6 : i32
      %dma_wait3A_1674 = arith.constant 0 : i32
      %dma_wait3A_1675 = arith.constant 0 : i32
      %dma_wait3A_1676 = tpu.memref_slice %arg13[%dma_wait3A_1673, %dma_wait3A_1674, %dma_wait3A_1675] : memref<8x32x128xf32, #tpu.memory_space<vmem>> -> memref<1x32x128xf32, #tpu.memory_space<vmem>>
      %dma_wait3A_1677 = tpu.memref_squeeze %dma_wait3A_1676 : memref<1x32x128xf32, #tpu.memory_space<vmem>> -> memref<32x128xf32, #tpu.memory_space<vmem>>
      %dma_wait3A_1678 = arith.constant 0 : i32
      %dma_wait3A_1679 = tpu.memref_slice %arg6[%dma_wait3A_1678, %multiple_of3A_1315] : memref<32x1000000xf32, #tpu.memory_space<hbm>> -> memref<32x128xf32, #tpu.memory_space<hbm>>
      %dma_wait3A_1680 = arith.constant 0 : i32
      %dma_wait3A_1681 = arith.constant 0 : i32
      %dma_wait3A_1682 = tpu.memref_slice %arg13[%dma_wait3A_1673, %dma_wait3A_1680, %dma_wait3A_1681] : memref<8x32x128xf32, #tpu.memory_space<vmem>> -> memref<1x32x128xf32, #tpu.memory_space<vmem>>
      %dma_wait3A_1683 = tpu.memref_squeeze %dma_wait3A_1682 : memref<1x32x128xf32, #tpu.memory_space<vmem>> -> memref<32x128xf32, #tpu.memory_space<vmem>>
      %dma_wait3A_1684 = arith.constant 0 : i32
      %dma_wait3A_1685 = tpu.memref_slice %arg6[%dma_wait3A_1684, %multiple_of3A_1315] : memref<32x1000000xf32, #tpu.memory_space<hbm>> -> memref<32x128xf32, #tpu.memory_space<hbm>>
      tpu.wait_dma2 semaphore(%arg17 : memref<!tpu.dma_semaphore, #tpu.memory_space<semaphore_mem>>) src(%dma_wait3A_1685 : memref<32x128xf32, #tpu.memory_space<hbm>>) dst(%dma_wait3A_1683 : memref<32x128xf32, #tpu.memory_space<vmem>>)
      %dma_wait3A_1686 = arith.constant 7 : i32
      %dma_wait3A_1687 = arith.constant 0 : i32
      %dma_wait3A_1688 = arith.constant 0 : i32
      %dma_wait3A_1689 = tpu.memref_slice %arg13[%dma_wait3A_1686, %dma_wait3A_1687, %dma_wait3A_1688] : memref<8x32x128xf32, #tpu.memory_space<vmem>> -> memref<1x32x128xf32, #tpu.memory_space<vmem>>
      %dma_wait3A_1690 = tpu.memref_squeeze %dma_wait3A_1689 : memref<1x32x128xf32, #tpu.memory_space<vmem>> -> memref<32x128xf32, #tpu.memory_space<vmem>>
      %dma_wait3A_1691 = arith.constant 0 : i32
      %dma_wait3A_1692 = tpu.memref_slice %arg6[%dma_wait3A_1691, %multiple_of3A_1333] : memref<32x1000000xf32, #tpu.memory_space<hbm>> -> memref<32x128xf32, #tpu.memory_space<hbm>>
      %dma_wait3A_1693 = arith.constant 0 : i32
      %dma_wait3A_1694 = arith.constant 0 : i32
      %dma_wait3A_1695 = tpu.memref_slice %arg13[%dma_wait3A_1686, %dma_wait3A_1693, %dma_wait3A_1694] : memref<8x32x128xf32, #tpu.memory_space<vmem>> -> memref<1x32x128xf32, #tpu.memory_space<vmem>>
      %dma_wait3A_1696 = tpu.memref_squeeze %dma_wait3A_1695 : memref<1x32x128xf32, #tpu.memory_space<vmem>> -> memref<32x128xf32, #tpu.memory_space<vmem>>
      %dma_wait3A_1697 = arith.constant 0 : i32
      %dma_wait3A_1698 = tpu.memref_slice %arg6[%dma_wait3A_1697, %multiple_of3A_1333] : memref<32x1000000xf32, #tpu.memory_space<hbm>> -> memref<32x128xf32, #tpu.memory_space<hbm>>
      tpu.wait_dma2 semaphore(%arg17 : memref<!tpu.dma_semaphore, #tpu.memory_space<semaphore_mem>>) src(%dma_wait3A_1698 : memref<32x128xf32, #tpu.memory_space<hbm>>) dst(%dma_wait3A_1696 : memref<32x128xf32, #tpu.memory_space<vmem>>)
      %dma_wait3A_1699 = arith.constant 0 : i32
      %dma_wait3A_1700 = arith.constant 0 : i32
      %dma_wait3A_1701 = arith.constant 0 : i32
      %dma_wait3A_1702 = tpu.memref_slice %arg14[%dma_wait3A_1699, %dma_wait3A_1700, %dma_wait3A_1701] : memref<8x32x128xf32, #tpu.memory_space<vmem>> -> memref<1x32x128xf32, #tpu.memory_space<vmem>>
      %dma_wait3A_1703 = tpu.memref_squeeze %dma_wait3A_1702 : memref<1x32x128xf32, #tpu.memory_space<vmem>> -> memref<32x128xf32, #tpu.memory_space<vmem>>
      %dma_wait3A_1704 = arith.constant 0 : i32
      %dma_wait3A_1705 = tpu.memref_slice %arg6[%dma_wait3A_1704, %multiple_of3A_1351] : memref<32x1000000xf32, #tpu.memory_space<hbm>> -> memref<32x128xf32, #tpu.memory_space<hbm>>
      %dma_wait3A_1706 = arith.constant 0 : i32
      %dma_wait3A_1707 = arith.constant 0 : i32
      %dma_wait3A_1708 = tpu.memref_slice %arg14[%dma_wait3A_1699, %dma_wait3A_1706, %dma_wait3A_1707] : memref<8x32x128xf32, #tpu.memory_space<vmem>> -> memref<1x32x128xf32, #tpu.memory_space<vmem>>
      %dma_wait3A_1709 = tpu.memref_squeeze %dma_wait3A_1708 : memref<1x32x128xf32, #tpu.memory_space<vmem>> -> memref<32x128xf32, #tpu.memory_space<vmem>>
      %dma_wait3A_1710 = arith.constant 0 : i32
      %dma_wait3A_1711 = tpu.memref_slice %arg6[%dma_wait3A_1710, %multiple_of3A_1351] : memref<32x1000000xf32, #tpu.memory_space<hbm>> -> memref<32x128xf32, #tpu.memory_space<hbm>>
      tpu.wait_dma2 semaphore(%arg17 : memref<!tpu.dma_semaphore, #tpu.memory_space<semaphore_mem>>) src(%dma_wait3A_1711 : memref<32x128xf32, #tpu.memory_space<hbm>>) dst(%dma_wait3A_1709 : memref<32x128xf32, #tpu.memory_space<vmem>>)
      %dma_wait3A_1712 = arith.constant 1 : i32
      %dma_wait3A_1713 = arith.constant 0 : i32
      %dma_wait3A_1714 = arith.constant 0 : i32
      %dma_wait3A_1715 = tpu.memref_slice %arg14[%dma_wait3A_1712, %dma_wait3A_1713, %dma_wait3A_1714] : memref<8x32x128xf32, #tpu.memory_space<vmem>> -> memref<1x32x128xf32, #tpu.memory_space<vmem>>
      %dma_wait3A_1716 = tpu.memref_squeeze %dma_wait3A_1715 : memref<1x32x128xf32, #tpu.memory_space<vmem>> -> memref<32x128xf32, #tpu.memory_space<vmem>>
      %dma_wait3A_1717 = arith.constant 0 : i32
      %dma_wait3A_1718 = tpu.memref_slice %arg6[%dma_wait3A_1717, %multiple_of3A_1369] : memref<32x1000000xf32, #tpu.memory_space<hbm>> -> memref<32x128xf32, #tpu.memory_space<hbm>>
      %dma_wait3A_1719 = arith.constant 0 : i32
      %dma_wait3A_1720 = arith.constant 0 : i32
      %dma_wait3A_1721 = tpu.memref_slice %arg14[%dma_wait3A_1712, %dma_wait3A_1719, %dma_wait3A_1720] : memref<8x32x128xf32, #tpu.memory_space<vmem>> -> memref<1x32x128xf32, #tpu.memory_space<vmem>>
      %dma_wait3A_1722 = tpu.memref_squeeze %dma_wait3A_1721 : memref<1x32x128xf32, #tpu.memory_space<vmem>> -> memref<32x128xf32, #tpu.memory_space<vmem>>
      %dma_wait3A_1723 = arith.constant 0 : i32
      %dma_wait3A_1724 = tpu.memref_slice %arg6[%dma_wait3A_1723, %multiple_of3A_1369] : memref<32x1000000xf32, #tpu.memory_space<hbm>> -> memref<32x128xf32, #tpu.memory_space<hbm>>
      tpu.wait_dma2 semaphore(%arg17 : memref<!tpu.dma_semaphore, #tpu.memory_space<semaphore_mem>>) src(%dma_wait3A_1724 : memref<32x128xf32, #tpu.memory_space<hbm>>) dst(%dma_wait3A_1722 : memref<32x128xf32, #tpu.memory_space<vmem>>)
      %dma_wait3A_1725 = arith.constant 2 : i32
      %dma_wait3A_1726 = arith.constant 0 : i32
      %dma_wait3A_1727 = arith.constant 0 : i32
      %dma_wait3A_1728 = tpu.memref_slice %arg14[%dma_wait3A_1725, %dma_wait3A_1726, %dma_wait3A_1727] : memref<8x32x128xf32, #tpu.memory_space<vmem>> -> memref<1x32x128xf32, #tpu.memory_space<vmem>>
      %dma_wait3A_1729 = tpu.memref_squeeze %dma_wait3A_1728 : memref<1x32x128xf32, #tpu.memory_space<vmem>> -> memref<32x128xf32, #tpu.memory_space<vmem>>
      %dma_wait3A_1730 = arith.constant 0 : i32
      %dma_wait3A_1731 = tpu.memref_slice %arg6[%dma_wait3A_1730, %multiple_of3A_1387] : memref<32x1000000xf32, #tpu.memory_space<hbm>> -> memref<32x128xf32, #tpu.memory_space<hbm>>
      %dma_wait3A_1732 = arith.constant 0 : i32
      %dma_wait3A_1733 = arith.constant 0 : i32
      %dma_wait3A_1734 = tpu.memref_slice %arg14[%dma_wait3A_1725, %dma_wait3A_1732, %dma_wait3A_1733] : memref<8x32x128xf32, #tpu.memory_space<vmem>> -> memref<1x32x128xf32, #tpu.memory_space<vmem>>
      %dma_wait3A_1735 = tpu.memref_squeeze %dma_wait3A_1734 : memref<1x32x128xf32, #tpu.memory_space<vmem>> -> memref<32x128xf32, #tpu.memory_space<vmem>>
      %dma_wait3A_1736 = arith.constant 0 : i32
      %dma_wait3A_1737 = tpu.memref_slice %arg6[%dma_wait3A_1736, %multiple_of3A_1387] : memref<32x1000000xf32, #tpu.memory_space<hbm>> -> memref<32x128xf32, #tpu.memory_space<hbm>>
      tpu.wait_dma2 semaphore(%arg17 : memref<!tpu.dma_semaphore, #tpu.memory_space<semaphore_mem>>) src(%dma_wait3A_1737 : memref<32x128xf32, #tpu.memory_space<hbm>>) dst(%dma_wait3A_1735 : memref<32x128xf32, #tpu.memory_space<vmem>>)
      %dma_wait3A_1738 = arith.constant 3 : i32
      %dma_wait3A_1739 = arith.constant 0 : i32
      %dma_wait3A_1740 = arith.constant 0 : i32
      %dma_wait3A_1741 = tpu.memref_slice %arg14[%dma_wait3A_1738, %dma_wait3A_1739, %dma_wait3A_1740] : memref<8x32x128xf32, #tpu.memory_space<vmem>> -> memref<1x32x128xf32, #tpu.memory_space<vmem>>
      %dma_wait3A_1742 = tpu.memref_squeeze %dma_wait3A_1741 : memref<1x32x128xf32, #tpu.memory_space<vmem>> -> memref<32x128xf32, #tpu.memory_space<vmem>>
      %dma_wait3A_1743 = arith.constant 0 : i32
      %dma_wait3A_1744 = tpu.memref_slice %arg6[%dma_wait3A_1743, %multiple_of3A_1405] : memref<32x1000000xf32, #tpu.memory_space<hbm>> -> memref<32x128xf32, #tpu.memory_space<hbm>>
      %dma_wait3A_1745 = arith.constant 0 : i32
      %dma_wait3A_1746 = arith.constant 0 : i32
      %dma_wait3A_1747 = tpu.memref_slice %arg14[%dma_wait3A_1738, %dma_wait3A_1745, %dma_wait3A_1746] : memref<8x32x128xf32, #tpu.memory_space<vmem>> -> memref<1x32x128xf32, #tpu.memory_space<vmem>>
      %dma_wait3A_1748 = tpu.memref_squeeze %dma_wait3A_1747 : memref<1x32x128xf32, #tpu.memory_space<vmem>> -> memref<32x128xf32, #tpu.memory_space<vmem>>
      %dma_wait3A_1749 = arith.constant 0 : i32
      %dma_wait3A_1750 = tpu.memref_slice %arg6[%dma_wait3A_1749, %multiple_of3A_1405] : memref<32x1000000xf32, #tpu.memory_space<hbm>> -> memref<32x128xf32, #tpu.memory_space<hbm>>
      tpu.wait_dma2 semaphore(%arg17 : memref<!tpu.dma_semaphore, #tpu.memory_space<semaphore_mem>>) src(%dma_wait3A_1750 : memref<32x128xf32, #tpu.memory_space<hbm>>) dst(%dma_wait3A_1748 : memref<32x128xf32, #tpu.memory_space<vmem>>)
      %dma_wait3A_1751 = arith.constant 4 : i32
      %dma_wait3A_1752 = arith.constant 0 : i32
      %dma_wait3A_1753 = arith.constant 0 : i32
      %dma_wait3A_1754 = tpu.memref_slice %arg14[%dma_wait3A_1751, %dma_wait3A_1752, %dma_wait3A_1753] : memref<8x32x128xf32, #tpu.memory_space<vmem>> -> memref<1x32x128xf32, #tpu.memory_space<vmem>>
      %dma_wait3A_1755 = tpu.memref_squeeze %dma_wait3A_1754 : memref<1x32x128xf32, #tpu.memory_space<vmem>> -> memref<32x128xf32, #tpu.memory_space<vmem>>
      %dma_wait3A_1756 = arith.constant 0 : i32
      %dma_wait3A_1757 = tpu.memref_slice %arg6[%dma_wait3A_1756, %multiple_of3A_1423] : memref<32x1000000xf32, #tpu.memory_space<hbm>> -> memref<32x128xf32, #tpu.memory_space<hbm>>
      %dma_wait3A_1758 = arith.constant 0 : i32
      %dma_wait3A_1759 = arith.constant 0 : i32
      %dma_wait3A_1760 = tpu.memref_slice %arg14[%dma_wait3A_1751, %dma_wait3A_1758, %dma_wait3A_1759] : memref<8x32x128xf32, #tpu.memory_space<vmem>> -> memref<1x32x128xf32, #tpu.memory_space<vmem>>
      %dma_wait3A_1761 = tpu.memref_squeeze %dma_wait3A_1760 : memref<1x32x128xf32, #tpu.memory_space<vmem>> -> memref<32x128xf32, #tpu.memory_space<vmem>>
      %dma_wait3A_1762 = arith.constant 0 : i32
      %dma_wait3A_1763 = tpu.memref_slice %arg6[%dma_wait3A_1762, %multiple_of3A_1423] : memref<32x1000000xf32, #tpu.memory_space<hbm>> -> memref<32x128xf32, #tpu.memory_space<hbm>>
      tpu.wait_dma2 semaphore(%arg17 : memref<!tpu.dma_semaphore, #tpu.memory_space<semaphore_mem>>) src(%dma_wait3A_1763 : memref<32x128xf32, #tpu.memory_space<hbm>>) dst(%dma_wait3A_1761 : memref<32x128xf32, #tpu.memory_space<vmem>>)
      %dma_wait3A_1764 = arith.constant 5 : i32
      %dma_wait3A_1765 = arith.constant 0 : i32
      %dma_wait3A_1766 = arith.constant 0 : i32
      %dma_wait3A_1767 = tpu.memref_slice %arg14[%dma_wait3A_1764, %dma_wait3A_1765, %dma_wait3A_1766] : memref<8x32x128xf32, #tpu.memory_space<vmem>> -> memref<1x32x128xf32, #tpu.memory_space<vmem>>
      %dma_wait3A_1768 = tpu.memref_squeeze %dma_wait3A_1767 : memref<1x32x128xf32, #tpu.memory_space<vmem>> -> memref<32x128xf32, #tpu.memory_space<vmem>>
      %dma_wait3A_1769 = arith.constant 0 : i32
      %dma_wait3A_1770 = tpu.memref_slice %arg6[%dma_wait3A_1769, %multiple_of3A_1441] : memref<32x1000000xf32, #tpu.memory_space<hbm>> -> memref<32x128xf32, #tpu.memory_space<hbm>>
      %dma_wait3A_1771 = arith.constant 0 : i32
      %dma_wait3A_1772 = arith.constant 0 : i32
      %dma_wait3A_1773 = tpu.memref_slice %arg14[%dma_wait3A_1764, %dma_wait3A_1771, %dma_wait3A_1772] : memref<8x32x128xf32, #tpu.memory_space<vmem>> -> memref<1x32x128xf32, #tpu.memory_space<vmem>>
      %dma_wait3A_1774 = tpu.memref_squeeze %dma_wait3A_1773 : memref<1x32x128xf32, #tpu.memory_space<vmem>> -> memref<32x128xf32, #tpu.memory_space<vmem>>
      %dma_wait3A_1775 = arith.constant 0 : i32
      %dma_wait3A_1776 = tpu.memref_slice %arg6[%dma_wait3A_1775, %multiple_of3A_1441] : memref<32x1000000xf32, #tpu.memory_space<hbm>> -> memref<32x128xf32, #tpu.memory_space<hbm>>
      tpu.wait_dma2 semaphore(%arg17 : memref<!tpu.dma_semaphore, #tpu.memory_space<semaphore_mem>>) src(%dma_wait3A_1776 : memref<32x128xf32, #tpu.memory_space<hbm>>) dst(%dma_wait3A_1774 : memref<32x128xf32, #tpu.memory_space<vmem>>)
      %dma_wait3A_1777 = arith.constant 6 : i32
      %dma_wait3A_1778 = arith.constant 0 : i32
      %dma_wait3A_1779 = arith.constant 0 : i32
      %dma_wait3A_1780 = tpu.memref_slice %arg14[%dma_wait3A_1777, %dma_wait3A_1778, %dma_wait3A_1779] : memref<8x32x128xf32, #tpu.memory_space<vmem>> -> memref<1x32x128xf32, #tpu.memory_space<vmem>>
      %dma_wait3A_1781 = tpu.memref_squeeze %dma_wait3A_1780 : memref<1x32x128xf32, #tpu.memory_space<vmem>> -> memref<32x128xf32, #tpu.memory_space<vmem>>
      %dma_wait3A_1782 = arith.constant 0 : i32
      %dma_wait3A_1783 = tpu.memref_slice %arg6[%dma_wait3A_1782, %multiple_of3A_1459] : memref<32x1000000xf32, #tpu.memory_space<hbm>> -> memref<32x128xf32, #tpu.memory_space<hbm>>
      %dma_wait3A_1784 = arith.constant 0 : i32
      %dma_wait3A_1785 = arith.constant 0 : i32
      %dma_wait3A_1786 = tpu.memref_slice %arg14[%dma_wait3A_1777, %dma_wait3A_1784, %dma_wait3A_1785] : memref<8x32x128xf32, #tpu.memory_space<vmem>> -> memref<1x32x128xf32, #tpu.memory_space<vmem>>
      %dma_wait3A_1787 = tpu.memref_squeeze %dma_wait3A_1786 : memref<1x32x128xf32, #tpu.memory_space<vmem>> -> memref<32x128xf32, #tpu.memory_space<vmem>>
      %dma_wait3A_1788 = arith.constant 0 : i32
      %dma_wait3A_1789 = tpu.memref_slice %arg6[%dma_wait3A_1788, %multiple_of3A_1459] : memref<32x1000000xf32, #tpu.memory_space<hbm>> -> memref<32x128xf32, #tpu.memory_space<hbm>>
      tpu.wait_dma2 semaphore(%arg17 : memref<!tpu.dma_semaphore, #tpu.memory_space<semaphore_mem>>) src(%dma_wait3A_1789 : memref<32x128xf32, #tpu.memory_space<hbm>>) dst(%dma_wait3A_1787 : memref<32x128xf32, #tpu.memory_space<vmem>>)
      %dma_wait3A_1790 = arith.constant 7 : i32
      %dma_wait3A_1791 = arith.constant 0 : i32
      %dma_wait3A_1792 = arith.constant 0 : i32
      %dma_wait3A_1793 = tpu.memref_slice %arg14[%dma_wait3A_1790, %dma_wait3A_1791, %dma_wait3A_1792] : memref<8x32x128xf32, #tpu.memory_space<vmem>> -> memref<1x32x128xf32, #tpu.memory_space<vmem>>
      %dma_wait3A_1794 = tpu.memref_squeeze %dma_wait3A_1793 : memref<1x32x128xf32, #tpu.memory_space<vmem>> -> memref<32x128xf32, #tpu.memory_space<vmem>>
      %dma_wait3A_1795 = arith.constant 0 : i32
      %dma_wait3A_1796 = tpu.memref_slice %arg6[%dma_wait3A_1795, %multiple_of3A_1477] : memref<32x1000000xf32, #tpu.memory_space<hbm>> -> memref<32x128xf32, #tpu.memory_space<hbm>>
      %dma_wait3A_1797 = arith.constant 0 : i32
      %dma_wait3A_1798 = arith.constant 0 : i32
      %dma_wait3A_1799 = tpu.memref_slice %arg14[%dma_wait3A_1790, %dma_wait3A_1797, %dma_wait3A_1798] : memref<8x32x128xf32, #tpu.memory_space<vmem>> -> memref<1x32x128xf32, #tpu.memory_space<vmem>>
      %dma_wait3A_1800 = tpu.memref_squeeze %dma_wait3A_1799 : memref<1x32x128xf32, #tpu.memory_space<vmem>> -> memref<32x128xf32, #tpu.memory_space<vmem>>
      %dma_wait3A_1801 = arith.constant 0 : i32
      %dma_wait3A_1802 = tpu.memref_slice %arg6[%dma_wait3A_1801, %multiple_of3A_1477] : memref<32x1000000xf32, #tpu.memory_space<hbm>> -> memref<32x128xf32, #tpu.memory_space<hbm>>
      tpu.wait_dma2 semaphore(%arg17 : memref<!tpu.dma_semaphore, #tpu.memory_space<semaphore_mem>>) src(%dma_wait3A_1802 : memref<32x128xf32, #tpu.memory_space<hbm>>) dst(%dma_wait3A_1800 : memref<32x128xf32, #tpu.memory_space<vmem>>)
      %sub3A_1803 = arith.constant 8 : i32
      %sub3A_1804 = vector.broadcast %sub3A_1803 : i32 to vector<16xi32>
      %sub3A_1805 = arith.subi %iota3A, %sub3A_1804 : vector<16xi32>
      %jit3A_1806 = arith.constant 0 : i32
      %jit3A_1807 = arith.constant 7 : i32
      %max3A_1808 = vector.broadcast %jit3A_1806 : i32 to vector<16xi32>
      %max3A_1809 = arith.maxsi %max3A_1808, %sub3A_1805 : vector<16xi32>
      %min3A_1810 = vector.broadcast %jit3A_1807 : i32 to vector<16xi32>
      %min3A_1811 = arith.minsi %min3A_1810, %max3A_1809 : vector<16xi32>
      %broadcast_in_dim3A_1812 = arith.constant 0.000000e+00 : f32
      %broadcast_in_dim3A_1813 = vector.broadcast %broadcast_in_dim3A_1812 : f32 to vector<16xf32>
      %broadcast_in_dim3A_1814 = arith.constant 0.000000e+00 : f32
      %broadcast_in_dim3A_1815 = vector.broadcast %broadcast_in_dim3A_1814 : f32 to vector<16xf32>
      %broadcast_in_dim3A_1816 = arith.constant 0 : i32
      %broadcast_in_dim3A_1817 = vector.broadcast %broadcast_in_dim3A_1816 : i32 to vector<16xi32>
      %gather3A_1818 = tpu.vector_load_idx %arg12[%min3A_1811, %broadcast_in_dim3A_1817, %and3A_17] : memref<8x32x128xf32, #tpu.memory_space<vmem>>[vector<16xi32>, vector<16xi32>, vector<16xi32>], vector<16xf32>,
      %gather3A_1819 = tpu.vector_load_idx %arg13[%min3A_1811, %broadcast_in_dim3A_1817, %and3A_20] : memref<8x32x128xf32, #tpu.memory_space<vmem>>[vector<16xi32>, vector<16xi32>, vector<16xi32>], vector<16xf32>,
      %gather3A_1820 = tpu.vector_load_idx %arg14[%min3A_1811, %broadcast_in_dim3A_1817, %and3A_23] : memref<8x32x128xf32, #tpu.memory_space<vmem>>[vector<16xi32>, vector<16xi32>, vector<16xi32>], vector<16xf32>,
      %mul3A_1821 = arith.mulf %gather3A_1818, %gather3A_1819 : vector<16xf32>
      %add3A_1822 = arith.addf %broadcast_in_dim3A_1813, %mul3A_1821 : vector<16xf32>
      %mul3A_1823 = arith.mulf %gather3A_1818, %gather3A_1820 : vector<16xf32>
      %add3A_1824 = arith.addf %broadcast_in_dim3A_1815, %mul3A_1823 : vector<16xf32>
      %broadcast_in_dim3A_1825 = arith.constant 1 : i32
      %broadcast_in_dim3A_1826 = vector.broadcast %broadcast_in_dim3A_1825 : i32 to vector<16xi32>
      %gather3A_1827 = tpu.vector_load_idx %arg12[%min3A_1811, %broadcast_in_dim3A_1826, %and3A_17] : memref<8x32x128xf32, #tpu.memory_space<vmem>>[vector<16xi32>, vector<16xi32>, vector<16xi32>], vector<16xf32>,
      %gather3A_1828 = tpu.vector_load_idx %arg13[%min3A_1811, %broadcast_in_dim3A_1826, %and3A_20] : memref<8x32x128xf32, #tpu.memory_space<vmem>>[vector<16xi32>, vector<16xi32>, vector<16xi32>], vector<16xf32>,
      %gather3A_1829 = tpu.vector_load_idx %arg14[%min3A_1811, %broadcast_in_dim3A_1826, %and3A_23] : memref<8x32x128xf32, #tpu.memory_space<vmem>>[vector<16xi32>, vector<16xi32>, vector<16xi32>], vector<16xf32>,
      %mul3A_1830 = arith.mulf %gather3A_1827, %gather3A_1828 : vector<16xf32>
      %add3A_1831 = arith.addf %add3A_1822, %mul3A_1830 : vector<16xf32>
      %mul3A_1832 = arith.mulf %gather3A_1827, %gather3A_1829 : vector<16xf32>
      %add3A_1833 = arith.addf %add3A_1824, %mul3A_1832 : vector<16xf32>
      %broadcast_in_dim3A_1834 = arith.constant 2 : i32
      %broadcast_in_dim3A_1835 = vector.broadcast %broadcast_in_dim3A_1834 : i32 to vector<16xi32>
      %gather3A_1836 = tpu.vector_load_idx %arg12[%min3A_1811, %broadcast_in_dim3A_1835, %and3A_17] : memref<8x32x128xf32, #tpu.memory_space<vmem>>[vector<16xi32>, vector<16xi32>, vector<16xi32>], vector<16xf32>,
      %gather3A_1837 = tpu.vector_load_idx %arg13[%min3A_1811, %broadcast_in_dim3A_1835, %and3A_20] : memref<8x32x128xf32, #tpu.memory_space<vmem>>[vector<16xi32>, vector<16xi32>, vector<16xi32>], vector<16xf32>,
      %gather3A_1838 = tpu.vector_load_idx %arg14[%min3A_1811, %broadcast_in_dim3A_1835, %and3A_23] : memref<8x32x128xf32, #tpu.memory_space<vmem>>[vector<16xi32>, vector<16xi32>, vector<16xi32>], vector<16xf32>,
      %mul3A_1839 = arith.mulf %gather3A_1836, %gather3A_1837 : vector<16xf32>
      %add3A_1840 = arith.addf %add3A_1831, %mul3A_1839 : vector<16xf32>
      %mul3A_1841 = arith.mulf %gather3A_1836, %gather3A_1838 : vector<16xf32>
      %add3A_1842 = arith.addf %add3A_1833, %mul3A_1841 : vector<16xf32>
      %broadcast_in_dim3A_1843 = arith.constant 3 : i32
      %broadcast_in_dim3A_1844 = vector.broadcast %broadcast_in_dim3A_1843 : i32 to vector<16xi32>
      %gather3A_1845 = tpu.vector_load_idx %arg12[%min3A_1811, %broadcast_in_dim3A_1844, %and3A_17] : memref<8x32x128xf32, #tpu.memory_space<vmem>>[vector<16xi32>, vector<16xi32>, vector<16xi32>], vector<16xf32>,
      %gather3A_1846 = tpu.vector_load_idx %arg13[%min3A_1811, %broadcast_in_dim3A_1844, %and3A_20] : memref<8x32x128xf32, #tpu.memory_space<vmem>>[vector<16xi32>, vector<16xi32>, vector<16xi32>], vector<16xf32>,
      %gather3A_1847 = tpu.vector_load_idx %arg14[%min3A_1811, %broadcast_in_dim3A_1844, %and3A_23] : memref<8x32x128xf32, #tpu.memory_space<vmem>>[vector<16xi32>, vector<16xi32>, vector<16xi32>], vector<16xf32>,
      %mul3A_1848 = arith.mulf %gather3A_1845, %gather3A_1846 : vector<16xf32>
      %add3A_1849 = arith.addf %add3A_1840, %mul3A_1848 : vector<16xf32>
      %mul3A_1850 = arith.mulf %gather3A_1845, %gather3A_1847 : vector<16xf32>
      %add3A_1851 = arith.addf %add3A_1842, %mul3A_1850 : vector<16xf32>
      %broadcast_in_dim3A_1852 = arith.constant 4 : i32
      %broadcast_in_dim3A_1853 = vector.broadcast %broadcast_in_dim3A_1852 : i32 to vector<16xi32>
      %gather3A_1854 = tpu.vector_load_idx %arg12[%min3A_1811, %broadcast_in_dim3A_1853, %and3A_17] : memref<8x32x128xf32, #tpu.memory_space<vmem>>[vector<16xi32>, vector<16xi32>, vector<16xi32>], vector<16xf32>,
      %gather3A_1855 = tpu.vector_load_idx %arg13[%min3A_1811, %broadcast_in_dim3A_1853, %and3A_20] : memref<8x32x128xf32, #tpu.memory_space<vmem>>[vector<16xi32>, vector<16xi32>, vector<16xi32>], vector<16xf32>,
      %gather3A_1856 = tpu.vector_load_idx %arg14[%min3A_1811, %broadcast_in_dim3A_1853, %and3A_23] : memref<8x32x128xf32, #tpu.memory_space<vmem>>[vector<16xi32>, vector<16xi32>, vector<16xi32>], vector<16xf32>,
      %mul3A_1857 = arith.mulf %gather3A_1854, %gather3A_1855 : vector<16xf32>
      %add3A_1858 = arith.addf %add3A_1849, %mul3A_1857 : vector<16xf32>
      %mul3A_1859 = arith.mulf %gather3A_1854, %gather3A_1856 : vector<16xf32>
      %add3A_1860 = arith.addf %add3A_1851, %mul3A_1859 : vector<16xf32>
      %broadcast_in_dim3A_1861 = arith.constant 5 : i32
      %broadcast_in_dim3A_1862 = vector.broadcast %broadcast_in_dim3A_1861 : i32 to vector<16xi32>
      %gather3A_1863 = tpu.vector_load_idx %arg12[%min3A_1811, %broadcast_in_dim3A_1862, %and3A_17] : memref<8x32x128xf32, #tpu.memory_space<vmem>>[vector<16xi32>, vector<16xi32>, vector<16xi32>], vector<16xf32>,
      %gather3A_1864 = tpu.vector_load_idx %arg13[%min3A_1811, %broadcast_in_dim3A_1862, %and3A_20] : memref<8x32x128xf32, #tpu.memory_space<vmem>>[vector<16xi32>, vector<16xi32>, vector<16xi32>], vector<16xf32>,
      %gather3A_1865 = tpu.vector_load_idx %arg14[%min3A_1811, %broadcast_in_dim3A_1862, %and3A_23] : memref<8x32x128xf32, #tpu.memory_space<vmem>>[vector<16xi32>, vector<16xi32>, vector<16xi32>], vector<16xf32>,
      %mul3A_1866 = arith.mulf %gather3A_1863, %gather3A_1864 : vector<16xf32>
      %add3A_1867 = arith.addf %add3A_1858, %mul3A_1866 : vector<16xf32>
      %mul3A_1868 = arith.mulf %gather3A_1863, %gather3A_1865 : vector<16xf32>
      %add3A_1869 = arith.addf %add3A_1860, %mul3A_1868 : vector<16xf32>
      %broadcast_in_dim3A_1870 = arith.constant 6 : i32
      %broadcast_in_dim3A_1871 = vector.broadcast %broadcast_in_dim3A_1870 : i32 to vector<16xi32>
      %gather3A_1872 = tpu.vector_load_idx %arg12[%min3A_1811, %broadcast_in_dim3A_1871, %and3A_17] : memref<8x32x128xf32, #tpu.memory_space<vmem>>[vector<16xi32>, vector<16xi32>, vector<16xi32>], vector<16xf32>,
      %gather3A_1873 = tpu.vector_load_idx %arg13[%min3A_1811, %broadcast_in_dim3A_1871, %and3A_20] : memref<8x32x128xf32, #tpu.memory_space<vmem>>[vector<16xi32>, vector<16xi32>, vector<16xi32>], vector<16xf32>,
      %gather3A_1874 = tpu.vector_load_idx %arg14[%min3A_1811, %broadcast_in_dim3A_1871, %and3A_23] : memref<8x32x128xf32, #tpu.memory_space<vmem>>[vector<16xi32>, vector<16xi32>, vector<16xi32>], vector<16xf32>,
      %mul3A_1875 = arith.mulf %gather3A_1872, %gather3A_1873 : vector<16xf32>
      %add3A_1876 = arith.addf %add3A_1867, %mul3A_1875 : vector<16xf32>
      %mul3A_1877 = arith.mulf %gather3A_1872, %gather3A_1874 : vector<16xf32>
      %add3A_1878 = arith.addf %add3A_1869, %mul3A_1877 : vector<16xf32>
      %broadcast_in_dim3A_1879 = arith.constant 7 : i32
      %broadcast_in_dim3A_1880 = vector.broadcast %broadcast_in_dim3A_1879 : i32 to vector<16xi32>
      %gather3A_1881 = tpu.vector_load_idx %arg12[%min3A_1811, %broadcast_in_dim3A_1880, %and3A_17] : memref<8x32x128xf32, #tpu.memory_space<vmem>>[vector<16xi32>, vector<16xi32>, vector<16xi32>], vector<16xf32>,
      %gather3A_1882 = tpu.vector_load_idx %arg13[%min3A_1811, %broadcast_in_dim3A_1880, %and3A_20] : memref<8x32x128xf32, #tpu.memory_space<vmem>>[vector<16xi32>, vector<16xi32>, vector<16xi32>], vector<16xf32>,
      %gather3A_1883 = tpu.vector_load_idx %arg14[%min3A_1811, %broadcast_in_dim3A_1880, %and3A_23] : memref<8x32x128xf32, #tpu.memory_space<vmem>>[vector<16xi32>, vector<16xi32>, vector<16xi32>], vector<16xf32>,
      %mul3A_1884 = arith.mulf %gather3A_1881, %gather3A_1882 : vector<16xf32>
      %add3A_1885 = arith.addf %add3A_1876, %mul3A_1884 : vector<16xf32>
      %mul3A_1886 = arith.mulf %gather3A_1881, %gather3A_1883 : vector<16xf32>
      %add3A_1887 = arith.addf %add3A_1878, %mul3A_1886 : vector<16xf32>
      %broadcast_in_dim3A_1888 = arith.constant 8 : i32
      %broadcast_in_dim3A_1889 = vector.broadcast %broadcast_in_dim3A_1888 : i32 to vector<16xi32>
      %gather3A_1890 = tpu.vector_load_idx %arg12[%min3A_1811, %broadcast_in_dim3A_1889, %and3A_17] : memref<8x32x128xf32, #tpu.memory_space<vmem>>[vector<16xi32>, vector<16xi32>, vector<16xi32>], vector<16xf32>,
      %gather3A_1891 = tpu.vector_load_idx %arg13[%min3A_1811, %broadcast_in_dim3A_1889, %and3A_20] : memref<8x32x128xf32, #tpu.memory_space<vmem>>[vector<16xi32>, vector<16xi32>, vector<16xi32>], vector<16xf32>,
      %gather3A_1892 = tpu.vector_load_idx %arg14[%min3A_1811, %broadcast_in_dim3A_1889, %and3A_23] : memref<8x32x128xf32, #tpu.memory_space<vmem>>[vector<16xi32>, vector<16xi32>, vector<16xi32>], vector<16xf32>,
      %mul3A_1893 = arith.mulf %gather3A_1890, %gather3A_1891 : vector<16xf32>
      %add3A_1894 = arith.addf %add3A_1885, %mul3A_1893 : vector<16xf32>
      %mul3A_1895 = arith.mulf %gather3A_1890, %gather3A_1892 : vector<16xf32>
      %add3A_1896 = arith.addf %add3A_1887, %mul3A_1895 : vector<16xf32>
      %broadcast_in_dim3A_1897 = arith.constant 9 : i32
      %broadcast_in_dim3A_1898 = vector.broadcast %broadcast_in_dim3A_1897 : i32 to vector<16xi32>
      %gather3A_1899 = tpu.vector_load_idx %arg12[%min3A_1811, %broadcast_in_dim3A_1898, %and3A_17] : memref<8x32x128xf32, #tpu.memory_space<vmem>>[vector<16xi32>, vector<16xi32>, vector<16xi32>], vector<16xf32>,
      %gather3A_1900 = tpu.vector_load_idx %arg13[%min3A_1811, %broadcast_in_dim3A_1898, %and3A_20] : memref<8x32x128xf32, #tpu.memory_space<vmem>>[vector<16xi32>, vector<16xi32>, vector<16xi32>], vector<16xf32>,
      %gather3A_1901 = tpu.vector_load_idx %arg14[%min3A_1811, %broadcast_in_dim3A_1898, %and3A_23] : memref<8x32x128xf32, #tpu.memory_space<vmem>>[vector<16xi32>, vector<16xi32>, vector<16xi32>], vector<16xf32>,
      %mul3A_1902 = arith.mulf %gather3A_1899, %gather3A_1900 : vector<16xf32>
      %add3A_1903 = arith.addf %add3A_1894, %mul3A_1902 : vector<16xf32>
      %mul3A_1904 = arith.mulf %gather3A_1899, %gather3A_1901 : vector<16xf32>
      %add3A_1905 = arith.addf %add3A_1896, %mul3A_1904 : vector<16xf32>
      %broadcast_in_dim3A_1906 = arith.constant 10 : i32
      %broadcast_in_dim3A_1907 = vector.broadcast %broadcast_in_dim3A_1906 : i32 to vector<16xi32>
      %gather3A_1908 = tpu.vector_load_idx %arg12[%min3A_1811, %broadcast_in_dim3A_1907, %and3A_17] : memref<8x32x128xf32, #tpu.memory_space<vmem>>[vector<16xi32>, vector<16xi32>, vector<16xi32>], vector<16xf32>,
      %gather3A_1909 = tpu.vector_load_idx %arg13[%min3A_1811, %broadcast_in_dim3A_1907, %and3A_20] : memref<8x32x128xf32, #tpu.memory_space<vmem>>[vector<16xi32>, vector<16xi32>, vector<16xi32>], vector<16xf32>,
      %gather3A_1910 = tpu.vector_load_idx %arg14[%min3A_1811, %broadcast_in_dim3A_1907, %and3A_23] : memref<8x32x128xf32, #tpu.memory_space<vmem>>[vector<16xi32>, vector<16xi32>, vector<16xi32>], vector<16xf32>,
      %mul3A_1911 = arith.mulf %gather3A_1908, %gather3A_1909 : vector<16xf32>
      %add3A_1912 = arith.addf %add3A_1903, %mul3A_1911 : vector<16xf32>
      %mul3A_1913 = arith.mulf %gather3A_1908, %gather3A_1910 : vector<16xf32>
      %add3A_1914 = arith.addf %add3A_1905, %mul3A_1913 : vector<16xf32>
      %broadcast_in_dim3A_1915 = arith.constant 11 : i32
      %broadcast_in_dim3A_1916 = vector.broadcast %broadcast_in_dim3A_1915 : i32 to vector<16xi32>
      %gather3A_1917 = tpu.vector_load_idx %arg12[%min3A_1811, %broadcast_in_dim3A_1916, %and3A_17] : memref<8x32x128xf32, #tpu.memory_space<vmem>>[vector<16xi32>, vector<16xi32>, vector<16xi32>], vector<16xf32>,
      %gather3A_1918 = tpu.vector_load_idx %arg13[%min3A_1811, %broadcast_in_dim3A_1916, %and3A_20] : memref<8x32x128xf32, #tpu.memory_space<vmem>>[vector<16xi32>, vector<16xi32>, vector<16xi32>], vector<16xf32>,
      %gather3A_1919 = tpu.vector_load_idx %arg14[%min3A_1811, %broadcast_in_dim3A_1916, %and3A_23] : memref<8x32x128xf32, #tpu.memory_space<vmem>>[vector<16xi32>, vector<16xi32>, vector<16xi32>], vector<16xf32>,
      %mul3A_1920 = arith.mulf %gather3A_1917, %gather3A_1918 : vector<16xf32>
      %add3A_1921 = arith.addf %add3A_1912, %mul3A_1920 : vector<16xf32>
      %mul3A_1922 = arith.mulf %gather3A_1917, %gather3A_1919 : vector<16xf32>
      %add3A_1923 = arith.addf %add3A_1914, %mul3A_1922 : vector<16xf32>
      %broadcast_in_dim3A_1924 = arith.constant 12 : i32
      %broadcast_in_dim3A_1925 = vector.broadcast %broadcast_in_dim3A_1924 : i32 to vector<16xi32>
      %gather3A_1926 = tpu.vector_load_idx %arg12[%min3A_1811, %broadcast_in_dim3A_1925, %and3A_17] : memref<8x32x128xf32, #tpu.memory_space<vmem>>[vector<16xi32>, vector<16xi32>, vector<16xi32>], vector<16xf32>,
      %gather3A_1927 = tpu.vector_load_idx %arg13[%min3A_1811, %broadcast_in_dim3A_1925, %and3A_20] : memref<8x32x128xf32, #tpu.memory_space<vmem>>[vector<16xi32>, vector<16xi32>, vector<16xi32>], vector<16xf32>,
      %gather3A_1928 = tpu.vector_load_idx %arg14[%min3A_1811, %broadcast_in_dim3A_1925, %and3A_23] : memref<8x32x128xf32, #tpu.memory_space<vmem>>[vector<16xi32>, vector<16xi32>, vector<16xi32>], vector<16xf32>,
      %mul3A_1929 = arith.mulf %gather3A_1926, %gather3A_1927 : vector<16xf32>
      %add3A_1930 = arith.addf %add3A_1921, %mul3A_1929 : vector<16xf32>
      %mul3A_1931 = arith.mulf %gather3A_1926, %gather3A_1928 : vector<16xf32>
      %add3A_1932 = arith.addf %add3A_1923, %mul3A_1931 : vector<16xf32>
      %broadcast_in_dim3A_1933 = arith.constant 13 : i32
      %broadcast_in_dim3A_1934 = vector.broadcast %broadcast_in_dim3A_1933 : i32 to vector<16xi32>
      %gather3A_1935 = tpu.vector_load_idx %arg12[%min3A_1811, %broadcast_in_dim3A_1934, %and3A_17] : memref<8x32x128xf32, #tpu.memory_space<vmem>>[vector<16xi32>, vector<16xi32>, vector<16xi32>], vector<16xf32>,
      %gather3A_1936 = tpu.vector_load_idx %arg13[%min3A_1811, %broadcast_in_dim3A_1934, %and3A_20] : memref<8x32x128xf32, #tpu.memory_space<vmem>>[vector<16xi32>, vector<16xi32>, vector<16xi32>], vector<16xf32>,
      %gather3A_1937 = tpu.vector_load_idx %arg14[%min3A_1811, %broadcast_in_dim3A_1934, %and3A_23] : memref<8x32x128xf32, #tpu.memory_space<vmem>>[vector<16xi32>, vector<16xi32>, vector<16xi32>], vector<16xf32>,
      %mul3A_1938 = arith.mulf %gather3A_1935, %gather3A_1936 : vector<16xf32>
      %add3A_1939 = arith.addf %add3A_1930, %mul3A_1938 : vector<16xf32>
      %mul3A_1940 = arith.mulf %gather3A_1935, %gather3A_1937 : vector<16xf32>
      %add3A_1941 = arith.addf %add3A_1932, %mul3A_1940 : vector<16xf32>
      %broadcast_in_dim3A_1942 = arith.constant 14 : i32
      %broadcast_in_dim3A_1943 = vector.broadcast %broadcast_in_dim3A_1942 : i32 to vector<16xi32>
      %gather3A_1944 = tpu.vector_load_idx %arg12[%min3A_1811, %broadcast_in_dim3A_1943, %and3A_17] : memref<8x32x128xf32, #tpu.memory_space<vmem>>[vector<16xi32>, vector<16xi32>, vector<16xi32>], vector<16xf32>,
      %gather3A_1945 = tpu.vector_load_idx %arg13[%min3A_1811, %broadcast_in_dim3A_1943, %and3A_20] : memref<8x32x128xf32, #tpu.memory_space<vmem>>[vector<16xi32>, vector<16xi32>, vector<16xi32>], vector<16xf32>,
      %gather3A_1946 = tpu.vector_load_idx %arg14[%min3A_1811, %broadcast_in_dim3A_1943, %and3A_23] : memref<8x32x128xf32, #tpu.memory_space<vmem>>[vector<16xi32>, vector<16xi32>, vector<16xi32>], vector<16xf32>,
      %mul3A_1947 = arith.mulf %gather3A_1944, %gather3A_1945 : vector<16xf32>
      %add3A_1948 = arith.addf %add3A_1939, %mul3A_1947 : vector<16xf32>
      %mul3A_1949 = arith.mulf %gather3A_1944, %gather3A_1946 : vector<16xf32>
      %add3A_1950 = arith.addf %add3A_1941, %mul3A_1949 : vector<16xf32>
      %broadcast_in_dim3A_1951 = arith.constant 15 : i32
      %broadcast_in_dim3A_1952 = vector.broadcast %broadcast_in_dim3A_1951 : i32 to vector<16xi32>
      %gather3A_1953 = tpu.vector_load_idx %arg12[%min3A_1811, %broadcast_in_dim3A_1952, %and3A_17] : memref<8x32x128xf32, #tpu.memory_space<vmem>>[vector<16xi32>, vector<16xi32>, vector<16xi32>], vector<16xf32>,
      %gather3A_1954 = tpu.vector_load_idx %arg13[%min3A_1811, %broadcast_in_dim3A_1952, %and3A_20] : memref<8x32x128xf32, #tpu.memory_space<vmem>>[vector<16xi32>, vector<16xi32>, vector<16xi32>], vector<16xf32>,
      %gather3A_1955 = tpu.vector_load_idx %arg14[%min3A_1811, %broadcast_in_dim3A_1952, %and3A_23] : memref<8x32x128xf32, #tpu.memory_space<vmem>>[vector<16xi32>, vector<16xi32>, vector<16xi32>], vector<16xf32>,
      %mul3A_1956 = arith.mulf %gather3A_1953, %gather3A_1954 : vector<16xf32>
      %add3A_1957 = arith.addf %add3A_1948, %mul3A_1956 : vector<16xf32>
      %mul3A_1958 = arith.mulf %gather3A_1953, %gather3A_1955 : vector<16xf32>
      %add3A_1959 = arith.addf %add3A_1950, %mul3A_1958 : vector<16xf32>
      %broadcast_in_dim3A_1960 = arith.constant 16 : i32
      %broadcast_in_dim3A_1961 = vector.broadcast %broadcast_in_dim3A_1960 : i32 to vector<16xi32>
      %gather3A_1962 = tpu.vector_load_idx %arg12[%min3A_1811, %broadcast_in_dim3A_1961, %and3A_17] : memref<8x32x128xf32, #tpu.memory_space<vmem>>[vector<16xi32>, vector<16xi32>, vector<16xi32>], vector<16xf32>,
      %gather3A_1963 = tpu.vector_load_idx %arg13[%min3A_1811, %broadcast_in_dim3A_1961, %and3A_20] : memref<8x32x128xf32, #tpu.memory_space<vmem>>[vector<16xi32>, vector<16xi32>, vector<16xi32>], vector<16xf32>,
      %gather3A_1964 = tpu.vector_load_idx %arg14[%min3A_1811, %broadcast_in_dim3A_1961, %and3A_23] : memref<8x32x128xf32, #tpu.memory_space<vmem>>[vector<16xi32>, vector<16xi32>, vector<16xi32>], vector<16xf32>,
      %mul3A_1965 = arith.mulf %gather3A_1962, %gather3A_1963 : vector<16xf32>
      %add3A_1966 = arith.addf %add3A_1957, %mul3A_1965 : vector<16xf32>
      %mul3A_1967 = arith.mulf %gather3A_1962, %gather3A_1964 : vector<16xf32>
      %add3A_1968 = arith.addf %add3A_1959, %mul3A_1967 : vector<16xf32>
      %broadcast_in_dim3A_1969 = arith.constant 17 : i32
      %broadcast_in_dim3A_1970 = vector.broadcast %broadcast_in_dim3A_1969 : i32 to vector<16xi32>
      %gather3A_1971 = tpu.vector_load_idx %arg12[%min3A_1811, %broadcast_in_dim3A_1970, %and3A_17] : memref<8x32x128xf32, #tpu.memory_space<vmem>>[vector<16xi32>, vector<16xi32>, vector<16xi32>], vector<16xf32>,
      %gather3A_1972 = tpu.vector_load_idx %arg13[%min3A_1811, %broadcast_in_dim3A_1970, %and3A_20] : memref<8x32x128xf32, #tpu.memory_space<vmem>>[vector<16xi32>, vector<16xi32>, vector<16xi32>], vector<16xf32>,
      %gather3A_1973 = tpu.vector_load_idx %arg14[%min3A_1811, %broadcast_in_dim3A_1970, %and3A_23] : memref<8x32x128xf32, #tpu.memory_space<vmem>>[vector<16xi32>, vector<16xi32>, vector<16xi32>], vector<16xf32>,
      %mul3A_1974 = arith.mulf %gather3A_1971, %gather3A_1972 : vector<16xf32>
      %add3A_1975 = arith.addf %add3A_1966, %mul3A_1974 : vector<16xf32>
      %mul3A_1976 = arith.mulf %gather3A_1971, %gather3A_1973 : vector<16xf32>
      %add3A_1977 = arith.addf %add3A_1968, %mul3A_1976 : vector<16xf32>
      %broadcast_in_dim3A_1978 = arith.constant 18 : i32
      %broadcast_in_dim3A_1979 = vector.broadcast %broadcast_in_dim3A_1978 : i32 to vector<16xi32>
      %gather3A_1980 = tpu.vector_load_idx %arg12[%min3A_1811, %broadcast_in_dim3A_1979, %and3A_17] : memref<8x32x128xf32, #tpu.memory_space<vmem>>[vector<16xi32>, vector<16xi32>, vector<16xi32>], vector<16xf32>,
      %gather3A_1981 = tpu.vector_load_idx %arg13[%min3A_1811, %broadcast_in_dim3A_1979, %and3A_20] : memref<8x32x128xf32, #tpu.memory_space<vmem>>[vector<16xi32>, vector<16xi32>, vector<16xi32>], vector<16xf32>,
      %gather3A_1982 = tpu.vector_load_idx %arg14[%min3A_1811, %broadcast_in_dim3A_1979, %and3A_23] : memref<8x32x128xf32, #tpu.memory_space<vmem>>[vector<16xi32>, vector<16xi32>, vector<16xi32>], vector<16xf32>,
      %mul3A_1983 = arith.mulf %gather3A_1980, %gather3A_1981 : vector<16xf32>
      %add3A_1984 = arith.addf %add3A_1975, %mul3A_1983 : vector<16xf32>
      %mul3A_1985 = arith.mulf %gather3A_1980, %gather3A_1982 : vector<16xf32>
      %add3A_1986 = arith.addf %add3A_1977, %mul3A_1985 : vector<16xf32>
      %broadcast_in_dim3A_1987 = arith.constant 19 : i32
      %broadcast_in_dim3A_1988 = vector.broadcast %broadcast_in_dim3A_1987 : i32 to vector<16xi32>
      %gather3A_1989 = tpu.vector_load_idx %arg12[%min3A_1811, %broadcast_in_dim3A_1988, %and3A_17] : memref<8x32x128xf32, #tpu.memory_space<vmem>>[vector<16xi32>, vector<16xi32>, vector<16xi32>], vector<16xf32>,
      %gather3A_1990 = tpu.vector_load_idx %arg13[%min3A_1811, %broadcast_in_dim3A_1988, %and3A_20] : memref<8x32x128xf32, #tpu.memory_space<vmem>>[vector<16xi32>, vector<16xi32>, vector<16xi32>], vector<16xf32>,
      %gather3A_1991 = tpu.vector_load_idx %arg14[%min3A_1811, %broadcast_in_dim3A_1988, %and3A_23] : memref<8x32x128xf32, #tpu.memory_space<vmem>>[vector<16xi32>, vector<16xi32>, vector<16xi32>], vector<16xf32>,
      %mul3A_1992 = arith.mulf %gather3A_1989, %gather3A_1990 : vector<16xf32>
      %add3A_1993 = arith.addf %add3A_1984, %mul3A_1992 : vector<16xf32>
      %mul3A_1994 = arith.mulf %gather3A_1989, %gather3A_1991 : vector<16xf32>
      %add3A_1995 = arith.addf %add3A_1986, %mul3A_1994 : vector<16xf32>
      %broadcast_in_dim3A_1996 = arith.constant 20 : i32
      %broadcast_in_dim3A_1997 = vector.broadcast %broadcast_in_dim3A_1996 : i32 to vector<16xi32>
      %gather3A_1998 = tpu.vector_load_idx %arg12[%min3A_1811, %broadcast_in_dim3A_1997, %and3A_17] : memref<8x32x128xf32, #tpu.memory_space<vmem>>[vector<16xi32>, vector<16xi32>, vector<16xi32>], vector<16xf32>,
      %gather3A_1999 = tpu.vector_load_idx %arg13[%min3A_1811, %broadcast_in_dim3A_1997, %and3A_20] : memref<8x32x128xf32, #tpu.memory_space<vmem>>[vector<16xi32>, vector<16xi32>, vector<16xi32>], vector<16xf32>,
      %gather3A_2000 = tpu.vector_load_idx %arg14[%min3A_1811, %broadcast_in_dim3A_1997, %and3A_23] : memref<8x32x128xf32, #tpu.memory_space<vmem>>[vector<16xi32>, vector<16xi32>, vector<16xi32>], vector<16xf32>,
      %mul3A_2001 = arith.mulf %gather3A_1998, %gather3A_1999 : vector<16xf32>
      %add3A_2002 = arith.addf %add3A_1993, %mul3A_2001 : vector<16xf32>
      %mul3A_2003 = arith.mulf %gather3A_1998, %gather3A_2000 : vector<16xf32>
      %add3A_2004 = arith.addf %add3A_1995, %mul3A_2003 : vector<16xf32>
      %broadcast_in_dim3A_2005 = arith.constant 21 : i32
      %broadcast_in_dim3A_2006 = vector.broadcast %broadcast_in_dim3A_2005 : i32 to vector<16xi32>
      %gather3A_2007 = tpu.vector_load_idx %arg12[%min3A_1811, %broadcast_in_dim3A_2006, %and3A_17] : memref<8x32x128xf32, #tpu.memory_space<vmem>>[vector<16xi32>, vector<16xi32>, vector<16xi32>], vector<16xf32>,
      %gather3A_2008 = tpu.vector_load_idx %arg13[%min3A_1811, %broadcast_in_dim3A_2006, %and3A_20] : memref<8x32x128xf32, #tpu.memory_space<vmem>>[vector<16xi32>, vector<16xi32>, vector<16xi32>], vector<16xf32>,
      %gather3A_2009 = tpu.vector_load_idx %arg14[%min3A_1811, %broadcast_in_dim3A_2006, %and3A_23] : memref<8x32x128xf32, #tpu.memory_space<vmem>>[vector<16xi32>, vector<16xi32>, vector<16xi32>], vector<16xf32>,
      %mul3A_2010 = arith.mulf %gather3A_2007, %gather3A_2008 : vector<16xf32>
      %add3A_2011 = arith.addf %add3A_2002, %mul3A_2010 : vector<16xf32>
      %mul3A_2012 = arith.mulf %gather3A_2007, %gather3A_2009 : vector<16xf32>
      %add3A_2013 = arith.addf %add3A_2004, %mul3A_2012 : vector<16xf32>
      %broadcast_in_dim3A_2014 = arith.constant 22 : i32
      %broadcast_in_dim3A_2015 = vector.broadcast %broadcast_in_dim3A_2014 : i32 to vector<16xi32>
      %gather3A_2016 = tpu.vector_load_idx %arg12[%min3A_1811, %broadcast_in_dim3A_2015, %and3A_17] : memref<8x32x128xf32, #tpu.memory_space<vmem>>[vector<16xi32>, vector<16xi32>, vector<16xi32>], vector<16xf32>,
      %gather3A_2017 = tpu.vector_load_idx %arg13[%min3A_1811, %broadcast_in_dim3A_2015, %and3A_20] : memref<8x32x128xf32, #tpu.memory_space<vmem>>[vector<16xi32>, vector<16xi32>, vector<16xi32>], vector<16xf32>,
      %gather3A_2018 = tpu.vector_load_idx %arg14[%min3A_1811, %broadcast_in_dim3A_2015, %and3A_23] : memref<8x32x128xf32, #tpu.memory_space<vmem>>[vector<16xi32>, vector<16xi32>, vector<16xi32>], vector<16xf32>,
      %mul3A_2019 = arith.mulf %gather3A_2016, %gather3A_2017 : vector<16xf32>
      %add3A_2020 = arith.addf %add3A_2011, %mul3A_2019 : vector<16xf32>
      %mul3A_2021 = arith.mulf %gather3A_2016, %gather3A_2018 : vector<16xf32>
      %add3A_2022 = arith.addf %add3A_2013, %mul3A_2021 : vector<16xf32>
      %broadcast_in_dim3A_2023 = arith.constant 23 : i32
      %broadcast_in_dim3A_2024 = vector.broadcast %broadcast_in_dim3A_2023 : i32 to vector<16xi32>
      %gather3A_2025 = tpu.vector_load_idx %arg12[%min3A_1811, %broadcast_in_dim3A_2024, %and3A_17] : memref<8x32x128xf32, #tpu.memory_space<vmem>>[vector<16xi32>, vector<16xi32>, vector<16xi32>], vector<16xf32>,
      %gather3A_2026 = tpu.vector_load_idx %arg13[%min3A_1811, %broadcast_in_dim3A_2024, %and3A_20] : memref<8x32x128xf32, #tpu.memory_space<vmem>>[vector<16xi32>, vector<16xi32>, vector<16xi32>], vector<16xf32>,
      %gather3A_2027 = tpu.vector_load_idx %arg14[%min3A_1811, %broadcast_in_dim3A_2024, %and3A_23] : memref<8x32x128xf32, #tpu.memory_space<vmem>>[vector<16xi32>, vector<16xi32>, vector<16xi32>], vector<16xf32>,
      %mul3A_2028 = arith.mulf %gather3A_2025, %gather3A_2026 : vector<16xf32>
      %add3A_2029 = arith.addf %add3A_2020, %mul3A_2028 : vector<16xf32>
      %mul3A_2030 = arith.mulf %gather3A_2025, %gather3A_2027 : vector<16xf32>
      %add3A_2031 = arith.addf %add3A_2022, %mul3A_2030 : vector<16xf32>
      %broadcast_in_dim3A_2032 = arith.constant 24 : i32
      %broadcast_in_dim3A_2033 = vector.broadcast %broadcast_in_dim3A_2032 : i32 to vector<16xi32>
      %gather3A_2034 = tpu.vector_load_idx %arg12[%min3A_1811, %broadcast_in_dim3A_2033, %and3A_17] : memref<8x32x128xf32, #tpu.memory_space<vmem>>[vector<16xi32>, vector<16xi32>, vector<16xi32>], vector<16xf32>,
      %gather3A_2035 = tpu.vector_load_idx %arg13[%min3A_1811, %broadcast_in_dim3A_2033, %and3A_20] : memref<8x32x128xf32, #tpu.memory_space<vmem>>[vector<16xi32>, vector<16xi32>, vector<16xi32>], vector<16xf32>,
      %gather3A_2036 = tpu.vector_load_idx %arg14[%min3A_1811, %broadcast_in_dim3A_2033, %and3A_23] : memref<8x32x128xf32, #tpu.memory_space<vmem>>[vector<16xi32>, vector<16xi32>, vector<16xi32>], vector<16xf32>,
      %mul3A_2037 = arith.mulf %gather3A_2034, %gather3A_2035 : vector<16xf32>
      %add3A_2038 = arith.addf %add3A_2029, %mul3A_2037 : vector<16xf32>
      %mul3A_2039 = arith.mulf %gather3A_2034, %gather3A_2036 : vector<16xf32>
      %add3A_2040 = arith.addf %add3A_2031, %mul3A_2039 : vector<16xf32>
      %broadcast_in_dim3A_2041 = arith.constant 25 : i32
      %broadcast_in_dim3A_2042 = vector.broadcast %broadcast_in_dim3A_2041 : i32 to vector<16xi32>
      %gather3A_2043 = tpu.vector_load_idx %arg12[%min3A_1811, %broadcast_in_dim3A_2042, %and3A_17] : memref<8x32x128xf32, #tpu.memory_space<vmem>>[vector<16xi32>, vector<16xi32>, vector<16xi32>], vector<16xf32>,
      %gather3A_2044 = tpu.vector_load_idx %arg13[%min3A_1811, %broadcast_in_dim3A_2042, %and3A_20] : memref<8x32x128xf32, #tpu.memory_space<vmem>>[vector<16xi32>, vector<16xi32>, vector<16xi32>], vector<16xf32>,
      %gather3A_2045 = tpu.vector_load_idx %arg14[%min3A_1811, %broadcast_in_dim3A_2042, %and3A_23] : memref<8x32x128xf32, #tpu.memory_space<vmem>>[vector<16xi32>, vector<16xi32>, vector<16xi32>], vector<16xf32>,
      %mul3A_2046 = arith.mulf %gather3A_2043, %gather3A_2044 : vector<16xf32>
      %add3A_2047 = arith.addf %add3A_2038, %mul3A_2046 : vector<16xf32>
      %mul3A_2048 = arith.mulf %gather3A_2043, %gather3A_2045 : vector<16xf32>
      %add3A_2049 = arith.addf %add3A_2040, %mul3A_2048 : vector<16xf32>
      %broadcast_in_dim3A_2050 = arith.constant 26 : i32
      %broadcast_in_dim3A_2051 = vector.broadcast %broadcast_in_dim3A_2050 : i32 to vector<16xi32>
      %gather3A_2052 = tpu.vector_load_idx %arg12[%min3A_1811, %broadcast_in_dim3A_2051, %and3A_17] : memref<8x32x128xf32, #tpu.memory_space<vmem>>[vector<16xi32>, vector<16xi32>, vector<16xi32>], vector<16xf32>,
      %gather3A_2053 = tpu.vector_load_idx %arg13[%min3A_1811, %broadcast_in_dim3A_2051, %and3A_20] : memref<8x32x128xf32, #tpu.memory_space<vmem>>[vector<16xi32>, vector<16xi32>, vector<16xi32>], vector<16xf32>,
      %gather3A_2054 = tpu.vector_load_idx %arg14[%min3A_1811, %broadcast_in_dim3A_2051, %and3A_23] : memref<8x32x128xf32, #tpu.memory_space<vmem>>[vector<16xi32>, vector<16xi32>, vector<16xi32>], vector<16xf32>,
      %mul3A_2055 = arith.mulf %gather3A_2052, %gather3A_2053 : vector<16xf32>
      %add3A_2056 = arith.addf %add3A_2047, %mul3A_2055 : vector<16xf32>
      %mul3A_2057 = arith.mulf %gather3A_2052, %gather3A_2054 : vector<16xf32>
      %add3A_2058 = arith.addf %add3A_2049, %mul3A_2057 : vector<16xf32>
      %broadcast_in_dim3A_2059 = arith.constant 27 : i32
      %broadcast_in_dim3A_2060 = vector.broadcast %broadcast_in_dim3A_2059 : i32 to vector<16xi32>
      %gather3A_2061 = tpu.vector_load_idx %arg12[%min3A_1811, %broadcast_in_dim3A_2060, %and3A_17] : memref<8x32x128xf32, #tpu.memory_space<vmem>>[vector<16xi32>, vector<16xi32>, vector<16xi32>], vector<16xf32>,
      %gather3A_2062 = tpu.vector_load_idx %arg13[%min3A_1811, %broadcast_in_dim3A_2060, %and3A_20] : memref<8x32x128xf32, #tpu.memory_space<vmem>>[vector<16xi32>, vector<16xi32>, vector<16xi32>], vector<16xf32>,
      %gather3A_2063 = tpu.vector_load_idx %arg14[%min3A_1811, %broadcast_in_dim3A_2060, %and3A_23] : memref<8x32x128xf32, #tpu.memory_space<vmem>>[vector<16xi32>, vector<16xi32>, vector<16xi32>], vector<16xf32>,
      %mul3A_2064 = arith.mulf %gather3A_2061, %gather3A_2062 : vector<16xf32>
      %add3A_2065 = arith.addf %add3A_2056, %mul3A_2064 : vector<16xf32>
      %mul3A_2066 = arith.mulf %gather3A_2061, %gather3A_2063 : vector<16xf32>
      %add3A_2067 = arith.addf %add3A_2058, %mul3A_2066 : vector<16xf32>
      %broadcast_in_dim3A_2068 = arith.constant 28 : i32
      %broadcast_in_dim3A_2069 = vector.broadcast %broadcast_in_dim3A_2068 : i32 to vector<16xi32>
      %gather3A_2070 = tpu.vector_load_idx %arg12[%min3A_1811, %broadcast_in_dim3A_2069, %and3A_17] : memref<8x32x128xf32, #tpu.memory_space<vmem>>[vector<16xi32>, vector<16xi32>, vector<16xi32>], vector<16xf32>,
      %gather3A_2071 = tpu.vector_load_idx %arg13[%min3A_1811, %broadcast_in_dim3A_2069, %and3A_20] : memref<8x32x128xf32, #tpu.memory_space<vmem>>[vector<16xi32>, vector<16xi32>, vector<16xi32>], vector<16xf32>,
      %gather3A_2072 = tpu.vector_load_idx %arg14[%min3A_1811, %broadcast_in_dim3A_2069, %and3A_23] : memref<8x32x128xf32, #tpu.memory_space<vmem>>[vector<16xi32>, vector<16xi32>, vector<16xi32>], vector<16xf32>,
      %mul3A_2073 = arith.mulf %gather3A_2070, %gather3A_2071 : vector<16xf32>
      %add3A_2074 = arith.addf %add3A_2065, %mul3A_2073 : vector<16xf32>
      %mul3A_2075 = arith.mulf %gather3A_2070, %gather3A_2072 : vector<16xf32>
      %add3A_2076 = arith.addf %add3A_2067, %mul3A_2075 : vector<16xf32>
      %broadcast_in_dim3A_2077 = arith.constant 29 : i32
      %broadcast_in_dim3A_2078 = vector.broadcast %broadcast_in_dim3A_2077 : i32 to vector<16xi32>
      %gather3A_2079 = tpu.vector_load_idx %arg12[%min3A_1811, %broadcast_in_dim3A_2078, %and3A_17] : memref<8x32x128xf32, #tpu.memory_space<vmem>>[vector<16xi32>, vector<16xi32>, vector<16xi32>], vector<16xf32>,
      %gather3A_2080 = tpu.vector_load_idx %arg13[%min3A_1811, %broadcast_in_dim3A_2078, %and3A_20] : memref<8x32x128xf32, #tpu.memory_space<vmem>>[vector<16xi32>, vector<16xi32>, vector<16xi32>], vector<16xf32>,
      %gather3A_2081 = tpu.vector_load_idx %arg14[%min3A_1811, %broadcast_in_dim3A_2078, %and3A_23] : memref<8x32x128xf32, #tpu.memory_space<vmem>>[vector<16xi32>, vector<16xi32>, vector<16xi32>], vector<16xf32>,
      %mul3A_2082 = arith.mulf %gather3A_2079, %gather3A_2080 : vector<16xf32>
      %add3A_2083 = arith.addf %add3A_2074, %mul3A_2082 : vector<16xf32>
      %mul3A_2084 = arith.mulf %gather3A_2079, %gather3A_2081 : vector<16xf32>
      %add3A_2085 = arith.addf %add3A_2076, %mul3A_2084 : vector<16xf32>
      %broadcast_in_dim3A_2086 = arith.constant 30 : i32
      %broadcast_in_dim3A_2087 = vector.broadcast %broadcast_in_dim3A_2086 : i32 to vector<16xi32>
      %gather3A_2088 = tpu.vector_load_idx %arg12[%min3A_1811, %broadcast_in_dim3A_2087, %and3A_17] : memref<8x32x128xf32, #tpu.memory_space<vmem>>[vector<16xi32>, vector<16xi32>, vector<16xi32>], vector<16xf32>,
      %gather3A_2089 = tpu.vector_load_idx %arg13[%min3A_1811, %broadcast_in_dim3A_2087, %and3A_20] : memref<8x32x128xf32, #tpu.memory_space<vmem>>[vector<16xi32>, vector<16xi32>, vector<16xi32>], vector<16xf32>,
      %gather3A_2090 = tpu.vector_load_idx %arg14[%min3A_1811, %broadcast_in_dim3A_2087, %and3A_23] : memref<8x32x128xf32, #tpu.memory_space<vmem>>[vector<16xi32>, vector<16xi32>, vector<16xi32>], vector<16xf32>,
      %mul3A_2091 = arith.mulf %gather3A_2088, %gather3A_2089 : vector<16xf32>
      %add3A_2092 = arith.addf %add3A_2083, %mul3A_2091 : vector<16xf32>
      %mul3A_2093 = arith.mulf %gather3A_2088, %gather3A_2090 : vector<16xf32>
      %add3A_2094 = arith.addf %add3A_2085, %mul3A_2093 : vector<16xf32>
      %broadcast_in_dim3A_2095 = arith.constant 31 : i32
      %broadcast_in_dim3A_2096 = vector.broadcast %broadcast_in_dim3A_2095 : i32 to vector<16xi32>
      %gather3A_2097 = tpu.vector_load_idx %arg12[%min3A_1811, %broadcast_in_dim3A_2096, %and3A_17] : memref<8x32x128xf32, #tpu.memory_space<vmem>>[vector<16xi32>, vector<16xi32>, vector<16xi32>], vector<16xf32>,
      %gather3A_2098 = tpu.vector_load_idx %arg13[%min3A_1811, %broadcast_in_dim3A_2096, %and3A_20] : memref<8x32x128xf32, #tpu.memory_space<vmem>>[vector<16xi32>, vector<16xi32>, vector<16xi32>], vector<16xf32>,
      %gather3A_2099 = tpu.vector_load_idx %arg14[%min3A_1811, %broadcast_in_dim3A_2096, %and3A_23] : memref<8x32x128xf32, #tpu.memory_space<vmem>>[vector<16xi32>, vector<16xi32>, vector<16xi32>], vector<16xf32>,
      %mul3A_2100 = arith.mulf %gather3A_2097, %gather3A_2098 : vector<16xf32>
      %add3A_2101 = arith.addf %add3A_2092, %mul3A_2100 : vector<16xf32>
      %mul3A_2102 = arith.mulf %gather3A_2097, %gather3A_2099 : vector<16xf32>
      %add3A_2103 = arith.addf %add3A_2094, %mul3A_2102 : vector<16xf32>
      %lt3A = arith.constant 8 : i32
      %lt3A_2104 = vector.broadcast %lt3A : i32 to vector<16xi32>
      %lt3A_2105 = arith.cmpi slt, %iota3A, %lt3A_2104 : vector<16xi32>
      %select_n3A = arith.select %lt3A_2105, %add3A_1056, %add3A_2101 : vector<16xi1>, vector<16xf32>
      %swap3A = arith.index_cast %multiple_of3A : i32 to index
      %swap3A_2106 = tpu.vector_load %arg15[%swap3A] {strides = array<i32>} : memref<512xf32, #tpu.memory_space<vmem>>, vector<16xf32>,
      tpu.vector_store %arg15[%swap3A], %select_n3A {strides = array<i32>} : memref<512xf32, #tpu.memory_space<vmem>>, vector<16xf32>,
      %select_n3A_2107 = arith.select %lt3A_2105, %add3A_1058, %add3A_2103 : vector<16xi1>, vector<16xf32>
      %swap3A_2108 = arith.index_cast %multiple_of3A : i32 to index
      %swap3A_2109 = tpu.vector_load %arg16[%swap3A_2108] {strides = array<i32>} : memref<512xf32, #tpu.memory_space<vmem>>, vector<16xf32>,
      tpu.vector_store %arg16[%swap3A_2108], %select_n3A_2107 {strides = array<i32>} : memref<512xf32, #tpu.memory_space<vmem>>, vector<16xf32>,
    }
    %scan3A_7 = arith.constant 32 : i32
    "tpu.region"() ({
      %run_scoped3A = tpu.sem_alloc : memref<!tpu.dma_semaphore, #tpu.memory_space<semaphore_mem>>
      %dma_start3A = tpu.memref_slice %arg7[%mul3A_2] : memref<16384xf32, #tpu.memory_space<hbm>> -> memref<512xf32, #tpu.memory_space<hbm>>
      %dma_start3A_8 = tpu.memref_slice %arg7[%mul3A_2] : memref<16384xf32, #tpu.memory_space<hbm>> -> memref<512xf32, #tpu.memory_space<hbm>>
      tpu.enqueue_dma source(%arg15 : memref<512xf32, #tpu.memory_space<vmem>>) target(%dma_start3A_8 : memref<512xf32, #tpu.memory_space<hbm>>) target_semaphore(%run_scoped3A : memref<!tpu.dma_semaphore, #tpu.memory_space<semaphore_mem>>)
      %dma_wait3A = tpu.memref_slice %arg7[%mul3A_2] : memref<16384xf32, #tpu.memory_space<hbm>> -> memref<512xf32, #tpu.memory_space<hbm>>
      %dma_wait3A_9 = tpu.memref_slice %arg7[%mul3A_2] : memref<16384xf32, #tpu.memory_space<hbm>> -> memref<512xf32, #tpu.memory_space<hbm>>
      tpu.wait_dma2 semaphore(%run_scoped3A : memref<!tpu.dma_semaphore, #tpu.memory_space<semaphore_mem>>) src(%arg15 : memref<512xf32, #tpu.memory_space<vmem>>) dst(%dma_wait3A_9 : memref<512xf32, #tpu.memory_space<hbm>>)
      tpu.yield
    }) : () -> ()
    "tpu.region"() ({
      %run_scoped3A = tpu.sem_alloc : memref<!tpu.dma_semaphore, #tpu.memory_space<semaphore_mem>>
      %dma_start3A = tpu.memref_slice %arg8[%mul3A_2] : memref<16384xf32, #tpu.memory_space<hbm>> -> memref<512xf32, #tpu.memory_space<hbm>>
      %dma_start3A_8 = tpu.memref_slice %arg8[%mul3A_2] : memref<16384xf32, #tpu.memory_space<hbm>> -> memref<512xf32, #tpu.memory_space<hbm>>
      tpu.enqueue_dma source(%arg16 : memref<512xf32, #tpu.memory_space<vmem>>) target(%dma_start3A_8 : memref<512xf32, #tpu.memory_space<hbm>>) target_semaphore(%run_scoped3A : memref<!tpu.dma_semaphore, #tpu.memory_space<semaphore_mem>>)
      %dma_wait3A = tpu.memref_slice %arg8[%mul3A_2] : memref<16384xf32, #tpu.memory_space<hbm>> -> memref<512xf32, #tpu.memory_space<hbm>>
      %dma_wait3A_9 = tpu.memref_slice %arg8[%mul3A_2] : memref<16384xf32, #tpu.memory_space<hbm>> -> memref<512xf32, #tpu.memory_space<hbm>>
      tpu.wait_dma2 semaphore(%run_scoped3A : memref<!tpu.dma_semaphore, #tpu.memory_space<semaphore_mem>>) src(%arg16 : memref<512xf32, #tpu.memory_space<vmem>>) dst(%dma_wait3A_9 : memref<512xf32, #tpu.memory_space<hbm>>)
      tpu.yield
    }) : () -> ()
    return
  }
}

</mosaic_0001>

<sc_bundles>
// kernel: kernel.3.cloned.1.call-start
scs
__scs_entry_jumppad:
0x0: {  	(pc) =	sbr.rel $0x88, $3  }
0x1: {  	(tag) =	ssettag $0x0;
	lr =	simm.s32 $0x1  }
0x2: {  	[smem:$0x3F9C] =	sst lr;
	_ =	strace $0xD0000000  }
0x3: {  	_ = 	snop  }
0x4: {  	_ = 	snop  }
0x5: {  	_ = 	snop  }
0x6: {  	_ = 	snop  }
0x7: {  	_ = 	snop  }
__scs_overlays_trampoline_lowered:
0x8: {  	[smem:$0x3FAB] =	sst s0  }
0x9: {  	[smem:$0x3FAC] =	sst s1  }
0xa: {  	[smem:$0x3FAD] =	sst s2  }
0xb: {  	[smem:$0x3FAE] =	sst s3  }
0xc: {  	[smem:$0x3FAF] =	sst s4  }
0xd: {  	[smem:$0x3FB0] =	sst s5  }
0xe: {  	[smem:$0x3FB1] =	sst s6  }
0xf: {  	[smem:$0x3FB2] =	sst s7  }
0x10: {  	[smem:$0x3FB3] =	sst s8  }
0x11: {  	[smem:$0x3FB4] =	sst s9;
	s0 =	simm.s32 @!p0 $0x0  }
0x12: {  	s1 =	sld [smem:$0x3F9A];
	s0 =	simm.s32 @p0 $0x1  }
0x13: {  	[smem:$0x3FB5] =	sst s0;
	s0 =	simm.s32 @!p1 $0x0  }
0x14: {  	s2 =	sld [smem:$0x3F99];
	s0 =	simm.s32 @p1 $0x1  }
0x15: {  	[smem:$0x3FB6] =	sst s0;
	s0 =	simm.s32 @!p2 $0x0  }
0x16: {  	s3 =	sld [smem:$0x3FDB];
	s0 =	simm.s32 @p2 $0x1  }
0x17: {  	s4 =	simm.s32 $0x1BF5;
	[smem:$0x3FB8] =	sst s0  }
0x18: {  	s0 =	sld [smem:$0x3F9B];
	_ =	swait.ge [sflag:s4], $0x0  }
0x19: {  	s7 =	sld [smem:$0x3F9C]  }
0x1a: {  	s8 =	sadd.s32 $0xFFFFE003, lr  }
0x1b: {  	s9 =	sadd.s32 $0xFFFFFEF7, lr;
	s5 =	simm.s32 $0xFFFFFFFF;
	p2 =	slt.u32 s8, $0xFFFFF086  }
0x1c: {  	p1 =	slt.u32 s9, $0xF7A;
	s5 =	simm.s32 @!p2 $0x0  }
0x1d: {  	s5 =	simm.s32 @p1 $0x1;
	p0 =	seq.s32 s7, s2  }
0x1e: {  	s7 =	smul.u32 @!p0 $0xF7A, s2;
	p2 =	seq.s32 @!p0 s5, $0x0  }
0x1f: {  	s9 =	smul.u32 $0xF7A, s1;
	s8 =	simm.s32 @!p0 $0x1BF5;
	p2 =	por !p2, p0  }
0x20: {  	[sflag:s8] =	ssyncset.s32 @!p0 $0xFFFFF086;
	s6 =	sadd.s32 @!p0 s3, s7;
	s7 =	simm.s32 @!p0 $0x108  }
0x21: {  	s3 =	sadd.s32 s3, s9;
	s6 =	sadd.s32 @!p0 $0x88, s6;
	s7 =	simm.s32 @p2 $0x1082  }
0x22: {  	[simem:s7], [sflag:s8] =	dma.local @!p0 [hbm:s6], $0xF7A  }
0x23: {  	s9 =	sor.u32 $0xD0000000, s2;
	s6 =	simm.s32 $0x108;
	_ =	swait.ge @!p0 [sflag:s8], $0x0  }
0x24: {  	s3 =	sadd.s32 $0x88, s3;
	s6 =	simm.s32 @!p1 $0x1082;
	[sflag:s4] =	ssyncset.s32 $0xFFFFF086  }
0x25: {  	[simem:s6], [sflag:s4] =	dma.local [hbm:s3], $0xF7A  }
0x26: {  	[smem:$0x3F9C] =	sst s1;
	(tag) =	ssettag s2;
	_ =	strace s9  }
0x27: {  	s1 =	sld [smem:$0x3FAC]  }
0x28: {  	s2 =	sld [smem:$0x3FAD]  }
0x29: {  	s4 =	sld [smem:$0x3FAF]  }
0x2a: {  	p0 =	seq.s32 s5, $0x0;
	s5 =	sld [smem:$0x3FB0]  }
0x2b: {  	s6 =	sld [smem:$0x3FB1]  }
0x2c: {  	s7 =	sld [smem:$0x3FB2]  }
0x2d: {  	s3 =	simm.s32 $0x108;
	s8 =	sld [smem:$0x3FB3]  }
0x2e: {  	s3 =	simm.s32 @!p0 $0x1082;
	s9 =	sld [smem:$0x3FB4]  }
0x2f: {  	lr =	sadd.s32 s0, s3;
	s0 =	sld [smem:$0x3FAB]  }
0x30: {  	s3 =	sld [smem:$0x3FAE]  }
0x31: {  	[smem:$0x3FB7] =	sst s10  }
0x32: {  	s10 =	sld [smem:$0x3FB5];
	_ =	sdelay $0x3  }
0x33: {  	p0 =	seq.s32 s10, $0x1;
	s10 =	sld [smem:$0x3FB7];
	_ =	sdelay $0x3  }
0x34: {  	[smem:$0x3FB7] =	sst s10  }
0x35: {  	s10 =	sld [smem:$0x3FB6];
	_ =	sdelay $0x3  }
0x36: {  	p1 =	seq.s32 s10, $0x1;
	s10 =	sld [smem:$0x3FB7];
	_ =	sdelay $0x3  }
0x37: {  	[smem:$0x3FB7] =	sst s10  }
0x38: {  	s10 =	sld [smem:$0x3FB8]  }
0x39: {  	_ = 	snop;
	(pc) =	sbr.ind lr, $3  }
0x3a: {  	_ = 	snop  }
0x3b: {  	_ = 	snop  }
0x3c: {  	p2 =	seq.s32 s10, $0x1;
	s10 =	sld [smem:$0x3FB7]  }
0x3d: {  	_ =	shalt  }
0x3e: {  	_ =	shalt  }
0x3f: {  	_ =	shalt  }
0x40: {  	_ =	shalt  }
0x41: {  	_ =	shalt  }
0x42: {  	_ =	shalt  }
0x43: {  	_ =	shalt  }
0x44: {  	_ =	shalt  }
0x45: {  	_ =	shalt  }
0x46: {  	_ =	shalt  }
0x47: {  	_ =	shalt  }
0x48: {  	_ =	shalt  }
0x49: {  	_ =	shalt  }
0x4a: {  	_ =	shalt  }
0x4b: {  	_ =	shalt  }
0x4c: {  	_ =	shalt  }
0x4d: {  	_ =	shalt  }
0x4e: {  	_ =	shalt  }
0x4f: {  	_ =	shalt  }
0x50: {  	_ =	shalt  }
0x51: {  	_ =	shalt  }
0x52: {  	_ =	shalt  }
0x53: {  	_ =	shalt  }
0x54: {  	_ =	shalt  }
0x55: {  	_ =	shalt  }
0x56: {  	_ =	shalt  }
0x57: {  	_ =	shalt  }
0x58: {  	_ =	shalt  }
0x59: {  	_ =	shalt  }
0x5a: {  	_ =	shalt  }
0x5b: {  	_ =	shalt  }
0x5c: {  	_ =	shalt  }
0x5d: {  	_ =	shalt  }
0x5e: {  	_ =	shalt  }
0x5f: {  	_ =	shalt  }
0x60: {  	_ =	shalt  }
0x61: {  	_ =	shalt  }
0x62: {  	_ =	shalt  }
0x63: {  	_ =	shalt  }
0x64: {  	_ =	shalt  }
0x65: {  	_ =	shalt  }
0x66: {  	_ =	shalt  }
0x67: {  	_ =	shalt  }
0x68: {  	_ =	shalt  }
0x69: {  	_ =	shalt  }
0x6a: {  	_ =	shalt  }
0x6b: {  	_ =	shalt  }
0x6c: {  	_ =	shalt  }
0x6d: {  	_ =	shalt  }
0x6e: {  	_ =	shalt  }
0x6f: {  	_ =	shalt  }
0x70: {  	_ =	shalt  }
0x71: {  	_ =	shalt  }
0x72: {  	_ =	shalt  }
0x73: {  	_ =	shalt  }
0x74: {  	_ =	shalt  }
0x75: {  	_ =	shalt  }
0x76: {  	_ =	shalt  }
0x77: {  	_ =	shalt  }
0x78: {  	_ =	shalt  }
0x79: {  	_ =	shalt  }
0x7a: {  	_ =	shalt  }
0x7b: {  	_ =	shalt  }
0x7c: {  	_ =	shalt  }
0x7d: {  	_ =	shalt  }
0x7e: {  	_ =	shalt  }
0x7f: {  	_ =	shalt  }
0x80: {  	_ =	shalt  }
0x81: {  	_ =	shalt  }
0x82: {  	_ =	shalt  }
0x83: {  	_ =	shalt  }
0x84: {  	_ =	shalt  }
0x85: {  	_ =	shalt  }
0x86: {  	_ =	shalt  }
0x87: {  	_ =	shalt  }
.Lfunc_end0:
.L_simem_size_0:
called_computation_lowered:
.L_overlay_start_0:
0x88: {  	s2 =	sld [smem:$0x3FD9]  }
0x89: {  	s3 =	sld [smem:$0x3FFE];
	_ =	sdelay $0x1  }
0x8a: {  	s1 =	srdreg.scid  }
0x8b: {  	s0 =	sand.u32 $0x1, s1  }
0x8c: {  	s15 =	sshll.u32 s0, $0xA;
	s2 =	sadd.s32 s3, s2  }
0x8d: {  	s2 =	sadd.s32 s2, s15  }
0x8e: {  	[smem:$0x3FC3] =	sst s2  }
0x8f: {  	_ = 	snop  }
0x90: {  	s2 =	sld [smem:$0x3FC9]  }
0x91: {  	s16 =	sld [smem:$0x3FC8]  }
0x92: {  	s4 =	sld [smem:$0x3FD0]  }
0x93: {  	s5 =	sld [smem:$0x3FC7]  }
0x94: {  	s6 =	sld [smem:$0x3FC6]  }
0x95: {  	s8 =	simm.s32 $0xA;
	s9 =	simm.s32 $0x10;
	s7 =	sld [smem:$0x3FC5]  }
0x96: {  	[smem:s9], [sflag:s8] =	dma.local [hbm:s4], $0x1  }
0x97: {  	_ =	swait.eq [sflag:s8], $0x1  }
0x98: {  	[sflag:s8] =	ssyncset.done $0x0  }
0x99: {  	s17 =	sld [smem:$0x10];
	[sflag:s8] =	ssyncadd.s32 $0xFFFFFFFF  }
0x9a: {  	s18 =	sld [smem:$0x11];
	(tm) =	ssettm $0x1  }
0x9b: {  	s19 =	sld [smem:$0x3FFB];
	_ =	sdelay $0x3  }
0x9c: {  	_ =	strace s19  }
0x9d: {  	s9 =	sld [smem:$0x3FFC];
	_ =	sdelay $0x3  }
0x9e: {  	_ =	strace s9  }
0x9f: {  	s9 =	sld [smem:$0x3FFD];
	_ =	sdelay $0x3  }
0xa0: {  	_ =	strace s9  }
0xa1: {  	_ =	strace $0x8FFFFFFF  }
0xa2: {  	s20 =	sld [smem:$0x3FDB];
	_ =	sdelay $0x1  }
0xa3: {  	s10 =	simm.s32 $_scs_section_size  }
0xa4: {  	s11 =	simm.s32 $_size__tile_overlayer_lowered;
	s12 =	simm.s32 $_tile_overlayer_lowered  }
0xa5: {  	s23 =	simm.s32 $0x1BFF;
	s22 =	sshll.u32 s12, $0x1;
	s9 =	sadd.s32 s10, s20  }
0xa6: {  	s13 =	simm.s32 $0x0;
	s21 =	sshll.u32 s11, $0x1;
	s11 =	sadd.s32 s22, s9  }
0xa7: {  	[timem:s13], [sflag:s23] =	dma.local [hbm:s11], s21  }
0xa8: {  	_ =	swait.ge [sflag:s23], s21  }
0xa9: {  	s10 =	ssub.s32 $0x0, s21;
	[sflag:s23] =	ssyncset.done $0x0  }
0xaa: {  	[sflag:s23] =	ssyncadd.s32 s10;
	_ =	sdelay $0x1  }
0xab: {  	s24 =	simm.s32 $0x1B8B  }
0xac: {  	_ =	swait.ge [sflag:s24], $0x1  }
0xad: {  	[sflag:s24] =	ssyncset.done $0x0  }
0xae: {  	s25 =	simm.s32 $0x1B8E;
	[sflag:s24] =	ssyncadd.s32 $0xFFFFFFFF  }
0xaf: {  	s26 =	simm.s32 $execute0_lowered;
	[smem:$0x3FD2] =	sst s25  }
0xb0: {  	s10 =	sshll.u32 s26, $0x1;
	_ =	strace $0x80000046;
	[dreg:$0x1] =	wrdreg $0xFFFFFFFF  }
0xb1: {  	s28 =	simm.s32 $_size_execute0_lowered;
	s9 =	sadd.s32 s9, s10;
	[dreg:$0x0] =	wrdreg $0x0  }
0xb2: {  	s10 =	sshll.u32 s28, $0x1;
	[dreg:$0x2] =	wrdreg s9  }
0xb3: {  	[dreg:$0x3] =	wrdreg s10  }
0xb4: {  	[dreg:$0x4] =	wrdreg $0xC0  }
0xb5: {  	_ =	task [dreg:s13], $0x5FFFF  }
0xb6: {  	[dreg:$0x1] =	wrdreg $0xFFFFFFFF  }
0xb7: {  	[dreg:$0x0] =	wrdreg $0x60  }
0xb8: {  	[dreg:$0x2] =	wrdreg s2  }
0xb9: {  	[dreg:$0x3] =	wrdreg s16  }
0xba: {  	[dreg:$0x4] =	wrdreg s5  }
0xbb: {  	[dreg:$0x5] =	wrdreg s6  }
0xbc: {  	[dreg:$0x6] =	wrdreg s7  }
0xbd: {  	[dreg:$0x7] =	wrdreg s17  }
0xbe: {  	[dreg:$0x8] =	wrdreg s18  }
0xbf: {  	[dreg:$0x9] =	wrdreg $0x9  }
0xc0: {  	_ =	task.clear_ibuf [dreg:s13], $0xAFFFF;
	_ =	strace $0x90000046  }
0xc1: {  	s29 =	simm.s32 $0x9;
	_ =	strace $0x80000048  }
0xc2: {  	_ =	swait.ge [sflag:s29], $0x1  }
0xc3: {  	[sflag:s29] =	ssyncadd.s32 $0xFFFFFFFF  }
0xc4: {  	_ =	strace $0x90000048  }
0xc5: {  	_ =	sfence  }
0xc6: {  	s30 =	sld [smem:$0x0];
	_ =	sdelay $0x2  }
0xc7: {  	s31 =	sshll.u32 s1, $0xD;
	s1 =	sshrl.u32 s1, $0x2  }
0xc8: {  	s3 =	sand.u32 $0x4000, s31;
	s1 =	sadd.s32 s1, s30  }
0xc9: {  	s0 =	sor.u32 s3, s0;
	s1 =	sshll.u32 s1, $0x11  }
0xca: {  	s0 =	sor.u32 s1, s0  }
0xcb: {  	s0 =	sadd.s32 $0x8F2B, s0  }
0xcc: {  	[sflag:s0] =	ssyncadd.remote.s32 $0x1  }
0xcd: {  	_ =	sfence.sel $0xFFFF  }
0xce: {  	[dreg:$0x0] =	wrdreg $0xFFFFFFFF;
	(pc) =	sbr.abs _section_cstart, $3  }
0xcf: {  	[dreg:$0x1] =	wrdreg $0xFFFFFFFF  }
0xd0: {  	_ =	task.clear_ibuf [dreg:s13], $0x2FFFF;
	_ =	strace $0x9FFFFFFF  }
0xd1: {  	(tm) =	ssettm $0x7FFFFFFF  }
tec
execute0_lowered:
.L_overlay_start_1:
0x0: {  	(tag) =	ssettag $0x1  }
0x1: {  	vm6 =	vcmask $0x300;
	v0 =	vimm.s32 $0x7000  }
0x2: {  	vm5 =	vcmask $0x704;
	v1 =	vimm.s32 $0x7080;
	vm4 =	vcmask $0xB08  }
0x3: {  	vm3 =	vcmask $0xF0C;
	vm2 =	vcmask $0x1310;
	vm1 =	vcmask $0x1714  }
0x4: {  	vm0 =	vcmask $0x1B18;
	v51 =	vimm.s32 $0x7100;
	v52 =	vimm.s32 $0x7180  }
0x5: {  	v2 =	vimm.s32 $0x7200;
	v54 =	vimm.s32 $0x7280;
	v55 =	vimm.s32 $0x7300  }
0x6: {  	v56 =	vimm.s32 $0x7380;
	v58 =	vimm.s32 $0x7400;
	v59 =	vimm.s32 $0x7480  }
0x7: {  	v60 =	vimm.s32 $0x7500;
	v62 =	vimm.s32 $0x7580;
	v63 =	vimm.s32 $0x7600  }
0x8: {  	v32 =	vimm.s32 $0x7680;
	v34 =	vimm.s32 $0x7700;
	v35 =	vimm.s32 $0x7780  }
0x9: {  	v36 =	vimm.s32 $0x7800;
	v38 =	vimm.s32 $0x7880;
	v39 =	vimm.s32 $0x7900  }
0xa: {  	v40 =	vimm.s32 $0x7980;
	v42 =	vimm.s32 $0x7A00;
	v43 =	vimm.s32 $0x7A80  }
0xb: {  	v44 =	vimm.s32 $0x7B00;
	v48 =	vimm.s32 $0x7B80;
	v49 =	vimm.s32 $0x7C00  }
0xc: {  	v0 =	vsel vm6, $0x0, v0;
	v1 =	vsel vm6, $0x80, v1;
	v2 =	vsel vm6, $0x200, v2  }
0xd: {  	v0 =	vsel vm5, $0x1000, v0;
	v1 =	vsel vm5, $0x1080, v1;
	v2 =	vsel vm5, $0x1200, v2  }
0xe: {  	v0 =	vsel vm4, $0x2000, v0;
	v1 =	vsel vm4, $0x2080, v1;
	v2 =	vsel vm4, $0x2200, v2  }
0xf: {  	v0 =	vsel vm3, $0x3000, v0;
	v1 =	vsel vm3, $0x3080, v1;
	v2 =	vsel vm3, $0x3200, v2  }
0x10: {  	v0 =	vsel vm2, $0x4000, v0;
	v1 =	vsel vm2, $0x4080, v1;
	v2 =	vsel vm2, $0x4200, v2  }
0x11: {  	v0 =	vsel vm1, $0x5000, v0;
	v50 =	vsel vm1, $0x5080, v1;
	v1 =	vsel vm6, $0x180, v52  }
0x12: {  	v53 =	vsel vm1, $0x5200, v2;
	v2 =	vsel vm6, $0x380, v56;
	v5 =	vsel vm0, $0x6000, v0  }
0x13: {  	v8 =	vsel vm0, $0x6080, v50;
	v0 =	vsel vm6, $0x100, v51;
	v1 =	vsel vm5, $0x1180, v1  }
0x14: {  	v2 =	vsel vm5, $0x1380, v2;
	v0 =	vsel vm5, $0x1100, v0;
	v1 =	vsel vm4, $0x2180, v1  }
0x15: {  	v2 =	vsel vm4, $0x2380, v2;
	v0 =	vsel vm4, $0x2100, v0;
	v1 =	vsel vm3, $0x3180, v1  }
0x16: {  	v2 =	vsel vm3, $0x3380, v2;
	v0 =	vsel vm3, $0x3100, v0;
	v1 =	vsel vm2, $0x4180, v1  }
0x17: {  	v2 =	vsel vm2, $0x4380, v2;
	v0 =	vsel vm2, $0x4100, v0;
	v1 =	vsel vm1, $0x5180, v1  }
0x18: {  	v57 =	vsel vm1, $0x5380, v2;
	v2 =	vsel vm6, $0x500, v60;
	v0 =	vsel vm1, $0x5100, v0  }
0x19: {  	v11 =	vsel vm0, $0x6180, v1;
	v1 =	vsel vm6, $0x300, v55;
	v2 =	vsel vm5, $0x1500, v2  }
0x1a: {  	v10 =	vsel vm0, $0x6100, v0;
	v0 =	vsel vm6, $0x280, v54;
	v1 =	vsel vm5, $0x1300, v1  }
0x1b: {  	v2 =	vsel vm4, $0x2500, v2;
	v0 =	vsel vm5, $0x1280, v0;
	v1 =	vsel vm4, $0x2300, v1  }
0x1c: {  	v2 =	vsel vm3, $0x3500, v2;
	v0 =	vsel vm4, $0x2280, v0;
	v1 =	vsel vm3, $0x3300, v1  }
0x1d: {  	v2 =	vsel vm2, $0x4500, v2;
	v0 =	vsel vm3, $0x3280, v0;
	v1 =	vsel vm2, $0x4300, v1  }
0x1e: {  	v61 =	vsel vm1, $0x5500, v2;
	v2 =	vsel vm6, $0x680, v32;
	v0 =	vsel vm2, $0x4280, v0  }
0x1f: {  	v1 =	vsel vm1, $0x5300, v1;
	v2 =	vsel vm5, $0x1680, v2;
	v0 =	vsel vm1, $0x5280, v0  }
0x20: {  	v14 =	vsel vm0, $0x6300, v1;
	v1 =	vsel vm6, $0x480, v59;
	v2 =	vsel vm4, $0x2680, v2  }
0x21: {  	v13 =	vsel vm0, $0x6280, v0;
	v0 =	vsel vm6, $0x400, v58;
	v1 =	vsel vm5, $0x1480, v1  }
0x22: {  	v2 =	vsel vm3, $0x3680, v2;
	v0 =	vsel vm5, $0x1400, v0;
	v1 =	vsel vm4, $0x2480, v1  }
0x23: {  	v2 =	vsel vm2, $0x4680, v2;
	v0 =	vsel vm4, $0x2400, v0;
	v1 =	vsel vm3, $0x3480, v1  }
0x24: {  	v33 =	vsel vm1, $0x5680, v2;
	v0 =	vsel vm3, $0x3400, v0;
	v1 =	vsel vm2, $0x4480, v1  }
0x25: {  	v2 =	vsel vm6, $0x800, v36;
	v0 =	vsel vm2, $0x4400, v0;
	v1 =	vsel vm1, $0x5480, v1  }
0x26: {  	v0 =	vsel vm1, $0x5400, v0;
	v17 =	vsel vm0, $0x6480, v1;
	v1 =	vsel vm6, $0x600, v63  }
0x27: {  	v16 =	vsel vm0, $0x6400, v0;
	v0 =	vsel vm6, $0x580, v62;
	v1 =	vsel vm5, $0x1600, v1  }
0x28: {  	v2 =	vsel vm5, $0x1800, v2;
	v0 =	vsel vm5, $0x1580, v0;
	v1 =	vsel vm4, $0x2600, v1  }
0x29: {  	v2 =	vsel vm4, $0x2800, v2;
	v0 =	vsel vm4, $0x2580, v0;
	v1 =	vsel vm3, $0x3600, v1  }
0x2a: {  	v2 =	vsel vm3, $0x3800, v2;
	v0 =	vsel vm3, $0x3580, v0;
	v1 =	vsel vm2, $0x4600, v1  }
0x2b: {  	v2 =	vsel vm2, $0x4800, v2;
	v0 =	vsel vm2, $0x4580, v0;
	v1 =	vsel vm1, $0x5600, v1  }
0x2c: {  	v0 =	vsel vm1, $0x5580, v0;
	v23 =	vsel vm0, $0x6600, v1;
	v1 =	vsel vm6, $0x780, v35  }
0x2d: {  	v22 =	vsel vm0, $0x6580, v0;
	v0 =	vsel vm6, $0x700, v34;
	v1 =	vsel vm5, $0x1780, v1  }
0x2e: {  	v37 =	vsel vm1, $0x5800, v2;
	v0 =	vsel vm5, $0x1700, v0;
	v1 =	vsel vm4, $0x2780, v1  }
0x2f: {  	v2 =	vsel vm6, $0x980, v40;
	v0 =	vsel vm4, $0x2700, v0;
	v1 =	vsel vm3, $0x3780, v1  }
0x30: {  	v2 =	vsel vm5, $0x1980, v2;
	v0 =	vsel vm3, $0x3700, v0;
	v1 =	vsel vm2, $0x4780, v1  }
0x31: {  	v2 =	vsel vm4, $0x2980, v2;
	v0 =	vsel vm2, $0x4700, v0;
	v1 =	vsel vm1, $0x5780, v1  }
0x32: {  	v0 =	vsel vm1, $0x5700, v0;
	v29 =	vsel vm0, $0x6780, v1;
	v1 =	vsel vm6, $0x900, v39  }
0x33: {  	v28 =	vsel vm0, $0x6700, v0;
	v0 =	vsel vm6, $0x880, v38;
	v1 =	vsel vm5, $0x1900, v1  }
0x34: {  	v2 =	vsel vm3, $0x3980, v2;
	v0 =	vsel vm5, $0x1880, v0;
	v1 =	vsel vm4, $0x2900, v1  }
0x35: {  	v2 =	vsel vm2, $0x4980, v2;
	v0 =	vsel vm4, $0x2880, v0;
	v1 =	vsel vm3, $0x3900, v1  }
0x36: {  	v41 =	vsel vm1, $0x5980, v2;
	v0 =	vsel vm3, $0x3880, v0;
	v1 =	vsel vm2, $0x4900, v1  }
0x37: {  	v2 =	vsel vm6, $0xB00, v44;
	v0 =	vsel vm2, $0x4880, v0;
	v1 =	vsel vm1, $0x5900, v1  }
0x38: {  	v0 =	vsel vm1, $0x5880, v0;
	v46 =	vsel vm0, $0x6900, v1;
	v1 =	vsel vm6, $0xA80, v43  }
0x39: {  	v34 =	vsel vm0, $0x6880, v0;
	v0 =	vsel vm6, $0xA00, v42;
	v1 =	vsel vm5, $0x1A80, v1  }
0x3a: {  	v2 =	vsel vm5, $0x1B00, v2;
	v0 =	vsel vm5, $0x1A00, v0;
	v1 =	vsel vm4, $0x2A80, v1  }
0x3b: {  	v2 =	vsel vm4, $0x2B00, v2;
	v0 =	vsel vm4, $0x2A00, v0;
	v1 =	vsel vm3, $0x3A80, v1  }
0x3c: {  	v2 =	vsel vm3, $0x3B00, v2;
	v0 =	vsel vm3, $0x3A00, v0;
	v1 =	vsel vm2, $0x4A80, v1  }
0x3d: {  	v2 =	vsel vm2, $0x4B00, v2;
	v0 =	vsel vm2, $0x4A00, v0;
	v1 =	vsel vm1, $0x5A80, v1  }
0x3e: {  	v47 =	vsel vm1, $0x5B00, v2;
	v0 =	vsel vm1, $0x5A00, v0;
	v45 =	vsel vm0, $0x6A80, v1  }
0x3f: {  	v1 =	vsel vm6, $0xC00, v49;
	v55 =	vsel vm0, $0x6A00, v0;
	v0 =	vsel vm0, $0x6B00, v47  }
0x40: {  	v50 =	vimm.s32 $0x7C80;
	v1 =	vsel vm5, $0x1C00, v1;
	[tilespmem:$0x1FE30] =	vst v0;
	v0 =	vsel vm6, $0xB80, v48  }
0x41: {  	v2 =	vsel vm6, $0xC80, v50;
	v1 =	vsel vm4, $0x2C00, v1;
	v0 =	vsel vm5, $0x1B80, v0  }
0x42: {  	s2 =	rddreg [dreg:$0x0];
	v2 =	vsel vm5, $0x1C80, v2;
	v1 =	vsel vm3, $0x3C00, v1;
	v0 =	vsel vm4, $0x2B80, v0  }
0x43: {  	s3 =	rddreg [dreg:$0x1];
	v2 =	vsel vm4, $0x2C80, v2;
	v1 =	vsel vm2, $0x4C00, v1;
	v0 =	vsel vm3, $0x3B80, v0  }
0x44: {  	s4 =	rddreg [dreg:$0x2];
	v2 =	vsel vm3, $0x3C80, v2;
	v1 =	vsel vm1, $0x5C00, v1;
	v0 =	vsel vm2, $0x4B80, v0  }
0x45: {  	s0 =	rddreg [dreg:$0x3];
	v2 =	vsel vm2, $0x4C80, v2;
	[tilespmem:$0x1FE20] =	vst v45;
	v51 =	vsel vm0, $0x6C00, v1;
	v0 =	vsel vm1, $0x5B80, v0  }
0x46: {  	s1 =	rddreg [dreg:$0x4];
	v52 =	vsel vm1, $0x5C80, v2;
	[tilespmem:$0x1FE50] =	vst v51;
	v0 =	vsel vm0, $0x6B80, v0  }
0x47: {  	s5 =	rddreg [dreg:$0x5];
	s13 =	simm.s32 $0x0;
	[tilespmem:$0x1FE40] =	vst v0;
	v0 =	vsel vm0, $0x6C80, v52  }
0x48: {  	[smem:$0x7FF] =	sst s13;
	[tilespmem:$0x1FE60] =	vst v0  }
0x49: {  	s6 =	rddreg [dreg:$0x6];
	_ =	strace $0x80000047;
	[tilespmem:$0x1FED0] =	vst v5  }
0x4a: {  	[tilespmem:$0x1FEE0] =	vst v8  }
0x4b: {  	[tilespmem:$0x1FEF0] =	vst v10  }
0x4c: {  	v12 =	vsel vm0, $0x6200, v53;
	[tilespmem:$0x1FF00] =	vst v11  }
0x4d: {  	vm7 =	vmmov $0xff;
	[tilespmem:$0x1FF10] =	vst v12  }
0x4e: {  	v56 =	vimm.s32 $0x7E00;
	v53 =	vimm.s32 $0x7D00;
	v60 =	vimm.s32 $0x7F00;
	[tilespmem:$0x1FF20] =	vst v13  }
0x4f: {  	v15 =	vsel vm0, $0x6380, v57;
	v54 =	vimm.s32 $0x7D80;
	v18 =	vsel vm0, $0x6500, v61;
	[tilespmem:$0x1FF30] =	vst v14  }
0x50: {  	v61 =	vimm.s32 $0x7F80;
	v59 =	vimm.s32 $0x7E80;
	v24 =	vsel vm0, $0x6680, v33;
	[tilespmem:$0x1FF40] =	vst v15  }
0x51: {  	v30 =	vsel vm0, $0x6800, v37;
	v35 =	vsel vm0, $0x6980, v41;
	v0 =	vsel vm6, $0xD00, v53;
	[tilespmem:$0x1FF50] =	vst v16  }
0x52: {  	s14 =	simm.s32 $0x7A1400;
	v2 =	vsel vm6, $0xE00, v56;
	v1 =	vsel vm6, $0xD80, v54;
	v0 =	vsel vm5, $0x1D00, v0;
	[tilespmem:$0x1FF60] =	vst v17  }
0x53: {  	s7 =	srdreg.scid;
	s12 =	simm.s32 $0x400;
	s15 =	simm.s32 $0x600;
	v2 =	vsel vm5, $0x1E00, v2;
	v1 =	vsel vm5, $0x1D80, v1;
	[tilespmem:$0x1FF70] =	vst v18;
	v0 =	vsel vm4, $0x2D00, v0  }
0x54: {  	s9 =	stileid.u32;
	s19 =	simm.s32 $0x2600;
	s20 =	simm.s32 $0x3600;
	v2 =	vsel vm4, $0x2E00, v2;
	v1 =	vsel vm4, $0x2D80, v1;
	[tilespmem:$0x1FF80] =	vst v22;
	v0 =	vsel vm3, $0x3D00, v0  }
0x55: {  	s16 =	simm.s32 $0x2;
	s21 =	simm.s32 $0x4600;
	s28 =	simm.s32 $0xA600;
	v2 =	vsel vm3, $0x3E00, v2;
	v1 =	vsel vm3, $0x3D80, v1;
	[tilespmem:$0x1FF90] =	vst v23;
	v0 =	vsel vm2, $0x4D00, v0  }
0x56: {  	s29 =	simm.s32 $0xB600;
	s30 =	simm.s32 $0xC600;
	s7 =	sand.u32 $0x1, s7;
	v2 =	vsel vm2, $0x4E00, v2;
	v1 =	vsel vm2, $0x4D80, v1;
	[tilespmem:$0x1FFA0] =	vst v24;
	v0 =	vsel vm1, $0x5D00, v0  }
0x57: {  	s31 =	simm.s32 $0xD600;
	s11 =	simm.s32 $0xF600;
	s8 =	ssub.s32 $0x2, s7;
	v58 =	vsel vm1, $0x5E00, v2;
	v1 =	vsel vm1, $0x5D80, v1;
	[tilespmem:$0x1FFB0] =	vst v28;
	v0 =	vsel vm0, $0x6D00, v0  }
0x58: {  	s9 =	sshll.u32 s9, $0x7;
	s7 =	sshll.u32 s7, $0x6;
	s10 =	sshrl.u32 s8, $0x1;
	v57 =	vsel vm0, $0x6D80, v1;
	v1 =	vsel vm6, $0xF00, v60;
	[tilespmem:$0x1FE70] =	vst v0;
	v0 =	vsel vm0, $0x6E00, v58  }
0x59: {  	s7 =	sor.u32 s7, s9;
	s9 =	simm.s32 $0x15600;
	s8 =	ssub.s32 s8, s10;
	v2 =	vsel vm6, $0xF80, v61;
	v1 =	vsel vm5, $0x1F00, v1;
	[tilespmem:$0x1FE90] =	vst v0;
	v0 =	vsel vm6, $0xE80, v59  }
0x5a: {  	s2 =	sadd.s32 s2, s7;
	s22 =	sadd.s32 s3, s7;
	s23 =	sadd.s32 s4, s7;
	v2 =	vsel vm5, $0x1F80, v2;
	[tilespmem:$0x1FFC0] =	vst v29;
	v1 =	vsel vm4, $0x2F00, v1;
	v0 =	vsel vm5, $0x1E80, v0  }
0x5b: {  	s24 =	sadd.s32 s5, s7;
	s25 =	sadd.s32 s6, s7;
	s10 =	simm.s32 $0x1;
	v2 =	vsel vm4, $0x2F80, v2;
	[tilespmem:$0x1FFD0] =	vst v30;
	v1 =	vsel vm3, $0x3F00, v1;
	v0 =	vsel vm4, $0x2E80, v0  }
0x5c: {  	s4 =	simm.s32 $0x0;
	s5 =	simm.s32 $0x11600;
	v2 =	vsel vm3, $0x3F80, v2;
	[dreg:$0x8] =	wrdreg s2;
	[tilespmem:$0x1FFE0] =	vst v34;
	v1 =	vsel vm2, $0x4F00, v1;
	v0 =	vsel vm3, $0x3E80, v0  }
0x5d: {  	s6 =	simm.s32 $0x12600;
	s7 =	simm.s32 $0x13600;
	v2 =	vsel vm2, $0x4F80, v2;
	[dreg:$0x9] =	wrdreg s22;
	[tilespmem:$0x1FFF0] =	vst v35;
	v1 =	vsel vm1, $0x5F00, v1;
	v0 =	vsel vm2, $0x4E80, v0  }
0x5e: {  	s26 =	smax.u32 s8, $0x1;
	s8 =	simm.s32 $0x14600;
	v63 =	vsel vm1, $0x5F80, v2;
	[dreg:$0xa] =	wrdreg s23;
	[tilespmem:$0x1FE80] =	vst v57;
	v62 =	vsel vm0, $0x6F00, v1;
	v0 =	vsel vm1, $0x5E80, v0  }
0x5f: {  	[dreg:$0xb] =	wrdreg s24;
	s23 =	simm.s32 $0x8600;
	s2 =	simm.s32 $0x10600;
	vm6 =	vcmask $0x3B38;
	[tilespmem:$0x1FEB0] =	vst v62;
	vm5 =	vcmask $0x3734;
	v0 =	vsel vm0, $0x6E80, v0  }
0x60: {  	[dreg:$0xc] =	wrdreg s25;
	s22 =	simm.s32 $0x5600;
	s24 =	simm.s32 $0x6600;
	vm4 =	vcmask $0x3330;
	vm3 =	vcmask $0x2F2C;
	[tilespmem:$0x1FEA0] =	vst v0;
	v0 =	vsel vm0, $0x6F80, v63  }
0x61: {  	[dreg:$0xd] =	wrdreg s26;
	s25 =	simm.s32 $0x7600;
	s26 =	simm.s32 $0x9600;
	vm2 =	vcmask $0x2B28;
	vm1 =	vcmask $0x2724;
	vm0 =	vcmask $0x2300;
	[tilespmem:$0x1FEC0] =	vst v0  }
.LBB2_1:
0x62: {  	[dreg:$0xe] =	wrdreg s4  }
0x63: {  	s3 =	rddreg [dreg:$0x8]  }
0x64: {  	[tilespmem:s13], [sflag:$0x2] =	stream.linear.gather [hbm4b:s3+s13], $0x200, $0x38;
	[tilespmem:$0x18A00] =	vst v63  }
0x65: {  	_ =	swait.ge [sflag:s16], $0x200  }
0x66: {  	s17 =	simm.s32 $0x2;
	[sflag:s16] =	ssyncset.done $0x0  }
0x67: {  	s4 =	simm.s32 $0x200;
	s18 =	rddreg [dreg:$0x9];
	[sflag:s16] =	ssyncadd.s32 $0xFFFFFE00  }
0x68: {  	[tilespmem:s4], [sflag:$0x2] =	stream.linear.gather [hbm4b:s18+s13], $0x200, $0x38;
	[tilespmem:$0x18A00] =	vst v63  }
0x69: {  	_ =	swait.ge [sflag:s17], $0x200  }
0x6a: {  	[sflag:s17] =	ssyncset.done $0x0  }
0x6b: {  	s18 =	rddreg [dreg:$0xa];
	[sflag:s17] =	ssyncadd.s32 $0xFFFFFE00  }
0x6c: {  	[tilespmem:s12], [sflag:$0x2] =	stream.linear.gather [hbm4b:s18+s13], $0x200, $0x38;
	[tilespmem:$0x18A00] =	vst v63  }
0x6d: {  	_ =	swait.ge [sflag:s17], $0x200  }
0x6e: {  	[sflag:s17] =	ssyncset.done $0x0  }
0x6f: {  	s3 =	simm.s32 $0x0;
	[sflag:s17] =	ssyncadd.s32 $0xFFFFFE00  }
.LBB2_2:
0x70: {  	s13 =	sshra.s32 s3, $0x2  }
0x71: {  	v54 =	vld [tilespmem:s13+$0x0];
	_ =	sdelay $0x4  }
0x72: {  	(v2sf) =	vpush v54, $0x0;
	_ =	sdelay $0x1  }
0x73: {  	(v2sf) =	vpush v54, $0x1;
	_ =	sdelay $0x3  }
0x74: {  	(v2sf) =	vpush v54, $0x2;
	_ =	sdelay $0x2  }
0x75: {  	(v2sf) =	vpush v54, $0x3;
	_ =	sdelay $0x5  }
0x76: {  	s16 =	spop (v2sf);
	(v2sf) =	vpush v54, $0x4;
	_ =	sdelay $0x1  }
0x77: {  	s18 =	spop (v2sf);
	(v2sf) =	vpush v54, $0x5;
	_ =	sdelay $0x3  }
0x78: {  	s4 =	spop (v2sf);
	(v2sf) =	vpush v54, $0x6;
	_ =	sdelay $0x1  }
0x79: {  	s16 =	sand.u32 $0xFFFFF80, s16  }
0x7a: {  	v53 =	vld [tilespmem:s13+$0x200];
	s16 =	sadd.s32 s0, s16;
	s17 =	spop (v2sf);
	(v2sf) =	vpush v54, $0x7  }
0x7b: {  	v52 =	vld [tilespmem:s13+$0x400];
	[tilespmem:s15], [sflag:$0x1] =	stream.strided.gather [hbm4b:s16+s12], $0x1000, s14, s12, $0x38  }
0x7c: {  	s16 =	sand.u32 $0xFFFFF80, s18  }
0x7d: {  	s18 =	simm.s32 $0x1600;
	s16 =	sadd.s32 s0, s16  }
0x7e: {  	[tilespmem:s18], [sflag:$0x1] =	stream.strided.gather [hbm4b:s16+s12], $0x1000, s14, s12, $0x38;
	[tilespmem:$0x18A00] =	vst v63  }
0x7f: {  	s16 =	sand.u32 $0xFFFFF80, s4  }
0x80: {  	s16 =	sadd.s32 s0, s16;
	s4 =	spop (v2sf);
	(v2sf) =	vpush v53, $0x0  }
0x81: {  	[tilespmem:s19], [sflag:$0x1] =	stream.strided.gather [hbm4b:s16+s12], $0x1000, s14, s12, $0x38;
	[tilespmem:$0x18A00] =	vst v63  }
0x82: {  	s16 =	sand.u32 $0xFFFFF80, s17;
	s17 =	spop (v2sf);
	(v2sf) =	vpush v53, $0x1;
	_ =	sdelay $0x1  }
0x83: {  	s16 =	sadd.s32 s0, s16  }
0x84: {  	[tilespmem:s20], [sflag:$0x1] =	stream.strided.gather [hbm4b:s16+s12], $0x1000, s14, s12, $0x38;
	[tilespmem:$0x18A00] =	vst v63  }
0x85: {  	s16 =	sand.u32 $0xFFFFF80, s4;
	s4 =	spop (v2sf);
	(v2sf) =	vpush v53, $0x2  }
0x86: {  	s16 =	sadd.s32 s0, s16  }
0x87: {  	[tilespmem:s21], [sflag:$0x1] =	stream.strided.gather [hbm4b:s16+s12], $0x1000, s14, s12, $0x38;
	[tilespmem:$0x18A00] =	vst v63  }
0x88: {  	s16 =	sand.u32 $0xFFFFF80, s17;
	s17 =	spop (v2sf);
	(v2sf) =	vpush v53, $0x3;
	_ =	sdelay $0x2  }
0x89: {  	s16 =	sadd.s32 s0, s16  }
0x8a: {  	[tilespmem:s22], [sflag:$0x1] =	stream.strided.gather [hbm4b:s16+s12], $0x1000, s14, s12, $0x38;
	[tilespmem:$0x18A00] =	vst v63  }
0x8b: {  	s16 =	sand.u32 $0xFFFFF80, s4  }
0x8c: {  	s16 =	sadd.s32 s0, s16;
	s4 =	spop (v2sf);
	(v2sf) =	vpush v53, $0x4  }
0x8d: {  	[tilespmem:s24], [sflag:$0x1] =	stream.strided.gather [hbm4b:s16+s12], $0x1000, s14, s12, $0x38;
	[tilespmem:$0x18A00] =	vst v63  }
0x8e: {  	s16 =	sand.u32 $0xFFFFF80, s17;
	s17 =	spop (v2sf);
	(v2sf) =	vpush v53, $0x5  }
0x8f: {  	s16 =	sadd.s32 s0, s16  }
0x90: {  	[tilespmem:s25], [sflag:$0x1] =	stream.strided.gather [hbm4b:s16+s12], $0x1000, s14, s12, $0x38;
	[tilespmem:$0x18A00] =	vst v63  }
0x91: {  	s16 =	sand.u32 $0xFFFFF80, s4  }
0x92: {  	s16 =	sadd.s32 s1, s16;
	s4 =	spop (v2sf)  }
0x93: {  	(v2sf) =	vpush v53, $0x6;
	[tilespmem:s23], [sflag:$0x1] =	stream.strided.gather [hbm4b:s16+s12], $0x1000, s14, s12, $0x38;
	[tilespmem:$0x18A00] =	vst v63  }
0x94: {  	s16 =	sand.u32 $0xFFFFF80, s17  }
0x95: {  	s17 =	spop (v2sf);
	s16 =	sadd.s32 s1, s16  }
0x96: {  	(v2sf) =	vpush v53, $0x7;
	[tilespmem:s26], [sflag:$0x1] =	stream.strided.gather [hbm4b:s16+s12], $0x1000, s14, s12, $0x38;
	[tilespmem:$0x18A00] =	vst v63  }
0x97: {  	s16 =	sand.u32 $0xFFFFF80, s4  }
0x98: {  	s16 =	sadd.s32 s1, s16  }
0x99: {  	[tilespmem:s28], [sflag:$0x1] =	stream.strided.gather [hbm4b:s16+s12], $0x1000, s14, s12, $0x38;
	[tilespmem:$0x18A00] =	vst v63  }
0x9a: {  	s16 =	sand.u32 $0xFFFFF80, s17  }
0x9b: {  	s16 =	sadd.s32 s1, s16;
	s4 =	spop (v2sf);
	(v2sf) =	vpush v52, $0x0  }
0x9c: {  	[tilespmem:s29], [sflag:$0x1] =	stream.strided.gather [hbm4b:s16+s12], $0x1000, s14, s12, $0x38;
	[tilespmem:$0x18A00] =	vst v63  }
0x9d: {  	s17 =	spop (v2sf);
	(v2sf) =	vpush v52, $0x1  }
0x9e: {  	s16 =	sand.u32 $0xFFFFF80, s4  }
0x9f: {  	s16 =	sadd.s32 s1, s16  }
0xa0: {  	[tilespmem:s30], [sflag:$0x1] =	stream.strided.gather [hbm4b:s16+s12], $0x1000, s14, s12, $0x38;
	[tilespmem:$0x18A00] =	vst v63  }
0xa1: {  	s16 =	sand.u32 $0xFFFFF80, s17  }
0xa2: {  	s4 =	spop (v2sf);
	(v2sf) =	vpush v52, $0x2;
	s16 =	sadd.s32 s1, s16  }
0xa3: {  	[tilespmem:s31], [sflag:$0x1] =	stream.strided.gather [hbm4b:s16+s12], $0x1000, s14, s12, $0x38;
	[tilespmem:$0x18A00] =	vst v63  }
0xa4: {  	s16 =	sand.u32 $0xFFFFF80, s4  }
0xa5: {  	s17 =	spop (v2sf);
	(v2sf) =	vpush v52, $0x3;
	s4 =	simm.s32 $0xE600;
	s16 =	sadd.s32 s1, s16  }
0xa6: {  	[tilespmem:s4], [sflag:$0x1] =	stream.strided.gather [hbm4b:s16+s12], $0x1000, s14, s12, $0x38;
	[tilespmem:$0x18A00] =	vst v63  }
0xa7: {  	s16 =	sand.u32 $0xFFFFF80, s17  }
0xa8: {  	s16 =	sadd.s32 s1, s16  }
0xa9: {  	[tilespmem:s11], [sflag:$0x1] =	stream.strided.gather [hbm4b:s16+s12], $0x1000, s14, s12, $0x38;
	[tilespmem:$0x18A00] =	vst v63  }
0xaa: {  	s4 =	spop (v2sf)  }
0xab: {  	(v2sf) =	vpush v52, $0x4;
	s16 =	sand.u32 $0xFFFFF80, s4  }
0xac: {  	s17 =	spop (v2sf);
	s16 =	sadd.s32 s1, s16  }
0xad: {  	(v2sf) =	vpush v52, $0x5;
	[tilespmem:s2], [sflag:$0x1] =	stream.strided.gather [hbm4b:s16+s12], $0x1000, s14, s12, $0x38;
	[tilespmem:$0x18A00] =	vst v63  }
0xae: {  	s16 =	sand.u32 $0xFFFFF80, s17  }
0xaf: {  	s16 =	sadd.s32 s1, s16  }
0xb0: {  	[tilespmem:s5], [sflag:$0x1] =	stream.strided.gather [hbm4b:s16+s12], $0x1000, s14, s12, $0x38;
	[tilespmem:$0x18A00] =	vst v63  }
0xb1: {  	s16 =	spop (v2sf)  }
0xb2: {  	(v2sf) =	vpush v52, $0x6;
	_ =	sdelay $0x1  }
0xb3: {  	s16 =	sand.u32 $0xFFFFF80, s16;
	s4 =	spop (v2sf);
	(v2sf) =	vpush v52, $0x7  }
0xb4: {  	s16 =	sadd.s32 s1, s16  }
0xb5: {  	[tilespmem:s6], [sflag:$0x1] =	stream.strided.gather [hbm4b:s16+s12], $0x1000, s14, s12, $0x38;
	[tilespmem:$0x18A00] =	vst v63  }
0xb6: {  	s16 =	sand.u32 $0xFFFFF80, s4  }
0xb7: {  	s16 =	sadd.s32 s1, s16  }
0xb8: {  	[tilespmem:s7], [sflag:$0x1] =	stream.strided.gather [hbm4b:s16+s12], $0x1000, s14, s12, $0x38;
	[tilespmem:$0x18A00] =	vst v63  }
0xb9: {  	s17 =	spop (v2sf)  }
0xba: {  	s16 =	sand.u32 $0xFFFFF80, s17  }
0xbb: {  	s4 =	spop (v2sf);
	s16 =	sadd.s32 s1, s16  }
0xbc: {  	[tilespmem:s8], [sflag:$0x1] =	stream.strided.gather [hbm4b:s16+s12], $0x1000, s14, s12, $0x38;
	[tilespmem:$0x18A00] =	vst v63  }
0xbd: {  	s16 =	sand.u32 $0xFFFFF80, s4  }
0xbe: {  	s16 =	sadd.s32 s1, s16  }
0xbf: {  	[tilespmem:s9], [sflag:$0x1] =	stream.strided.gather [hbm4b:s16+s12], $0x1000, s14, s12, $0x38;
	[tilespmem:$0x18A00] =	vst v63  }
0xc0: {  	s17 =	spop (v2sf)  }
0xc1: {  	s16 =	sand.u32 $0xFFFFF80, s17  }
0xc2: {  	s17 =	simm.s32 $0x16600;
	s4 =	spop (v2sf);
	s16 =	sadd.s32 s1, s16  }
0xc3: {  	[tilespmem:s17], [sflag:$0x1] =	stream.strided.gather [hbm4b:s16+s12], $0x1000, s14, s12, $0x38;
	[tilespmem:$0x18A00] =	vst v63  }
0xc4: {  	s16 =	sand.u32 $0xFFFFF80, s4  }
0xc5: {  	s4 =	simm.s32 $0x17600;
	s16 =	sadd.s32 s1, s16  }
0xc6: {  	[tilespmem:s4], [sflag:$0x1] =	stream.strided.gather [hbm4b:s16+s12], $0x1000, s14, s12, $0x38;
	[tilespmem:$0x18A00] =	vst v63  }
0xc7: {  	_ =	swait.ge [sflag:s10], $0x1000  }
0xc8: {  	[sflag:s10] =	ssyncset.done $0x0  }
0xc9: {  	[sflag:s10] =	ssyncadd.s32 $0xFFFFF000  }
0xca: {  	_ =	swait.ge [sflag:s10], $0x1000  }
0xcb: {  	[sflag:s10] =	ssyncset.done $0x0  }
0xcc: {  	[sflag:s10] =	ssyncadd.s32 $0xFFFFF000  }
0xcd: {  	_ =	swait.ge [sflag:s10], $0x1000  }
0xce: {  	[sflag:s10] =	ssyncset.done $0x0  }
0xcf: {  	[sflag:s10] =	ssyncadd.s32 $0xFFFFF000  }
0xd0: {  	_ =	swait.ge [sflag:s10], $0x1000  }
0xd1: {  	[sflag:s10] =	ssyncset.done $0x0  }
0xd2: {  	[sflag:s10] =	ssyncadd.s32 $0xFFFFF000  }
0xd3: {  	_ =	swait.ge [sflag:s10], $0x1000  }
0xd4: {  	[sflag:s10] =	ssyncset.done $0x0  }
0xd5: {  	[sflag:s10] =	ssyncadd.s32 $0xFFFFF000  }
0xd6: {  	_ =	swait.ge [sflag:s10], $0x1000  }
0xd7: {  	[sflag:s10] =	ssyncset.done $0x0  }
0xd8: {  	[sflag:s10] =	ssyncadd.s32 $0xFFFFF000  }
0xd9: {  	_ =	swait.ge [sflag:s10], $0x1000  }
0xda: {  	[sflag:s10] =	ssyncset.done $0x0  }
0xdb: {  	[sflag:s10] =	ssyncadd.s32 $0xFFFFF000  }
0xdc: {  	_ =	swait.ge [sflag:s10], $0x1000  }
0xdd: {  	[sflag:s10] =	ssyncset.done $0x0  }
0xde: {  	[sflag:s10] =	ssyncadd.s32 $0xFFFFF000  }
0xdf: {  	_ =	swait.ge [sflag:s10], $0x1000  }
0xe0: {  	[sflag:s10] =	ssyncset.done $0x0  }
0xe1: {  	[sflag:s10] =	ssyncadd.s32 $0xFFFFF000  }
0xe2: {  	_ =	swait.ge [sflag:s10], $0x1000  }
0xe3: {  	[sflag:s10] =	ssyncset.done $0x0  }
0xe4: {  	[sflag:s10] =	ssyncadd.s32 $0xFFFFF000  }
0xe5: {  	_ =	swait.ge [sflag:s10], $0x1000  }
0xe6: {  	[sflag:s10] =	ssyncset.done $0x0  }
0xe7: {  	[sflag:s10] =	ssyncadd.s32 $0xFFFFF000  }
0xe8: {  	_ =	swait.ge [sflag:s10], $0x1000  }
0xe9: {  	[sflag:s10] =	ssyncset.done $0x0  }
0xea: {  	[sflag:s10] =	ssyncadd.s32 $0xFFFFF000  }
0xeb: {  	_ =	swait.ge [sflag:s10], $0x1000  }
0xec: {  	[sflag:s10] =	ssyncset.done $0x0  }
0xed: {  	[sflag:s10] =	ssyncadd.s32 $0xFFFFF000  }
0xee: {  	_ =	swait.ge [sflag:s10], $0x1000  }
0xef: {  	[sflag:s10] =	ssyncset.done $0x0  }
0xf0: {  	[sflag:s10] =	ssyncadd.s32 $0xFFFFF000  }
0xf1: {  	_ =	swait.ge [sflag:s10], $0x1000  }
0xf2: {  	[sflag:s10] =	ssyncset.done $0x0  }
0xf3: {  	[sflag:s10] =	ssyncadd.s32 $0xFFFFF000  }
0xf4: {  	_ =	swait.ge [sflag:s10], $0x1000  }
0xf5: {  	[sflag:s10] =	ssyncset.done $0x0  }
0xf6: {  	[sflag:s10] =	ssyncadd.s32 $0xFFFFF000  }
0xf7: {  	_ =	swait.ge [sflag:s10], $0x1000  }
0xf8: {  	[sflag:s10] =	ssyncset.done $0x0  }
0xf9: {  	[sflag:s10] =	ssyncadd.s32 $0xFFFFF000  }
0xfa: {  	_ =	swait.ge [sflag:s10], $0x1000  }
0xfb: {  	[sflag:s10] =	ssyncset.done $0x0  }
0xfc: {  	[sflag:s10] =	ssyncadd.s32 $0xFFFFF000  }
0xfd: {  	_ =	swait.ge [sflag:s10], $0x1000  }
0xfe: {  	[sflag:s10] =	ssyncset.done $0x0  }
0xff: {  	[sflag:s10] =	ssyncadd.s32 $0xFFFFF000  }
0x100: {  	_ =	swait.ge [sflag:s10], $0x1000  }
0x101: {  	[sflag:s10] =	ssyncset.done $0x0  }
0x102: {  	[sflag:s10] =	ssyncadd.s32 $0xFFFFF000  }
0x103: {  	_ =	swait.ge [sflag:s10], $0x1000  }
0x104: {  	[sflag:s10] =	ssyncset.done $0x0  }
0x105: {  	[sflag:s10] =	ssyncadd.s32 $0xFFFFF000  }
0x106: {  	_ =	swait.ge [sflag:s10], $0x1000  }
0x107: {  	[sflag:s10] =	ssyncset.done $0x0  }
0x108: {  	[sflag:s10] =	ssyncadd.s32 $0xFFFFF000  }
0x109: {  	v25 =	vand.u32 $0x7F, v53;
	_ =	swait.ge [sflag:s10], $0x1000  }
0x10a: {  	v3 =	vor.u32 v5, v25;
	[sflag:s10] =	ssyncset.done $0x0  }
0x10b: {  	[sflag:s10] =	ssyncadd.s32 $0xFFFFF000  }
0x10c: {  	_ =	swait.ge [sflag:s10], $0x1000  }
0x10d: {  	[sflag:s10] =	ssyncset.done $0x0  }
0x10e: {  	[sflag:s10] =	ssyncadd.s32 $0xFFFFF000  }
0x10f: {  	v61 =	vld.idx.msk [tilespmem:v3+s23+$0x0], $0xffff  }
0x110: {  	v1 =	vand.u32 $0x7F, v52;
	v7 =	vor.u32 v8, v25;
	v3 =	vld [tilespmem:$0x1FEF0]  }
0x111: {  	v43 =	vor.u32 v8, v1  }
0x112: {  	v4 =	vand.u32 $0x7F, v54;
	v9 =	vor.u32 v10, v25  }
0x113: {  	v6 =	vor.u32 v8, v4;
	v8 =	vor.u32 v10, v4  }
0x114: {  	v2 =	vor.u32 v5, v4;
	v48 =	vor.u32 v11, v25;
	v5 =	vld [tilespmem:$0x1FED0]  }
0x115: {  	v47 =	vld.idx.msk [tilespmem:v7+s23+$0x0], $0xffff;
	v10 =	vor.u32 v3, v1  }
0x116: {  	v49 =	vor.u32 v13, v4;
	v56 =	vld.idx.msk [tilespmem:v43+s2+$0x0], $0xffff  }
0x117: {  	v40 =	vld.idx.msk [tilespmem:v9+s23+$0x0], $0xffff;
	v9 =	vor.u32 v12, v4  }
0x118: {  	v51 =	vor.u32 v14, v1;
	v20 =	vld.idx.msk [tilespmem:v8+s15+$0x0], $0xffff  }
0x119: {  	v7 =	vor.u32 v11, v4;
	v8 =	vor.u32 v11, v1;
	v11 =	vor.u32 v12, v1;
	v41 =	vld.idx.msk [tilespmem:v48+s23+$0x0], $0xffff  }
0x11a: {  	v63 =	vld.idx.msk [tilespmem:v10+s2+$0x0], $0xffff;
	v10 =	vor.u32 v12, v25  }
0x11b: {  	v26 =	vld.idx.msk [tilespmem:v49+s15+$0x0], $0xffff;
	v12 =	vor.u32 v13, v25  }
0x11c: {  	v36 =	vld.idx.msk [tilespmem:v9+s15+$0x0], $0xffff;
	v9 =	vor.u32 v13, v1  }
0x11d: {  	v44 =	vor.u32 v22, v1;
	v59 =	vld.idx.msk [tilespmem:v51+s2+$0x0], $0xffff  }
0x11e: {  	v50 =	vld.idx.msk [tilespmem:v11+s2+$0x0], $0xffff;
	v13 =	vor.u32 v14, v4  }
0x11f: {  	v11 =	vor.u32 v14, v25;
	v14 =	vor.u32 v16, v4;
	v42 =	vld.idx.msk [tilespmem:v10+s23+$0x0], $0xffff  }
0x120: {  	v10 =	vld.idx.msk [tilespmem:v12+s23+$0x0], $0xffff;
	v12 =	vor.u32 v15, v4  }
0x121: {  	v58 =	vld.idx.msk [tilespmem:v9+s2+$0x0], $0xffff;
	v9 =	vor.u32 v15, v25  }
0x122: {  	v48 =	vld.idx.msk [tilespmem:v44+s2+$0x0], $0xffff  }
0x123: {  	v27 =	vld.idx.msk [tilespmem:v13+s15+$0x0], $0xffff;
	v13 =	vor.u32 v15, v1  }
0x124: {  	v32 =	vld.idx.msk [tilespmem:v14+s15+$0x0], $0xffff;
	v14 =	vor.u32 v17, v1  }
0x125: {  	v15 =	vor.u32 v16, v1;
	v31 =	vld.idx.msk [tilespmem:v12+s15+$0x0], $0xffff  }
0x126: {  	v12 =	vld.idx.msk [tilespmem:v9+s23+$0x0], $0xffff;
	v9 =	vor.u32 v17, v4  }
0x127: {  	v60 =	vor.u32 v16, v25;
	v3 =	vld [tilespmem:$0x1FF90];
	v16 =	vor.u32 v17, v25  }
0x128: {  	v37 =	vld.idx.msk [tilespmem:v13+s2+$0x0], $0xffff;
	v17 =	vor.u32 v18, v25  }
0x129: {  	v43 =	vld.idx.msk [tilespmem:v14+s2+$0x0], $0xffff;
	v14 =	vor.u32 v22, v25  }
0x12a: {  	v49 =	vor.u32 v24, v25;
	v39 =	vld.idx.msk [tilespmem:v15+s2+$0x0], $0xffff  }
0x12b: {  	v33 =	vld.idx.msk [tilespmem:v9+s15+$0x0], $0xffff;
	v9 =	vor.u32 v18, v1  }
0x12c: {  	v38 =	vor.u32 v18, v4;
	v15 =	vld.idx.msk [tilespmem:v16+s23+$0x0], $0xffff  }
0x12d: {  	v16 =	vld.idx.msk [tilespmem:v17+s23+$0x0], $0xffff  }
0x12e: {  	v17 =	vld.idx.msk [tilespmem:v14+s23+$0x0], $0xffff;
	v14 =	vor.u32 v24, v4  }
0x12f: {  	[tilespmem:$0x1FBD0] =	vst v48;
	v48 =	vld.idx.msk [tilespmem:v49+s23+$0x0], $0xffff;
	v18 =	vor.u32 v22, v4  }
0x130: {  	v45 =	vld.idx.msk [tilespmem:v9+s2+$0x0], $0xffff;
	v9 =	vor.u32 v23, v25  }
0x131: {  	[tilespmem:$0x1FB90] =	vst v37;
	v37 =	vld.idx.msk [tilespmem:v38+s15+$0x0], $0xffff  }
0x132: {  	v22 =	vor.u32 v23, v4;
	v23 =	vor.u32 v3, v1;
	v3 =	vld [tilespmem:$0x1FFA0]  }
0x133: {  	[tilespmem:$0x1FBB0] =	vst v43;
	v43 =	vld.idx.msk [tilespmem:v14+s15+$0x0], $0xffff;
	v14 =	vor.u32 v28, v1  }
0x134: {  	v51 =	vor.u32 v29, v4;
	v38 =	vld.idx.msk [tilespmem:v18+s15+$0x0], $0xffff  }
0x135: {  	v18 =	vld.idx.msk [tilespmem:v9+s23+$0x0], $0xffff;
	v9 =	vor.u32 v28, v4  }
0x136: {  	[tilespmem:$0x1FB70] =	vst v58;
	v58 =	vor.u32 v30, v1;
	v13 =	vld.idx.msk [tilespmem:v60+s23+$0x0], $0xffff  }
0x137: {  	[tilespmem:$0x1FB60] =	vst v50;
	v24 =	vor.u32 v3, v1;
	v50 =	vld.idx.msk [tilespmem:v23+s2+$0x0], $0xffff  }
0x138: {  	v23 =	vor.u32 v28, v25;
	v28 =	vor.u32 v30, v4;
	v60 =	vld.idx.msk [tilespmem:v14+s2+$0x0], $0xffff  }
0x139: {  	[tilespmem:$0x1FBC0] =	vst v45;
	v14 =	vor.u32 v30, v25;
	v45 =	vld.idx.msk [tilespmem:v51+s15+$0x0], $0xffff  }
0x13a: {  	v44 =	vld.idx.msk [tilespmem:v9+s15+$0x0], $0xffff;
	v9 =	vor.u32 v29, v1  }
0x13b: {  	v51 =	vld.idx.msk [tilespmem:v58+s2+$0x0], $0xffff  }
0x13c: {  	[tilespmem:$0x1FB80] =	vst v59;
	v59 =	vld.idx.msk [tilespmem:v24+s2+$0x0], $0xffff  }
0x13d: {  	v49 =	vld.idx.msk [tilespmem:v28+s15+$0x0], $0xffff  }
0x13e: {  	v28 =	vld.idx.msk [tilespmem:v14+s23+$0x0], $0xffff;
	v14 =	vor.u32 v46, v4  }
0x13f: {  	[tilespmem:$0x1FBE0] =	vst v50;
	v24 =	vor.u32 v29, v25;
	v29 =	vor.u32 v34, v4;
	v50 =	vld.idx.msk [tilespmem:v9+s2+$0x0], $0xffff  }
0x140: {  	v9 =	vor.u32 v34, v25  }
0x141: {  	v19 =	vld.idx.msk [tilespmem:v2+s15+$0x0], $0xffff  }
0x142: {  	v57 =	vld.idx.msk [tilespmem:v6+s15+$0x0], $0xffff;
	v5 =	vor.u32 v5, v1  }
0x143: {  	[tilespmem:$0x1FC00] =	vst v51;
	v51 =	vld.idx.msk [tilespmem:v14+s15+$0x0], $0xffff  }
0x144: {  	v14 =	vor.u32 v35, v1;
	[tilespmem:$0x1FBF0] =	vst v50;
	v50 =	vld.idx.msk [tilespmem:v29+s15+$0x0], $0xffff  }
0x145: {  	v29 =	vld.idx.msk [tilespmem:v9+s23+$0x0], $0xffff;
	v9 =	vor.u32 v35, v4  }
0x146: {  	v21 =	vld.idx.msk [tilespmem:v7+s15+$0x0], $0xffff  }
0x147: {  	v62 =	vld.idx.msk [tilespmem:v5+s2+$0x0], $0xffff  }
0x148: {  	v2 =	vor.u32 v46, v25;
	v5 =	vld [tilespmem:$0x1FE20];
	v30 =	vor.u32 v34, v1  }
0x149: {  	v6 =	vmov v46;
	v34 =	vor.u32 v46, v1;
	v46 =	vor.u32 v35, v25;
	v35 =	vld.idx.msk [tilespmem:v14+s2+$0x0], $0xffff  }
0x14a: {  	v7 =	vld.idx.msk [tilespmem:v9+s15+$0x0], $0xffff;
	v9 =	vor.u32 v55, v1;
	_ =	sdelay $0x2  }
0x14b: {  	v58 =	vld.idx.msk [tilespmem:v30+s2+$0x0], $0xffff  }
0x14c: {  	v30 =	vld.idx.msk [tilespmem:v2+s23+$0x0], $0xffff;
	v2 =	vor.u32 v55, v4  }
0x14d: {  	v3 =	vor.u32 v5, v25;
	[tilespmem:$0x1FC30] =	vst v35;
	v35 =	vld.idx.msk [tilespmem:v9+s2+$0x0], $0xffff  }
0x14e: {  	v0 =	vld.idx.msk [tilespmem:v8+s2+$0x0], $0xffff  }
0x14f: {  	v8 =	vld [tilespmem:$0x1FE30]  }
0x150: {  	v34 =	vld.idx.msk [tilespmem:v34+s2+$0x0], $0xffff  }
0x151: {  	v14 =	vld.idx.msk [tilespmem:v2+s15+$0x0], $0xffff  }
0x152: {  	v2 =	vor.u32 v5, v1;
	[tilespmem:$0x1FC50] =	vst v35;
	v35 =	vld.idx.msk [tilespmem:v3+s23+$0x0], $0xffff;
	_ =	sdelay $0x1  }
0x153: {  	[tilespmem:$0x1FC10] =	vst v58;
	v58 =	vor.u32 v55, v25;
	_ =	sdelay $0x1  }
0x154: {  	[tilespmem:$0x1FC20] =	vst v34;
	v34 =	vld.idx.msk [tilespmem:v46+s23+$0x0], $0xffff;
	v46 =	vor.u32 v5, v4  }
0x155: {  	v5 =	vor.u32 v8, v25;
	[tilespmem:$0x1FC60] =	vst v35;
	v35 =	vld.idx.msk [tilespmem:v2+s2+$0x0], $0xffff  }
0x156: {  	[tilespmem:$0x1FBA0] =	vst v39;
	v39 =	vld.idx.msk [tilespmem:v22+s15+$0x0], $0xffff  }
0x157: {  	v58 =	vld.idx.msk [tilespmem:v58+s23+$0x0], $0xffff  }
0x158: {  	v22 =	vld [tilespmem:$0x1FE40]  }
0x159: {  	v9 =	vld.idx.msk [tilespmem:v46+s15+$0x0], $0xffff;
	v46 =	vor.u32 v8, v1  }
0x15a: {  	[tilespmem:$0x1FC70] =	vst v35;
	v35 =	vld.idx.msk [tilespmem:v5+s23+$0x0], $0xffff;
	_ =	sdelay $0x1  }
0x15b: {  	[tilespmem:$0x1FC40] =	vst v58;
	v58 =	vor.u32 v8, v4;
	_ =	sdelay $0x1  }
0x15c: {  	v3 =	vor.u32 v22, v4;
	v46 =	vld.idx.msk [tilespmem:v46+s2+$0x0], $0xffff  }
0x15d: {  	v2 =	vor.u32 v22, v25;
	[tilespmem:$0x1FC80] =	vst v35;
	v35 =	vld [tilespmem:$0x1FE50];
	_ =	sdelay $0x1  }
0x15e: {  	v8 =	vld.idx.msk [tilespmem:v58+s15+$0x0], $0xffff;
	v58 =	vor.u32 v22, v1  }
0x15f: {  	[tilespmem:$0x1FB50] =	vst v0;
	v0 =	vld [tilespmem:$0x1FE60]  }
0x160: {  	[tilespmem:$0x1FC90] =	vst v46;
	v22 =	vld.idx.msk [tilespmem:v3+s15+$0x0], $0xffff  }
0x161: {  	v5 =	vor.u32 v35, v4;
	v46 =	vor.u32 v35, v25;
	v3 =	vor.u32 v35, v1;
	v35 =	vld.idx.msk [tilespmem:v2+s23+$0x0], $0xffff;
	_ =	sdelay $0x1  }
0x162: {  	v58 =	vld.idx.msk [tilespmem:v58+s2+$0x0], $0xffff;
	_ =	sdelay $0x2  }
0x163: {  	v2 =	vor.u32 v0, v4;
	[tilespmem:$0x1FCA0] =	vst v35;
	v35 =	vld.idx.msk [tilespmem:v5+s15+$0x0], $0xffff  }
0x164: {  	v46 =	vld.idx.msk [tilespmem:v46+s23+$0x0], $0xffff  }
0x165: {  	[tilespmem:$0x1FCB0] =	vst v58;
	v58 =	vor.u32 v0, v25;
	v5 =	vor.u32 v0, v1;
	v0 =	vld [tilespmem:$0x1FE70];
	_ =	sdelay $0x1  }
0x166: {  	v3 =	vld.idx.msk [tilespmem:v3+s2+$0x0], $0xffff  }
0x167: {  	v2 =	vld.idx.msk [tilespmem:v2+s15+$0x0], $0xffff;
	_ =	sdelay $0x1  }
0x168: {  	[tilespmem:$0x1FCC0] =	vst v46;
	v46 =	vor.u32 v0, v4;
	_ =	sdelay $0x1  }
0x169: {  	v58 =	vld.idx.msk [tilespmem:v58+s23+$0x0], $0xffff;
	[tilespmem:$0x1FCD0] =	vst v3  }
0x16a: {  	v3 =	vor.u32 v0, v25;
	[tilespmem:$0x1FCE0] =	vst v2;
	v2 =	vor.u32 v0, v1;
	v0 =	vld [tilespmem:$0x1FE80]  }
0x16b: {  	v5 =	vld.idx.msk [tilespmem:v5+s2+$0x0], $0xffff  }
0x16c: {  	v46 =	vld.idx.msk [tilespmem:v46+s15+$0x0], $0xffff;
	_ =	sdelay $0x2  }
0x16d: {  	[tilespmem:$0x1FCF0] =	vst v58  }
0x16e: {  	v58 =	vor.u32 v0, v4;
	[tilespmem:$0x1FD00] =	vst v5  }
0x16f: {  	v5 =	vor.u32 v0, v25;
	[tilespmem:$0x1FD10] =	vst v46;
	v46 =	vor.u32 v0, v1;
	v0 =	vld.idx.msk [tilespmem:v3+s23+$0x0], $0xffff;
	_ =	sdelay $0x2  }
0x170: {  	v2 =	vld.idx.msk [tilespmem:v2+s2+$0x0], $0xffff  }
0x171: {  	v58 =	vld.idx.msk [tilespmem:v58+s15+$0x0], $0xffff  }
0x172: {  	[tilespmem:$0x1FD20] =	vst v0;
	v0 =	vld [tilespmem:$0x1FE90];
	_ =	sdelay $0x2  }
0x173: {  	[tilespmem:$0x1FD30] =	vst v2  }
0x174: {  	[tilespmem:$0x1FD40] =	vst v58  }
0x175: {  	v3 =	vor.u32 v0, v4;
	v2 =	vor.u32 v0, v25;
	v58 =	vor.u32 v0, v1;
	v0 =	vld.idx.msk [tilespmem:v5+s23+$0x0], $0xffff;
	_ =	sdelay $0x3  }
0x176: {  	v46 =	vld.idx.msk [tilespmem:v46+s2+$0x0], $0xffff  }
0x177: {  	[tilespmem:$0x1FD50] =	vst v0;
	v0 =	vld [tilespmem:$0x1FEA0]  }
0x178: {  	v3 =	vld.idx.msk [tilespmem:v3+s15+$0x0], $0xffff;
	_ =	sdelay $0x3  }
0x179: {  	[tilespmem:$0x1FD60] =	vst v46;
	v5 =	vor.u32 v0, v4  }
0x17a: {  	v46 =	vor.u32 v0, v25;
	[tilespmem:$0x1FD70] =	vst v3;
	v3 =	vor.u32 v0, v1;
	v0 =	vld.idx.msk [tilespmem:v2+s23+$0x0], $0xffff;
	_ =	sdelay $0x3  }
0x17b: {  	v58 =	vld.idx.msk [tilespmem:v58+s2+$0x0], $0xffff  }
0x17c: {  	[tilespmem:$0x1FD80] =	vst v0;
	v0 =	vld [tilespmem:$0x1FEB0]  }
0x17d: {  	v5 =	vld.idx.msk [tilespmem:v5+s15+$0x0], $0xffff  }
0x17e: {  	(v2sf) =	vpush v54, $0x8;
	_ =	sdelay $0x2  }
0x17f: {  	[tilespmem:$0x1FD90] =	vst v58;
	v3 =	vld.idx.msk [tilespmem:v3+s2+$0x0], $0xffff;
	v58 =	vor.u32 v0, v25  }
0x180: {  	v2 =	vor.u32 v0, v4;
	[tilespmem:$0x1FDA0] =	vst v5;
	v5 =	vor.u32 v0, v1;
	v0 =	vld [tilespmem:$0x1FEC0]  }
0x181: {  	(v2sf) =	vpush v54, $0x9;
	_ =	sdelay $0x1  }
0x182: {  	v46 =	vld.idx.msk [tilespmem:v46+s23+$0x0], $0xffff  }
0x183: {  	v58 =	vld.idx.msk [tilespmem:v58+s23+$0x0], $0xffff  }
0x184: {  	(v2sf) =	vpush v54, $0xA;
	[tilespmem:$0x1FDC0] =	vst v3;
	v3 =	vor.u32 v0, v25;
	v2 =	vld.idx.msk [tilespmem:v2+s15+$0x0], $0xffff;
	_ =	sdelay $0x2  }
0x185: {  	(v2sf) =	vpush v54, $0xB;
	[tilespmem:$0x1FDB0] =	vst v46  }
0x186: {  	v46 =	vor.u32 v0, v4;
	[tilespmem:$0x1FDE0] =	vst v58;
	v58 =	vld.idx.msk [tilespmem:v5+s2+$0x0], $0xffff  }
0x187: {  	[tilespmem:$0x1FDD0] =	vst v2;
	v2 =	vor.u32 v0, v1;
	v0 =	vld.idx.msk [tilespmem:v3+s23+$0x0], $0xffff  }
0x188: {  	v11 =	vld.idx.msk [tilespmem:v11+s23+$0x0], $0xffff;
	s16 =	spop (v2sf);
	(v2sf) =	vpush v54, $0xC  }
0x189: {  	v23 =	vld.idx.msk [tilespmem:v23+s23+$0x0], $0xffff  }
0x18a: {  	s16 =	sand.u32 $0xFFFFF80, s16;
	v24 =	vld.idx.msk [tilespmem:v24+s23+$0x0], $0xffff  }
0x18b: {  	s16 =	sadd.s32 s0, s16;
	[tilespmem:$0x1FDF0] =	vst v58;
	v58 =	vld.idx.msk [tilespmem:v46+s15+$0x0], $0xffff  }
0x18c: {  	[tilespmem:$0x1FE00] =	vst v0;
	v0 =	vld.idx.msk [tilespmem:v2+s2+$0x0], $0xffff;
	[tilespmem:s15], [sflag:$0x1] =	stream.strided.gather [hbm4b:s16+s12], $0x1000, s14, s12, $0x38  }
0x18d: {  	s16 =	spop (v2sf);
	(v2sf) =	vpush v54, $0xD  }
0x18e: {  	s16 =	sand.u32 $0xFFFFF80, s16  }
0x18f: {  	s16 =	sadd.s32 s0, s16  }
0x190: {  	[tilespmem:s18], [sflag:$0x1] =	stream.strided.gather [hbm4b:s16+s12], $0x1000, s14, s12, $0x38;
	[tilespmem:$0x18A00] =	vst v63  }
0x191: {  	s18 =	spop (v2sf);
	(v2sf) =	vpush v54, $0xE;
	_ =	sdelay $0x2  }
0x192: {  	s16 =	sand.u32 $0xFFFFF80, s18;
	s18 =	spop (v2sf);
	(v2sf) =	vpush v54, $0xF  }
0x193: {  	s16 =	sadd.s32 s0, s16  }
0x194: {  	[tilespmem:s19], [sflag:$0x1] =	stream.strided.gather [hbm4b:s16+s12], $0x1000, s14, s12, $0x38;
	[tilespmem:$0x18A00] =	vst v63  }
0x195: {  	s16 =	sand.u32 $0xFFFFF80, s18;
	s18 =	spop (v2sf);
	(v2sf) =	vpush v53, $0x8;
	_ =	sdelay $0x2  }
0x196: {  	s16 =	sadd.s32 s0, s16  }
0x197: {  	[tilespmem:s20], [sflag:$0x1] =	stream.strided.gather [hbm4b:s16+s12], $0x1000, s14, s12, $0x38;
	[tilespmem:$0x18A00] =	vst v63  }
0x198: {  	s16 =	sand.u32 $0xFFFFF80, s18;
	s18 =	spop (v2sf);
	(v2sf) =	vpush v53, $0x9;
	_ =	sdelay $0x1  }
0x199: {  	s16 =	sadd.s32 s0, s16  }
0x19a: {  	[tilespmem:s21], [sflag:$0x1] =	stream.strided.gather [hbm4b:s16+s12], $0x1000, s14, s12, $0x38;
	[tilespmem:$0x18A00] =	vst v63  }
0x19b: {  	s16 =	sand.u32 $0xFFFFF80, s18;
	s18 =	spop (v2sf);
	(v2sf) =	vpush v53, $0xA  }
0x19c: {  	s16 =	sadd.s32 s0, s16  }
0x19d: {  	[tilespmem:s22], [sflag:$0x1] =	stream.strided.gather [hbm4b:s16+s12], $0x1000, s14, s12, $0x38;
	[tilespmem:$0x18A00] =	vst v63  }
0x19e: {  	s16 =	sand.u32 $0xFFFFF80, s18;
	s18 =	spop (v2sf);
	(v2sf) =	vpush v53, $0xB  }
0x19f: {  	s16 =	sadd.s32 s0, s16  }
0x1a0: {  	[tilespmem:s24], [sflag:$0x1] =	stream.strided.gather [hbm4b:s16+s12], $0x1000, s14, s12, $0x38;
	[tilespmem:$0x18A00] =	vst v63  }
0x1a1: {  	s16 =	sand.u32 $0xFFFFF80, s18;
	s18 =	spop (v2sf);
	(v2sf) =	vpush v53, $0xC;
	_ =	sdelay $0x2  }
0x1a2: {  	s16 =	sadd.s32 s0, s16  }
0x1a3: {  	[tilespmem:s25], [sflag:$0x1] =	stream.strided.gather [hbm4b:s16+s12], $0x1000, s14, s12, $0x38;
	[tilespmem:$0x18A00] =	vst v63  }
0x1a4: {  	s16 =	sand.u32 $0xFFFFF80, s18;
	s18 =	spop (v2sf);
	(v2sf) =	vpush v53, $0xD  }
0x1a5: {  	s16 =	sadd.s32 s1, s16  }
0x1a6: {  	[tilespmem:s23], [sflag:$0x1] =	stream.strided.gather [hbm4b:s16+s12], $0x1000, s14, s12, $0x38;
	[tilespmem:$0x18A00] =	vst v63  }
0x1a7: {  	s16 =	sand.u32 $0xFFFFF80, s18  }
0x1a8: {  	s16 =	sadd.s32 s1, s16;
	s18 =	spop (v2sf);
	(v2sf) =	vpush v53, $0xE  }
0x1a9: {  	[tilespmem:s26], [sflag:$0x1] =	stream.strided.gather [hbm4b:s16+s12], $0x1000, s14, s12, $0x38;
	[tilespmem:$0x18A00] =	vst v63  }
0x1aa: {  	s16 =	sand.u32 $0xFFFFF80, s18  }
0x1ab: {  	s18 =	spop (v2sf);
	s16 =	sadd.s32 s1, s16  }
0x1ac: {  	(v2sf) =	vpush v53, $0xF;
	[tilespmem:s28], [sflag:$0x1] =	stream.strided.gather [hbm4b:s16+s12], $0x1000, s14, s12, $0x38;
	[tilespmem:$0x18A00] =	vst v63  }
0x1ad: {  	s16 =	sand.u32 $0xFFFFF80, s18  }
0x1ae: {  	s18 =	spop (v2sf);
	(v2sf) =	vpush v52, $0x8;
	s16 =	sadd.s32 s1, s16  }
0x1af: {  	[tilespmem:s29], [sflag:$0x1] =	stream.strided.gather [hbm4b:s16+s12], $0x1000, s14, s12, $0x38;
	[tilespmem:$0x18A00] =	vst v63  }
0x1b0: {  	s16 =	sand.u32 $0xFFFFF80, s18  }
0x1b1: {  	s16 =	sadd.s32 s1, s16  }
0x1b2: {  	[tilespmem:s30], [sflag:$0x1] =	stream.strided.gather [hbm4b:s16+s12], $0x1000, s14, s12, $0x38;
	[tilespmem:$0x18A00] =	vst v63  }
0x1b3: {  	s18 =	spop (v2sf);
	(v2sf) =	vpush v52, $0x9  }
0x1b4: {  	s16 =	sand.u32 $0xFFFFF80, s18  }
0x1b5: {  	s16 =	sadd.s32 s1, s16  }
0x1b6: {  	[tilespmem:s31], [sflag:$0x1] =	stream.strided.gather [hbm4b:s16+s12], $0x1000, s14, s12, $0x38;
	[tilespmem:$0x18A00] =	vst v63  }
0x1b7: {  	s18 =	spop (v2sf);
	(v2sf) =	vpush v52, $0xA  }
0x1b8: {  	s16 =	sand.u32 $0xFFFFF80, s18  }
0x1b9: {  	s18 =	simm.s32 $0xE600;
	s16 =	sadd.s32 s1, s16  }
0x1ba: {  	[tilespmem:s18], [sflag:$0x1] =	stream.strided.gather [hbm4b:s16+s12], $0x1000, s14, s12, $0x38;
	[tilespmem:$0x18A00] =	vst v63  }
0x1bb: {  	s18 =	spop (v2sf);
	(v2sf) =	vpush v52, $0xB  }
0x1bc: {  	s16 =	sand.u32 $0xFFFFF80, s18  }
0x1bd: {  	s18 =	spop (v2sf);
	(v2sf) =	vpush v52, $0xC;
	s16 =	sadd.s32 s1, s16  }
0x1be: {  	[tilespmem:s11], [sflag:$0x1] =	stream.strided.gather [hbm4b:s16+s12], $0x1000, s14, s12, $0x38;
	[tilespmem:$0x18A00] =	vst v63  }
0x1bf: {  	s16 =	sand.u32 $0xFFFFF80, s18  }
0x1c0: {  	s16 =	sadd.s32 s1, s16  }
0x1c1: {  	[tilespmem:s2], [sflag:$0x1] =	stream.strided.gather [hbm4b:s16+s12], $0x1000, s14, s12, $0x38;
	[tilespmem:$0x18A00] =	vst v63  }
0x1c2: {  	s18 =	spop (v2sf);
	(v2sf) =	vpush v52, $0xD  }
0x1c3: {  	s16 =	sand.u32 $0xFFFFF80, s18  }
0x1c4: {  	s16 =	sadd.s32 s1, s16  }
0x1c5: {  	[tilespmem:s5], [sflag:$0x1] =	stream.strided.gather [hbm4b:s16+s12], $0x1000, s14, s12, $0x38;
	[tilespmem:$0x18A00] =	vst v63  }
0x1c6: {  	s18 =	spop (v2sf);
	(v2sf) =	vpush v52, $0xE  }
0x1c7: {  	s16 =	sand.u32 $0xFFFFF80, s18  }
0x1c8: {  	s16 =	sadd.s32 s1, s16  }
0x1c9: {  	[tilespmem:s6], [sflag:$0x1] =	stream.strided.gather [hbm4b:s16+s12], $0x1000, s14, s12, $0x38;
	[tilespmem:$0x18A00] =	vst v63  }
0x1ca: {  	s18 =	spop (v2sf);
	(v2sf) =	vpush v52, $0xF  }
0x1cb: {  	s16 =	sand.u32 $0xFFFFF80, s18  }
0x1cc: {  	s18 =	spop (v2sf);
	s16 =	sadd.s32 s1, s16  }
0x1cd: {  	[tilespmem:s7], [sflag:$0x1] =	stream.strided.gather [hbm4b:s16+s12], $0x1000, s14, s12, $0x38;
	[tilespmem:$0x18A00] =	vst v63  }
0x1ce: {  	s16 =	sand.u32 $0xFFFFF80, s18  }
0x1cf: {  	s16 =	sadd.s32 s1, s16  }
0x1d0: {  	[tilespmem:s8], [sflag:$0x1] =	stream.strided.gather [hbm4b:s16+s12], $0x1000, s14, s12, $0x38;
	[tilespmem:$0x18A00] =	vst v63  }
0x1d1: {  	s18 =	spop (v2sf)  }
0x1d2: {  	s16 =	sand.u32 $0xFFFFF80, s18  }
0x1d3: {  	s16 =	sadd.s32 s1, s16  }
0x1d4: {  	[tilespmem:s9], [sflag:$0x1] =	stream.strided.gather [hbm4b:s16+s12], $0x1000, s14, s12, $0x38;
	[tilespmem:$0x18A00] =	vst v63  }
0x1d5: {  	s18 =	spop (v2sf)  }
0x1d6: {  	s16 =	sand.u32 $0xFFFFF80, s18  }
0x1d7: {  	s16 =	sadd.s32 s1, s16  }
0x1d8: {  	[tilespmem:s17], [sflag:$0x1] =	stream.strided.gather [hbm4b:s16+s12], $0x1000, s14, s12, $0x38;
	[tilespmem:$0x18A00] =	vst v63  }
0x1d9: {  	s18 =	spop (v2sf)  }
0x1da: {  	s16 =	sand.u32 $0xFFFFF80, s18  }
0x1db: {  	s4 =	simm.s32 $0x17600;
	[tilespmem:$0x1FE10] =	vst v0;
	s16 =	sadd.s32 s1, s16  }
0x1dc: {  	[tilespmem:s4], [sflag:$0x1] =	stream.strided.gather [hbm4b:s16+s12], $0x1000, s14, s12, $0x38;
	[tilespmem:$0x18A00] =	vst v63  }
0x1dd: {  	_ =	swait.ge [sflag:s10], $0x1000  }
0x1de: {  	[sflag:s10] =	ssyncset.done $0x0  }
0x1df: {  	[sflag:s10] =	ssyncadd.s32 $0xFFFFF000  }
0x1e0: {  	_ =	swait.ge [sflag:s10], $0x1000  }
0x1e1: {  	[sflag:s10] =	ssyncset.done $0x0  }
0x1e2: {  	[sflag:s10] =	ssyncadd.s32 $0xFFFFF000  }
0x1e3: {  	_ =	swait.ge [sflag:s10], $0x1000  }
0x1e4: {  	[sflag:s10] =	ssyncset.done $0x0  }
0x1e5: {  	[sflag:s10] =	ssyncadd.s32 $0xFFFFF000  }
0x1e6: {  	_ =	swait.ge [sflag:s10], $0x1000  }
0x1e7: {  	[sflag:s10] =	ssyncset.done $0x0  }
0x1e8: {  	[sflag:s10] =	ssyncadd.s32 $0xFFFFF000  }
0x1e9: {  	_ =	swait.ge [sflag:s10], $0x1000  }
0x1ea: {  	[sflag:s10] =	ssyncset.done $0x0  }
0x1eb: {  	[sflag:s10] =	ssyncadd.s32 $0xFFFFF000  }
0x1ec: {  	_ =	swait.ge [sflag:s10], $0x1000  }
0x1ed: {  	[sflag:s10] =	ssyncset.done $0x0  }
0x1ee: {  	[sflag:s10] =	ssyncadd.s32 $0xFFFFF000  }
0x1ef: {  	_ =	swait.ge [sflag:s10], $0x1000  }
0x1f0: {  	[sflag:s10] =	ssyncset.done $0x0  }
0x1f1: {  	[sflag:s10] =	ssyncadd.s32 $0xFFFFF000  }
0x1f2: {  	_ =	swait.ge [sflag:s10], $0x1000  }
0x1f3: {  	[sflag:s10] =	ssyncset.done $0x0  }
0x1f4: {  	v3 =	vmul.f32 v62, v19;
	[sflag:s10] =	ssyncadd.s32 $0xFFFFF000  }
0x1f5: {  	_ =	swait.ge [sflag:s10], $0x1000  }
0x1f6: {  	v61 =	vmul.f32 v61, v19;
	v19 =	vmul.f32 v56, v57;
	v3 =	vadd.f32 $0.0e+00, v3;
	[sflag:s10] =	ssyncset.done $0x0  }
0x1f7: {  	v5 =	vmul.f32 v47, v57;
	[sflag:s10] =	ssyncadd.s32 $0xFFFFF000  }
0x1f8: {  	v3 =	vadd.f32 v19, v3;
	v19 =	vmul.f32 v63, v20;
	v2 =	vadd.f32 $0.0e+00, v61;
	v63 =	vld [tilespmem:$0x1FB50];
	_ =	swait.ge [sflag:s10], $0x1000  }
0x1f9: {  	[sflag:s10] =	ssyncset.done $0x0  }
0x1fa: {  	v2 =	vadd.f32 v5, v2;
	v5 =	vmul.f32 v40, v20;
	v40 =	vld [tilespmem:$0x1FB60];
	[sflag:s10] =	ssyncadd.s32 $0xFFFFF000  }
0x1fb: {  	_ =	swait.ge [sflag:s10], $0x1000  }
0x1fc: {  	v2 =	vadd.f32 v5, v2;
	v5 =	vmul.f32 v41, v21;
	v41 =	vld [tilespmem:$0x1FB70]  }
0x1fd: {  	v3 =	vadd.f32 v19, v3;
	v19 =	vmul.f32 v63, v21;
	[sflag:s10] =	ssyncset.done $0x0  }
0x1fe: {  	v2 =	vadd.f32 v5, v2;
	v5 =	vmul.f32 v42, v36;
	v42 =	vld [tilespmem:$0x1FB80];
	[sflag:s10] =	ssyncadd.s32 $0xFFFFF000  }
0x1ff: {  	v3 =	vadd.f32 v19, v3;
	v19 =	vmul.f32 v40, v36;
	_ =	swait.ge [sflag:s10], $0x1000  }
0x200: {  	v46 =	vmov v6;
	v2 =	vadd.f32 v5, v2;
	v6 =	vld [tilespmem:$0x1FB90]  }
0x201: {  	v5 =	vmul.f32 v10, v26;
	v3 =	vadd.f32 v19, v3;
	v10 =	vmul.f32 v41, v26  }
0x202: {  	[sflag:s10] =	ssyncset.done $0x0  }
0x203: {  	[sflag:s10] =	ssyncadd.s32 $0xFFFFF000;
	v3 =	vadd.f32 v10, v3;
	v10 =	vmul.f32 v42, v27  }
0x204: {  	_ =	swait.ge [sflag:s10], $0x1000  }
0x205: {  	v3 =	vadd.f32 v10, v3;
	v10 =	vmul.f32 v6, v31;
	v6 =	vld [tilespmem:$0x1FBA0];
	_ =	sdelay $0x4  }
0x206: {  	v3 =	vadd.f32 v10, v3;
	v10 =	vmul.f32 v6, v32;
	v6 =	vld [tilespmem:$0x1FBB0];
	_ =	sdelay $0x1  }
0x207: {  	[sflag:s10] =	ssyncset.done $0x0  }
0x208: {  	[sflag:s10] =	ssyncadd.s32 $0xFFFFF000  }
0x209: {  	v2 =	vadd.f32 v5, v2;
	_ =	swait.ge [sflag:s10], $0x1000  }
0x20a: {  	v5 =	vmul.f32 v11, v27;
	v3 =	vadd.f32 v10, v3;
	v10 =	vmul.f32 v6, v33;
	v6 =	vld [tilespmem:$0x1FBC0];
	_ =	sdelay $0x1  }
0x20b: {  	v2 =	vadd.f32 v5, v2;
	v5 =	vmul.f32 v12, v31;
	[sflag:s10] =	ssyncset.done $0x0  }
0x20c: {  	[sflag:s10] =	ssyncadd.s32 $0xFFFFF000  }
0x20d: {  	v2 =	vadd.f32 v5, v2;
	_ =	swait.ge [sflag:s10], $0x1000  }
0x20e: {  	v5 =	vmul.f32 v13, v32;
	v3 =	vadd.f32 v10, v3;
	v10 =	vmul.f32 v6, v37;
	v6 =	vld [tilespmem:$0x1FBD0];
	_ =	sdelay $0x1  }
0x20f: {  	v2 =	vadd.f32 v5, v2;
	v5 =	vmul.f32 v15, v33;
	_ =	sdelay $0x1  }
0x210: {  	v2 =	vadd.f32 v5, v2  }
0x211: {  	v5 =	vmul.f32 v16, v37;
	[sflag:s10] =	ssyncset.done $0x0;
	v3 =	vadd.f32 v10, v3;
	v10 =	vmul.f32 v6, v38;
	v6 =	vld [tilespmem:$0x1FBE0]  }
0x212: {  	[sflag:s10] =	ssyncadd.s32 $0xFFFFF000  }
0x213: {  	v2 =	vadd.f32 v5, v2;
	v5 =	vmul.f32 v17, v38;
	_ =	swait.ge [sflag:s10], $0x1000  }
0x214: {  	[sflag:s10] =	ssyncset.done $0x0  }
0x215: {  	v2 =	vadd.f32 v5, v2;
	v5 =	vmul.f32 v18, v39;
	[sflag:s10] =	ssyncadd.s32 $0xFFFFF000  }
0x216: {  	v3 =	vadd.f32 v10, v3;
	_ =	swait.ge [sflag:s10], $0x1000;
	v10 =	vmul.f32 v6, v39  }
0x217: {  	v2 =	vadd.f32 v5, v2;
	v5 =	vmul.f32 v48, v43;
	v6 =	vld [tilespmem:$0x1FBF0]  }
0x218: {  	v3 =	vadd.f32 v10, v3;
	v10 =	vmul.f32 v59, v43  }
0x219: {  	v2 =	vadd.f32 v5, v2;
	v5 =	vmul.f32 v23, v44;
	[sflag:s10] =	ssyncset.done $0x0  }
0x21a: {  	[sflag:s10] =	ssyncadd.s32 $0xFFFFF000;
	v3 =	vadd.f32 v10, v3;
	v10 =	vmul.f32 v60, v44  }
0x21b: {  	v2 =	vadd.f32 v5, v2;
	_ =	swait.ge [sflag:s10], $0x1000  }
0x21c: {  	v5 =	vmul.f32 v24, v45;
	v3 =	vadd.f32 v10, v3;
	v10 =	vmul.f32 v6, v45;
	v6 =	vld [tilespmem:$0x1FC00];
	_ =	sdelay $0x1  }
0x21d: {  	v2 =	vadd.f32 v5, v2;
	v5 =	vmul.f32 v28, v49;
	[sflag:s10] =	ssyncset.done $0x0  }
0x21e: {  	v28 =	vld [tilespmem:$0x1FFB0];
	[sflag:s10] =	ssyncadd.s32 $0xFFFFF000  }
0x21f: {  	v2 =	vadd.f32 v5, v2;
	v5 =	vmul.f32 v29, v50;
	v29 =	vld [tilespmem:$0x1FFC0];
	_ =	swait.ge [sflag:s10], $0x1000  }
0x220: {  	v3 =	vadd.f32 v10, v3;
	v10 =	vmul.f32 v6, v49;
	v6 =	vld [tilespmem:$0x1FC10];
	_ =	sdelay $0x1  }
0x221: {  	v2 =	vadd.f32 v5, v2;
	v5 =	vmul.f32 v30, v51  }
0x222: {  	[sflag:s10] =	ssyncset.done $0x0  }
0x223: {  	v2 =	vadd.f32 v5, v2;
	v5 =	vmul.f32 v34, v7;
	v30 =	vld [tilespmem:$0x1FFD0];
	[sflag:s10] =	ssyncadd.s32 $0xFFFFF000  }
0x224: {  	v3 =	vadd.f32 v10, v3;
	v10 =	vmul.f32 v6, v50;
	v6 =	vld [tilespmem:$0x1FC20];
	_ =	swait.ge [sflag:s10], $0x1000  }
0x225: {  	v2 =	vadd.f32 v5, v2;
	v5 =	vld [tilespmem:$0x1FC40];
	_ =	sdelay $0x3  }
0x226: {  	[sflag:s10] =	ssyncset.done $0x0;
	v3 =	vadd.f32 v10, v3;
	v10 =	vmul.f32 v6, v51;
	v6 =	vld [tilespmem:$0x1FC30]  }
0x227: {  	[sflag:s10] =	ssyncadd.s32 $0xFFFFF000;
	v5 =	vmul.f32 v5, v14  }
0x228: {  	v34 =	vld [tilespmem:$0x1FFE0];
	_ =	swait.ge [sflag:s10], $0x1000  }
0x229: {  	[sflag:s10] =	ssyncset.done $0x0;
	v2 =	vadd.f32 v5, v2;
	v5 =	vld [tilespmem:$0x1FC50]  }
0x22a: {  	v47 =	vimm.s32 $0x7200;
	v20 =	vimm.s32 $0x7100;
	v11 =	vimm.s32 $0x7000;
	[sflag:s10] =	ssyncadd.s32 $0xFFFFF000  }
0x22b: {  	v11 =	vsel vm0, $0x0, v11;
	v3 =	vadd.f32 v10, v3;
	v10 =	vmul.f32 v6, v7;
	v6 =	vld [tilespmem:$0x1FC60];
	_ =	swait.ge [sflag:s10], $0x1000  }
0x22c: {  	v11 =	vsel vm1, $0x1000, v11;
	v21 =	vimm.s32 $0x7180;
	v19 =	vimm.s32 $0x7080;
	[sflag:s10] =	ssyncset.done $0x0  }
0x22d: {  	v12 =	vsel vm0, $0x80, v19;
	v3 =	vadd.f32 v10, v3;
	v10 =	vsel vm2, $0x2000, v11;
	[sflag:s10] =	ssyncadd.s32 $0xFFFFF000  }
0x22e: {  	v19 =	vsel vm0, $0x200, v47;
	v5 =	vmul.f32 v5, v14;
	v10 =	vsel vm3, $0x3000, v10;
	_ =	swait.ge [sflag:s10], $0x1000  }
0x22f: {  	v26 =	vimm.s32 $0x7280;
	v19 =	vsel vm1, $0x1200, v19;
	v10 =	vsel vm4, $0x4000, v10;
	[sflag:s10] =	ssyncset.done $0x0  }
0x230: {  	v3 =	vadd.f32 v5, v3;
	v5 =	vsel vm5, $0x5000, v10;
	v10 =	vsel vm1, $0x1080, v12;
	[sflag:s10] =	ssyncadd.s32 $0xFFFFF000  }
0x231: {  	v11 =	vmul.f32 v6, v9;
	v12 =	vsel vm0, $0x100, v20;
	v10 =	vsel vm2, $0x2080, v10;
	_ =	swait.ge [sflag:s10], $0x1000  }
0x232: {  	v5 =	vsel vm6, $0x6000, v5;
	v12 =	vsel vm1, $0x1100, v12;
	v10 =	vsel vm3, $0x3080, v10;
	v6 =	vld [tilespmem:$0x1FC70]  }
0x233: {  	v2 =	vadd.f32 v11, v2;
	v11 =	vor.u32 v5, v4;
	v48 =	vld [tilespmem:$0x1FC80];
	v10 =	vsel vm4, $0x4080, v10  }
0x234: {  	v13 =	vor.u32 v5, v25;
	v12 =	vsel vm2, $0x2100, v12;
	v49 =	vld [tilespmem:$0x1FC90];
	v10 =	vsel vm5, $0x5080, v10  }
0x235: {  	v5 =	vor.u32 v5, v1;
	v50 =	vld [tilespmem:$0x1FCA0];
	v12 =	vsel vm3, $0x3100, v12;
	v10 =	vsel vm6, $0x6080, v10  }
0x236: {  	v14 =	vsel vm0, $0x180, v21;
	[sflag:s10] =	ssyncset.done $0x0;
	v51 =	vld [tilespmem:$0x1FCB0];
	v12 =	vsel vm4, $0x4100, v12;
	v15 =	vor.u32 v10, v4  }
0x237: {  	v14 =	vsel vm1, $0x1180, v14;
	v52 =	vld [tilespmem:$0x1FCC0];
	[sflag:s10] =	ssyncadd.s32 $0xFFFFF000;
	v12 =	vsel vm5, $0x5100, v12;
	v16 =	vor.u32 v10, v25  }
0x238: {  	v14 =	vsel vm2, $0x2180, v14;
	v10 =	vor.u32 v10, v1;
	v12 =	vsel vm6, $0x6100, v12;
	v11 =	vld.idx.msk [tilespmem:v11+s15+$0x0], $0xffff  }
0x239: {  	v19 =	vsel vm2, $0x2200, v19;
	v14 =	vsel vm3, $0x3180, v14;
	v13 =	vld.idx.msk [tilespmem:v13+s23+$0x0], $0xffff;
	v17 =	vor.u32 v12, v4  }
0x23a: {  	v14 =	vsel vm4, $0x4180, v14;
	v9 =	vmul.f32 v6, v9;
	v5 =	vld.idx.msk [tilespmem:v5+s2+$0x0], $0xffff;
	v18 =	vor.u32 v12, v25  }
0x23b: {  	v19 =	vsel vm3, $0x3200, v19;
	v14 =	vsel vm5, $0x5180, v14;
	v12 =	vor.u32 v12, v1;
	v15 =	vld.idx.msk [tilespmem:v15+s15+$0x0], $0xffff  }
0x23c: {  	v14 =	vsel vm6, $0x6180, v14;
	v20 =	vmul.f32 v48, v8;
	v3 =	vadd.f32 v9, v3;
	v9 =	vld.idx.msk [tilespmem:v16+s23+$0x0], $0xffff  }
0x23d: {  	v27 =	vimm.s32 $0x7300;
	v19 =	vsel vm4, $0x4200, v19;
	v21 =	vor.u32 v14, v25;
	v10 =	vld.idx.msk [tilespmem:v10+s2+$0x0], $0xffff  }
0x23e: {  	v6 =	vmul.f32 v49, v8;
	v2 =	vadd.f32 v20, v2;
	v20 =	vmul.f32 v50, v22;
	v17 =	vld.idx.msk [tilespmem:v17+s15+$0x0], $0xffff  }
0x23f: {  	v19 =	vsel vm5, $0x5200, v19;
	v7 =	vmul.f32 v51, v22;
	v16 =	vor.u32 v14, v4;
	v18 =	vld.idx.msk [tilespmem:v18+s23+$0x0], $0xffff  }
0x240: {  	v14 =	vor.u32 v14, v1;
	v3 =	vadd.f32 v6, v3;
	v2 =	vadd.f32 v20, v2;
	v6 =	vld.idx.msk [tilespmem:v12+s2+$0x0], $0xffff  }
0x241: {  	v12 =	vsel vm6, $0x6200, v19;
	v13 =	vmul.f32 v13, v11;
	v5 =	vmul.f32 v5, v11  }
0x242: {  	v11 =	vld.idx.msk [tilespmem:v21+s23+$0x0], $0xffff;
	v21 =	vmul.f32 v52, v35;
	v19 =	vor.u32 v12, v4;
	v20 =	vor.u32 v12, v25  }
0x243: {  	v3 =	vadd.f32 v7, v3;
	v12 =	vor.u32 v12, v1;
	v13 =	vadd.f32 $0.0e+00, v13  }
0x244: {  	v5 =	vadd.f32 $0.0e+00, v5;
	v16 =	vld.idx.msk [tilespmem:v16+s15+$0x0], $0xffff;
	v9 =	vmul.f32 v9, v15;
	v7 =	vmul.f32 v10, v15  }
0x245: {  	v14 =	vld.idx.msk [tilespmem:v14+s2+$0x0], $0xffff;
	v10 =	vmul.f32 v18, v17;
	v6 =	vmul.f32 v6, v17;
	v17 =	vimm.s32 $0x7400  }
0x246: {  	v9 =	vadd.f32 v9, v13;
	v5 =	vadd.f32 v7, v5;
	v13 =	vsel vm0, $0x280, v26  }
0x247: {  	v2 =	vadd.f32 v21, v2;
	v17 =	vsel vm0, $0x400, v17;
	v13 =	vsel vm1, $0x1280, v13  }
0x248: {  	v17 =	vsel vm1, $0x1400, v17;
	v9 =	vadd.f32 v10, v9;
	v5 =	vadd.f32 v6, v5  }
0x249: {  	v13 =	vsel vm2, $0x2280, v13;
	v17 =	vsel vm2, $0x2400, v17;
	v10 =	vmul.f32 v11, v16  }
0x24a: {  	v6 =	vmul.f32 v14, v16;
	v14 =	vimm.s32 $0x7380;
	v17 =	vsel vm3, $0x3400, v17  }
0x24b: {  	v7 =	vld.idx.msk [tilespmem:v19+s15+$0x0], $0xffff;
	v14 =	vsel vm0, $0x380, v14;
	v17 =	vsel vm4, $0x4400, v17;
	v9 =	vadd.f32 v10, v9  }
0x24c: {  	v11 =	vld.idx.msk [tilespmem:v20+s23+$0x0], $0xffff;
	v10 =	vsel vm3, $0x3280, v13;
	v13 =	vsel vm0, $0x300, v27;
	v17 =	vsel vm5, $0x5400, v17  }
0x24d: {  	v12 =	vld.idx.msk [tilespmem:v12+s2+$0x0], $0xffff;
	v5 =	vadd.f32 v6, v5;
	v14 =	vsel vm1, $0x1380, v14;
	v17 =	vsel vm6, $0x6400, v17  }
0x24e: {  	v6 =	vsel vm4, $0x4280, v10;
	v10 =	vsel vm1, $0x1300, v13;
	v22 =	vor.u32 v17, v4  }
0x24f: {  	v14 =	vsel vm2, $0x2380, v14;
	v6 =	vsel vm5, $0x5280, v6;
	v24 =	vor.u32 v17, v25  }
0x250: {  	v10 =	vsel vm2, $0x2300, v10;
	v14 =	vsel vm3, $0x3380, v14;
	v6 =	vsel vm6, $0x6280, v6  }
0x251: {  	v11 =	vmul.f32 v11, v7;
	v14 =	vsel vm4, $0x4380, v14;
	v13 =	vor.u32 v6, v4  }
0x252: {  	v8 =	vld [tilespmem:$0x1FCD0];
	v7 =	vmul.f32 v12, v7;
	v15 =	vor.u32 v6, v25;
	v14 =	vsel vm5, $0x5380, v14  }
0x253: {  	v10 =	vsel vm3, $0x3300, v10;
	v6 =	vor.u32 v6, v1;
	v14 =	vsel vm6, $0x6380, v14;
	v22 =	vld.idx.msk [tilespmem:v22+s15+$0x0], $0xffff  }
0x254: {  	v10 =	vsel vm4, $0x4300, v10;
	v5 =	vadd.f32 v7, v5;
	v20 =	vor.u32 v14, v4;
	v7 =	vld.idx.msk [tilespmem:v24+s23+$0x0], $0xffff  }
0x255: {  	v19 =	vimm.s32 $0x7480;
	v10 =	vsel vm5, $0x5300, v10;
	v21 =	vor.u32 v14, v25;
	v24 =	vld [tilespmem:$0x1FCE0]  }
0x256: {  	v19 =	vsel vm0, $0x480, v19;
	v10 =	vsel vm6, $0x6300, v10;
	v14 =	vor.u32 v14, v1;
	v13 =	vld.idx.msk [tilespmem:v13+s15+$0x0], $0xffff  }
0x257: {  	v19 =	vsel vm1, $0x1480, v19;
	v16 =	vor.u32 v10, v4;
	v15 =	vld.idx.msk [tilespmem:v15+s23+$0x0], $0xffff  }
0x258: {  	v23 =	vimm.s32 $0x7500;
	v19 =	vsel vm2, $0x2480, v19;
	v18 =	vor.u32 v10, v25;
	v6 =	vld.idx.msk [tilespmem:v6+s2+$0x0], $0xffff  }
0x259: {  	v23 =	vsel vm0, $0x500, v23;
	v19 =	vsel vm3, $0x3480, v19;
	v10 =	vor.u32 v10, v1;
	v20 =	vld.idx.msk [tilespmem:v20+s15+$0x0], $0xffff  }
0x25a: {  	v23 =	vsel vm1, $0x1500, v23;
	v19 =	vsel vm4, $0x4480, v19;
	v9 =	vadd.f32 v11, v9;
	v11 =	vld.idx.msk [tilespmem:v21+s23+$0x0], $0xffff  }
0x25b: {  	v23 =	vsel vm2, $0x2500, v23;
	v19 =	vsel vm5, $0x5480, v19;
	v17 =	vor.u32 v17, v1;
	v12 =	vld.idx.msk [tilespmem:v14+s2+$0x0], $0xffff  }
0x25c: {  	v23 =	vsel vm3, $0x3500, v23;
	v19 =	vsel vm6, $0x6480, v19;
	v16 =	vld.idx.msk [tilespmem:v16+s15+$0x0], $0xffff  }
0x25d: {  	v23 =	vsel vm4, $0x4500, v23;
	v14 =	vor.u32 v19, v25;
	v18 =	vld.idx.msk [tilespmem:v18+s23+$0x0], $0xffff  }
0x25e: {  	v23 =	vsel vm5, $0x5500, v23;
	v21 =	vor.u32 v19, v4;
	v10 =	vld.idx.msk [tilespmem:v10+s2+$0x0], $0xffff;
	v15 =	vmul.f32 v15, v13  }
0x25f: {  	v8 =	vmul.f32 v8, v35;
	v6 =	vmul.f32 v6, v13;
	v13 =	vsel vm6, $0x6500, v23;
	v23 =	vld [tilespmem:$0x1FCF0]  }
0x260: {  	v19 =	vor.u32 v19, v1;
	v9 =	vadd.f32 v15, v9;
	v15 =	vld.idx.msk [tilespmem:v17+s2+$0x0], $0xffff  }
0x261: {  	v53 =	vimm.s32 $0x7580;
	v3 =	vadd.f32 v8, v3;
	v8 =	vmul.f32 v11, v20;
	v11 =	vld [tilespmem:$0x1FD00]  }
0x262: {  	v26 =	vimm.s32 $0x7600;
	v5 =	vadd.f32 v6, v5;
	v14 =	vld.idx.msk [tilespmem:v14+s23+$0x0], $0xffff;
	v6 =	vmul.f32 v18, v16  }
0x263: {  	v27 =	vimm.s32 $0x7680;
	v18 =	vld.idx.msk [tilespmem:v21+s15+$0x0], $0xffff;
	v21 =	vor.u32 v13, v25;
	v10 =	vmul.f32 v10, v16  }
0x264: {  	v7 =	vmul.f32 v7, v22;
	v17 =	vor.u32 v13, v4;
	v6 =	vadd.f32 v6, v9  }
0x265: {  	v13 =	vor.u32 v13, v1;
	v9 =	vld.idx.msk [tilespmem:v19+s2+$0x0], $0xffff;
	v5 =	vadd.f32 v10, v5;
	v10 =	vmul.f32 v12, v20  }
0x266: {  	v23 =	vmul.f32 v23, v24;
	v11 =	vmul.f32 v11, v24;
	v6 =	vadd.f32 v8, v6  }
0x267: {  	v5 =	vadd.f32 v10, v5;
	v10 =	vmul.f32 v15, v22;
	v15 =	vsel vm0, $0x580, v53  }
0x268: {  	v12 =	vld.idx.msk [tilespmem:v21+s23+$0x0], $0xffff;
	v21 =	vimm.s32 $0x7800;
	v6 =	vadd.f32 v7, v6;
	v7 =	vmul.f32 v14, v18  }
0x269: {  	v8 =	vld.idx.msk [tilespmem:v17+s15+$0x0], $0xffff;
	v14 =	vsel vm1, $0x1580, v15;
	v5 =	vadd.f32 v10, v5;
	v3 =	vadd.f32 v11, v3  }
0x26a: {  	v13 =	vld.idx.msk [tilespmem:v13+s2+$0x0], $0xffff;
	v21 =	vsel vm0, $0x800, v21;
	v9 =	vmul.f32 v9, v18;
	v10 =	vsel vm2, $0x2580, v14  }
0x26b: {  	v18 =	vimm.s32 $0x7780;
	v14 =	vimm.s32 $0x7700;
	v6 =	vadd.f32 v7, v6  }
0x26c: {  	v7 =	vsel vm3, $0x3580, v10;
	v14 =	vsel vm0, $0x700, v14;
	v18 =	vsel vm0, $0x780, v18  }
0x26d: {  	v5 =	vadd.f32 v9, v5;
	v7 =	vsel vm4, $0x4580, v7;
	v9 =	vsel vm0, $0x600, v26  }
0x26e: {  	v14 =	vsel vm1, $0x1700, v14;
	v18 =	vsel vm1, $0x1780, v18;
	v10 =	vmul.f32 v12, v8  }
0x26f: {  	v7 =	vsel vm5, $0x5580, v7;
	v9 =	vsel vm1, $0x1600, v9;
	v8 =	vmul.f32 v13, v8  }
0x270: {  	v12 =	vsel vm0, $0x680, v27;
	v14 =	vsel vm2, $0x2700, v14;
	v18 =	vsel vm2, $0x2780, v18  }
0x271: {  	v7 =	vsel vm6, $0x6580, v7;
	v9 =	vsel vm2, $0x2600, v9;
	v14 =	vsel vm3, $0x3700, v14  }
0x272: {  	v12 =	vsel vm1, $0x1680, v12;
	v11 =	vor.u32 v7, v4;
	v14 =	vsel vm4, $0x4700, v14  }
0x273: {  	v18 =	vsel vm3, $0x3780, v18;
	v13 =	vor.u32 v7, v25;
	v14 =	vsel vm5, $0x5700, v14  }
0x274: {  	v31 =	vld [tilespmem:$0x1FD10];
	v9 =	vsel vm3, $0x3600, v9;
	v7 =	vor.u32 v7, v1;
	v14 =	vsel vm6, $0x6700, v14  }
0x275: {  	v57 =	vld [tilespmem:$0x1FD60];
	v12 =	vsel vm2, $0x2680, v12;
	v18 =	vsel vm4, $0x4780, v18;
	v20 =	vor.u32 v14, v4  }
0x276: {  	v26 =	vld [tilespmem:$0x1FD20];
	v9 =	vsel vm4, $0x4600, v9;
	v18 =	vsel vm5, $0x5780, v18;
	v22 =	vor.u32 v14, v25  }
0x277: {  	v9 =	vsel vm5, $0x5600, v9;
	v18 =	vsel vm6, $0x6780, v18;
	v14 =	vor.u32 v14, v1;
	v11 =	vld.idx.msk [tilespmem:v11+s15+$0x0], $0xffff  }
0x278: {  	v12 =	vsel vm3, $0x3680, v12;
	v9 =	vsel vm6, $0x6600, v9;
	v24 =	vor.u32 v18, v4;
	v13 =	vld.idx.msk [tilespmem:v13+s23+$0x0], $0xffff  }
0x279: {  	v21 =	vsel vm1, $0x1800, v21;
	v12 =	vsel vm4, $0x4680, v12;
	v15 =	vor.u32 v9, v4;
	v7 =	vld.idx.msk [tilespmem:v7+s2+$0x0], $0xffff  }
0x27a: {  	v21 =	vsel vm2, $0x2800, v21;
	v12 =	vsel vm5, $0x5680, v12;
	v16 =	vor.u32 v9, v25;
	v20 =	vld.idx.msk [tilespmem:v20+s15+$0x0], $0xffff  }
0x27b: {  	v6 =	vadd.f32 v10, v6;
	v9 =	vor.u32 v9, v1;
	v12 =	vsel vm6, $0x6680, v12;
	v10 =	vld.idx.msk [tilespmem:v22+s23+$0x0], $0xffff  }
0x27c: {  	v21 =	vsel vm3, $0x3800, v21;
	v5 =	vadd.f32 v8, v5;
	v17 =	vor.u32 v12, v4;
	v8 =	vld.idx.msk [tilespmem:v14+s2+$0x0], $0xffff  }
0x27d: {  	v2 =	vadd.f32 v23, v2;
	v21 =	vsel vm4, $0x4800, v21;
	v19 =	vor.u32 v12, v25;
	v24 =	vld.idx.msk [tilespmem:v24+s15+$0x0], $0xffff  }
0x27e: {  	v23 =	vimm.s32 $0x7880;
	v21 =	vsel vm5, $0x5800, v21;
	v12 =	vor.u32 v12, v1;
	v15 =	vld.idx.msk [tilespmem:v15+s15+$0x0], $0xffff  }
0x27f: {  	v23 =	vsel vm0, $0x880, v23;
	v21 =	vsel vm6, $0x6800, v21;
	v54 =	vor.u32 v18, v25;
	v16 =	vld.idx.msk [tilespmem:v16+s23+$0x0], $0xffff  }
0x280: {  	v23 =	vsel vm1, $0x1880, v23;
	v14 =	vor.u32 v21, v25;
	v9 =	vld.idx.msk [tilespmem:v9+s2+$0x0], $0xffff  }
0x281: {  	v23 =	vsel vm2, $0x2880, v23;
	v18 =	vor.u32 v18, v1;
	v17 =	vld.idx.msk [tilespmem:v17+s15+$0x0], $0xffff  }
0x282: {  	v23 =	vsel vm3, $0x3880, v23;
	v19 =	vld.idx.msk [tilespmem:v19+s23+$0x0], $0xffff  }
0x283: {  	v22 =	vor.u32 v21, v4;
	v21 =	vor.u32 v21, v1;
	v12 =	vld.idx.msk [tilespmem:v12+s2+$0x0], $0xffff;
	v13 =	vmul.f32 v13, v11  }
0x284: {  	v23 =	vsel vm4, $0x4880, v23;
	v7 =	vmul.f32 v7, v11;
	v11 =	vld.idx.msk [tilespmem:v54+s23+$0x0], $0xffff  }
0x285: {  	v23 =	vsel vm5, $0x5880, v23;
	v6 =	vadd.f32 v13, v6;
	v14 =	vld.idx.msk [tilespmem:v14+s23+$0x0], $0xffff  }
0x286: {  	v5 =	vadd.f32 v7, v5;
	v13 =	vmul.f32 v16, v15;
	v16 =	vld.idx.msk [tilespmem:v18+s2+$0x0], $0xffff;
	v7 =	vmul.f32 v9, v15  }
0x287: {  	v23 =	vsel vm6, $0x6880, v23;
	v26 =	vmul.f32 v26, v31;
	v15 =	vld [tilespmem:$0x1FD30]  }
0x288: {  	v18 =	vor.u32 v23, v25;
	v5 =	vadd.f32 v7, v5;
	v7 =	vmul.f32 v12, v17;
	v12 =	vld.idx.msk [tilespmem:v21+s2+$0x0], $0xffff  }
0x289: {  	v6 =	vadd.f32 v13, v6;
	v13 =	vmul.f32 v19, v17;
	v21 =	vld [tilespmem:$0x1FD40]  }
0x28a: {  	v27 =	vimm.s32 $0x7900;
	v56 =	vor.u32 v23, v4;
	v2 =	vadd.f32 v26, v2;
	v19 =	vld [tilespmem:$0x1FD50]  }
0x28b: {  	v10 =	vmul.f32 v10, v20;
	v9 =	vld.idx.msk [tilespmem:v22+s15+$0x0], $0xffff;
	v17 =	vor.u32 v23, v1;
	v6 =	vadd.f32 v13, v6  }
0x28c: {  	v5 =	vadd.f32 v7, v5;
	v7 =	vmul.f32 v8, v20;
	v15 =	vmul.f32 v15, v31  }
0x28d: {  	v8 =	vld.idx.msk [tilespmem:v18+s23+$0x0], $0xffff;
	v18 =	vimm.s32 $0x7A80;
	v6 =	vadd.f32 v10, v6;
	v10 =	vmul.f32 v11, v24  }
0x28e: {  	v5 =	vadd.f32 v7, v5;
	v7 =	vmul.f32 v16, v24;
	v16 =	vimm.s32 $0x7980  }
0x28f: {  	v13 =	vld.idx.msk [tilespmem:v56+s15+$0x0], $0xffff;
	v19 =	vmul.f32 v19, v21;
	v3 =	vadd.f32 v15, v3;
	v11 =	vmul.f32 v57, v21  }
0x290: {  	v15 =	vsel vm0, $0x900, v27;
	v6 =	vadd.f32 v10, v6;
	v10 =	vmul.f32 v14, v9  }
0x291: {  	v14 =	vld.idx.msk [tilespmem:v17+s2+$0x0], $0xffff;
	v17 =	vimm.s32 $0x7A00;
	v5 =	vadd.f32 v7, v5;
	v7 =	vmul.f32 v12, v9  }
0x292: {  	v9 =	vsel vm1, $0x1900, v15;
	v15 =	vsel vm0, $0xA80, v18;
	v2 =	vadd.f32 v19, v2  }
0x293: {  	v19 =	vimm.s32 $0x7B00;
	v9 =	vsel vm2, $0x2900, v9;
	v15 =	vsel vm1, $0x1A80, v15  }
0x294: {  	v6 =	vadd.f32 v10, v6;
	v8 =	vmul.f32 v8, v13;
	v5 =	vadd.f32 v7, v5  }
0x295: {  	v7 =	vsel vm3, $0x3900, v9;
	v9 =	vsel vm0, $0x980, v16;
	v10 =	vsel vm0, $0xA00, v17  }
0x296: {  	v15 =	vsel vm2, $0x2A80, v15;
	v7 =	vsel vm4, $0x4900, v7;
	v10 =	vsel vm1, $0x1A00, v10  }
0x297: {  	v15 =	vsel vm3, $0x3A80, v15;
	v6 =	vadd.f32 v8, v6;
	v7 =	vsel vm5, $0x5900, v7  }
0x298: {  	v8 =	vsel vm1, $0x1980, v9;
	v10 =	vsel vm2, $0x2A00, v10;
	v7 =	vsel vm6, $0x6900, v7  }
0x299: {  	v15 =	vsel vm4, $0x4A80, v15;
	v9 =	vmul.f32 v14, v13;
	v12 =	vor.u32 v7, v4  }
0x29a: {  	v10 =	vsel vm3, $0x3A00, v10;
	v15 =	vsel vm5, $0x5A80, v15;
	v13 =	vor.u32 v7, v25  }
0x29b: {  	v7 =	vor.u32 v7, v1;
	v10 =	vsel vm4, $0x4A00, v10;
	v15 =	vsel vm6, $0x6A80, v15  }
0x29c: {  	v8 =	vsel vm2, $0x2980, v8;
	v10 =	vsel vm5, $0x5A00, v10;
	v21 =	vor.u32 v15, v4  }
0x29d: {  	v60 =	vld [tilespmem:$0x1FD90];
	v8 =	vsel vm3, $0x3980, v8;
	v22 =	vor.u32 v15, v25;
	v10 =	vsel vm6, $0x6A00, v10  }
0x29e: {  	v18 =	vsel vm0, $0xB00, v19;
	v8 =	vsel vm4, $0x4980, v8;
	v17 =	vor.u32 v10, v4;
	v12 =	vld.idx.msk [tilespmem:v12+s15+$0x0], $0xffff  }
0x29f: {  	v18 =	vsel vm1, $0x1B00, v18;
	v8 =	vsel vm5, $0x5980, v8;
	v19 =	vor.u32 v10, v25;
	v13 =	vld.idx.msk [tilespmem:v13+s23+$0x0], $0xffff  }
0x2a0: {  	v18 =	vsel vm2, $0x2B00, v18;
	v8 =	vsel vm6, $0x6980, v8;
	v10 =	vor.u32 v10, v1;
	v7 =	vld.idx.msk [tilespmem:v7+s2+$0x0], $0xffff  }
0x2a1: {  	v20 =	vimm.s32 $0x7B80;
	v18 =	vsel vm3, $0x3B00, v18;
	v14 =	vor.u32 v8, v4;
	v21 =	vld.idx.msk [tilespmem:v21+s15+$0x0], $0xffff  }
0x2a2: {  	v20 =	vsel vm0, $0xB80, v20;
	v18 =	vsel vm4, $0x4B00, v18;
	v16 =	vor.u32 v8, v25;
	v22 =	vld.idx.msk [tilespmem:v22+s23+$0x0], $0xffff  }
0x2a3: {  	v20 =	vsel vm1, $0x1B80, v20;
	v18 =	vsel vm5, $0x5B00, v18;
	v8 =	vor.u32 v8, v1;
	v17 =	vld.idx.msk [tilespmem:v17+s15+$0x0], $0xffff  }
0x2a4: {  	v15 =	vor.u32 v15, v1;
	v5 =	vadd.f32 v9, v5;
	v18 =	vsel vm6, $0x6B00, v18;
	v9 =	vld.idx.msk [tilespmem:v19+s23+$0x0], $0xffff  }
0x2a5: {  	v24 =	vimm.s32 $0x7C00;
	v20 =	vsel vm2, $0x2B80, v20;
	v19 =	vor.u32 v18, v4;
	v10 =	vld.idx.msk [tilespmem:v10+s2+$0x0], $0xffff  }
0x2a6: {  	v26 =	vimm.s32 $0x7C80;
	v24 =	vsel vm0, $0xC00, v24;
	v20 =	vsel vm3, $0x3B80, v20;
	v14 =	vld.idx.msk [tilespmem:v14+s15+$0x0], $0xffff  }
0x2a7: {  	v24 =	vsel vm1, $0x1C00, v24;
	v20 =	vsel vm4, $0x4B80, v20;
	v23 =	vor.u32 v18, v25;
	v16 =	vld.idx.msk [tilespmem:v16+s23+$0x0], $0xffff  }
0x2a8: {  	v24 =	vsel vm2, $0x2C00, v24;
	v20 =	vsel vm5, $0x5B80, v20;
	v8 =	vld.idx.msk [tilespmem:v8+s2+$0x0], $0xffff;
	v13 =	vmul.f32 v13, v12  }
0x2a9: {  	v20 =	vsel vm6, $0x6B80, v20;
	v18 =	vor.u32 v18, v1;
	v7 =	vmul.f32 v7, v12;
	v12 =	vld.idx.msk [tilespmem:v15+s2+$0x0], $0xffff  }
0x2aa: {  	v24 =	vsel vm3, $0x3C00, v24;
	v59 =	vor.u32 v20, v4;
	v6 =	vadd.f32 v13, v6;
	v13 =	vld.idx.msk [tilespmem:v19+s15+$0x0], $0xffff  }
0x2ab: {  	v15 =	vor.u32 v20, v25;
	v19 =	vor.u32 v20, v1;
	v20 =	vsel vm4, $0x4C00, v24;
	v24 =	vld [tilespmem:$0x1FD70]  }
0x2ac: {  	v27 =	vimm.s32 $0x7D00;
	v5 =	vadd.f32 v7, v5;
	v7 =	vmul.f32 v16, v14;
	v16 =	vld.idx.msk [tilespmem:v23+s23+$0x0], $0xffff  }
0x2ad: {  	v3 =	vadd.f32 v11, v3;
	v20 =	vsel vm5, $0x5C00, v20;
	v23 =	vld [tilespmem:$0x1FD80];
	v8 =	vmul.f32 v8, v14  }
0x2ae: {  	v14 =	vld.idx.msk [tilespmem:v18+s2+$0x0], $0xffff;
	v18 =	vsel vm6, $0x6C00, v20;
	v6 =	vadd.f32 v7, v6;
	v7 =	vmul.f32 v9, v17  }
0x2af: {  	v20 =	vor.u32 v18, v4;
	v5 =	vadd.f32 v8, v5;
	v8 =	vmul.f32 v10, v17  }
0x2b0: {  	v10 =	vld.idx.msk [tilespmem:v15+s23+$0x0], $0xffff;
	v15 =	vor.u32 v18, v25;
	v6 =	vadd.f32 v7, v6;
	v7 =	vmul.f32 v22, v21  }
0x2b1: {  	v5 =	vadd.f32 v8, v5;
	v8 =	vmul.f32 v12, v21;
	v12 =	vmul.f32 v60, v24  }
0x2b2: {  	v11 =	vld.idx.msk [tilespmem:v19+s2+$0x0], $0xffff;
	v22 =	vimm.s32 $0x7F00;
	v19 =	vimm.s32 $0x7E80;
	v23 =	vmul.f32 v23, v24  }
0x2b3: {  	v24 =	vimm.s32 $0x7F80;
	v19 =	vsel vm0, $0xE80, v19;
	v22 =	vsel vm0, $0xF00, v22  }
0x2b4: {  	v9 =	vld.idx.msk [tilespmem:v59+s15+$0x0], $0xffff;
	v6 =	vadd.f32 v7, v6;
	v7 =	vmul.f32 v16, v13;
	v5 =	vadd.f32 v8, v5  }
0x2b5: {  	v8 =	vmul.f32 v14, v13;
	v14 =	vsel vm0, $0xC80, v26;
	v3 =	vadd.f32 v12, v3  }
0x2b6: {  	v12 =	vimm.s32 $0x7D80;
	v19 =	vsel vm1, $0x1E80, v19;
	v22 =	vsel vm1, $0x1F00, v22  }
0x2b7: {  	v24 =	vsel vm0, $0xF80, v24;
	v14 =	vsel vm1, $0x1C80, v14;
	v12 =	vsel vm0, $0xD80, v12  }
0x2b8: {  	v19 =	vsel vm2, $0x2E80, v19;
	v24 =	vsel vm1, $0x1F80, v24;
	v6 =	vadd.f32 v7, v6  }
0x2b9: {  	v7 =	vmul.f32 v10, v9;
	v10 =	vld.idx.msk [tilespmem:v15+s23+$0x0], $0xffff;
	v5 =	vadd.f32 v8, v5;
	v15 =	vimm.s32 $0x7E00  }
0x2ba: {  	v12 =	vsel vm1, $0x1D80, v12;
	v19 =	vsel vm3, $0x3E80, v19;
	v24 =	vsel vm2, $0x2F80, v24  }
0x2bb: {  	v8 =	vmul.f32 v11, v9;
	v9 =	vsel vm2, $0x2C80, v14;
	v12 =	vsel vm2, $0x2D80, v12  }
0x2bc: {  	v15 =	vsel vm0, $0xE00, v15;
	v19 =	vsel vm4, $0x4E80, v19;
	v24 =	vsel vm3, $0x3F80, v24  }
0x2bd: {  	v6 =	vadd.f32 v7, v6;
	v7 =	vsel vm3, $0x3C80, v9;
	v9 =	vor.u32 v18, v1  }
0x2be: {  	v12 =	vsel vm3, $0x3D80, v12;
	v19 =	vsel vm5, $0x5E80, v19;
	v24 =	vsel vm4, $0x4F80, v24  }
0x2bf: {  	v7 =	vsel vm4, $0x4C80, v7;
	v19 =	vsel vm6, $0x6E80, v19;
	v24 =	vsel vm5, $0x5F80, v24  }
0x2c0: {  	v7 =	vsel vm5, $0x5C80, v7;
	v61 =	vor.u32 v19, v4;
	v24 =	vsel vm6, $0x6F80, v24  }
0x2c1: {  	v15 =	vsel vm1, $0x1E00, v15;
	v7 =	vsel vm6, $0x6C80, v7;
	v62 =	vor.u32 v24, v25  }
0x2c2: {  	v35 =	vld [tilespmem:$0x1FFF0];
	v5 =	vadd.f32 v8, v5;
	v12 =	vsel vm4, $0x4D80, v12;
	v11 =	vor.u32 v7, v4  }
0x2c3: {  	v13 =	vld.idx.msk [tilespmem:v20+s15+$0x0], $0xffff;
	v15 =	vsel vm2, $0x2E00, v15;
	v12 =	vsel vm5, $0x5D80, v12;
	v14 =	vor.u32 v7, v25  }
0x2c4: {  	v15 =	vsel vm3, $0x3E00, v15;
	v12 =	vsel vm6, $0x6D80, v12;
	v7 =	vor.u32 v7, v1;
	v9 =	vld.idx.msk [tilespmem:v9+s2+$0x0], $0xffff  }
0x2c5: {  	v8 =	vsel vm0, $0xD00, v27;
	v15 =	vsel vm4, $0x4E00, v15;
	v18 =	vor.u32 v12, v4;
	v27 =	vld.idx.msk [tilespmem:v61+s15+$0x0], $0xffff  }
0x2c6: {  	v2 =	vadd.f32 v23, v2;
	v20 =	vor.u32 v12, v25;
	v15 =	vsel vm5, $0x5E00, v15;
	v0 =	vld.idx.msk [tilespmem:v62+s23+$0x0], $0xffff  }
0x2c7: {  	v8 =	vsel vm1, $0x1D00, v8;
	v12 =	vor.u32 v12, v1;
	v15 =	vsel vm6, $0x6E00, v15;
	v11 =	vld.idx.msk [tilespmem:v11+s15+$0x0], $0xffff  }
0x2c8: {  	v22 =	vsel vm2, $0x2F00, v22;
	v8 =	vsel vm2, $0x2D00, v8;
	v21 =	vor.u32 v15, v4;
	v14 =	vld.idx.msk [tilespmem:v14+s23+$0x0], $0xffff  }
0x2c9: {  	v22 =	vsel vm3, $0x3F00, v22;
	v8 =	vsel vm3, $0x3D00, v8;
	v23 =	vor.u32 v15, v25;
	v7 =	vld.idx.msk [tilespmem:v7+s2+$0x0], $0xffff  }
0x2ca: {  	v22 =	vsel vm4, $0x4F00, v22;
	v8 =	vsel vm4, $0x4D00, v8;
	v15 =	vor.u32 v15, v1;
	v18 =	vld.idx.msk [tilespmem:v18+s15+$0x0], $0xffff  }
0x2cb: {  	v22 =	vsel vm5, $0x5F00, v22;
	v8 =	vsel vm5, $0x5D00, v8;
	v20 =	vld.idx.msk [tilespmem:v20+s23+$0x0], $0xffff  }
0x2cc: {  	v26 =	vor.u32 v19, v25;
	v10 =	vmul.f32 v10, v13;
	v8 =	vsel vm6, $0x6D00, v8;
	v12 =	vld.idx.msk [tilespmem:v12+s2+$0x0], $0xffff  }
0x2cd: {  	v22 =	vsel vm6, $0x6F00, v22;
	v19 =	vor.u32 v19, v1;
	v16 =	vor.u32 v8, v4;
	v21 =	vld.idx.msk [tilespmem:v21+s15+$0x0], $0xffff  }
0x2ce: {  	v6 =	vadd.f32 v10, v6;
	v17 =	vor.u32 v8, v25;
	v8 =	vor.u32 v8, v1;
	v10 =	vld.idx.msk [tilespmem:v23+s23+$0x0], $0xffff  }
0x2cf: {  	v9 =	vmul.f32 v9, v13;
	v23 =	vor.u32 v22, v4;
	v13 =	vld.idx.msk [tilespmem:v15+s2+$0x0], $0xffff;
	v15 =	vor.u32 v22, v25  }
0x2d0: {  	v22 =	vor.u32 v22, v1;
	v4 =	vor.u32 v24, v4;
	v1 =	vor.u32 v24, v1;
	v24 =	vld [tilespmem:$0x1FFA0]  }
0x2d1: {  	v5 =	vadd.f32 v9, v5;
	v9 =	vld.idx.msk [tilespmem:v26+s23+$0x0], $0xffff  }
0x2d2: {  	v16 =	vld.idx.msk [tilespmem:v16+s15+$0x0], $0xffff  }
0x2d3: {  	v17 =	vld.idx.msk [tilespmem:v17+s23+$0x0], $0xffff;
	v14 =	vmul.f32 v14, v11  }
0x2d4: {  	v8 =	vld.idx.msk [tilespmem:v8+s2+$0x0], $0xffff  }
0x2d5: {  	v6 =	vadd.f32 v14, v6;
	v14 =	vld.idx.msk [tilespmem:v19+s2+$0x0], $0xffff  }
0x2d6: {  	v15 =	vld.idx.msk [tilespmem:v15+s23+$0x0], $0xffff  }
0x2d7: {  	v19 =	vld [tilespmem:$0x1FDC0]  }
0x2d8: {  	v4 =	vld.idx.msk [tilespmem:v4+s15+$0x0], $0xffff  }
0x2d9: {  	v7 =	vmul.f32 v7, v11;
	v1 =	vld.idx.msk [tilespmem:v1+s2+$0x0], $0xffff;
	v11 =	vmul.f32 v17, v16  }
0x2da: {  	v17 =	vld [tilespmem:$0x1FDA0]  }
0x2db: {  	v6 =	vadd.f32 v11, v6;
	v11 =	vld [tilespmem:$0x1FDB0]  }
0x2dc: {  	v5 =	vadd.f32 v7, v5;
	v7 =	vmul.f32 v8, v16;
	v8 =	vld.idx.msk [tilespmem:v23+s15+$0x0], $0xffff  }
0x2dd: {  	v23 =	vld [tilespmem:$0x1FF90];
	v16 =	vmul.f32 v20, v18  }
0x2de: {  	v5 =	vadd.f32 v7, v5;
	v7 =	vmul.f32 v12, v18;
	v18 =	vld [tilespmem:$0x1FF70]  }
0x2df: {  	v10 =	vmul.f32 v10, v21;
	v12 =	vld.idx.msk [tilespmem:v22+s2+$0x0], $0xffff;
	v6 =	vadd.f32 v16, v6  }
0x2e0: {  	v22 =	vld [tilespmem:$0x1FF80];
	v5 =	vadd.f32 v7, v5;
	v7 =	vmul.f32 v13, v21;
	v11 =	vmul.f32 v11, v17  }
0x2e1: {  	v9 =	vmul.f32 v9, v27;
	v6 =	vadd.f32 v10, v6;
	v10 =	vld [tilespmem:$0x1FDE0]  }
0x2e2: {  	v5 =	vadd.f32 v7, v5;
	v7 =	vmul.f32 v14, v27;
	v2 =	vadd.f32 v11, v2;
	v11 =	vld [tilespmem:$0x1FDD0]  }
0x2e3: {  	v17 =	vmul.f32 v19, v17;
	v19 =	vld [tilespmem:$0x1FDF0];
	v6 =	vadd.f32 v9, v6;
	v9 =	vmul.f32 v15, v8  }
0x2e4: {  	v5 =	vadd.f32 v7, v5;
	v7 =	vmul.f32 v12, v8;
	v8 =	vld [tilespmem:$0x1FE00]  }
0x2e5: {  	v6 =	vadd.f32 v9, v6;
	v9 =	vld [tilespmem:$0x1FE10]  }
0x2e6: {  	v16 =	vld [tilespmem:$0x1FF50]  }
0x2e7: {  	v13 =	vld [tilespmem:$0x1FF20];
	v10 =	vmul.f32 v10, v11  }
0x2e8: {  	v0 =	vmul.f32 v0, v4;
	v14 =	vld [tilespmem:$0x1FF30];
	v3 =	vadd.f32 v17, v3;
	v11 =	vmul.f32 v19, v11  }
0x2e9: {  	v1 =	vmul.f32 v1, v4;
	v15 =	vld [tilespmem:$0x1FF40];
	v8 =	vmul.f32 v8, v58;
	v2 =	vadd.f32 v10, v2  }
0x2ea: {  	p0 =	sne.s32 s3, $0x7C0;
	v12 =	vld [tilespmem:$0x1FF10];
	v5 =	vadd.f32 v7, v5;
	v9 =	vmul.f32 v9, v58;
	v3 =	vadd.f32 v11, v3  }
.Ltmp0:
0x2eb: {  	v17 =	vld [tilespmem:$0x1FF60];
	v0 =	vadd.f32 v0, v6;
	v2 =	vadd.f32 v8, v2;
	(pc) =	sbr.rel @p0 .LBB2_2-.Ltmp0, $4  }
0x2ec: {  	v1 =	vadd.f32 v1, v5;
	v5 =	vld [tilespmem:$0x1FED0];
	v3 =	vadd.f32 v9, v3  }
0x2ed: {  	v10 =	vld [tilespmem:$0x1FEF0];
	v0 =	vsel vm7, v2, v0  }
0x2ee: {  	v11 =	vld [tilespmem:$0x1FF00];
	v63 =	vsel vm7, v3, v1;
	[tilespmem:s13+$0x18600] =	vst v0  }
0x2ef: {  	s3 =	sadd.s32 $0x40, s3;
	v8 =	vld [tilespmem:$0x1FEE0];
	[tilespmem:s13+$0x18800] =	vst v63  }
0x2f0: {  	s13 =	simm.s32 $0x0  }
0x2f1: {  	s3 =	rddreg [dreg:$0xb];
	s4 =	simm.s32 $0x18600;
	s16 =	simm.s32 $0x2  }
0x2f2: {  	[hbm4b:s3+s13] =	stream.linear.scatter [tilespmem:s4], [sflag:$0x2], $0x200, $0x38;
	[tilespmem:$0x18A00] =	vst v63  }
0x2f3: {  	_ =	swait.ge [sflag:s16], $0x200  }
0x2f4: {  	[sflag:s16] =	ssyncset.done $0x0  }
0x2f5: {  	s18 =	simm.s32 $0x18800;
	s17 =	rddreg [dreg:$0xc];
	[sflag:s16] =	ssyncadd.s32 $0xFFFFFE00  }
0x2f6: {  	[hbm4b:s17+s13] =	stream.linear.scatter [tilespmem:s18], [sflag:$0x2], $0x200, $0x38;
	[tilespmem:$0x18A00] =	vst v63  }
0x2f7: {  	_ =	swait.ge [sflag:s16], $0x200  }
0x2f8: {  	s17 =	rddreg [dreg:$0xe]  }
0x2f9: {  	s18 =	rddreg [dreg:$0xd];
	s4 =	sadd.s32 $0x1, s17  }
0x2fa: {  	p0 =	sne.s32 s4, s18  }
.Ltmp1:
0x2fb: {  	_ = 	snop;
	(pc) =	sbr.rel @p0 .LBB2_1-.Ltmp1, $3  }
0x2fc: {  	_ =	sdelay $0x1  }
0x2fd: {  	[sflag:s16] =	ssyncset.done $0x0  }
0x2fe: {  	[sflag:s16] =	ssyncadd.s32 $0xFFFFFE00  }
0x2ff: {  	_ =	sfence.sel $0x180000  }
0x300: {  	[bflag:$0x0] =	sbarrier.arrive $0xFFFF  }
0x301: {  	_ =	strace $0x90000047  }
0x302: {  	s0 =	stileid.u32;
	[bflag:$0x2] =	sbarrier.arrive $0xFFFF  }
0x303: {  	p0 =	sne.s32 s0, $0x0;
	s0 =	rddreg [dreg:$0x7]  }
0x304: {  	s0 =	sadd.s32 @!p0 $0x100000, s0  }
0x305: {  	[sflag:s0] =	ssyncadd.tile.s32 @!p0 $0x1;
	_ =	shalt  }
.Lfunc_end2:
_tile_overlayer_lowered:
.L_overlay_start_2:
0x306: {  	(tag) =	ssettag $0x2  }
0x307: {  	s0 =	rddreg [dreg:$0x0];
	s2 =	stileid.u32  }
0x308: {  	s1 =	rddreg [dreg:$0x1];
	p0 =	sne.s32 s2, $0x0  }
0x309: {  	s3 =	rddreg [dreg:$0x2];
	[bflag:$0x3] =	sbarrier.arrive $0xFFFF;
	s2 =	simm.s32 @!p0 $0x1C02  }
0x30a: {  	[timem:s3], [sflag:s2] =	dma.local @!p0 [hbm:s0], s1  }
0x30b: {  	s0 =	simm.s32 @!p0 $0x2  }
0x30c: {  	_ =	swait.ge @!p0 [sflag:s0], s1  }
0x30d: {  	s1 =	ssub.s32 @!p0 $0x0, s1;
	[sflag:s0] =	ssyncset.done @!p0 $0x0  }
0x30e: {  	[sflag:s0] =	ssyncadd.s32 @!p0 s1  }
0x30f: {  	[bflag:$0x3] =	sbarrier.arrive $0xFFFF  }
0x310: {  	_ =	shalt  }

</sc_bundles>
